<compile_context>
chip_gen: v7x
topology: tpu7x:2x2x1
jax: 0.10.2.dev20260603
libtpu: 0.0.44.dev20260713+nightly
codegen_flags: <defaults>
</compile_context>

<pallas_src>
import functools

import jax
import jax.numpy as jnp
from jax import lax
from jax.experimental import pallas as pl
from jax.experimental.pallas import tpu as pltpu
from jax.experimental.pallas import tpu_sc as plsc

_NC = 2
_NS = 16
_NW = _NC * _NS
_L = 16


def _make_lookup(n_pts, d0, d1, d2, chunk, sub):
    n_words = (d0 * d1 * d2) // 32
    oob = n_words
    per_w = n_pts // _NW
    n_chunks = per_w // chunk
    n_sub = chunk // sub
    mesh = plsc.VectorSubcoreMesh(core_axis_name="c", subcore_axis_name="s")

    @functools.partial(
        pl.kernel,
        mesh=mesh,
        out_type=jax.ShapeDtypeStruct((n_pts,), jnp.int32),
        scratch_types=[
            pltpu.VMEM((2, chunk), jnp.float32),
            pltpu.VMEM((2, chunk), jnp.float32),
            pltpu.VMEM((2, chunk), jnp.float32),
            pltpu.VMEM((sub,), jnp.int32),
            pltpu.VMEM((sub,), jnp.int32),
            pltpu.VMEM((chunk,), jnp.int32),
            pltpu.VMEM((sub,), jnp.int32),
            pltpu.VMEM((sub,), jnp.int32),
            pltpu.VMEM((chunk,), jnp.int32),
            pltpu.VMEM((6 * _L,), jnp.float32),
            pltpu.VMEM_SHARED((n_words + 8,), jnp.int32),
            pltpu.SemaphoreType.DMA,
            pltpu.SemaphoreType.DMA,
            pltpu.SemaphoreType.DMA,
        ],
        compiler_params=pltpu.CompilerParams(needs_layout_passes=False),
    )
    def lookup(x_hbm, y_hbm, z_hbm, tab_hbm, c6_hbm, out_hbm,
               x_v, y_v, z_v, idx0_v, idx1_v, bit_v, word0_v, word1_v,
               out_v, c6_v, tab_s, sem0, sem1, semx):
        wid = lax.axis_index("s") * _NC + lax.axis_index("c")
        @pl.when(lax.axis_index("s") == 0)
        def _stage():
            pltpu.sync_copy(tab_hbm, tab_s)

        plsc.subcore_barrier()
        pltpu.sync_copy(c6_hbm, c6_v)
        sx = c6_v[pl.ds(0 * _L, _L)]
        sy = c6_v[pl.ds(1 * _L, _L)]
        sz = c6_v[pl.ds(2 * _L, _L)]
        tx = c6_v[pl.ds(3 * _L, _L)]
        ty = c6_v[pl.ds(4 * _L, _L)]
        tz = c6_v[pl.ds(5 * _L, _L)]
        hi_x = jnp.float32(d0) - 0.5
        hi_y = jnp.float32(d1) - 0.5
        hi_z = jnp.float32(d2) - 0.5

        def rnd(v, hi):
            c = jnp.clip(v, 0.0, hi - 0.5)
            f = (c + 0.5).astype(jnp.int32)
            tie = (f.astype(jnp.float32) - c) == 0.5
            return f - jnp.where(tie, f & 1, 0)

        idx_ring = (idx0_v, idx1_v)
        word_ring = (word0_v, word1_v)
        sem_ring = (sem0, sem1)
        cube = d0 == d1 and d1 == d2

        def pt(buf, si):
            idx_r = idx_ring[si % 2]
            lo = si * sub

            @plsc.parallel_loop(0, sub // _L, unroll=4)
            def _(t):
                s = pl.ds(lo + t * _L, _L)
                vx = x_v[buf, s] * sx + tx
                vy = y_v[buf, s] * sy + ty
                vz = z_v[buf, s] * sz + tz
                if cube:
                    lo3 = jnp.minimum(jnp.minimum(vx, vy), vz)
                    hi3 = jnp.maximum(jnp.maximum(vx, vy), vz)
                    inb = (lo3 >= -0.5) & (hi3 < hi_x)
                else:
                    inb = ((vx >= -0.5) & (vx < hi_x)
                           & (vy >= -0.5) & (vy < hi_y)
                           & (vz >= -0.5) & (vz < hi_z))
                fx = rnd(vx, hi_x)
                fy = rnd(vy, hi_y)
                fz = rnd(vz, hi_z)
                wi = (lax.shift_right_logical(fx, 5) * (d1 * d2)
                      + fy * d2) + fz
                idx_r[pl.ds(t * _L, _L)] = jnp.where(inb, wi, oob)
                bit_v[s] = fx & 31

        def ob(si):
            word_r = word_ring[si % 2]
            lo = si * sub

            @plsc.parallel_loop(0, sub // _L, unroll=4)
            def _(t):
                s = pl.ds(lo + t * _L, _L)
                out_v[s] = (
                    lax.shift_right_logical(word_r[pl.ds(t * _L, _L)],
                                            bit_v[s]) & 1)

        def issue_xyz(buf, base):
            pltpu.async_copy(x_hbm.at[pl.ds(base, chunk)], x_v.at[buf], semx)
            pltpu.async_copy(y_hbm.at[pl.ds(base, chunk)], y_v.at[buf], semx)
            pltpu.async_copy(z_hbm.at[pl.ds(base, chunk)], z_v.at[buf], semx)

        def wait_xyz(buf):
            pltpu.make_async_copy(
                x_hbm.at[pl.ds(0, chunk)], x_v.at[buf], semx).wait()
            pltpu.make_async_copy(
                y_hbm.at[pl.ds(0, chunk)], y_v.at[buf], semx).wait()
            pltpu.make_async_copy(
                z_hbm.at[pl.ds(0, chunk)], z_v.at[buf], semx).wait()

        def process(buf, base):
            handles = [None, None]
            for si in range(n_sub):
                p = si % 2
                if handles[p] is not None:
                    handles[p].wait()
                    ob(si - 2)
                pt(buf, si)
                handles[p] = pltpu.async_copy(
                    tab_s.at[idx_ring[p]], word_ring[p], sem_ring[p])
            for si in range(n_sub - 2, n_sub):
                handles[si % 2].wait()
                ob(si)

            pltpu.sync_copy(out_v, out_hbm.at[pl.ds(base, chunk)])

        start = wid * per_w
        issue_xyz(0, pl.multiple_of(start, chunk))

        def pair_body(k, base):
            base = pl.multiple_of(base, chunk)
            wait_xyz(0)
            issue_xyz(1, base + chunk)
            process(0, base)
            wait_xyz(1)
            nxt = pl.multiple_of(
                jnp.minimum(base + 2 * chunk, n_pts - chunk), chunk)
            issue_xyz(0, nxt)
            process(1, base + chunk)
            return base + 2 * chunk

        lax.fori_loop(0, n_chunks // 2, pair_body, start)
        wait_xyz(0)

    return lookup


def kernel(xyz, mask, xyz2ijk_scale, xyz2ijk_shift):
    shape = xyz.shape[:-1]
    n_pts = xyz.size // 3
    d0, d1, d2 = mask.shape
    m4 = mask.reshape(d0 // 32, 32, d1, d2).astype(jnp.uint32)
    bits = jnp.arange(32, dtype=jnp.uint32).reshape(1, 32, 1, 1)
    words3 = jnp.sum(m4 << bits, axis=1, dtype=jnp.uint32)
    tab = jnp.concatenate(
        [lax.bitcast_convert_type(words3, jnp.int32).reshape(-1),
         jnp.zeros((8,), jnp.int32)])
    xt = xyz.reshape(-1, 3).T
    c6 = jnp.repeat(
        jnp.concatenate([xyz2ijk_scale, xyz2ijk_shift])[:, None], _L, axis=1
    ).reshape(-1)
    lookup = _make_lookup(n_pts, d0, d1, d2, chunk=8192, sub=2048)
    out = lookup(xt[0], xt[1], xt[2], tab, c6)
    return out.astype(jnp.bool_).reshape(shape)

# --- scband reference (transcript-rebuilt; emitter-appended) ---
"""Pipeline reference for scband-mask-grid-1726576856418 (READ-ONLY COPY).

The authoritative reference and input builder live on the scoring server;
editing this copy changes nothing except your own understanding.
"""

import jax, jax.numpy as jnp
import numpy as np

GRID = (256, 256, 256)
N_PTS = 2097152

def setup_inputs(seed: int = 0) -> dict:
    key = jax.random.key(seed)
    k1, k2 = jax.random.split(key)
    # query points in world coords, uniform inside the bbox [0,1]^3
    xyz = jax.random.uniform(k1, (N_PTS, 3), dtype=jnp.float32)
    # occupancy mask buffer (registered buffer 'mask' in the torch module)
    mask = jax.random.randint(k2, GRID, 0, 2, dtype=jnp.int32) > 0
    xyz_min = jnp.zeros((3,), dtype=jnp.float32)
    xyz_max = jnp.ones((3,), dtype=jnp.float32)
    xyz_len = xyz_max - xyz_min
    xyz2ijk_scale = (jnp.array(GRID, dtype=jnp.float32) - 1.0) / xyz_len
    xyz2ijk_shift = -xyz_min * xyz2ijk_scale
    return {"xyz": xyz, "mask": mask, "xyz2ijk_scale": xyz2ijk_scale, "xyz2ijk_shift": xyz2ijk_shift}

def reference(xyz, mask, xyz2ijk_scale, xyz2ijk_shift):
    # Faithful translation of render_utils_cuda.maskcache_lookup:
    # per-point nearest-voxel index = round(xyz * scale + shift);
    # out-of-bounds points map to False; in-bounds points gather mask[i,j,k].
    shape = xyz.shape[:-1]
    xyz_flat = xyz.reshape(-1, 3)
    ijk = jnp.round(xyz_flat * xyz2ijk_scale + xyz2ijk_shift).astype(jnp.int32)
    dims = jnp.array(mask.shape, dtype=jnp.int32)
    in_bounds = jnp.all((ijk >= 0) & (ijk < dims), axis=-1)
    ijk_c = jnp.clip(ijk, 0, dims - 1)
    looked = mask[ijk_c[:, 0], ijk_c[:, 1], ijk_c[:, 2]]
    out = looked & in_bounds
    return out.reshape(shape)

if __name__ == "__main__":
    import jax
    _d = setup_inputs()
    print(jax.jit(kernel)(*tuple(_d.values())))

</pallas_src>

<mosaic_0001>
#map = affine_map<(d0, d1) -> (0)>
module attributes {stable_mosaic.version = 14 : i64} {
  func.func @lookup(%arg0: i32, %arg1: i32, %arg2: memref<2097152xf32, #tpu.memory_space<hbm>>, %arg3: memref<2097152xf32, #tpu.memory_space<hbm>>, %arg4: memref<2097152xf32, #tpu.memory_space<hbm>>, %arg5: memref<524296xi32, #tpu.memory_space<hbm>>, %arg6: memref<96xf32, #tpu.memory_space<hbm>>, %arg7: memref<2097152xi32, #tpu.memory_space<hbm>>, %arg8: memref<2x8192xf32, #tpu.memory_space<vmem>>, %arg9: memref<2x8192xf32, #tpu.memory_space<vmem>>, %arg10: memref<2x8192xf32, #tpu.memory_space<vmem>>, %arg11: memref<2048xi32, #tpu.memory_space<vmem>>, %arg12: memref<2048xi32, #tpu.memory_space<vmem>>, %arg13: memref<8192xi32, #tpu.memory_space<vmem>>, %arg14: memref<2048xi32, #tpu.memory_space<vmem>>, %arg15: memref<2048xi32, #tpu.memory_space<vmem>>, %arg16: memref<8192xi32, #tpu.memory_space<vmem>>, %arg17: memref<96xf32, #tpu.memory_space<vmem>>, %arg18: memref<524296xi32, #tpu.memory_space<vmem_shared>>, %arg19: memref<!tpu.dma_semaphore, #tpu.memory_space<semaphore_mem>>, %arg20: memref<!tpu.dma_semaphore, #tpu.memory_space<semaphore_mem>>, %arg21: memref<!tpu.dma_semaphore, #tpu.memory_space<semaphore_mem>>) attributes {dimension_semantics = [#tpu.dimension_semantics<core_parallel>, #tpu.dimension_semantics<subcore_parallel>], iteration_bounds = array<i64: 2, 16>, scalar_prefetch = 0 : i64, scratch_operands = 14 : i64, tpu.core_type = #tpu.core_type<sc_vector_subcore>, window_params = [{transform_indices = #map}, {transform_indices = #map}, {transform_indices = #map}, {transform_indices = #map}, {transform_indices = #map}, {transform_indices = #map}]} {
    %mul3A = arith.constant 2 : i32
    %mul3A_0 = arith.muli %arg1, %mul3A : i32
    %add3A = arith.addi %mul3A_0, %arg0 : i32
    %eq3A = arith.constant 0 : i32
    %eq3A_1 = arith.cmpi eq, %arg1, %eq3A : i32
    %convert_element_type3A = arith.extui %eq3A_1 : i1 to i32
    %cond3A = arith.constant 0 : i32
    %cond3A_2 = arith.cmpi ne, %convert_element_type3A, %cond3A : i32
    scf.if %cond3A_2 {
      "tpu.region"() ({
        %run_scoped3A = tpu.sem_alloc : memref<!tpu.dma_semaphore, #tpu.memory_space<semaphore_mem>>
        tpu.enqueue_dma source(%arg5 : memref<524296xi32, #tpu.memory_space<hbm>>) target(%arg18 : memref<524296xi32, #tpu.memory_space<vmem_shared>>) target_semaphore(%run_scoped3A : memref<!tpu.dma_semaphore, #tpu.memory_space<semaphore_mem>>)
        tpu.wait_dma2 semaphore(%run_scoped3A : memref<!tpu.dma_semaphore, #tpu.memory_space<semaphore_mem>>) src(%arg5 : memref<524296xi32, #tpu.memory_space<hbm>>) dst(%arg18 : memref<524296xi32, #tpu.memory_space<vmem_shared>>)
        tpu.yield
      }) : () -> ()
    } else {
    }
    %barrier3A = arith.constant 0 : index
    tpu.barrier barrier_id(%barrier3A)
    "tpu.region"() ({
      %run_scoped3A = tpu.sem_alloc : memref<!tpu.dma_semaphore, #tpu.memory_space<semaphore_mem>>
      tpu.enqueue_dma source(%arg6 : memref<96xf32, #tpu.memory_space<hbm>>) target(%arg17 : memref<96xf32, #tpu.memory_space<vmem>>) target_semaphore(%run_scoped3A : memref<!tpu.dma_semaphore, #tpu.memory_space<semaphore_mem>>)
      tpu.wait_dma2 semaphore(%run_scoped3A : memref<!tpu.dma_semaphore, #tpu.memory_space<semaphore_mem>>) src(%arg6 : memref<96xf32, #tpu.memory_space<hbm>>) dst(%arg17 : memref<96xf32, #tpu.memory_space<vmem>>)
      tpu.yield
    }) : () -> ()
    %get3A = arith.constant 0 : index
    %get3A_3 = tpu.vector_load %arg17[%get3A] {strides = array<i32>} : memref<96xf32, #tpu.memory_space<vmem>>, vector<16xf32>,
    %get3A_4 = arith.constant 16 : index
    %get3A_5 = tpu.vector_load %arg17[%get3A_4] {strides = array<i32>} : memref<96xf32, #tpu.memory_space<vmem>>, vector<16xf32>,
    %get3A_6 = arith.constant 32 : index
    %get3A_7 = tpu.vector_load %arg17[%get3A_6] {strides = array<i32>} : memref<96xf32, #tpu.memory_space<vmem>>, vector<16xf32>,
    %get3A_8 = arith.constant 48 : index
    %get3A_9 = tpu.vector_load %arg17[%get3A_8] {strides = array<i32>} : memref<96xf32, #tpu.memory_space<vmem>>, vector<16xf32>,
    %get3A_10 = arith.constant 64 : index
    %get3A_11 = tpu.vector_load %arg17[%get3A_10] {strides = array<i32>} : memref<96xf32, #tpu.memory_space<vmem>>, vector<16xf32>,
    %get3A_12 = arith.constant 80 : index
    %get3A_13 = tpu.vector_load %arg17[%get3A_12] {strides = array<i32>} : memref<96xf32, #tpu.memory_space<vmem>>, vector<16xf32>,
    %sub3A = arith.constant 2.560000e+02 : f32
    %sub3A_14 = arith.constant 5.000000e-01 : f32
    %sub3A_15 = arith.subf %sub3A, %sub3A_14 : f32
    %sub3A_16 = arith.constant 2.560000e+02 : f32
    %sub3A_17 = arith.constant 5.000000e-01 : f32
    %sub3A_18 = arith.subf %sub3A_16, %sub3A_17 : f32
    %sub3A_19 = arith.constant 2.560000e+02 : f32
    %sub3A_20 = arith.constant 5.000000e-01 : f32
    %sub3A_21 = arith.subf %sub3A_19, %sub3A_20 : f32
    %mul3A_22 = arith.constant 65536 : i32
    %mul3A_23 = arith.muli %add3A, %mul3A_22 : i32
    %multiple_of3A = tpu.assume_multiple %mul3A_23, 8192 : i32
    %dma_start3A = arith.constant 0 : i32
    %dma_start3A_24 = arith.constant 0 : i32
    %dma_start3A_25 = tpu.memref_slice %arg8[%dma_start3A, %dma_start3A_24] : memref<2x8192xf32, #tpu.memory_space<vmem>> -> memref<1x8192xf32, #tpu.memory_space<vmem>>
    %dma_start3A_26 = tpu.memref_squeeze %dma_start3A_25 : memref<1x8192xf32, #tpu.memory_space<vmem>> -> memref<8192xf32, #tpu.memory_space<vmem>>
    %dma_start3A_27 = tpu.memref_slice %arg2[%multiple_of3A] : memref<2097152xf32, #tpu.memory_space<hbm>> -> memref<8192xf32, #tpu.memory_space<hbm>>
    %dma_start3A_28 = arith.constant 0 : i32
    %dma_start3A_29 = tpu.memref_slice %arg8[%dma_start3A, %dma_start3A_28] : memref<2x8192xf32, #tpu.memory_space<vmem>> -> memref<1x8192xf32, #tpu.memory_space<vmem>>
    %dma_start3A_30 = tpu.memref_squeeze %dma_start3A_29 : memref<1x8192xf32, #tpu.memory_space<vmem>> -> memref<8192xf32, #tpu.memory_space<vmem>>
    %dma_start3A_31 = tpu.memref_slice %arg2[%multiple_of3A] : memref<2097152xf32, #tpu.memory_space<hbm>> -> memref<8192xf32, #tpu.memory_space<hbm>>
    tpu.enqueue_dma source(%dma_start3A_31 : memref<8192xf32, #tpu.memory_space<hbm>>) target(%dma_start3A_30 : memref<8192xf32, #tpu.memory_space<vmem>>) target_semaphore(%arg21 : memref<!tpu.dma_semaphore, #tpu.memory_space<semaphore_mem>>)
    %dma_start3A_32 = arith.constant 0 : i32
    %dma_start3A_33 = arith.constant 0 : i32
    %dma_start3A_34 = tpu.memref_slice %arg9[%dma_start3A_32, %dma_start3A_33] : memref<2x8192xf32, #tpu.memory_space<vmem>> -> memref<1x8192xf32, #tpu.memory_space<vmem>>
    %dma_start3A_35 = tpu.memref_squeeze %dma_start3A_34 : memref<1x8192xf32, #tpu.memory_space<vmem>> -> memref<8192xf32, #tpu.memory_space<vmem>>
    %dma_start3A_36 = tpu.memref_slice %arg3[%multiple_of3A] : memref<2097152xf32, #tpu.memory_space<hbm>> -> memref<8192xf32, #tpu.memory_space<hbm>>
    %dma_start3A_37 = arith.constant 0 : i32
    %dma_start3A_38 = tpu.memref_slice %arg9[%dma_start3A_32, %dma_start3A_37] : memref<2x8192xf32, #tpu.memory_space<vmem>> -> memref<1x8192xf32, #tpu.memory_space<vmem>>
    %dma_start3A_39 = tpu.memref_squeeze %dma_start3A_38 : memref<1x8192xf32, #tpu.memory_space<vmem>> -> memref<8192xf32, #tpu.memory_space<vmem>>
    %dma_start3A_40 = tpu.memref_slice %arg3[%multiple_of3A] : memref<2097152xf32, #tpu.memory_space<hbm>> -> memref<8192xf32, #tpu.memory_space<hbm>>
    tpu.enqueue_dma source(%dma_start3A_40 : memref<8192xf32, #tpu.memory_space<hbm>>) target(%dma_start3A_39 : memref<8192xf32, #tpu.memory_space<vmem>>) target_semaphore(%arg21 : memref<!tpu.dma_semaphore, #tpu.memory_space<semaphore_mem>>)
    %dma_start3A_41 = arith.constant 0 : i32
    %dma_start3A_42 = arith.constant 0 : i32
    %dma_start3A_43 = tpu.memref_slice %arg10[%dma_start3A_41, %dma_start3A_42] : memref<2x8192xf32, #tpu.memory_space<vmem>> -> memref<1x8192xf32, #tpu.memory_space<vmem>>
    %dma_start3A_44 = tpu.memref_squeeze %dma_start3A_43 : memref<1x8192xf32, #tpu.memory_space<vmem>> -> memref<8192xf32, #tpu.memory_space<vmem>>
    %dma_start3A_45 = tpu.memref_slice %arg4[%multiple_of3A] : memref<2097152xf32, #tpu.memory_space<hbm>> -> memref<8192xf32, #tpu.memory_space<hbm>>
    %dma_start3A_46 = arith.constant 0 : i32
    %dma_start3A_47 = tpu.memref_slice %arg10[%dma_start3A_41, %dma_start3A_46] : memref<2x8192xf32, #tpu.memory_space<vmem>> -> memref<1x8192xf32, #tpu.memory_space<vmem>>
    %dma_start3A_48 = tpu.memref_squeeze %dma_start3A_47 : memref<1x8192xf32, #tpu.memory_space<vmem>> -> memref<8192xf32, #tpu.memory_space<vmem>>
    %dma_start3A_49 = tpu.memref_slice %arg4[%multiple_of3A] : memref<2097152xf32, #tpu.memory_space<hbm>> -> memref<8192xf32, #tpu.memory_space<hbm>>
    tpu.enqueue_dma source(%dma_start3A_49 : memref<8192xf32, #tpu.memory_space<hbm>>) target(%dma_start3A_48 : memref<8192xf32, #tpu.memory_space<vmem>>) target_semaphore(%arg21 : memref<!tpu.dma_semaphore, #tpu.memory_space<semaphore_mem>>)
    %scan3A = arith.constant 0 : i32
    %scan3A_50 = arith.constant 4 : i32
    %scan3A_51 = arith.addi %scan3A, %scan3A_50 : i32
    %scan3A_52 = arith.constant 1 : i32
    %scan3A_53 = scf.for %scan3A_87 = %scan3A to %scan3A_51 step %scan3A_52 iter_args(%scan3A_88 = %mul3A_23) -> (i32)  : i32 {
      %multiple_of3A_89 = tpu.assume_multiple %scan3A_88, 8192 : i32
      %dma_wait3A_90 = arith.constant 0 : i32
      %dma_wait3A_91 = arith.constant 0 : i32
      %dma_wait3A_92 = tpu.memref_slice %arg8[%dma_wait3A_90, %dma_wait3A_91] : memref<2x8192xf32, #tpu.memory_space<vmem>> -> memref<1x8192xf32, #tpu.memory_space<vmem>>
      %dma_wait3A_93 = tpu.memref_squeeze %dma_wait3A_92 : memref<1x8192xf32, #tpu.memory_space<vmem>> -> memref<8192xf32, #tpu.memory_space<vmem>>
      %dma_wait3A_94 = arith.constant 0 : i32
      %dma_wait3A_95 = tpu.memref_slice %arg2[%dma_wait3A_94] : memref<2097152xf32, #tpu.memory_space<hbm>> -> memref<8192xf32, #tpu.memory_space<hbm>>
      %dma_wait3A_96 = arith.constant 0 : i32
      %dma_wait3A_97 = tpu.memref_slice %arg8[%dma_wait3A_90, %dma_wait3A_96] : memref<2x8192xf32, #tpu.memory_space<vmem>> -> memref<1x8192xf32, #tpu.memory_space<vmem>>
      %dma_wait3A_98 = tpu.memref_squeeze %dma_wait3A_97 : memref<1x8192xf32, #tpu.memory_space<vmem>> -> memref<8192xf32, #tpu.memory_space<vmem>>
      %dma_wait3A_99 = arith.constant 0 : i32
      %dma_wait3A_100 = tpu.memref_slice %arg2[%dma_wait3A_99] : memref<2097152xf32, #tpu.memory_space<hbm>> -> memref<8192xf32, #tpu.memory_space<hbm>>
      tpu.wait_dma2 semaphore(%arg21 : memref<!tpu.dma_semaphore, #tpu.memory_space<semaphore_mem>>) src(%dma_wait3A_100 : memref<8192xf32, #tpu.memory_space<hbm>>) dst(%dma_wait3A_98 : memref<8192xf32, #tpu.memory_space<vmem>>)
      %dma_wait3A_101 = arith.constant 0 : i32
      %dma_wait3A_102 = arith.constant 0 : i32
      %dma_wait3A_103 = tpu.memref_slice %arg9[%dma_wait3A_101, %dma_wait3A_102] : memref<2x8192xf32, #tpu.memory_space<vmem>> -> memref<1x8192xf32, #tpu.memory_space<vmem>>
      %dma_wait3A_104 = tpu.memref_squeeze %dma_wait3A_103 : memref<1x8192xf32, #tpu.memory_space<vmem>> -> memref<8192xf32, #tpu.memory_space<vmem>>
      %dma_wait3A_105 = arith.constant 0 : i32
      %dma_wait3A_106 = tpu.memref_slice %arg3[%dma_wait3A_105] : memref<2097152xf32, #tpu.memory_space<hbm>> -> memref<8192xf32, #tpu.memory_space<hbm>>
      %dma_wait3A_107 = arith.constant 0 : i32
      %dma_wait3A_108 = tpu.memref_slice %arg9[%dma_wait3A_101, %dma_wait3A_107] : memref<2x8192xf32, #tpu.memory_space<vmem>> -> memref<1x8192xf32, #tpu.memory_space<vmem>>
      %dma_wait3A_109 = tpu.memref_squeeze %dma_wait3A_108 : memref<1x8192xf32, #tpu.memory_space<vmem>> -> memref<8192xf32, #tpu.memory_space<vmem>>
      %dma_wait3A_110 = arith.constant 0 : i32
      %dma_wait3A_111 = tpu.memref_slice %arg3[%dma_wait3A_110] : memref<2097152xf32, #tpu.memory_space<hbm>> -> memref<8192xf32, #tpu.memory_space<hbm>>
      tpu.wait_dma2 semaphore(%arg21 : memref<!tpu.dma_semaphore, #tpu.memory_space<semaphore_mem>>) src(%dma_wait3A_111 : memref<8192xf32, #tpu.memory_space<hbm>>) dst(%dma_wait3A_109 : memref<8192xf32, #tpu.memory_space<vmem>>)
      %dma_wait3A_112 = arith.constant 0 : i32
      %dma_wait3A_113 = arith.constant 0 : i32
      %dma_wait3A_114 = tpu.memref_slice %arg10[%dma_wait3A_112, %dma_wait3A_113] : memref<2x8192xf32, #tpu.memory_space<vmem>> -> memref<1x8192xf32, #tpu.memory_space<vmem>>
      %dma_wait3A_115 = tpu.memref_squeeze %dma_wait3A_114 : memref<1x8192xf32, #tpu.memory_space<vmem>> -> memref<8192xf32, #tpu.memory_space<vmem>>
      %dma_wait3A_116 = arith.constant 0 : i32
      %dma_wait3A_117 = tpu.memref_slice %arg4[%dma_wait3A_116] : memref<2097152xf32, #tpu.memory_space<hbm>> -> memref<8192xf32, #tpu.memory_space<hbm>>
      %dma_wait3A_118 = arith.constant 0 : i32
      %dma_wait3A_119 = tpu.memref_slice %arg10[%dma_wait3A_112, %dma_wait3A_118] : memref<2x8192xf32, #tpu.memory_space<vmem>> -> memref<1x8192xf32, #tpu.memory_space<vmem>>
      %dma_wait3A_120 = tpu.memref_squeeze %dma_wait3A_119 : memref<1x8192xf32, #tpu.memory_space<vmem>> -> memref<8192xf32, #tpu.memory_space<vmem>>
      %dma_wait3A_121 = arith.constant 0 : i32
      %dma_wait3A_122 = tpu.memref_slice %arg4[%dma_wait3A_121] : memref<2097152xf32, #tpu.memory_space<hbm>> -> memref<8192xf32, #tpu.memory_space<hbm>>
      tpu.wait_dma2 semaphore(%arg21 : memref<!tpu.dma_semaphore, #tpu.memory_space<semaphore_mem>>) src(%dma_wait3A_122 : memref<8192xf32, #tpu.memory_space<hbm>>) dst(%dma_wait3A_120 : memref<8192xf32, #tpu.memory_space<vmem>>)
      %add3A_123 = arith.constant 8192 : i32
      %add3A_124 = arith.addi %multiple_of3A_89, %add3A_123 : i32
      %dma_start3A_125 = arith.constant 1 : i32
      %dma_start3A_126 = arith.constant 0 : i32
      %dma_start3A_127 = tpu.memref_slice %arg8[%dma_start3A_125, %dma_start3A_126] : memref<2x8192xf32, #tpu.memory_space<vmem>> -> memref<1x8192xf32, #tpu.memory_space<vmem>>
      %dma_start3A_128 = tpu.memref_squeeze %dma_start3A_127 : memref<1x8192xf32, #tpu.memory_space<vmem>> -> memref<8192xf32, #tpu.memory_space<vmem>>
      %dma_start3A_129 = tpu.memref_slice %arg2[%add3A_124] : memref<2097152xf32, #tpu.memory_space<hbm>> -> memref<8192xf32, #tpu.memory_space<hbm>>
      %dma_start3A_130 = arith.constant 0 : i32
      %dma_start3A_131 = tpu.memref_slice %arg8[%dma_start3A_125, %dma_start3A_130] : memref<2x8192xf32, #tpu.memory_space<vmem>> -> memref<1x8192xf32, #tpu.memory_space<vmem>>
      %dma_start3A_132 = tpu.memref_squeeze %dma_start3A_131 : memref<1x8192xf32, #tpu.memory_space<vmem>> -> memref<8192xf32, #tpu.memory_space<vmem>>
      %dma_start3A_133 = tpu.memref_slice %arg2[%add3A_124] : memref<2097152xf32, #tpu.memory_space<hbm>> -> memref<8192xf32, #tpu.memory_space<hbm>>
      tpu.enqueue_dma source(%dma_start3A_133 : memref<8192xf32, #tpu.memory_space<hbm>>) target(%dma_start3A_132 : memref<8192xf32, #tpu.memory_space<vmem>>) target_semaphore(%arg21 : memref<!tpu.dma_semaphore, #tpu.memory_space<semaphore_mem>>)
      %dma_start3A_134 = arith.constant 1 : i32
      %dma_start3A_135 = arith.constant 0 : i32
      %dma_start3A_136 = tpu.memref_slice %arg9[%dma_start3A_134, %dma_start3A_135] : memref<2x8192xf32, #tpu.memory_space<vmem>> -> memref<1x8192xf32, #tpu.memory_space<vmem>>
      %dma_start3A_137 = tpu.memref_squeeze %dma_start3A_136 : memref<1x8192xf32, #tpu.memory_space<vmem>> -> memref<8192xf32, #tpu.memory_space<vmem>>
      %dma_start3A_138 = tpu.memref_slice %arg3[%add3A_124] : memref<2097152xf32, #tpu.memory_space<hbm>> -> memref<8192xf32, #tpu.memory_space<hbm>>
      %dma_start3A_139 = arith.constant 0 : i32
      %dma_start3A_140 = tpu.memref_slice %arg9[%dma_start3A_134, %dma_start3A_139] : memref<2x8192xf32, #tpu.memory_space<vmem>> -> memref<1x8192xf32, #tpu.memory_space<vmem>>
      %dma_start3A_141 = tpu.memref_squeeze %dma_start3A_140 : memref<1x8192xf32, #tpu.memory_space<vmem>> -> memref<8192xf32, #tpu.memory_space<vmem>>
      %dma_start3A_142 = tpu.memref_slice %arg3[%add3A_124] : memref<2097152xf32, #tpu.memory_space<hbm>> -> memref<8192xf32, #tpu.memory_space<hbm>>
      tpu.enqueue_dma source(%dma_start3A_142 : memref<8192xf32, #tpu.memory_space<hbm>>) target(%dma_start3A_141 : memref<8192xf32, #tpu.memory_space<vmem>>) target_semaphore(%arg21 : memref<!tpu.dma_semaphore, #tpu.memory_space<semaphore_mem>>)
      %dma_start3A_143 = arith.constant 1 : i32
      %dma_start3A_144 = arith.constant 0 : i32
      %dma_start3A_145 = tpu.memref_slice %arg10[%dma_start3A_143, %dma_start3A_144] : memref<2x8192xf32, #tpu.memory_space<vmem>> -> memref<1x8192xf32, #tpu.memory_space<vmem>>
      %dma_start3A_146 = tpu.memref_squeeze %dma_start3A_145 : memref<1x8192xf32, #tpu.memory_space<vmem>> -> memref<8192xf32, #tpu.memory_space<vmem>>
      %dma_start3A_147 = tpu.memref_slice %arg4[%add3A_124] : memref<2097152xf32, #tpu.memory_space<hbm>> -> memref<8192xf32, #tpu.memory_space<hbm>>
      %dma_start3A_148 = arith.constant 0 : i32
      %dma_start3A_149 = tpu.memref_slice %arg10[%dma_start3A_143, %dma_start3A_148] : memref<2x8192xf32, #tpu.memory_space<vmem>> -> memref<1x8192xf32, #tpu.memory_space<vmem>>
      %dma_start3A_150 = tpu.memref_squeeze %dma_start3A_149 : memref<1x8192xf32, #tpu.memory_space<vmem>> -> memref<8192xf32, #tpu.memory_space<vmem>>
      %dma_start3A_151 = tpu.memref_slice %arg4[%add3A_124] : memref<2097152xf32, #tpu.memory_space<hbm>> -> memref<8192xf32, #tpu.memory_space<hbm>>
      tpu.enqueue_dma source(%dma_start3A_151 : memref<8192xf32, #tpu.memory_space<hbm>>) target(%dma_start3A_150 : memref<8192xf32, #tpu.memory_space<vmem>>) target_semaphore(%arg21 : memref<!tpu.dma_semaphore, #tpu.memory_space<semaphore_mem>>)
      %parallel_loop3A = arith.constant 0 : i32
      %parallel_loop3A_152 = arith.constant 128 : i32
      %parallel_loop3A_153 = arith.constant 1 : i32
      scf.for %parallel_loop3A_299 = %parallel_loop3A to %parallel_loop3A_152 step %parallel_loop3A_153  : i32 {
        %parallel_loop3A_300 = arith.constant 16 : i32
        %parallel_loop3A_301 = arith.muli %parallel_loop3A_299, %parallel_loop3A_300 : i32
        %parallel_loop3A_302 = arith.constant 0 : i32
        %parallel_loop3A_303 = arith.addi %parallel_loop3A_302, %parallel_loop3A_301 : i32
        %parallel_loop3A_304 = arith.constant 0 : i32
        %parallel_loop3A_305 = arith.index_cast %parallel_loop3A_304 : i32 to index
        %parallel_loop3A_306 = arith.index_cast %parallel_loop3A_303 : i32 to index
        %parallel_loop3A_307 = tpu.vector_load %arg8[%parallel_loop3A_305, %parallel_loop3A_306] {strides = array<i32>} : memref<2x8192xf32, #tpu.memory_space<vmem>>, vector<16xf32>,
        %parallel_loop3A_308 = arith.mulf %parallel_loop3A_307, %get3A_3 : vector<16xf32>
        %parallel_loop3A_309 = arith.addf %parallel_loop3A_308, %get3A_9 : vector<16xf32>
        %parallel_loop3A_310 = arith.constant 0 : i32
        %parallel_loop3A_311 = arith.index_cast %parallel_loop3A_310 : i32 to index
        %parallel_loop3A_312 = arith.index_cast %parallel_loop3A_303 : i32 to index
        %parallel_loop3A_313 = tpu.vector_load %arg9[%parallel_loop3A_311, %parallel_loop3A_312] {strides = array<i32>} : memref<2x8192xf32, #tpu.memory_space<vmem>>, vector<16xf32>,
        %parallel_loop3A_314 = arith.mulf %parallel_loop3A_313, %get3A_5 : vector<16xf32>
        %parallel_loop3A_315 = arith.addf %parallel_loop3A_314, %get3A_11 : vector<16xf32>
        %parallel_loop3A_316 = arith.constant 0 : i32
        %parallel_loop3A_317 = arith.index_cast %parallel_loop3A_316 : i32 to index
        %parallel_loop3A_318 = arith.index_cast %parallel_loop3A_303 : i32 to index
        %parallel_loop3A_319 = tpu.vector_load %arg10[%parallel_loop3A_317, %parallel_loop3A_318] {strides = array<i32>} : memref<2x8192xf32, #tpu.memory_space<vmem>>, vector<16xf32>,
        %parallel_loop3A_320 = arith.mulf %parallel_loop3A_319, %get3A_7 : vector<16xf32>
        %parallel_loop3A_321 = arith.addf %parallel_loop3A_320, %get3A_13 : vector<16xf32>
        %parallel_loop3A_322 = arith.minimumf %parallel_loop3A_309, %parallel_loop3A_315 : vector<16xf32>
        %parallel_loop3A_323 = arith.minimumf %parallel_loop3A_322, %parallel_loop3A_321 : vector<16xf32>
        %parallel_loop3A_324 = arith.maximumf %parallel_loop3A_309, %parallel_loop3A_315 : vector<16xf32>
        %parallel_loop3A_325 = arith.maximumf %parallel_loop3A_324, %parallel_loop3A_321 : vector<16xf32>
        %parallel_loop3A_326 = arith.constant -5.000000e-01 : f32
        %parallel_loop3A_327 = vector.broadcast %parallel_loop3A_326 : f32 to vector<16xf32>
        %parallel_loop3A_328 = arith.cmpf oge, %parallel_loop3A_323, %parallel_loop3A_327 : vector<16xf32>
        %parallel_loop3A_329 = vector.broadcast %sub3A_15 : f32 to vector<16xf32>
        %parallel_loop3A_330 = arith.cmpf olt, %parallel_loop3A_325, %parallel_loop3A_329 : vector<16xf32>
        %parallel_loop3A_331 = arith.andi %parallel_loop3A_328, %parallel_loop3A_330 : vector<16xi1>
        %parallel_loop3A_332 = arith.constant 5.000000e-01 : f32
        %parallel_loop3A_333 = arith.subf %sub3A_15, %parallel_loop3A_332 : f32
        %parallel_loop3A_334 = arith.constant 0.000000e+00 : f32
        %parallel_loop3A_335 = vector.broadcast %parallel_loop3A_334 : f32 to vector<16xf32>
        %parallel_loop3A_336 = arith.maximumf %parallel_loop3A_335, %parallel_loop3A_309 : vector<16xf32>
        %parallel_loop3A_337 = vector.broadcast %parallel_loop3A_333 : f32 to vector<16xf32>
        %parallel_loop3A_338 = arith.minimumf %parallel_loop3A_337, %parallel_loop3A_336 : vector<16xf32>
        %parallel_loop3A_339 = arith.constant 5.000000e-01 : f32
        %parallel_loop3A_340 = vector.broadcast %parallel_loop3A_339 : f32 to vector<16xf32>
        %parallel_loop3A_341 = arith.addf %parallel_loop3A_338, %parallel_loop3A_340 : vector<16xf32>
        %parallel_loop3A_342 = arith.fptosi %parallel_loop3A_341 : vector<16xf32> to vector<16xi32>
        %parallel_loop3A_343 = arith.sitofp %parallel_loop3A_342 : vector<16xi32> to vector<16xf32>
        %parallel_loop3A_344 = arith.subf %parallel_loop3A_343, %parallel_loop3A_338 : vector<16xf32>
        %parallel_loop3A_345 = arith.constant 5.000000e-01 : f32
        %parallel_loop3A_346 = vector.broadcast %parallel_loop3A_345 : f32 to vector<16xf32>
        %parallel_loop3A_347 = arith.cmpf oeq, %parallel_loop3A_344, %parallel_loop3A_346 : vector<16xf32>
        %parallel_loop3A_348 = arith.constant 1 : i32
        %parallel_loop3A_349 = vector.broadcast %parallel_loop3A_348 : i32 to vector<16xi32>
        %parallel_loop3A_350 = arith.andi %parallel_loop3A_342, %parallel_loop3A_349 : vector<16xi32>
        %parallel_loop3A_351 = arith.constant 0 : i32
        %parallel_loop3A_352 = vector.broadcast %parallel_loop3A_351 : i32 to vector<16xi32>
        %parallel_loop3A_353 = arith.select %parallel_loop3A_347, %parallel_loop3A_350, %parallel_loop3A_352 : vector<16xi1>, vector<16xi32>
        %parallel_loop3A_354 = arith.subi %parallel_loop3A_342, %parallel_loop3A_353 : vector<16xi32>
        %parallel_loop3A_355 = arith.constant 5.000000e-01 : f32
        %parallel_loop3A_356 = arith.subf %sub3A_18, %parallel_loop3A_355 : f32
        %parallel_loop3A_357 = arith.constant 0.000000e+00 : f32
        %parallel_loop3A_358 = vector.broadcast %parallel_loop3A_357 : f32 to vector<16xf32>
        %parallel_loop3A_359 = arith.maximumf %parallel_loop3A_358, %parallel_loop3A_315 : vector<16xf32>
        %parallel_loop3A_360 = vector.broadcast %parallel_loop3A_356 : f32 to vector<16xf32>
        %parallel_loop3A_361 = arith.minimumf %parallel_loop3A_360, %parallel_loop3A_359 : vector<16xf32>
        %parallel_loop3A_362 = arith.constant 5.000000e-01 : f32
        %parallel_loop3A_363 = vector.broadcast %parallel_loop3A_362 : f32 to vector<16xf32>
        %parallel_loop3A_364 = arith.addf %parallel_loop3A_361, %parallel_loop3A_363 : vector<16xf32>
        %parallel_loop3A_365 = arith.fptosi %parallel_loop3A_364 : vector<16xf32> to vector<16xi32>
        %parallel_loop3A_366 = arith.sitofp %parallel_loop3A_365 : vector<16xi32> to vector<16xf32>
        %parallel_loop3A_367 = arith.subf %parallel_loop3A_366, %parallel_loop3A_361 : vector<16xf32>
        %parallel_loop3A_368 = arith.constant 5.000000e-01 : f32
        %parallel_loop3A_369 = vector.broadcast %parallel_loop3A_368 : f32 to vector<16xf32>
        %parallel_loop3A_370 = arith.cmpf oeq, %parallel_loop3A_367, %parallel_loop3A_369 : vector<16xf32>
        %parallel_loop3A_371 = arith.constant 1 : i32
        %parallel_loop3A_372 = vector.broadcast %parallel_loop3A_371 : i32 to vector<16xi32>
        %parallel_loop3A_373 = arith.andi %parallel_loop3A_365, %parallel_loop3A_372 : vector<16xi32>
        %parallel_loop3A_374 = arith.constant 0 : i32
        %parallel_loop3A_375 = vector.broadcast %parallel_loop3A_374 : i32 to vector<16xi32>
        %parallel_loop3A_376 = arith.select %parallel_loop3A_370, %parallel_loop3A_373, %parallel_loop3A_375 : vector<16xi1>, vector<16xi32>
        %parallel_loop3A_377 = arith.subi %parallel_loop3A_365, %parallel_loop3A_376 : vector<16xi32>
        %parallel_loop3A_378 = arith.constant 5.000000e-01 : f32
        %parallel_loop3A_379 = arith.subf %sub3A_21, %parallel_loop3A_378 : f32
        %parallel_loop3A_380 = arith.constant 0.000000e+00 : f32
        %parallel_loop3A_381 = vector.broadcast %parallel_loop3A_380 : f32 to vector<16xf32>
        %parallel_loop3A_382 = arith.maximumf %parallel_loop3A_381, %parallel_loop3A_321 : vector<16xf32>
        %parallel_loop3A_383 = vector.broadcast %parallel_loop3A_379 : f32 to vector<16xf32>
        %parallel_loop3A_384 = arith.minimumf %parallel_loop3A_383, %parallel_loop3A_382 : vector<16xf32>
        %parallel_loop3A_385 = arith.constant 5.000000e-01 : f32
        %parallel_loop3A_386 = vector.broadcast %parallel_loop3A_385 : f32 to vector<16xf32>
        %parallel_loop3A_387 = arith.addf %parallel_loop3A_384, %parallel_loop3A_386 : vector<16xf32>
        %parallel_loop3A_388 = arith.fptosi %parallel_loop3A_387 : vector<16xf32> to vector<16xi32>
        %parallel_loop3A_389 = arith.sitofp %parallel_loop3A_388 : vector<16xi32> to vector<16xf32>
        %parallel_loop3A_390 = arith.subf %parallel_loop3A_389, %parallel_loop3A_384 : vector<16xf32>
        %parallel_loop3A_391 = arith.constant 5.000000e-01 : f32
        %parallel_loop3A_392 = vector.broadcast %parallel_loop3A_391 : f32 to vector<16xf32>
        %parallel_loop3A_393 = arith.cmpf oeq, %parallel_loop3A_390, %parallel_loop3A_392 : vector<16xf32>
        %parallel_loop3A_394 = arith.constant 1 : i32
        %parallel_loop3A_395 = vector.broadcast %parallel_loop3A_394 : i32 to vector<16xi32>
        %parallel_loop3A_396 = arith.andi %parallel_loop3A_388, %parallel_loop3A_395 : vector<16xi32>
        %parallel_loop3A_397 = arith.constant 0 : i32
        %parallel_loop3A_398 = vector.broadcast %parallel_loop3A_397 : i32 to vector<16xi32>
        %parallel_loop3A_399 = arith.select %parallel_loop3A_393, %parallel_loop3A_396, %parallel_loop3A_398 : vector<16xi1>, vector<16xi32>
        %parallel_loop3A_400 = arith.subi %parallel_loop3A_388, %parallel_loop3A_399 : vector<16xi32>
        %parallel_loop3A_401 = arith.constant 5 : i32
        %parallel_loop3A_402 = vector.broadcast %parallel_loop3A_401 : i32 to vector<16xi32>
        %parallel_loop3A_403 = arith.shrui %parallel_loop3A_354, %parallel_loop3A_402 : vector<16xi32>
        %parallel_loop3A_404 = arith.constant 65536 : i32
        %parallel_loop3A_405 = vector.broadcast %parallel_loop3A_404 : i32 to vector<16xi32>
        %parallel_loop3A_406 = arith.muli %parallel_loop3A_403, %parallel_loop3A_405 : vector<16xi32>
        %parallel_loop3A_407 = arith.constant 256 : i32
        %parallel_loop3A_408 = vector.broadcast %parallel_loop3A_407 : i32 to vector<16xi32>
        %parallel_loop3A_409 = arith.muli %parallel_loop3A_377, %parallel_loop3A_408 : vector<16xi32>
        %parallel_loop3A_410 = arith.addi %parallel_loop3A_406, %parallel_loop3A_409 : vector<16xi32>
        %parallel_loop3A_411 = arith.addi %parallel_loop3A_410, %parallel_loop3A_400 : vector<16xi32>
        %parallel_loop3A_412 = arith.constant 524288 : i32
        %parallel_loop3A_413 = vector.broadcast %parallel_loop3A_412 : i32 to vector<16xi32>
        %parallel_loop3A_414 = arith.select %parallel_loop3A_331, %parallel_loop3A_411, %parallel_loop3A_413 : vector<16xi1>, vector<16xi32>
        %parallel_loop3A_415 = arith.constant 16 : i32
        %parallel_loop3A_416 = arith.muli %parallel_loop3A_299, %parallel_loop3A_415 : i32
        %parallel_loop3A_417 = arith.index_cast %parallel_loop3A_416 : i32 to index
        %parallel_loop3A_418 = tpu.vector_load %arg11[%parallel_loop3A_417] {strides = array<i32>} : memref<2048xi32, #tpu.memory_space<vmem>>, vector<16xi32>,
        tpu.vector_store %arg11[%parallel_loop3A_417], %parallel_loop3A_414 {strides = array<i32>} : memref<2048xi32, #tpu.memory_space<vmem>>, vector<16xi32>,
        %parallel_loop3A_419 = arith.constant 31 : i32
        %parallel_loop3A_420 = vector.broadcast %parallel_loop3A_419 : i32 to vector<16xi32>
        %parallel_loop3A_421 = arith.andi %parallel_loop3A_354, %parallel_loop3A_420 : vector<16xi32>
        %parallel_loop3A_422 = arith.index_cast %parallel_loop3A_303 : i32 to index
        %parallel_loop3A_423 = tpu.vector_load %arg13[%parallel_loop3A_422] {strides = array<i32>} : memref<8192xi32, #tpu.memory_space<vmem>>, vector<16xi32>,
        tpu.vector_store %arg13[%parallel_loop3A_422], %parallel_loop3A_421 {strides = array<i32>} : memref<8192xi32, #tpu.memory_space<vmem>>, vector<16xi32>,
      } {sc.loop_unroll_factor = 4 : i64, sc.parallel_access}
      %dma_start3A_154 = arith.constant 0 : i32
      %dma_start3A_155 = tpu.memref_slice %arg18[%dma_start3A_154] : memref<524296xi32, #tpu.memory_space<vmem_shared>> -> memref<524296xi32, #tpu.memory_space<vmem_shared>>
      tpu.enqueue_indirect_dma source(%dma_start3A_155 : memref<524296xi32, #tpu.memory_space<vmem_shared>>) target(%arg14 : memref<2048xi32, #tpu.memory_space<vmem>>) offsets(%arg11 : memref<2048xi32, #tpu.memory_space<vmem>>) semaphore(%arg19 : memref<!tpu.dma_semaphore, #tpu.memory_space<semaphore_mem>>)
      %parallel_loop3A_156 = arith.constant 0 : i32
      %parallel_loop3A_157 = arith.constant 128 : i32
      %parallel_loop3A_158 = arith.constant 1 : i32
      scf.for %parallel_loop3A_299 = %parallel_loop3A_156 to %parallel_loop3A_157 step %parallel_loop3A_158  : i32 {
        %parallel_loop3A_300 = arith.constant 16 : i32
        %parallel_loop3A_301 = arith.muli %parallel_loop3A_299, %parallel_loop3A_300 : i32
        %parallel_loop3A_302 = arith.constant 2048 : i32
        %parallel_loop3A_303 = arith.addi %parallel_loop3A_302, %parallel_loop3A_301 : i32
        %parallel_loop3A_304 = arith.constant 0 : i32
        %parallel_loop3A_305 = arith.index_cast %parallel_loop3A_304 : i32 to index
        %parallel_loop3A_306 = arith.index_cast %parallel_loop3A_303 : i32 to index
        %parallel_loop3A_307 = tpu.vector_load %arg8[%parallel_loop3A_305, %parallel_loop3A_306] {strides = array<i32>} : memref<2x8192xf32, #tpu.memory_space<vmem>>, vector<16xf32>,
        %parallel_loop3A_308 = arith.mulf %parallel_loop3A_307, %get3A_3 : vector<16xf32>
        %parallel_loop3A_309 = arith.addf %parallel_loop3A_308, %get3A_9 : vector<16xf32>
        %parallel_loop3A_310 = arith.constant 0 : i32
        %parallel_loop3A_311 = arith.index_cast %parallel_loop3A_310 : i32 to index
        %parallel_loop3A_312 = arith.index_cast %parallel_loop3A_303 : i32 to index
        %parallel_loop3A_313 = tpu.vector_load %arg9[%parallel_loop3A_311, %parallel_loop3A_312] {strides = array<i32>} : memref<2x8192xf32, #tpu.memory_space<vmem>>, vector<16xf32>,
        %parallel_loop3A_314 = arith.mulf %parallel_loop3A_313, %get3A_5 : vector<16xf32>
        %parallel_loop3A_315 = arith.addf %parallel_loop3A_314, %get3A_11 : vector<16xf32>
        %parallel_loop3A_316 = arith.constant 0 : i32
        %parallel_loop3A_317 = arith.index_cast %parallel_loop3A_316 : i32 to index
        %parallel_loop3A_318 = arith.index_cast %parallel_loop3A_303 : i32 to index
        %parallel_loop3A_319 = tpu.vector_load %arg10[%parallel_loop3A_317, %parallel_loop3A_318] {strides = array<i32>} : memref<2x8192xf32, #tpu.memory_space<vmem>>, vector<16xf32>,
        %parallel_loop3A_320 = arith.mulf %parallel_loop3A_319, %get3A_7 : vector<16xf32>
        %parallel_loop3A_321 = arith.addf %parallel_loop3A_320, %get3A_13 : vector<16xf32>
        %parallel_loop3A_322 = arith.minimumf %parallel_loop3A_309, %parallel_loop3A_315 : vector<16xf32>
        %parallel_loop3A_323 = arith.minimumf %parallel_loop3A_322, %parallel_loop3A_321 : vector<16xf32>
        %parallel_loop3A_324 = arith.maximumf %parallel_loop3A_309, %parallel_loop3A_315 : vector<16xf32>
        %parallel_loop3A_325 = arith.maximumf %parallel_loop3A_324, %parallel_loop3A_321 : vector<16xf32>
        %parallel_loop3A_326 = arith.constant -5.000000e-01 : f32
        %parallel_loop3A_327 = vector.broadcast %parallel_loop3A_326 : f32 to vector<16xf32>
        %parallel_loop3A_328 = arith.cmpf oge, %parallel_loop3A_323, %parallel_loop3A_327 : vector<16xf32>
        %parallel_loop3A_329 = vector.broadcast %sub3A_15 : f32 to vector<16xf32>
        %parallel_loop3A_330 = arith.cmpf olt, %parallel_loop3A_325, %parallel_loop3A_329 : vector<16xf32>
        %parallel_loop3A_331 = arith.andi %parallel_loop3A_328, %parallel_loop3A_330 : vector<16xi1>
        %parallel_loop3A_332 = arith.constant 5.000000e-01 : f32
        %parallel_loop3A_333 = arith.subf %sub3A_15, %parallel_loop3A_332 : f32
        %parallel_loop3A_334 = arith.constant 0.000000e+00 : f32
        %parallel_loop3A_335 = vector.broadcast %parallel_loop3A_334 : f32 to vector<16xf32>
        %parallel_loop3A_336 = arith.maximumf %parallel_loop3A_335, %parallel_loop3A_309 : vector<16xf32>
        %parallel_loop3A_337 = vector.broadcast %parallel_loop3A_333 : f32 to vector<16xf32>
        %parallel_loop3A_338 = arith.minimumf %parallel_loop3A_337, %parallel_loop3A_336 : vector<16xf32>
        %parallel_loop3A_339 = arith.constant 5.000000e-01 : f32
        %parallel_loop3A_340 = vector.broadcast %parallel_loop3A_339 : f32 to vector<16xf32>
        %parallel_loop3A_341 = arith.addf %parallel_loop3A_338, %parallel_loop3A_340 : vector<16xf32>
        %parallel_loop3A_342 = arith.fptosi %parallel_loop3A_341 : vector<16xf32> to vector<16xi32>
        %parallel_loop3A_343 = arith.sitofp %parallel_loop3A_342 : vector<16xi32> to vector<16xf32>
        %parallel_loop3A_344 = arith.subf %parallel_loop3A_343, %parallel_loop3A_338 : vector<16xf32>
        %parallel_loop3A_345 = arith.constant 5.000000e-01 : f32
        %parallel_loop3A_346 = vector.broadcast %parallel_loop3A_345 : f32 to vector<16xf32>
        %parallel_loop3A_347 = arith.cmpf oeq, %parallel_loop3A_344, %parallel_loop3A_346 : vector<16xf32>
        %parallel_loop3A_348 = arith.constant 1 : i32
        %parallel_loop3A_349 = vector.broadcast %parallel_loop3A_348 : i32 to vector<16xi32>
        %parallel_loop3A_350 = arith.andi %parallel_loop3A_342, %parallel_loop3A_349 : vector<16xi32>
        %parallel_loop3A_351 = arith.constant 0 : i32
        %parallel_loop3A_352 = vector.broadcast %parallel_loop3A_351 : i32 to vector<16xi32>
        %parallel_loop3A_353 = arith.select %parallel_loop3A_347, %parallel_loop3A_350, %parallel_loop3A_352 : vector<16xi1>, vector<16xi32>
        %parallel_loop3A_354 = arith.subi %parallel_loop3A_342, %parallel_loop3A_353 : vector<16xi32>
        %parallel_loop3A_355 = arith.constant 5.000000e-01 : f32
        %parallel_loop3A_356 = arith.subf %sub3A_18, %parallel_loop3A_355 : f32
        %parallel_loop3A_357 = arith.constant 0.000000e+00 : f32
        %parallel_loop3A_358 = vector.broadcast %parallel_loop3A_357 : f32 to vector<16xf32>
        %parallel_loop3A_359 = arith.maximumf %parallel_loop3A_358, %parallel_loop3A_315 : vector<16xf32>
        %parallel_loop3A_360 = vector.broadcast %parallel_loop3A_356 : f32 to vector<16xf32>
        %parallel_loop3A_361 = arith.minimumf %parallel_loop3A_360, %parallel_loop3A_359 : vector<16xf32>
        %parallel_loop3A_362 = arith.constant 5.000000e-01 : f32
        %parallel_loop3A_363 = vector.broadcast %parallel_loop3A_362 : f32 to vector<16xf32>
        %parallel_loop3A_364 = arith.addf %parallel_loop3A_361, %parallel_loop3A_363 : vector<16xf32>
        %parallel_loop3A_365 = arith.fptosi %parallel_loop3A_364 : vector<16xf32> to vector<16xi32>
        %parallel_loop3A_366 = arith.sitofp %parallel_loop3A_365 : vector<16xi32> to vector<16xf32>
        %parallel_loop3A_367 = arith.subf %parallel_loop3A_366, %parallel_loop3A_361 : vector<16xf32>
        %parallel_loop3A_368 = arith.constant 5.000000e-01 : f32
        %parallel_loop3A_369 = vector.broadcast %parallel_loop3A_368 : f32 to vector<16xf32>
        %parallel_loop3A_370 = arith.cmpf oeq, %parallel_loop3A_367, %parallel_loop3A_369 : vector<16xf32>
        %parallel_loop3A_371 = arith.constant 1 : i32
        %parallel_loop3A_372 = vector.broadcast %parallel_loop3A_371 : i32 to vector<16xi32>
        %parallel_loop3A_373 = arith.andi %parallel_loop3A_365, %parallel_loop3A_372 : vector<16xi32>
        %parallel_loop3A_374 = arith.constant 0 : i32
        %parallel_loop3A_375 = vector.broadcast %parallel_loop3A_374 : i32 to vector<16xi32>
        %parallel_loop3A_376 = arith.select %parallel_loop3A_370, %parallel_loop3A_373, %parallel_loop3A_375 : vector<16xi1>, vector<16xi32>
        %parallel_loop3A_377 = arith.subi %parallel_loop3A_365, %parallel_loop3A_376 : vector<16xi32>
        %parallel_loop3A_378 = arith.constant 5.000000e-01 : f32
        %parallel_loop3A_379 = arith.subf %sub3A_21, %parallel_loop3A_378 : f32
        %parallel_loop3A_380 = arith.constant 0.000000e+00 : f32
        %parallel_loop3A_381 = vector.broadcast %parallel_loop3A_380 : f32 to vector<16xf32>
        %parallel_loop3A_382 = arith.maximumf %parallel_loop3A_381, %parallel_loop3A_321 : vector<16xf32>
        %parallel_loop3A_383 = vector.broadcast %parallel_loop3A_379 : f32 to vector<16xf32>
        %parallel_loop3A_384 = arith.minimumf %parallel_loop3A_383, %parallel_loop3A_382 : vector<16xf32>
        %parallel_loop3A_385 = arith.constant 5.000000e-01 : f32
        %parallel_loop3A_386 = vector.broadcast %parallel_loop3A_385 : f32 to vector<16xf32>
        %parallel_loop3A_387 = arith.addf %parallel_loop3A_384, %parallel_loop3A_386 : vector<16xf32>
        %parallel_loop3A_388 = arith.fptosi %parallel_loop3A_387 : vector<16xf32> to vector<16xi32>
        %parallel_loop3A_389 = arith.sitofp %parallel_loop3A_388 : vector<16xi32> to vector<16xf32>
        %parallel_loop3A_390 = arith.subf %parallel_loop3A_389, %parallel_loop3A_384 : vector<16xf32>
        %parallel_loop3A_391 = arith.constant 5.000000e-01 : f32
        %parallel_loop3A_392 = vector.broadcast %parallel_loop3A_391 : f32 to vector<16xf32>
        %parallel_loop3A_393 = arith.cmpf oeq, %parallel_loop3A_390, %parallel_loop3A_392 : vector<16xf32>
        %parallel_loop3A_394 = arith.constant 1 : i32
        %parallel_loop3A_395 = vector.broadcast %parallel_loop3A_394 : i32 to vector<16xi32>
        %parallel_loop3A_396 = arith.andi %parallel_loop3A_388, %parallel_loop3A_395 : vector<16xi32>
        %parallel_loop3A_397 = arith.constant 0 : i32
        %parallel_loop3A_398 = vector.broadcast %parallel_loop3A_397 : i32 to vector<16xi32>
        %parallel_loop3A_399 = arith.select %parallel_loop3A_393, %parallel_loop3A_396, %parallel_loop3A_398 : vector<16xi1>, vector<16xi32>
        %parallel_loop3A_400 = arith.subi %parallel_loop3A_388, %parallel_loop3A_399 : vector<16xi32>
        %parallel_loop3A_401 = arith.constant 5 : i32
        %parallel_loop3A_402 = vector.broadcast %parallel_loop3A_401 : i32 to vector<16xi32>
        %parallel_loop3A_403 = arith.shrui %parallel_loop3A_354, %parallel_loop3A_402 : vector<16xi32>
        %parallel_loop3A_404 = arith.constant 65536 : i32
        %parallel_loop3A_405 = vector.broadcast %parallel_loop3A_404 : i32 to vector<16xi32>
        %parallel_loop3A_406 = arith.muli %parallel_loop3A_403, %parallel_loop3A_405 : vector<16xi32>
        %parallel_loop3A_407 = arith.constant 256 : i32
        %parallel_loop3A_408 = vector.broadcast %parallel_loop3A_407 : i32 to vector<16xi32>
        %parallel_loop3A_409 = arith.muli %parallel_loop3A_377, %parallel_loop3A_408 : vector<16xi32>
        %parallel_loop3A_410 = arith.addi %parallel_loop3A_406, %parallel_loop3A_409 : vector<16xi32>
        %parallel_loop3A_411 = arith.addi %parallel_loop3A_410, %parallel_loop3A_400 : vector<16xi32>
        %parallel_loop3A_412 = arith.constant 524288 : i32
        %parallel_loop3A_413 = vector.broadcast %parallel_loop3A_412 : i32 to vector<16xi32>
        %parallel_loop3A_414 = arith.select %parallel_loop3A_331, %parallel_loop3A_411, %parallel_loop3A_413 : vector<16xi1>, vector<16xi32>
        %parallel_loop3A_415 = arith.constant 16 : i32
        %parallel_loop3A_416 = arith.muli %parallel_loop3A_299, %parallel_loop3A_415 : i32
        %parallel_loop3A_417 = arith.index_cast %parallel_loop3A_416 : i32 to index
        %parallel_loop3A_418 = tpu.vector_load %arg12[%parallel_loop3A_417] {strides = array<i32>} : memref<2048xi32, #tpu.memory_space<vmem>>, vector<16xi32>,
        tpu.vector_store %arg12[%parallel_loop3A_417], %parallel_loop3A_414 {strides = array<i32>} : memref<2048xi32, #tpu.memory_space<vmem>>, vector<16xi32>,
        %parallel_loop3A_419 = arith.constant 31 : i32
        %parallel_loop3A_420 = vector.broadcast %parallel_loop3A_419 : i32 to vector<16xi32>
        %parallel_loop3A_421 = arith.andi %parallel_loop3A_354, %parallel_loop3A_420 : vector<16xi32>
        %parallel_loop3A_422 = arith.index_cast %parallel_loop3A_303 : i32 to index
        %parallel_loop3A_423 = tpu.vector_load %arg13[%parallel_loop3A_422] {strides = array<i32>} : memref<8192xi32, #tpu.memory_space<vmem>>, vector<16xi32>,
        tpu.vector_store %arg13[%parallel_loop3A_422], %parallel_loop3A_421 {strides = array<i32>} : memref<8192xi32, #tpu.memory_space<vmem>>, vector<16xi32>,
      } {sc.loop_unroll_factor = 4 : i64, sc.parallel_access}
      %dma_start3A_159 = arith.constant 0 : i32
      %dma_start3A_160 = tpu.memref_slice %arg18[%dma_start3A_159] : memref<524296xi32, #tpu.memory_space<vmem_shared>> -> memref<524296xi32, #tpu.memory_space<vmem_shared>>
      tpu.enqueue_indirect_dma source(%dma_start3A_160 : memref<524296xi32, #tpu.memory_space<vmem_shared>>) target(%arg15 : memref<2048xi32, #tpu.memory_space<vmem>>) offsets(%arg12 : memref<2048xi32, #tpu.memory_space<vmem>>) semaphore(%arg20 : memref<!tpu.dma_semaphore, #tpu.memory_space<semaphore_mem>>)
      %dma_wait3A_161 = arith.constant 0 : i32
      %dma_wait3A_162 = tpu.memref_slice %arg18[%dma_wait3A_161] : memref<524296xi32, #tpu.memory_space<vmem_shared>> -> memref<524296xi32, #tpu.memory_space<vmem_shared>>
      tpu.wait_indirect_dma semaphore(%arg19 : memref<!tpu.dma_semaphore, #tpu.memory_space<semaphore_mem>>) src(%dma_wait3A_162 : memref<524296xi32, #tpu.memory_space<vmem_shared>>) dst(%arg14 : memref<2048xi32, #tpu.memory_space<vmem>>)
      %parallel_loop3A_163 = arith.constant 0 : i32
      %parallel_loop3A_164 = arith.constant 128 : i32
      %parallel_loop3A_165 = arith.constant 1 : i32
      scf.for %parallel_loop3A_299 = %parallel_loop3A_163 to %parallel_loop3A_164 step %parallel_loop3A_165  : i32 {
        %parallel_loop3A_300 = arith.constant 16 : i32
        %parallel_loop3A_301 = arith.muli %parallel_loop3A_299, %parallel_loop3A_300 : i32
        %parallel_loop3A_302 = arith.constant 0 : i32
        %parallel_loop3A_303 = arith.addi %parallel_loop3A_302, %parallel_loop3A_301 : i32
        %parallel_loop3A_304 = arith.constant 16 : i32
        %parallel_loop3A_305 = arith.muli %parallel_loop3A_299, %parallel_loop3A_304 : i32
        %parallel_loop3A_306 = arith.index_cast %parallel_loop3A_305 : i32 to index
        %parallel_loop3A_307 = tpu.vector_load %arg14[%parallel_loop3A_306] {strides = array<i32>} : memref<2048xi32, #tpu.memory_space<vmem>>, vector<16xi32>,
        %parallel_loop3A_308 = arith.index_cast %parallel_loop3A_303 : i32 to index
        %parallel_loop3A_309 = tpu.vector_load %arg13[%parallel_loop3A_308] {strides = array<i32>} : memref<8192xi32, #tpu.memory_space<vmem>>, vector<16xi32>,
        %parallel_loop3A_310 = arith.shrui %parallel_loop3A_307, %parallel_loop3A_309 : vector<16xi32>
        %parallel_loop3A_311 = arith.constant 1 : i32
        %parallel_loop3A_312 = vector.broadcast %parallel_loop3A_311 : i32 to vector<16xi32>
        %parallel_loop3A_313 = arith.andi %parallel_loop3A_310, %parallel_loop3A_312 : vector<16xi32>
        %parallel_loop3A_314 = arith.index_cast %parallel_loop3A_303 : i32 to index
        %parallel_loop3A_315 = tpu.vector_load %arg16[%parallel_loop3A_314] {strides = array<i32>} : memref<8192xi32, #tpu.memory_space<vmem>>, vector<16xi32>,
        tpu.vector_store %arg16[%parallel_loop3A_314], %parallel_loop3A_313 {strides = array<i32>} : memref<8192xi32, #tpu.memory_space<vmem>>, vector<16xi32>,
      } {sc.loop_unroll_factor = 4 : i64, sc.parallel_access}
      %parallel_loop3A_166 = arith.constant 0 : i32
      %parallel_loop3A_167 = arith.constant 128 : i32
      %parallel_loop3A_168 = arith.constant 1 : i32
      scf.for %parallel_loop3A_299 = %parallel_loop3A_166 to %parallel_loop3A_167 step %parallel_loop3A_168  : i32 {
        %parallel_loop3A_300 = arith.constant 16 : i32
        %parallel_loop3A_301 = arith.muli %parallel_loop3A_299, %parallel_loop3A_300 : i32
        %parallel_loop3A_302 = arith.constant 4096 : i32
        %parallel_loop3A_303 = arith.addi %parallel_loop3A_302, %parallel_loop3A_301 : i32
        %parallel_loop3A_304 = arith.constant 0 : i32
        %parallel_loop3A_305 = arith.index_cast %parallel_loop3A_304 : i32 to index
        %parallel_loop3A_306 = arith.index_cast %parallel_loop3A_303 : i32 to index
        %parallel_loop3A_307 = tpu.vector_load %arg8[%parallel_loop3A_305, %parallel_loop3A_306] {strides = array<i32>} : memref<2x8192xf32, #tpu.memory_space<vmem>>, vector<16xf32>,
        %parallel_loop3A_308 = arith.mulf %parallel_loop3A_307, %get3A_3 : vector<16xf32>
        %parallel_loop3A_309 = arith.addf %parallel_loop3A_308, %get3A_9 : vector<16xf32>
        %parallel_loop3A_310 = arith.constant 0 : i32
        %parallel_loop3A_311 = arith.index_cast %parallel_loop3A_310 : i32 to index
        %parallel_loop3A_312 = arith.index_cast %parallel_loop3A_303 : i32 to index
        %parallel_loop3A_313 = tpu.vector_load %arg9[%parallel_loop3A_311, %parallel_loop3A_312] {strides = array<i32>} : memref<2x8192xf32, #tpu.memory_space<vmem>>, vector<16xf32>,
        %parallel_loop3A_314 = arith.mulf %parallel_loop3A_313, %get3A_5 : vector<16xf32>
        %parallel_loop3A_315 = arith.addf %parallel_loop3A_314, %get3A_11 : vector<16xf32>
        %parallel_loop3A_316 = arith.constant 0 : i32
        %parallel_loop3A_317 = arith.index_cast %parallel_loop3A_316 : i32 to index
        %parallel_loop3A_318 = arith.index_cast %parallel_loop3A_303 : i32 to index
        %parallel_loop3A_319 = tpu.vector_load %arg10[%parallel_loop3A_317, %parallel_loop3A_318] {strides = array<i32>} : memref<2x8192xf32, #tpu.memory_space<vmem>>, vector<16xf32>,
        %parallel_loop3A_320 = arith.mulf %parallel_loop3A_319, %get3A_7 : vector<16xf32>
        %parallel_loop3A_321 = arith.addf %parallel_loop3A_320, %get3A_13 : vector<16xf32>
        %parallel_loop3A_322 = arith.minimumf %parallel_loop3A_309, %parallel_loop3A_315 : vector<16xf32>
        %parallel_loop3A_323 = arith.minimumf %parallel_loop3A_322, %parallel_loop3A_321 : vector<16xf32>
        %parallel_loop3A_324 = arith.maximumf %parallel_loop3A_309, %parallel_loop3A_315 : vector<16xf32>
        %parallel_loop3A_325 = arith.maximumf %parallel_loop3A_324, %parallel_loop3A_321 : vector<16xf32>
        %parallel_loop3A_326 = arith.constant -5.000000e-01 : f32
        %parallel_loop3A_327 = vector.broadcast %parallel_loop3A_326 : f32 to vector<16xf32>
        %parallel_loop3A_328 = arith.cmpf oge, %parallel_loop3A_323, %parallel_loop3A_327 : vector<16xf32>
        %parallel_loop3A_329 = vector.broadcast %sub3A_15 : f32 to vector<16xf32>
        %parallel_loop3A_330 = arith.cmpf olt, %parallel_loop3A_325, %parallel_loop3A_329 : vector<16xf32>
        %parallel_loop3A_331 = arith.andi %parallel_loop3A_328, %parallel_loop3A_330 : vector<16xi1>
        %parallel_loop3A_332 = arith.constant 5.000000e-01 : f32
        %parallel_loop3A_333 = arith.subf %sub3A_15, %parallel_loop3A_332 : f32
        %parallel_loop3A_334 = arith.constant 0.000000e+00 : f32
        %parallel_loop3A_335 = vector.broadcast %parallel_loop3A_334 : f32 to vector<16xf32>
        %parallel_loop3A_336 = arith.maximumf %parallel_loop3A_335, %parallel_loop3A_309 : vector<16xf32>
        %parallel_loop3A_337 = vector.broadcast %parallel_loop3A_333 : f32 to vector<16xf32>
        %parallel_loop3A_338 = arith.minimumf %parallel_loop3A_337, %parallel_loop3A_336 : vector<16xf32>
        %parallel_loop3A_339 = arith.constant 5.000000e-01 : f32
        %parallel_loop3A_340 = vector.broadcast %parallel_loop3A_339 : f32 to vector<16xf32>
        %parallel_loop3A_341 = arith.addf %parallel_loop3A_338, %parallel_loop3A_340 : vector<16xf32>
        %parallel_loop3A_342 = arith.fptosi %parallel_loop3A_341 : vector<16xf32> to vector<16xi32>
        %parallel_loop3A_343 = arith.sitofp %parallel_loop3A_342 : vector<16xi32> to vector<16xf32>
        %parallel_loop3A_344 = arith.subf %parallel_loop3A_343, %parallel_loop3A_338 : vector<16xf32>
        %parallel_loop3A_345 = arith.constant 5.000000e-01 : f32
        %parallel_loop3A_346 = vector.broadcast %parallel_loop3A_345 : f32 to vector<16xf32>
        %parallel_loop3A_347 = arith.cmpf oeq, %parallel_loop3A_344, %parallel_loop3A_346 : vector<16xf32>
        %parallel_loop3A_348 = arith.constant 1 : i32
        %parallel_loop3A_349 = vector.broadcast %parallel_loop3A_348 : i32 to vector<16xi32>
        %parallel_loop3A_350 = arith.andi %parallel_loop3A_342, %parallel_loop3A_349 : vector<16xi32>
        %parallel_loop3A_351 = arith.constant 0 : i32
        %parallel_loop3A_352 = vector.broadcast %parallel_loop3A_351 : i32 to vector<16xi32>
        %parallel_loop3A_353 = arith.select %parallel_loop3A_347, %parallel_loop3A_350, %parallel_loop3A_352 : vector<16xi1>, vector<16xi32>
        %parallel_loop3A_354 = arith.subi %parallel_loop3A_342, %parallel_loop3A_353 : vector<16xi32>
        %parallel_loop3A_355 = arith.constant 5.000000e-01 : f32
        %parallel_loop3A_356 = arith.subf %sub3A_18, %parallel_loop3A_355 : f32
        %parallel_loop3A_357 = arith.constant 0.000000e+00 : f32
        %parallel_loop3A_358 = vector.broadcast %parallel_loop3A_357 : f32 to vector<16xf32>
        %parallel_loop3A_359 = arith.maximumf %parallel_loop3A_358, %parallel_loop3A_315 : vector<16xf32>
        %parallel_loop3A_360 = vector.broadcast %parallel_loop3A_356 : f32 to vector<16xf32>
        %parallel_loop3A_361 = arith.minimumf %parallel_loop3A_360, %parallel_loop3A_359 : vector<16xf32>
        %parallel_loop3A_362 = arith.constant 5.000000e-01 : f32
        %parallel_loop3A_363 = vector.broadcast %parallel_loop3A_362 : f32 to vector<16xf32>
        %parallel_loop3A_364 = arith.addf %parallel_loop3A_361, %parallel_loop3A_363 : vector<16xf32>
        %parallel_loop3A_365 = arith.fptosi %parallel_loop3A_364 : vector<16xf32> to vector<16xi32>
        %parallel_loop3A_366 = arith.sitofp %parallel_loop3A_365 : vector<16xi32> to vector<16xf32>
        %parallel_loop3A_367 = arith.subf %parallel_loop3A_366, %parallel_loop3A_361 : vector<16xf32>
        %parallel_loop3A_368 = arith.constant 5.000000e-01 : f32
        %parallel_loop3A_369 = vector.broadcast %parallel_loop3A_368 : f32 to vector<16xf32>
        %parallel_loop3A_370 = arith.cmpf oeq, %parallel_loop3A_367, %parallel_loop3A_369 : vector<16xf32>
        %parallel_loop3A_371 = arith.constant 1 : i32
        %parallel_loop3A_372 = vector.broadcast %parallel_loop3A_371 : i32 to vector<16xi32>
        %parallel_loop3A_373 = arith.andi %parallel_loop3A_365, %parallel_loop3A_372 : vector<16xi32>
        %parallel_loop3A_374 = arith.constant 0 : i32
        %parallel_loop3A_375 = vector.broadcast %parallel_loop3A_374 : i32 to vector<16xi32>
        %parallel_loop3A_376 = arith.select %parallel_loop3A_370, %parallel_loop3A_373, %parallel_loop3A_375 : vector<16xi1>, vector<16xi32>
        %parallel_loop3A_377 = arith.subi %parallel_loop3A_365, %parallel_loop3A_376 : vector<16xi32>
        %parallel_loop3A_378 = arith.constant 5.000000e-01 : f32
        %parallel_loop3A_379 = arith.subf %sub3A_21, %parallel_loop3A_378 : f32
        %parallel_loop3A_380 = arith.constant 0.000000e+00 : f32
        %parallel_loop3A_381 = vector.broadcast %parallel_loop3A_380 : f32 to vector<16xf32>
        %parallel_loop3A_382 = arith.maximumf %parallel_loop3A_381, %parallel_loop3A_321 : vector<16xf32>
        %parallel_loop3A_383 = vector.broadcast %parallel_loop3A_379 : f32 to vector<16xf32>
        %parallel_loop3A_384 = arith.minimumf %parallel_loop3A_383, %parallel_loop3A_382 : vector<16xf32>
        %parallel_loop3A_385 = arith.constant 5.000000e-01 : f32
        %parallel_loop3A_386 = vector.broadcast %parallel_loop3A_385 : f32 to vector<16xf32>
        %parallel_loop3A_387 = arith.addf %parallel_loop3A_384, %parallel_loop3A_386 : vector<16xf32>
        %parallel_loop3A_388 = arith.fptosi %parallel_loop3A_387 : vector<16xf32> to vector<16xi32>
        %parallel_loop3A_389 = arith.sitofp %parallel_loop3A_388 : vector<16xi32> to vector<16xf32>
        %parallel_loop3A_390 = arith.subf %parallel_loop3A_389, %parallel_loop3A_384 : vector<16xf32>
        %parallel_loop3A_391 = arith.constant 5.000000e-01 : f32
        %parallel_loop3A_392 = vector.broadcast %parallel_loop3A_391 : f32 to vector<16xf32>
        %parallel_loop3A_393 = arith.cmpf oeq, %parallel_loop3A_390, %parallel_loop3A_392 : vector<16xf32>
        %parallel_loop3A_394 = arith.constant 1 : i32
        %parallel_loop3A_395 = vector.broadcast %parallel_loop3A_394 : i32 to vector<16xi32>
        %parallel_loop3A_396 = arith.andi %parallel_loop3A_388, %parallel_loop3A_395 : vector<16xi32>
        %parallel_loop3A_397 = arith.constant 0 : i32
        %parallel_loop3A_398 = vector.broadcast %parallel_loop3A_397 : i32 to vector<16xi32>
        %parallel_loop3A_399 = arith.select %parallel_loop3A_393, %parallel_loop3A_396, %parallel_loop3A_398 : vector<16xi1>, vector<16xi32>
        %parallel_loop3A_400 = arith.subi %parallel_loop3A_388, %parallel_loop3A_399 : vector<16xi32>
        %parallel_loop3A_401 = arith.constant 5 : i32
        %parallel_loop3A_402 = vector.broadcast %parallel_loop3A_401 : i32 to vector<16xi32>
        %parallel_loop3A_403 = arith.shrui %parallel_loop3A_354, %parallel_loop3A_402 : vector<16xi32>
        %parallel_loop3A_404 = arith.constant 65536 : i32
        %parallel_loop3A_405 = vector.broadcast %parallel_loop3A_404 : i32 to vector<16xi32>
        %parallel_loop3A_406 = arith.muli %parallel_loop3A_403, %parallel_loop3A_405 : vector<16xi32>
        %parallel_loop3A_407 = arith.constant 256 : i32
        %parallel_loop3A_408 = vector.broadcast %parallel_loop3A_407 : i32 to vector<16xi32>
        %parallel_loop3A_409 = arith.muli %parallel_loop3A_377, %parallel_loop3A_408 : vector<16xi32>
        %parallel_loop3A_410 = arith.addi %parallel_loop3A_406, %parallel_loop3A_409 : vector<16xi32>
        %parallel_loop3A_411 = arith.addi %parallel_loop3A_410, %parallel_loop3A_400 : vector<16xi32>
        %parallel_loop3A_412 = arith.constant 524288 : i32
        %parallel_loop3A_413 = vector.broadcast %parallel_loop3A_412 : i32 to vector<16xi32>
        %parallel_loop3A_414 = arith.select %parallel_loop3A_331, %parallel_loop3A_411, %parallel_loop3A_413 : vector<16xi1>, vector<16xi32>
        %parallel_loop3A_415 = arith.constant 16 : i32
        %parallel_loop3A_416 = arith.muli %parallel_loop3A_299, %parallel_loop3A_415 : i32
        %parallel_loop3A_417 = arith.index_cast %parallel_loop3A_416 : i32 to index
        %parallel_loop3A_418 = tpu.vector_load %arg11[%parallel_loop3A_417] {strides = array<i32>} : memref<2048xi32, #tpu.memory_space<vmem>>, vector<16xi32>,
        tpu.vector_store %arg11[%parallel_loop3A_417], %parallel_loop3A_414 {strides = array<i32>} : memref<2048xi32, #tpu.memory_space<vmem>>, vector<16xi32>,
        %parallel_loop3A_419 = arith.constant 31 : i32
        %parallel_loop3A_420 = vector.broadcast %parallel_loop3A_419 : i32 to vector<16xi32>
        %parallel_loop3A_421 = arith.andi %parallel_loop3A_354, %parallel_loop3A_420 : vector<16xi32>
        %parallel_loop3A_422 = arith.index_cast %parallel_loop3A_303 : i32 to index
        %parallel_loop3A_423 = tpu.vector_load %arg13[%parallel_loop3A_422] {strides = array<i32>} : memref<8192xi32, #tpu.memory_space<vmem>>, vector<16xi32>,
        tpu.vector_store %arg13[%parallel_loop3A_422], %parallel_loop3A_421 {strides = array<i32>} : memref<8192xi32, #tpu.memory_space<vmem>>, vector<16xi32>,
      } {sc.loop_unroll_factor = 4 : i64, sc.parallel_access}
      %dma_start3A_169 = arith.constant 0 : i32
      %dma_start3A_170 = tpu.memref_slice %arg18[%dma_start3A_169] : memref<524296xi32, #tpu.memory_space<vmem_shared>> -> memref<524296xi32, #tpu.memory_space<vmem_shared>>
      tpu.enqueue_indirect_dma source(%dma_start3A_170 : memref<524296xi32, #tpu.memory_space<vmem_shared>>) target(%arg14 : memref<2048xi32, #tpu.memory_space<vmem>>) offsets(%arg11 : memref<2048xi32, #tpu.memory_space<vmem>>) semaphore(%arg19 : memref<!tpu.dma_semaphore, #tpu.memory_space<semaphore_mem>>)
      %dma_wait3A_171 = arith.constant 0 : i32
      %dma_wait3A_172 = tpu.memref_slice %arg18[%dma_wait3A_171] : memref<524296xi32, #tpu.memory_space<vmem_shared>> -> memref<524296xi32, #tpu.memory_space<vmem_shared>>
      tpu.wait_indirect_dma semaphore(%arg20 : memref<!tpu.dma_semaphore, #tpu.memory_space<semaphore_mem>>) src(%dma_wait3A_172 : memref<524296xi32, #tpu.memory_space<vmem_shared>>) dst(%arg15 : memref<2048xi32, #tpu.memory_space<vmem>>)
      %parallel_loop3A_173 = arith.constant 0 : i32
      %parallel_loop3A_174 = arith.constant 128 : i32
      %parallel_loop3A_175 = arith.constant 1 : i32
      scf.for %parallel_loop3A_299 = %parallel_loop3A_173 to %parallel_loop3A_174 step %parallel_loop3A_175  : i32 {
        %parallel_loop3A_300 = arith.constant 16 : i32
        %parallel_loop3A_301 = arith.muli %parallel_loop3A_299, %parallel_loop3A_300 : i32
        %parallel_loop3A_302 = arith.constant 2048 : i32
        %parallel_loop3A_303 = arith.addi %parallel_loop3A_302, %parallel_loop3A_301 : i32
        %parallel_loop3A_304 = arith.constant 16 : i32
        %parallel_loop3A_305 = arith.muli %parallel_loop3A_299, %parallel_loop3A_304 : i32
        %parallel_loop3A_306 = arith.index_cast %parallel_loop3A_305 : i32 to index
        %parallel_loop3A_307 = tpu.vector_load %arg15[%parallel_loop3A_306] {strides = array<i32>} : memref<2048xi32, #tpu.memory_space<vmem>>, vector<16xi32>,
        %parallel_loop3A_308 = arith.index_cast %parallel_loop3A_303 : i32 to index
        %parallel_loop3A_309 = tpu.vector_load %arg13[%parallel_loop3A_308] {strides = array<i32>} : memref<8192xi32, #tpu.memory_space<vmem>>, vector<16xi32>,
        %parallel_loop3A_310 = arith.shrui %parallel_loop3A_307, %parallel_loop3A_309 : vector<16xi32>
        %parallel_loop3A_311 = arith.constant 1 : i32
        %parallel_loop3A_312 = vector.broadcast %parallel_loop3A_311 : i32 to vector<16xi32>
        %parallel_loop3A_313 = arith.andi %parallel_loop3A_310, %parallel_loop3A_312 : vector<16xi32>
        %parallel_loop3A_314 = arith.index_cast %parallel_loop3A_303 : i32 to index
        %parallel_loop3A_315 = tpu.vector_load %arg16[%parallel_loop3A_314] {strides = array<i32>} : memref<8192xi32, #tpu.memory_space<vmem>>, vector<16xi32>,
        tpu.vector_store %arg16[%parallel_loop3A_314], %parallel_loop3A_313 {strides = array<i32>} : memref<8192xi32, #tpu.memory_space<vmem>>, vector<16xi32>,
      } {sc.loop_unroll_factor = 4 : i64, sc.parallel_access}
      %parallel_loop3A_176 = arith.constant 0 : i32
      %parallel_loop3A_177 = arith.constant 128 : i32
      %parallel_loop3A_178 = arith.constant 1 : i32
      scf.for %parallel_loop3A_299 = %parallel_loop3A_176 to %parallel_loop3A_177 step %parallel_loop3A_178  : i32 {
        %parallel_loop3A_300 = arith.constant 16 : i32
        %parallel_loop3A_301 = arith.muli %parallel_loop3A_299, %parallel_loop3A_300 : i32
        %parallel_loop3A_302 = arith.constant 6144 : i32
        %parallel_loop3A_303 = arith.addi %parallel_loop3A_302, %parallel_loop3A_301 : i32
        %parallel_loop3A_304 = arith.constant 0 : i32
        %parallel_loop3A_305 = arith.index_cast %parallel_loop3A_304 : i32 to index
        %parallel_loop3A_306 = arith.index_cast %parallel_loop3A_303 : i32 to index
        %parallel_loop3A_307 = tpu.vector_load %arg8[%parallel_loop3A_305, %parallel_loop3A_306] {strides = array<i32>} : memref<2x8192xf32, #tpu.memory_space<vmem>>, vector<16xf32>,
        %parallel_loop3A_308 = arith.mulf %parallel_loop3A_307, %get3A_3 : vector<16xf32>
        %parallel_loop3A_309 = arith.addf %parallel_loop3A_308, %get3A_9 : vector<16xf32>
        %parallel_loop3A_310 = arith.constant 0 : i32
        %parallel_loop3A_311 = arith.index_cast %parallel_loop3A_310 : i32 to index
        %parallel_loop3A_312 = arith.index_cast %parallel_loop3A_303 : i32 to index
        %parallel_loop3A_313 = tpu.vector_load %arg9[%parallel_loop3A_311, %parallel_loop3A_312] {strides = array<i32>} : memref<2x8192xf32, #tpu.memory_space<vmem>>, vector<16xf32>,
        %parallel_loop3A_314 = arith.mulf %parallel_loop3A_313, %get3A_5 : vector<16xf32>
        %parallel_loop3A_315 = arith.addf %parallel_loop3A_314, %get3A_11 : vector<16xf32>
        %parallel_loop3A_316 = arith.constant 0 : i32
        %parallel_loop3A_317 = arith.index_cast %parallel_loop3A_316 : i32 to index
        %parallel_loop3A_318 = arith.index_cast %parallel_loop3A_303 : i32 to index
        %parallel_loop3A_319 = tpu.vector_load %arg10[%parallel_loop3A_317, %parallel_loop3A_318] {strides = array<i32>} : memref<2x8192xf32, #tpu.memory_space<vmem>>, vector<16xf32>,
        %parallel_loop3A_320 = arith.mulf %parallel_loop3A_319, %get3A_7 : vector<16xf32>
        %parallel_loop3A_321 = arith.addf %parallel_loop3A_320, %get3A_13 : vector<16xf32>
        %parallel_loop3A_322 = arith.minimumf %parallel_loop3A_309, %parallel_loop3A_315 : vector<16xf32>
        %parallel_loop3A_323 = arith.minimumf %parallel_loop3A_322, %parallel_loop3A_321 : vector<16xf32>
        %parallel_loop3A_324 = arith.maximumf %parallel_loop3A_309, %parallel_loop3A_315 : vector<16xf32>
        %parallel_loop3A_325 = arith.maximumf %parallel_loop3A_324, %parallel_loop3A_321 : vector<16xf32>
        %parallel_loop3A_326 = arith.constant -5.000000e-01 : f32
        %parallel_loop3A_327 = vector.broadcast %parallel_loop3A_326 : f32 to vector<16xf32>
        %parallel_loop3A_328 = arith.cmpf oge, %parallel_loop3A_323, %parallel_loop3A_327 : vector<16xf32>
        %parallel_loop3A_329 = vector.broadcast %sub3A_15 : f32 to vector<16xf32>
        %parallel_loop3A_330 = arith.cmpf olt, %parallel_loop3A_325, %parallel_loop3A_329 : vector<16xf32>
        %parallel_loop3A_331 = arith.andi %parallel_loop3A_328, %parallel_loop3A_330 : vector<16xi1>
        %parallel_loop3A_332 = arith.constant 5.000000e-01 : f32
        %parallel_loop3A_333 = arith.subf %sub3A_15, %parallel_loop3A_332 : f32
        %parallel_loop3A_334 = arith.constant 0.000000e+00 : f32
        %parallel_loop3A_335 = vector.broadcast %parallel_loop3A_334 : f32 to vector<16xf32>
        %parallel_loop3A_336 = arith.maximumf %parallel_loop3A_335, %parallel_loop3A_309 : vector<16xf32>
        %parallel_loop3A_337 = vector.broadcast %parallel_loop3A_333 : f32 to vector<16xf32>
        %parallel_loop3A_338 = arith.minimumf %parallel_loop3A_337, %parallel_loop3A_336 : vector<16xf32>
        %parallel_loop3A_339 = arith.constant 5.000000e-01 : f32
        %parallel_loop3A_340 = vector.broadcast %parallel_loop3A_339 : f32 to vector<16xf32>
        %parallel_loop3A_341 = arith.addf %parallel_loop3A_338, %parallel_loop3A_340 : vector<16xf32>
        %parallel_loop3A_342 = arith.fptosi %parallel_loop3A_341 : vector<16xf32> to vector<16xi32>
        %parallel_loop3A_343 = arith.sitofp %parallel_loop3A_342 : vector<16xi32> to vector<16xf32>
        %parallel_loop3A_344 = arith.subf %parallel_loop3A_343, %parallel_loop3A_338 : vector<16xf32>
        %parallel_loop3A_345 = arith.constant 5.000000e-01 : f32
        %parallel_loop3A_346 = vector.broadcast %parallel_loop3A_345 : f32 to vector<16xf32>
        %parallel_loop3A_347 = arith.cmpf oeq, %parallel_loop3A_344, %parallel_loop3A_346 : vector<16xf32>
        %parallel_loop3A_348 = arith.constant 1 : i32
        %parallel_loop3A_349 = vector.broadcast %parallel_loop3A_348 : i32 to vector<16xi32>
        %parallel_loop3A_350 = arith.andi %parallel_loop3A_342, %parallel_loop3A_349 : vector<16xi32>
        %parallel_loop3A_351 = arith.constant 0 : i32
        %parallel_loop3A_352 = vector.broadcast %parallel_loop3A_351 : i32 to vector<16xi32>
        %parallel_loop3A_353 = arith.select %parallel_loop3A_347, %parallel_loop3A_350, %parallel_loop3A_352 : vector<16xi1>, vector<16xi32>
        %parallel_loop3A_354 = arith.subi %parallel_loop3A_342, %parallel_loop3A_353 : vector<16xi32>
        %parallel_loop3A_355 = arith.constant 5.000000e-01 : f32
        %parallel_loop3A_356 = arith.subf %sub3A_18, %parallel_loop3A_355 : f32
        %parallel_loop3A_357 = arith.constant 0.000000e+00 : f32
        %parallel_loop3A_358 = vector.broadcast %parallel_loop3A_357 : f32 to vector<16xf32>
        %parallel_loop3A_359 = arith.maximumf %parallel_loop3A_358, %parallel_loop3A_315 : vector<16xf32>
        %parallel_loop3A_360 = vector.broadcast %parallel_loop3A_356 : f32 to vector<16xf32>
        %parallel_loop3A_361 = arith.minimumf %parallel_loop3A_360, %parallel_loop3A_359 : vector<16xf32>
        %parallel_loop3A_362 = arith.constant 5.000000e-01 : f32
        %parallel_loop3A_363 = vector.broadcast %parallel_loop3A_362 : f32 to vector<16xf32>
        %parallel_loop3A_364 = arith.addf %parallel_loop3A_361, %parallel_loop3A_363 : vector<16xf32>
        %parallel_loop3A_365 = arith.fptosi %parallel_loop3A_364 : vector<16xf32> to vector<16xi32>
        %parallel_loop3A_366 = arith.sitofp %parallel_loop3A_365 : vector<16xi32> to vector<16xf32>
        %parallel_loop3A_367 = arith.subf %parallel_loop3A_366, %parallel_loop3A_361 : vector<16xf32>
        %parallel_loop3A_368 = arith.constant 5.000000e-01 : f32
        %parallel_loop3A_369 = vector.broadcast %parallel_loop3A_368 : f32 to vector<16xf32>
        %parallel_loop3A_370 = arith.cmpf oeq, %parallel_loop3A_367, %parallel_loop3A_369 : vector<16xf32>
        %parallel_loop3A_371 = arith.constant 1 : i32
        %parallel_loop3A_372 = vector.broadcast %parallel_loop3A_371 : i32 to vector<16xi32>
        %parallel_loop3A_373 = arith.andi %parallel_loop3A_365, %parallel_loop3A_372 : vector<16xi32>
        %parallel_loop3A_374 = arith.constant 0 : i32
        %parallel_loop3A_375 = vector.broadcast %parallel_loop3A_374 : i32 to vector<16xi32>
        %parallel_loop3A_376 = arith.select %parallel_loop3A_370, %parallel_loop3A_373, %parallel_loop3A_375 : vector<16xi1>, vector<16xi32>
        %parallel_loop3A_377 = arith.subi %parallel_loop3A_365, %parallel_loop3A_376 : vector<16xi32>
        %parallel_loop3A_378 = arith.constant 5.000000e-01 : f32
        %parallel_loop3A_379 = arith.subf %sub3A_21, %parallel_loop3A_378 : f32
        %parallel_loop3A_380 = arith.constant 0.000000e+00 : f32
        %parallel_loop3A_381 = vector.broadcast %parallel_loop3A_380 : f32 to vector<16xf32>
        %parallel_loop3A_382 = arith.maximumf %parallel_loop3A_381, %parallel_loop3A_321 : vector<16xf32>
        %parallel_loop3A_383 = vector.broadcast %parallel_loop3A_379 : f32 to vector<16xf32>
        %parallel_loop3A_384 = arith.minimumf %parallel_loop3A_383, %parallel_loop3A_382 : vector<16xf32>
        %parallel_loop3A_385 = arith.constant 5.000000e-01 : f32
        %parallel_loop3A_386 = vector.broadcast %parallel_loop3A_385 : f32 to vector<16xf32>
        %parallel_loop3A_387 = arith.addf %parallel_loop3A_384, %parallel_loop3A_386 : vector<16xf32>
        %parallel_loop3A_388 = arith.fptosi %parallel_loop3A_387 : vector<16xf32> to vector<16xi32>
        %parallel_loop3A_389 = arith.sitofp %parallel_loop3A_388 : vector<16xi32> to vector<16xf32>
        %parallel_loop3A_390 = arith.subf %parallel_loop3A_389, %parallel_loop3A_384 : vector<16xf32>
        %parallel_loop3A_391 = arith.constant 5.000000e-01 : f32
        %parallel_loop3A_392 = vector.broadcast %parallel_loop3A_391 : f32 to vector<16xf32>
        %parallel_loop3A_393 = arith.cmpf oeq, %parallel_loop3A_390, %parallel_loop3A_392 : vector<16xf32>
        %parallel_loop3A_394 = arith.constant 1 : i32
        %parallel_loop3A_395 = vector.broadcast %parallel_loop3A_394 : i32 to vector<16xi32>
        %parallel_loop3A_396 = arith.andi %parallel_loop3A_388, %parallel_loop3A_395 : vector<16xi32>
        %parallel_loop3A_397 = arith.constant 0 : i32
        %parallel_loop3A_398 = vector.broadcast %parallel_loop3A_397 : i32 to vector<16xi32>
        %parallel_loop3A_399 = arith.select %parallel_loop3A_393, %parallel_loop3A_396, %parallel_loop3A_398 : vector<16xi1>, vector<16xi32>
        %parallel_loop3A_400 = arith.subi %parallel_loop3A_388, %parallel_loop3A_399 : vector<16xi32>
        %parallel_loop3A_401 = arith.constant 5 : i32
        %parallel_loop3A_402 = vector.broadcast %parallel_loop3A_401 : i32 to vector<16xi32>
        %parallel_loop3A_403 = arith.shrui %parallel_loop3A_354, %parallel_loop3A_402 : vector<16xi32>
        %parallel_loop3A_404 = arith.constant 65536 : i32
        %parallel_loop3A_405 = vector.broadcast %parallel_loop3A_404 : i32 to vector<16xi32>
        %parallel_loop3A_406 = arith.muli %parallel_loop3A_403, %parallel_loop3A_405 : vector<16xi32>
        %parallel_loop3A_407 = arith.constant 256 : i32
        %parallel_loop3A_408 = vector.broadcast %parallel_loop3A_407 : i32 to vector<16xi32>
        %parallel_loop3A_409 = arith.muli %parallel_loop3A_377, %parallel_loop3A_408 : vector<16xi32>
        %parallel_loop3A_410 = arith.addi %parallel_loop3A_406, %parallel_loop3A_409 : vector<16xi32>
        %parallel_loop3A_411 = arith.addi %parallel_loop3A_410, %parallel_loop3A_400 : vector<16xi32>
        %parallel_loop3A_412 = arith.constant 524288 : i32
        %parallel_loop3A_413 = vector.broadcast %parallel_loop3A_412 : i32 to vector<16xi32>
        %parallel_loop3A_414 = arith.select %parallel_loop3A_331, %parallel_loop3A_411, %parallel_loop3A_413 : vector<16xi1>, vector<16xi32>
        %parallel_loop3A_415 = arith.constant 16 : i32
        %parallel_loop3A_416 = arith.muli %parallel_loop3A_299, %parallel_loop3A_415 : i32
        %parallel_loop3A_417 = arith.index_cast %parallel_loop3A_416 : i32 to index
        %parallel_loop3A_418 = tpu.vector_load %arg12[%parallel_loop3A_417] {strides = array<i32>} : memref<2048xi32, #tpu.memory_space<vmem>>, vector<16xi32>,
        tpu.vector_store %arg12[%parallel_loop3A_417], %parallel_loop3A_414 {strides = array<i32>} : memref<2048xi32, #tpu.memory_space<vmem>>, vector<16xi32>,
        %parallel_loop3A_419 = arith.constant 31 : i32
        %parallel_loop3A_420 = vector.broadcast %parallel_loop3A_419 : i32 to vector<16xi32>
        %parallel_loop3A_421 = arith.andi %parallel_loop3A_354, %parallel_loop3A_420 : vector<16xi32>
        %parallel_loop3A_422 = arith.index_cast %parallel_loop3A_303 : i32 to index
        %parallel_loop3A_423 = tpu.vector_load %arg13[%parallel_loop3A_422] {strides = array<i32>} : memref<8192xi32, #tpu.memory_space<vmem>>, vector<16xi32>,
        tpu.vector_store %arg13[%parallel_loop3A_422], %parallel_loop3A_421 {strides = array<i32>} : memref<8192xi32, #tpu.memory_space<vmem>>, vector<16xi32>,
      } {sc.loop_unroll_factor = 4 : i64, sc.parallel_access}
      %dma_start3A_179 = arith.constant 0 : i32
      %dma_start3A_180 = tpu.memref_slice %arg18[%dma_start3A_179] : memref<524296xi32, #tpu.memory_space<vmem_shared>> -> memref<524296xi32, #tpu.memory_space<vmem_shared>>
      tpu.enqueue_indirect_dma source(%dma_start3A_180 : memref<524296xi32, #tpu.memory_space<vmem_shared>>) target(%arg15 : memref<2048xi32, #tpu.memory_space<vmem>>) offsets(%arg12 : memref<2048xi32, #tpu.memory_space<vmem>>) semaphore(%arg20 : memref<!tpu.dma_semaphore, #tpu.memory_space<semaphore_mem>>)
      %dma_wait3A_181 = arith.constant 0 : i32
      %dma_wait3A_182 = tpu.memref_slice %arg18[%dma_wait3A_181] : memref<524296xi32, #tpu.memory_space<vmem_shared>> -> memref<524296xi32, #tpu.memory_space<vmem_shared>>
      tpu.wait_indirect_dma semaphore(%arg19 : memref<!tpu.dma_semaphore, #tpu.memory_space<semaphore_mem>>) src(%dma_wait3A_182 : memref<524296xi32, #tpu.memory_space<vmem_shared>>) dst(%arg14 : memref<2048xi32, #tpu.memory_space<vmem>>)
      %parallel_loop3A_183 = arith.constant 0 : i32
      %parallel_loop3A_184 = arith.constant 128 : i32
      %parallel_loop3A_185 = arith.constant 1 : i32
      scf.for %parallel_loop3A_299 = %parallel_loop3A_183 to %parallel_loop3A_184 step %parallel_loop3A_185  : i32 {
        %parallel_loop3A_300 = arith.constant 16 : i32
        %parallel_loop3A_301 = arith.muli %parallel_loop3A_299, %parallel_loop3A_300 : i32
        %parallel_loop3A_302 = arith.constant 4096 : i32
        %parallel_loop3A_303 = arith.addi %parallel_loop3A_302, %parallel_loop3A_301 : i32
        %parallel_loop3A_304 = arith.constant 16 : i32
        %parallel_loop3A_305 = arith.muli %parallel_loop3A_299, %parallel_loop3A_304 : i32
        %parallel_loop3A_306 = arith.index_cast %parallel_loop3A_305 : i32 to index
        %parallel_loop3A_307 = tpu.vector_load %arg14[%parallel_loop3A_306] {strides = array<i32>} : memref<2048xi32, #tpu.memory_space<vmem>>, vector<16xi32>,
        %parallel_loop3A_308 = arith.index_cast %parallel_loop3A_303 : i32 to index
        %parallel_loop3A_309 = tpu.vector_load %arg13[%parallel_loop3A_308] {strides = array<i32>} : memref<8192xi32, #tpu.memory_space<vmem>>, vector<16xi32>,
        %parallel_loop3A_310 = arith.shrui %parallel_loop3A_307, %parallel_loop3A_309 : vector<16xi32>
        %parallel_loop3A_311 = arith.constant 1 : i32
        %parallel_loop3A_312 = vector.broadcast %parallel_loop3A_311 : i32 to vector<16xi32>
        %parallel_loop3A_313 = arith.andi %parallel_loop3A_310, %parallel_loop3A_312 : vector<16xi32>
        %parallel_loop3A_314 = arith.index_cast %parallel_loop3A_303 : i32 to index
        %parallel_loop3A_315 = tpu.vector_load %arg16[%parallel_loop3A_314] {strides = array<i32>} : memref<8192xi32, #tpu.memory_space<vmem>>, vector<16xi32>,
        tpu.vector_store %arg16[%parallel_loop3A_314], %parallel_loop3A_313 {strides = array<i32>} : memref<8192xi32, #tpu.memory_space<vmem>>, vector<16xi32>,
      } {sc.loop_unroll_factor = 4 : i64, sc.parallel_access}
      %dma_wait3A_186 = arith.constant 0 : i32
      %dma_wait3A_187 = tpu.memref_slice %arg18[%dma_wait3A_186] : memref<524296xi32, #tpu.memory_space<vmem_shared>> -> memref<524296xi32, #tpu.memory_space<vmem_shared>>
      tpu.wait_indirect_dma semaphore(%arg20 : memref<!tpu.dma_semaphore, #tpu.memory_space<semaphore_mem>>) src(%dma_wait3A_187 : memref<524296xi32, #tpu.memory_space<vmem_shared>>) dst(%arg15 : memref<2048xi32, #tpu.memory_space<vmem>>)
      %parallel_loop3A_188 = arith.constant 0 : i32
      %parallel_loop3A_189 = arith.constant 128 : i32
      %parallel_loop3A_190 = arith.constant 1 : i32
      scf.for %parallel_loop3A_299 = %parallel_loop3A_188 to %parallel_loop3A_189 step %parallel_loop3A_190  : i32 {
        %parallel_loop3A_300 = arith.constant 16 : i32
        %parallel_loop3A_301 = arith.muli %parallel_loop3A_299, %parallel_loop3A_300 : i32
        %parallel_loop3A_302 = arith.constant 6144 : i32
        %parallel_loop3A_303 = arith.addi %parallel_loop3A_302, %parallel_loop3A_301 : i32
        %parallel_loop3A_304 = arith.constant 16 : i32
        %parallel_loop3A_305 = arith.muli %parallel_loop3A_299, %parallel_loop3A_304 : i32
        %parallel_loop3A_306 = arith.index_cast %parallel_loop3A_305 : i32 to index
        %parallel_loop3A_307 = tpu.vector_load %arg15[%parallel_loop3A_306] {strides = array<i32>} : memref<2048xi32, #tpu.memory_space<vmem>>, vector<16xi32>,
        %parallel_loop3A_308 = arith.index_cast %parallel_loop3A_303 : i32 to index
        %parallel_loop3A_309 = tpu.vector_load %arg13[%parallel_loop3A_308] {strides = array<i32>} : memref<8192xi32, #tpu.memory_space<vmem>>, vector<16xi32>,
        %parallel_loop3A_310 = arith.shrui %parallel_loop3A_307, %parallel_loop3A_309 : vector<16xi32>
        %parallel_loop3A_311 = arith.constant 1 : i32
        %parallel_loop3A_312 = vector.broadcast %parallel_loop3A_311 : i32 to vector<16xi32>
        %parallel_loop3A_313 = arith.andi %parallel_loop3A_310, %parallel_loop3A_312 : vector<16xi32>
        %parallel_loop3A_314 = arith.index_cast %parallel_loop3A_303 : i32 to index
        %parallel_loop3A_315 = tpu.vector_load %arg16[%parallel_loop3A_314] {strides = array<i32>} : memref<8192xi32, #tpu.memory_space<vmem>>, vector<16xi32>,
        tpu.vector_store %arg16[%parallel_loop3A_314], %parallel_loop3A_313 {strides = array<i32>} : memref<8192xi32, #tpu.memory_space<vmem>>, vector<16xi32>,
      } {sc.loop_unroll_factor = 4 : i64, sc.parallel_access}
      "tpu.region"() ({
        %run_scoped3A = tpu.sem_alloc : memref<!tpu.dma_semaphore, #tpu.memory_space<semaphore_mem>>
        %dma_start3A_299 = tpu.memref_slice %arg7[%multiple_of3A_89] : memref<2097152xi32, #tpu.memory_space<hbm>> -> memref<8192xi32, #tpu.memory_space<hbm>>
        %dma_start3A_300 = tpu.memref_slice %arg7[%multiple_of3A_89] : memref<2097152xi32, #tpu.memory_space<hbm>> -> memref<8192xi32, #tpu.memory_space<hbm>>
        tpu.enqueue_dma source(%arg16 : memref<8192xi32, #tpu.memory_space<vmem>>) target(%dma_start3A_300 : memref<8192xi32, #tpu.memory_space<hbm>>) target_semaphore(%run_scoped3A : memref<!tpu.dma_semaphore, #tpu.memory_space<semaphore_mem>>)
        %dma_wait3A_301 = tpu.memref_slice %arg7[%multiple_of3A_89] : memref<2097152xi32, #tpu.memory_space<hbm>> -> memref<8192xi32, #tpu.memory_space<hbm>>
        %dma_wait3A_302 = tpu.memref_slice %arg7[%multiple_of3A_89] : memref<2097152xi32, #tpu.memory_space<hbm>> -> memref<8192xi32, #tpu.memory_space<hbm>>
        tpu.wait_dma2 semaphore(%run_scoped3A : memref<!tpu.dma_semaphore, #tpu.memory_space<semaphore_mem>>) src(%arg16 : memref<8192xi32, #tpu.memory_space<vmem>>) dst(%dma_wait3A_302 : memref<8192xi32, #tpu.memory_space<hbm>>)
        tpu.yield
      }) : () -> ()
      %dma_wait3A_191 = arith.constant 1 : i32
      %dma_wait3A_192 = arith.constant 0 : i32
      %dma_wait3A_193 = tpu.memref_slice %arg8[%dma_wait3A_191, %dma_wait3A_192] : memref<2x8192xf32, #tpu.memory_space<vmem>> -> memref<1x8192xf32, #tpu.memory_space<vmem>>
      %dma_wait3A_194 = tpu.memref_squeeze %dma_wait3A_193 : memref<1x8192xf32, #tpu.memory_space<vmem>> -> memref<8192xf32, #tpu.memory_space<vmem>>
      %dma_wait3A_195 = arith.constant 0 : i32
      %dma_wait3A_196 = tpu.memref_slice %arg2[%dma_wait3A_195] : memref<2097152xf32, #tpu.memory_space<hbm>> -> memref<8192xf32, #tpu.memory_space<hbm>>
      %dma_wait3A_197 = arith.constant 0 : i32
      %dma_wait3A_198 = tpu.memref_slice %arg8[%dma_wait3A_191, %dma_wait3A_197] : memref<2x8192xf32, #tpu.memory_space<vmem>> -> memref<1x8192xf32, #tpu.memory_space<vmem>>
      %dma_wait3A_199 = tpu.memref_squeeze %dma_wait3A_198 : memref<1x8192xf32, #tpu.memory_space<vmem>> -> memref<8192xf32, #tpu.memory_space<vmem>>
      %dma_wait3A_200 = arith.constant 0 : i32
      %dma_wait3A_201 = tpu.memref_slice %arg2[%dma_wait3A_200] : memref<2097152xf32, #tpu.memory_space<hbm>> -> memref<8192xf32, #tpu.memory_space<hbm>>
      tpu.wait_dma2 semaphore(%arg21 : memref<!tpu.dma_semaphore, #tpu.memory_space<semaphore_mem>>) src(%dma_wait3A_201 : memref<8192xf32, #tpu.memory_space<hbm>>) dst(%dma_wait3A_199 : memref<8192xf32, #tpu.memory_space<vmem>>)
      %dma_wait3A_202 = arith.constant 1 : i32
      %dma_wait3A_203 = arith.constant 0 : i32
      %dma_wait3A_204 = tpu.memref_slice %arg9[%dma_wait3A_202, %dma_wait3A_203] : memref<2x8192xf32, #tpu.memory_space<vmem>> -> memref<1x8192xf32, #tpu.memory_space<vmem>>
      %dma_wait3A_205 = tpu.memref_squeeze %dma_wait3A_204 : memref<1x8192xf32, #tpu.memory_space<vmem>> -> memref<8192xf32, #tpu.memory_space<vmem>>
      %dma_wait3A_206 = arith.constant 0 : i32
      %dma_wait3A_207 = tpu.memref_slice %arg3[%dma_wait3A_206] : memref<2097152xf32, #tpu.memory_space<hbm>> -> memref<8192xf32, #tpu.memory_space<hbm>>
      %dma_wait3A_208 = arith.constant 0 : i32
      %dma_wait3A_209 = tpu.memref_slice %arg9[%dma_wait3A_202, %dma_wait3A_208] : memref<2x8192xf32, #tpu.memory_space<vmem>> -> memref<1x8192xf32, #tpu.memory_space<vmem>>
      %dma_wait3A_210 = tpu.memref_squeeze %dma_wait3A_209 : memref<1x8192xf32, #tpu.memory_space<vmem>> -> memref<8192xf32, #tpu.memory_space<vmem>>
      %dma_wait3A_211 = arith.constant 0 : i32
      %dma_wait3A_212 = tpu.memref_slice %arg3[%dma_wait3A_211] : memref<2097152xf32, #tpu.memory_space<hbm>> -> memref<8192xf32, #tpu.memory_space<hbm>>
      tpu.wait_dma2 semaphore(%arg21 : memref<!tpu.dma_semaphore, #tpu.memory_space<semaphore_mem>>) src(%dma_wait3A_212 : memref<8192xf32, #tpu.memory_space<hbm>>) dst(%dma_wait3A_210 : memref<8192xf32, #tpu.memory_space<vmem>>)
      %dma_wait3A_213 = arith.constant 1 : i32
      %dma_wait3A_214 = arith.constant 0 : i32
      %dma_wait3A_215 = tpu.memref_slice %arg10[%dma_wait3A_213, %dma_wait3A_214] : memref<2x8192xf32, #tpu.memory_space<vmem>> -> memref<1x8192xf32, #tpu.memory_space<vmem>>
      %dma_wait3A_216 = tpu.memref_squeeze %dma_wait3A_215 : memref<1x8192xf32, #tpu.memory_space<vmem>> -> memref<8192xf32, #tpu.memory_space<vmem>>
      %dma_wait3A_217 = arith.constant 0 : i32
      %dma_wait3A_218 = tpu.memref_slice %arg4[%dma_wait3A_217] : memref<2097152xf32, #tpu.memory_space<hbm>> -> memref<8192xf32, #tpu.memory_space<hbm>>
      %dma_wait3A_219 = arith.constant 0 : i32
      %dma_wait3A_220 = tpu.memref_slice %arg10[%dma_wait3A_213, %dma_wait3A_219] : memref<2x8192xf32, #tpu.memory_space<vmem>> -> memref<1x8192xf32, #tpu.memory_space<vmem>>
      %dma_wait3A_221 = tpu.memref_squeeze %dma_wait3A_220 : memref<1x8192xf32, #tpu.memory_space<vmem>> -> memref<8192xf32, #tpu.memory_space<vmem>>
      %dma_wait3A_222 = arith.constant 0 : i32
      %dma_wait3A_223 = tpu.memref_slice %arg4[%dma_wait3A_222] : memref<2097152xf32, #tpu.memory_space<hbm>> -> memref<8192xf32, #tpu.memory_space<hbm>>
      tpu.wait_dma2 semaphore(%arg21 : memref<!tpu.dma_semaphore, #tpu.memory_space<semaphore_mem>>) src(%dma_wait3A_223 : memref<8192xf32, #tpu.memory_space<hbm>>) dst(%dma_wait3A_221 : memref<8192xf32, #tpu.memory_space<vmem>>)
      %add3A_224 = arith.constant 16384 : i32
      %add3A_225 = arith.addi %multiple_of3A_89, %add3A_224 : i32
      %min3A = arith.constant 2088960 : i32
      %min3A_226 = arith.minsi %add3A_225, %min3A : i32
      %multiple_of3A_227 = tpu.assume_multiple %min3A_226, 8192 : i32
      %dma_start3A_228 = arith.constant 0 : i32
      %dma_start3A_229 = arith.constant 0 : i32
      %dma_start3A_230 = tpu.memref_slice %arg8[%dma_start3A_228, %dma_start3A_229] : memref<2x8192xf32, #tpu.memory_space<vmem>> -> memref<1x8192xf32, #tpu.memory_space<vmem>>
      %dma_start3A_231 = tpu.memref_squeeze %dma_start3A_230 : memref<1x8192xf32, #tpu.memory_space<vmem>> -> memref<8192xf32, #tpu.memory_space<vmem>>
      %dma_start3A_232 = tpu.memref_slice %arg2[%multiple_of3A_227] : memref<2097152xf32, #tpu.memory_space<hbm>> -> memref<8192xf32, #tpu.memory_space<hbm>>
      %dma_start3A_233 = arith.constant 0 : i32
      %dma_start3A_234 = tpu.memref_slice %arg8[%dma_start3A_228, %dma_start3A_233] : memref<2x8192xf32, #tpu.memory_space<vmem>> -> memref<1x8192xf32, #tpu.memory_space<vmem>>
      %dma_start3A_235 = tpu.memref_squeeze %dma_start3A_234 : memref<1x8192xf32, #tpu.memory_space<vmem>> -> memref<8192xf32, #tpu.memory_space<vmem>>
      %dma_start3A_236 = tpu.memref_slice %arg2[%multiple_of3A_227] : memref<2097152xf32, #tpu.memory_space<hbm>> -> memref<8192xf32, #tpu.memory_space<hbm>>
      tpu.enqueue_dma source(%dma_start3A_236 : memref<8192xf32, #tpu.memory_space<hbm>>) target(%dma_start3A_235 : memref<8192xf32, #tpu.memory_space<vmem>>) target_semaphore(%arg21 : memref<!tpu.dma_semaphore, #tpu.memory_space<semaphore_mem>>)
      %dma_start3A_237 = arith.constant 0 : i32
      %dma_start3A_238 = arith.constant 0 : i32
      %dma_start3A_239 = tpu.memref_slice %arg9[%dma_start3A_237, %dma_start3A_238] : memref<2x8192xf32, #tpu.memory_space<vmem>> -> memref<1x8192xf32, #tpu.memory_space<vmem>>
      %dma_start3A_240 = tpu.memref_squeeze %dma_start3A_239 : memref<1x8192xf32, #tpu.memory_space<vmem>> -> memref<8192xf32, #tpu.memory_space<vmem>>
      %dma_start3A_241 = tpu.memref_slice %arg3[%multiple_of3A_227] : memref<2097152xf32, #tpu.memory_space<hbm>> -> memref<8192xf32, #tpu.memory_space<hbm>>
      %dma_start3A_242 = arith.constant 0 : i32
      %dma_start3A_243 = tpu.memref_slice %arg9[%dma_start3A_237, %dma_start3A_242] : memref<2x8192xf32, #tpu.memory_space<vmem>> -> memref<1x8192xf32, #tpu.memory_space<vmem>>
      %dma_start3A_244 = tpu.memref_squeeze %dma_start3A_243 : memref<1x8192xf32, #tpu.memory_space<vmem>> -> memref<8192xf32, #tpu.memory_space<vmem>>
      %dma_start3A_245 = tpu.memref_slice %arg3[%multiple_of3A_227] : memref<2097152xf32, #tpu.memory_space<hbm>> -> memref<8192xf32, #tpu.memory_space<hbm>>
      tpu.enqueue_dma source(%dma_start3A_245 : memref<8192xf32, #tpu.memory_space<hbm>>) target(%dma_start3A_244 : memref<8192xf32, #tpu.memory_space<vmem>>) target_semaphore(%arg21 : memref<!tpu.dma_semaphore, #tpu.memory_space<semaphore_mem>>)
      %dma_start3A_246 = arith.constant 0 : i32
      %dma_start3A_247 = arith.constant 0 : i32
      %dma_start3A_248 = tpu.memref_slice %arg10[%dma_start3A_246, %dma_start3A_247] : memref<2x8192xf32, #tpu.memory_space<vmem>> -> memref<1x8192xf32, #tpu.memory_space<vmem>>
      %dma_start3A_249 = tpu.memref_squeeze %dma_start3A_248 : memref<1x8192xf32, #tpu.memory_space<vmem>> -> memref<8192xf32, #tpu.memory_space<vmem>>
      %dma_start3A_250 = tpu.memref_slice %arg4[%multiple_of3A_227] : memref<2097152xf32, #tpu.memory_space<hbm>> -> memref<8192xf32, #tpu.memory_space<hbm>>
      %dma_start3A_251 = arith.constant 0 : i32
      %dma_start3A_252 = tpu.memref_slice %arg10[%dma_start3A_246, %dma_start3A_251] : memref<2x8192xf32, #tpu.memory_space<vmem>> -> memref<1x8192xf32, #tpu.memory_space<vmem>>
      %dma_start3A_253 = tpu.memref_squeeze %dma_start3A_252 : memref<1x8192xf32, #tpu.memory_space<vmem>> -> memref<8192xf32, #tpu.memory_space<vmem>>
      %dma_start3A_254 = tpu.memref_slice %arg4[%multiple_of3A_227] : memref<2097152xf32, #tpu.memory_space<hbm>> -> memref<8192xf32, #tpu.memory_space<hbm>>
      tpu.enqueue_dma source(%dma_start3A_254 : memref<8192xf32, #tpu.memory_space<hbm>>) target(%dma_start3A_253 : memref<8192xf32, #tpu.memory_space<vmem>>) target_semaphore(%arg21 : memref<!tpu.dma_semaphore, #tpu.memory_space<semaphore_mem>>)
      %add3A_255 = arith.constant 8192 : i32
      %add3A_256 = arith.addi %multiple_of3A_89, %add3A_255 : i32
      %parallel_loop3A_257 = arith.constant 0 : i32
      %parallel_loop3A_258 = arith.constant 128 : i32
      %parallel_loop3A_259 = arith.constant 1 : i32
      scf.for %parallel_loop3A_299 = %parallel_loop3A_257 to %parallel_loop3A_258 step %parallel_loop3A_259  : i32 {
        %parallel_loop3A_300 = arith.constant 16 : i32
        %parallel_loop3A_301 = arith.muli %parallel_loop3A_299, %parallel_loop3A_300 : i32
        %parallel_loop3A_302 = arith.constant 0 : i32
        %parallel_loop3A_303 = arith.addi %parallel_loop3A_302, %parallel_loop3A_301 : i32
        %parallel_loop3A_304 = arith.constant 1 : i32
        %parallel_loop3A_305 = arith.index_cast %parallel_loop3A_304 : i32 to index
        %parallel_loop3A_306 = arith.index_cast %parallel_loop3A_303 : i32 to index
        %parallel_loop3A_307 = tpu.vector_load %arg8[%parallel_loop3A_305, %parallel_loop3A_306] {strides = array<i32>} : memref<2x8192xf32, #tpu.memory_space<vmem>>, vector<16xf32>,
        %parallel_loop3A_308 = arith.mulf %parallel_loop3A_307, %get3A_3 : vector<16xf32>
        %parallel_loop3A_309 = arith.addf %parallel_loop3A_308, %get3A_9 : vector<16xf32>
        %parallel_loop3A_310 = arith.constant 1 : i32
        %parallel_loop3A_311 = arith.index_cast %parallel_loop3A_310 : i32 to index
        %parallel_loop3A_312 = arith.index_cast %parallel_loop3A_303 : i32 to index
        %parallel_loop3A_313 = tpu.vector_load %arg9[%parallel_loop3A_311, %parallel_loop3A_312] {strides = array<i32>} : memref<2x8192xf32, #tpu.memory_space<vmem>>, vector<16xf32>,
        %parallel_loop3A_314 = arith.mulf %parallel_loop3A_313, %get3A_5 : vector<16xf32>
        %parallel_loop3A_315 = arith.addf %parallel_loop3A_314, %get3A_11 : vector<16xf32>
        %parallel_loop3A_316 = arith.constant 1 : i32
        %parallel_loop3A_317 = arith.index_cast %parallel_loop3A_316 : i32 to index
        %parallel_loop3A_318 = arith.index_cast %parallel_loop3A_303 : i32 to index
        %parallel_loop3A_319 = tpu.vector_load %arg10[%parallel_loop3A_317, %parallel_loop3A_318] {strides = array<i32>} : memref<2x8192xf32, #tpu.memory_space<vmem>>, vector<16xf32>,
        %parallel_loop3A_320 = arith.mulf %parallel_loop3A_319, %get3A_7 : vector<16xf32>
        %parallel_loop3A_321 = arith.addf %parallel_loop3A_320, %get3A_13 : vector<16xf32>
        %parallel_loop3A_322 = arith.minimumf %parallel_loop3A_309, %parallel_loop3A_315 : vector<16xf32>
        %parallel_loop3A_323 = arith.minimumf %parallel_loop3A_322, %parallel_loop3A_321 : vector<16xf32>
        %parallel_loop3A_324 = arith.maximumf %parallel_loop3A_309, %parallel_loop3A_315 : vector<16xf32>
        %parallel_loop3A_325 = arith.maximumf %parallel_loop3A_324, %parallel_loop3A_321 : vector<16xf32>
        %parallel_loop3A_326 = arith.constant -5.000000e-01 : f32
        %parallel_loop3A_327 = vector.broadcast %parallel_loop3A_326 : f32 to vector<16xf32>
        %parallel_loop3A_328 = arith.cmpf oge, %parallel_loop3A_323, %parallel_loop3A_327 : vector<16xf32>
        %parallel_loop3A_329 = vector.broadcast %sub3A_15 : f32 to vector<16xf32>
        %parallel_loop3A_330 = arith.cmpf olt, %parallel_loop3A_325, %parallel_loop3A_329 : vector<16xf32>
        %parallel_loop3A_331 = arith.andi %parallel_loop3A_328, %parallel_loop3A_330 : vector<16xi1>
        %parallel_loop3A_332 = arith.constant 5.000000e-01 : f32
        %parallel_loop3A_333 = arith.subf %sub3A_15, %parallel_loop3A_332 : f32
        %parallel_loop3A_334 = arith.constant 0.000000e+00 : f32
        %parallel_loop3A_335 = vector.broadcast %parallel_loop3A_334 : f32 to vector<16xf32>
        %parallel_loop3A_336 = arith.maximumf %parallel_loop3A_335, %parallel_loop3A_309 : vector<16xf32>
        %parallel_loop3A_337 = vector.broadcast %parallel_loop3A_333 : f32 to vector<16xf32>
        %parallel_loop3A_338 = arith.minimumf %parallel_loop3A_337, %parallel_loop3A_336 : vector<16xf32>
        %parallel_loop3A_339 = arith.constant 5.000000e-01 : f32
        %parallel_loop3A_340 = vector.broadcast %parallel_loop3A_339 : f32 to vector<16xf32>
        %parallel_loop3A_341 = arith.addf %parallel_loop3A_338, %parallel_loop3A_340 : vector<16xf32>
        %parallel_loop3A_342 = arith.fptosi %parallel_loop3A_341 : vector<16xf32> to vector<16xi32>
        %parallel_loop3A_343 = arith.sitofp %parallel_loop3A_342 : vector<16xi32> to vector<16xf32>
        %parallel_loop3A_344 = arith.subf %parallel_loop3A_343, %parallel_loop3A_338 : vector<16xf32>
        %parallel_loop3A_345 = arith.constant 5.000000e-01 : f32
        %parallel_loop3A_346 = vector.broadcast %parallel_loop3A_345 : f32 to vector<16xf32>
        %parallel_loop3A_347 = arith.cmpf oeq, %parallel_loop3A_344, %parallel_loop3A_346 : vector<16xf32>
        %parallel_loop3A_348 = arith.constant 1 : i32
        %parallel_loop3A_349 = vector.broadcast %parallel_loop3A_348 : i32 to vector<16xi32>
        %parallel_loop3A_350 = arith.andi %parallel_loop3A_342, %parallel_loop3A_349 : vector<16xi32>
        %parallel_loop3A_351 = arith.constant 0 : i32
        %parallel_loop3A_352 = vector.broadcast %parallel_loop3A_351 : i32 to vector<16xi32>
        %parallel_loop3A_353 = arith.select %parallel_loop3A_347, %parallel_loop3A_350, %parallel_loop3A_352 : vector<16xi1>, vector<16xi32>
        %parallel_loop3A_354 = arith.subi %parallel_loop3A_342, %parallel_loop3A_353 : vector<16xi32>
        %parallel_loop3A_355 = arith.constant 5.000000e-01 : f32
        %parallel_loop3A_356 = arith.subf %sub3A_18, %parallel_loop3A_355 : f32
        %parallel_loop3A_357 = arith.constant 0.000000e+00 : f32
        %parallel_loop3A_358 = vector.broadcast %parallel_loop3A_357 : f32 to vector<16xf32>
        %parallel_loop3A_359 = arith.maximumf %parallel_loop3A_358, %parallel_loop3A_315 : vector<16xf32>
        %parallel_loop3A_360 = vector.broadcast %parallel_loop3A_356 : f32 to vector<16xf32>
        %parallel_loop3A_361 = arith.minimumf %parallel_loop3A_360, %parallel_loop3A_359 : vector<16xf32>
        %parallel_loop3A_362 = arith.constant 5.000000e-01 : f32
        %parallel_loop3A_363 = vector.broadcast %parallel_loop3A_362 : f32 to vector<16xf32>
        %parallel_loop3A_364 = arith.addf %parallel_loop3A_361, %parallel_loop3A_363 : vector<16xf32>
        %parallel_loop3A_365 = arith.fptosi %parallel_loop3A_364 : vector<16xf32> to vector<16xi32>
        %parallel_loop3A_366 = arith.sitofp %parallel_loop3A_365 : vector<16xi32> to vector<16xf32>
        %parallel_loop3A_367 = arith.subf %parallel_loop3A_366, %parallel_loop3A_361 : vector<16xf32>
        %parallel_loop3A_368 = arith.constant 5.000000e-01 : f32
        %parallel_loop3A_369 = vector.broadcast %parallel_loop3A_368 : f32 to vector<16xf32>
        %parallel_loop3A_370 = arith.cmpf oeq, %parallel_loop3A_367, %parallel_loop3A_369 : vector<16xf32>
        %parallel_loop3A_371 = arith.constant 1 : i32
        %parallel_loop3A_372 = vector.broadcast %parallel_loop3A_371 : i32 to vector<16xi32>
        %parallel_loop3A_373 = arith.andi %parallel_loop3A_365, %parallel_loop3A_372 : vector<16xi32>
        %parallel_loop3A_374 = arith.constant 0 : i32
        %parallel_loop3A_375 = vector.broadcast %parallel_loop3A_374 : i32 to vector<16xi32>
        %parallel_loop3A_376 = arith.select %parallel_loop3A_370, %parallel_loop3A_373, %parallel_loop3A_375 : vector<16xi1>, vector<16xi32>
        %parallel_loop3A_377 = arith.subi %parallel_loop3A_365, %parallel_loop3A_376 : vector<16xi32>
        %parallel_loop3A_378 = arith.constant 5.000000e-01 : f32
        %parallel_loop3A_379 = arith.subf %sub3A_21, %parallel_loop3A_378 : f32
        %parallel_loop3A_380 = arith.constant 0.000000e+00 : f32
        %parallel_loop3A_381 = vector.broadcast %parallel_loop3A_380 : f32 to vector<16xf32>
        %parallel_loop3A_382 = arith.maximumf %parallel_loop3A_381, %parallel_loop3A_321 : vector<16xf32>
        %parallel_loop3A_383 = vector.broadcast %parallel_loop3A_379 : f32 to vector<16xf32>
        %parallel_loop3A_384 = arith.minimumf %parallel_loop3A_383, %parallel_loop3A_382 : vector<16xf32>
        %parallel_loop3A_385 = arith.constant 5.000000e-01 : f32
        %parallel_loop3A_386 = vector.broadcast %parallel_loop3A_385 : f32 to vector<16xf32>
        %parallel_loop3A_387 = arith.addf %parallel_loop3A_384, %parallel_loop3A_386 : vector<16xf32>
        %parallel_loop3A_388 = arith.fptosi %parallel_loop3A_387 : vector<16xf32> to vector<16xi32>
        %parallel_loop3A_389 = arith.sitofp %parallel_loop3A_388 : vector<16xi32> to vector<16xf32>
        %parallel_loop3A_390 = arith.subf %parallel_loop3A_389, %parallel_loop3A_384 : vector<16xf32>
        %parallel_loop3A_391 = arith.constant 5.000000e-01 : f32
        %parallel_loop3A_392 = vector.broadcast %parallel_loop3A_391 : f32 to vector<16xf32>
        %parallel_loop3A_393 = arith.cmpf oeq, %parallel_loop3A_390, %parallel_loop3A_392 : vector<16xf32>
        %parallel_loop3A_394 = arith.constant 1 : i32
        %parallel_loop3A_395 = vector.broadcast %parallel_loop3A_394 : i32 to vector<16xi32>
        %parallel_loop3A_396 = arith.andi %parallel_loop3A_388, %parallel_loop3A_395 : vector<16xi32>
        %parallel_loop3A_397 = arith.constant 0 : i32
        %parallel_loop3A_398 = vector.broadcast %parallel_loop3A_397 : i32 to vector<16xi32>
        %parallel_loop3A_399 = arith.select %parallel_loop3A_393, %parallel_loop3A_396, %parallel_loop3A_398 : vector<16xi1>, vector<16xi32>
        %parallel_loop3A_400 = arith.subi %parallel_loop3A_388, %parallel_loop3A_399 : vector<16xi32>
        %parallel_loop3A_401 = arith.constant 5 : i32
        %parallel_loop3A_402 = vector.broadcast %parallel_loop3A_401 : i32 to vector<16xi32>
        %parallel_loop3A_403 = arith.shrui %parallel_loop3A_354, %parallel_loop3A_402 : vector<16xi32>
        %parallel_loop3A_404 = arith.constant 65536 : i32
        %parallel_loop3A_405 = vector.broadcast %parallel_loop3A_404 : i32 to vector<16xi32>
        %parallel_loop3A_406 = arith.muli %parallel_loop3A_403, %parallel_loop3A_405 : vector<16xi32>
        %parallel_loop3A_407 = arith.constant 256 : i32
        %parallel_loop3A_408 = vector.broadcast %parallel_loop3A_407 : i32 to vector<16xi32>
        %parallel_loop3A_409 = arith.muli %parallel_loop3A_377, %parallel_loop3A_408 : vector<16xi32>
        %parallel_loop3A_410 = arith.addi %parallel_loop3A_406, %parallel_loop3A_409 : vector<16xi32>
        %parallel_loop3A_411 = arith.addi %parallel_loop3A_410, %parallel_loop3A_400 : vector<16xi32>
        %parallel_loop3A_412 = arith.constant 524288 : i32
        %parallel_loop3A_413 = vector.broadcast %parallel_loop3A_412 : i32 to vector<16xi32>
        %parallel_loop3A_414 = arith.select %parallel_loop3A_331, %parallel_loop3A_411, %parallel_loop3A_413 : vector<16xi1>, vector<16xi32>
        %parallel_loop3A_415 = arith.constant 16 : i32
        %parallel_loop3A_416 = arith.muli %parallel_loop3A_299, %parallel_loop3A_415 : i32
        %parallel_loop3A_417 = arith.index_cast %parallel_loop3A_416 : i32 to index
        %parallel_loop3A_418 = tpu.vector_load %arg11[%parallel_loop3A_417] {strides = array<i32>} : memref<2048xi32, #tpu.memory_space<vmem>>, vector<16xi32>,
        tpu.vector_store %arg11[%parallel_loop3A_417], %parallel_loop3A_414 {strides = array<i32>} : memref<2048xi32, #tpu.memory_space<vmem>>, vector<16xi32>,
        %parallel_loop3A_419 = arith.constant 31 : i32
        %parallel_loop3A_420 = vector.broadcast %parallel_loop3A_419 : i32 to vector<16xi32>
        %parallel_loop3A_421 = arith.andi %parallel_loop3A_354, %parallel_loop3A_420 : vector<16xi32>
        %parallel_loop3A_422 = arith.index_cast %parallel_loop3A_303 : i32 to index
        %parallel_loop3A_423 = tpu.vector_load %arg13[%parallel_loop3A_422] {strides = array<i32>} : memref<8192xi32, #tpu.memory_space<vmem>>, vector<16xi32>,
        tpu.vector_store %arg13[%parallel_loop3A_422], %parallel_loop3A_421 {strides = array<i32>} : memref<8192xi32, #tpu.memory_space<vmem>>, vector<16xi32>,
      } {sc.loop_unroll_factor = 4 : i64, sc.parallel_access}
      %dma_start3A_260 = arith.constant 0 : i32
      %dma_start3A_261 = tpu.memref_slice %arg18[%dma_start3A_260] : memref<524296xi32, #tpu.memory_space<vmem_shared>> -> memref<524296xi32, #tpu.memory_space<vmem_shared>>
      tpu.enqueue_indirect_dma source(%dma_start3A_261 : memref<524296xi32, #tpu.memory_space<vmem_shared>>) target(%arg14 : memref<2048xi32, #tpu.memory_space<vmem>>) offsets(%arg11 : memref<2048xi32, #tpu.memory_space<vmem>>) semaphore(%arg19 : memref<!tpu.dma_semaphore, #tpu.memory_space<semaphore_mem>>)
      %parallel_loop3A_262 = arith.constant 0 : i32
      %parallel_loop3A_263 = arith.constant 128 : i32
      %parallel_loop3A_264 = arith.constant 1 : i32
      scf.for %parallel_loop3A_299 = %parallel_loop3A_262 to %parallel_loop3A_263 step %parallel_loop3A_264  : i32 {
        %parallel_loop3A_300 = arith.constant 16 : i32
        %parallel_loop3A_301 = arith.muli %parallel_loop3A_299, %parallel_loop3A_300 : i32
        %parallel_loop3A_302 = arith.constant 2048 : i32
        %parallel_loop3A_303 = arith.addi %parallel_loop3A_302, %parallel_loop3A_301 : i32
        %parallel_loop3A_304 = arith.constant 1 : i32
        %parallel_loop3A_305 = arith.index_cast %parallel_loop3A_304 : i32 to index
        %parallel_loop3A_306 = arith.index_cast %parallel_loop3A_303 : i32 to index
        %parallel_loop3A_307 = tpu.vector_load %arg8[%parallel_loop3A_305, %parallel_loop3A_306] {strides = array<i32>} : memref<2x8192xf32, #tpu.memory_space<vmem>>, vector<16xf32>,
        %parallel_loop3A_308 = arith.mulf %parallel_loop3A_307, %get3A_3 : vector<16xf32>
        %parallel_loop3A_309 = arith.addf %parallel_loop3A_308, %get3A_9 : vector<16xf32>
        %parallel_loop3A_310 = arith.constant 1 : i32
        %parallel_loop3A_311 = arith.index_cast %parallel_loop3A_310 : i32 to index
        %parallel_loop3A_312 = arith.index_cast %parallel_loop3A_303 : i32 to index
        %parallel_loop3A_313 = tpu.vector_load %arg9[%parallel_loop3A_311, %parallel_loop3A_312] {strides = array<i32>} : memref<2x8192xf32, #tpu.memory_space<vmem>>, vector<16xf32>,
        %parallel_loop3A_314 = arith.mulf %parallel_loop3A_313, %get3A_5 : vector<16xf32>
        %parallel_loop3A_315 = arith.addf %parallel_loop3A_314, %get3A_11 : vector<16xf32>
        %parallel_loop3A_316 = arith.constant 1 : i32
        %parallel_loop3A_317 = arith.index_cast %parallel_loop3A_316 : i32 to index
        %parallel_loop3A_318 = arith.index_cast %parallel_loop3A_303 : i32 to index
        %parallel_loop3A_319 = tpu.vector_load %arg10[%parallel_loop3A_317, %parallel_loop3A_318] {strides = array<i32>} : memref<2x8192xf32, #tpu.memory_space<vmem>>, vector<16xf32>,
        %parallel_loop3A_320 = arith.mulf %parallel_loop3A_319, %get3A_7 : vector<16xf32>
        %parallel_loop3A_321 = arith.addf %parallel_loop3A_320, %get3A_13 : vector<16xf32>
        %parallel_loop3A_322 = arith.minimumf %parallel_loop3A_309, %parallel_loop3A_315 : vector<16xf32>
        %parallel_loop3A_323 = arith.minimumf %parallel_loop3A_322, %parallel_loop3A_321 : vector<16xf32>
        %parallel_loop3A_324 = arith.maximumf %parallel_loop3A_309, %parallel_loop3A_315 : vector<16xf32>
        %parallel_loop3A_325 = arith.maximumf %parallel_loop3A_324, %parallel_loop3A_321 : vector<16xf32>
        %parallel_loop3A_326 = arith.constant -5.000000e-01 : f32
        %parallel_loop3A_327 = vector.broadcast %parallel_loop3A_326 : f32 to vector<16xf32>
        %parallel_loop3A_328 = arith.cmpf oge, %parallel_loop3A_323, %parallel_loop3A_327 : vector<16xf32>
        %parallel_loop3A_329 = vector.broadcast %sub3A_15 : f32 to vector<16xf32>
        %parallel_loop3A_330 = arith.cmpf olt, %parallel_loop3A_325, %parallel_loop3A_329 : vector<16xf32>
        %parallel_loop3A_331 = arith.andi %parallel_loop3A_328, %parallel_loop3A_330 : vector<16xi1>
        %parallel_loop3A_332 = arith.constant 5.000000e-01 : f32
        %parallel_loop3A_333 = arith.subf %sub3A_15, %parallel_loop3A_332 : f32
        %parallel_loop3A_334 = arith.constant 0.000000e+00 : f32
        %parallel_loop3A_335 = vector.broadcast %parallel_loop3A_334 : f32 to vector<16xf32>
        %parallel_loop3A_336 = arith.maximumf %parallel_loop3A_335, %parallel_loop3A_309 : vector<16xf32>
        %parallel_loop3A_337 = vector.broadcast %parallel_loop3A_333 : f32 to vector<16xf32>
        %parallel_loop3A_338 = arith.minimumf %parallel_loop3A_337, %parallel_loop3A_336 : vector<16xf32>
        %parallel_loop3A_339 = arith.constant 5.000000e-01 : f32
        %parallel_loop3A_340 = vector.broadcast %parallel_loop3A_339 : f32 to vector<16xf32>
        %parallel_loop3A_341 = arith.addf %parallel_loop3A_338, %parallel_loop3A_340 : vector<16xf32>
        %parallel_loop3A_342 = arith.fptosi %parallel_loop3A_341 : vector<16xf32> to vector<16xi32>
        %parallel_loop3A_343 = arith.sitofp %parallel_loop3A_342 : vector<16xi32> to vector<16xf32>
        %parallel_loop3A_344 = arith.subf %parallel_loop3A_343, %parallel_loop3A_338 : vector<16xf32>
        %parallel_loop3A_345 = arith.constant 5.000000e-01 : f32
        %parallel_loop3A_346 = vector.broadcast %parallel_loop3A_345 : f32 to vector<16xf32>
        %parallel_loop3A_347 = arith.cmpf oeq, %parallel_loop3A_344, %parallel_loop3A_346 : vector<16xf32>
        %parallel_loop3A_348 = arith.constant 1 : i32
        %parallel_loop3A_349 = vector.broadcast %parallel_loop3A_348 : i32 to vector<16xi32>
        %parallel_loop3A_350 = arith.andi %parallel_loop3A_342, %parallel_loop3A_349 : vector<16xi32>
        %parallel_loop3A_351 = arith.constant 0 : i32
        %parallel_loop3A_352 = vector.broadcast %parallel_loop3A_351 : i32 to vector<16xi32>
        %parallel_loop3A_353 = arith.select %parallel_loop3A_347, %parallel_loop3A_350, %parallel_loop3A_352 : vector<16xi1>, vector<16xi32>
        %parallel_loop3A_354 = arith.subi %parallel_loop3A_342, %parallel_loop3A_353 : vector<16xi32>
        %parallel_loop3A_355 = arith.constant 5.000000e-01 : f32
        %parallel_loop3A_356 = arith.subf %sub3A_18, %parallel_loop3A_355 : f32
        %parallel_loop3A_357 = arith.constant 0.000000e+00 : f32
        %parallel_loop3A_358 = vector.broadcast %parallel_loop3A_357 : f32 to vector<16xf32>
        %parallel_loop3A_359 = arith.maximumf %parallel_loop3A_358, %parallel_loop3A_315 : vector<16xf32>
        %parallel_loop3A_360 = vector.broadcast %parallel_loop3A_356 : f32 to vector<16xf32>
        %parallel_loop3A_361 = arith.minimumf %parallel_loop3A_360, %parallel_loop3A_359 : vector<16xf32>
        %parallel_loop3A_362 = arith.constant 5.000000e-01 : f32
        %parallel_loop3A_363 = vector.broadcast %parallel_loop3A_362 : f32 to vector<16xf32>
        %parallel_loop3A_364 = arith.addf %parallel_loop3A_361, %parallel_loop3A_363 : vector<16xf32>
        %parallel_loop3A_365 = arith.fptosi %parallel_loop3A_364 : vector<16xf32> to vector<16xi32>
        %parallel_loop3A_366 = arith.sitofp %parallel_loop3A_365 : vector<16xi32> to vector<16xf32>
        %parallel_loop3A_367 = arith.subf %parallel_loop3A_366, %parallel_loop3A_361 : vector<16xf32>
        %parallel_loop3A_368 = arith.constant 5.000000e-01 : f32
        %parallel_loop3A_369 = vector.broadcast %parallel_loop3A_368 : f32 to vector<16xf32>
        %parallel_loop3A_370 = arith.cmpf oeq, %parallel_loop3A_367, %parallel_loop3A_369 : vector<16xf32>
        %parallel_loop3A_371 = arith.constant 1 : i32
        %parallel_loop3A_372 = vector.broadcast %parallel_loop3A_371 : i32 to vector<16xi32>
        %parallel_loop3A_373 = arith.andi %parallel_loop3A_365, %parallel_loop3A_372 : vector<16xi32>
        %parallel_loop3A_374 = arith.constant 0 : i32
        %parallel_loop3A_375 = vector.broadcast %parallel_loop3A_374 : i32 to vector<16xi32>
        %parallel_loop3A_376 = arith.select %parallel_loop3A_370, %parallel_loop3A_373, %parallel_loop3A_375 : vector<16xi1>, vector<16xi32>
        %parallel_loop3A_377 = arith.subi %parallel_loop3A_365, %parallel_loop3A_376 : vector<16xi32>
        %parallel_loop3A_378 = arith.constant 5.000000e-01 : f32
        %parallel_loop3A_379 = arith.subf %sub3A_21, %parallel_loop3A_378 : f32
        %parallel_loop3A_380 = arith.constant 0.000000e+00 : f32
        %parallel_loop3A_381 = vector.broadcast %parallel_loop3A_380 : f32 to vector<16xf32>
        %parallel_loop3A_382 = arith.maximumf %parallel_loop3A_381, %parallel_loop3A_321 : vector<16xf32>
        %parallel_loop3A_383 = vector.broadcast %parallel_loop3A_379 : f32 to vector<16xf32>
        %parallel_loop3A_384 = arith.minimumf %parallel_loop3A_383, %parallel_loop3A_382 : vector<16xf32>
        %parallel_loop3A_385 = arith.constant 5.000000e-01 : f32
        %parallel_loop3A_386 = vector.broadcast %parallel_loop3A_385 : f32 to vector<16xf32>
        %parallel_loop3A_387 = arith.addf %parallel_loop3A_384, %parallel_loop3A_386 : vector<16xf32>
        %parallel_loop3A_388 = arith.fptosi %parallel_loop3A_387 : vector<16xf32> to vector<16xi32>
        %parallel_loop3A_389 = arith.sitofp %parallel_loop3A_388 : vector<16xi32> to vector<16xf32>
        %parallel_loop3A_390 = arith.subf %parallel_loop3A_389, %parallel_loop3A_384 : vector<16xf32>
        %parallel_loop3A_391 = arith.constant 5.000000e-01 : f32
        %parallel_loop3A_392 = vector.broadcast %parallel_loop3A_391 : f32 to vector<16xf32>
        %parallel_loop3A_393 = arith.cmpf oeq, %parallel_loop3A_390, %parallel_loop3A_392 : vector<16xf32>
        %parallel_loop3A_394 = arith.constant 1 : i32
        %parallel_loop3A_395 = vector.broadcast %parallel_loop3A_394 : i32 to vector<16xi32>
        %parallel_loop3A_396 = arith.andi %parallel_loop3A_388, %parallel_loop3A_395 : vector<16xi32>
        %parallel_loop3A_397 = arith.constant 0 : i32
        %parallel_loop3A_398 = vector.broadcast %parallel_loop3A_397 : i32 to vector<16xi32>
        %parallel_loop3A_399 = arith.select %parallel_loop3A_393, %parallel_loop3A_396, %parallel_loop3A_398 : vector<16xi1>, vector<16xi32>
        %parallel_loop3A_400 = arith.subi %parallel_loop3A_388, %parallel_loop3A_399 : vector<16xi32>
        %parallel_loop3A_401 = arith.constant 5 : i32
        %parallel_loop3A_402 = vector.broadcast %parallel_loop3A_401 : i32 to vector<16xi32>
        %parallel_loop3A_403 = arith.shrui %parallel_loop3A_354, %parallel_loop3A_402 : vector<16xi32>
        %parallel_loop3A_404 = arith.constant 65536 : i32
        %parallel_loop3A_405 = vector.broadcast %parallel_loop3A_404 : i32 to vector<16xi32>
        %parallel_loop3A_406 = arith.muli %parallel_loop3A_403, %parallel_loop3A_405 : vector<16xi32>
        %parallel_loop3A_407 = arith.constant 256 : i32
        %parallel_loop3A_408 = vector.broadcast %parallel_loop3A_407 : i32 to vector<16xi32>
        %parallel_loop3A_409 = arith.muli %parallel_loop3A_377, %parallel_loop3A_408 : vector<16xi32>
        %parallel_loop3A_410 = arith.addi %parallel_loop3A_406, %parallel_loop3A_409 : vector<16xi32>
        %parallel_loop3A_411 = arith.addi %parallel_loop3A_410, %parallel_loop3A_400 : vector<16xi32>
        %parallel_loop3A_412 = arith.constant 524288 : i32
        %parallel_loop3A_413 = vector.broadcast %parallel_loop3A_412 : i32 to vector<16xi32>
        %parallel_loop3A_414 = arith.select %parallel_loop3A_331, %parallel_loop3A_411, %parallel_loop3A_413 : vector<16xi1>, vector<16xi32>
        %parallel_loop3A_415 = arith.constant 16 : i32
        %parallel_loop3A_416 = arith.muli %parallel_loop3A_299, %parallel_loop3A_415 : i32
        %parallel_loop3A_417 = arith.index_cast %parallel_loop3A_416 : i32 to index
        %parallel_loop3A_418 = tpu.vector_load %arg12[%parallel_loop3A_417] {strides = array<i32>} : memref<2048xi32, #tpu.memory_space<vmem>>, vector<16xi32>,
        tpu.vector_store %arg12[%parallel_loop3A_417], %parallel_loop3A_414 {strides = array<i32>} : memref<2048xi32, #tpu.memory_space<vmem>>, vector<16xi32>,
        %parallel_loop3A_419 = arith.constant 31 : i32
        %parallel_loop3A_420 = vector.broadcast %parallel_loop3A_419 : i32 to vector<16xi32>
        %parallel_loop3A_421 = arith.andi %parallel_loop3A_354, %parallel_loop3A_420 : vector<16xi32>
        %parallel_loop3A_422 = arith.index_cast %parallel_loop3A_303 : i32 to index
        %parallel_loop3A_423 = tpu.vector_load %arg13[%parallel_loop3A_422] {strides = array<i32>} : memref<8192xi32, #tpu.memory_space<vmem>>, vector<16xi32>,
        tpu.vector_store %arg13[%parallel_loop3A_422], %parallel_loop3A_421 {strides = array<i32>} : memref<8192xi32, #tpu.memory_space<vmem>>, vector<16xi32>,
      } {sc.loop_unroll_factor = 4 : i64, sc.parallel_access}
      %dma_start3A_265 = arith.constant 0 : i32
      %dma_start3A_266 = tpu.memref_slice %arg18[%dma_start3A_265] : memref<524296xi32, #tpu.memory_space<vmem_shared>> -> memref<524296xi32, #tpu.memory_space<vmem_shared>>
      tpu.enqueue_indirect_dma source(%dma_start3A_266 : memref<524296xi32, #tpu.memory_space<vmem_shared>>) target(%arg15 : memref<2048xi32, #tpu.memory_space<vmem>>) offsets(%arg12 : memref<2048xi32, #tpu.memory_space<vmem>>) semaphore(%arg20 : memref<!tpu.dma_semaphore, #tpu.memory_space<semaphore_mem>>)
      %dma_wait3A_267 = arith.constant 0 : i32
      %dma_wait3A_268 = tpu.memref_slice %arg18[%dma_wait3A_267] : memref<524296xi32, #tpu.memory_space<vmem_shared>> -> memref<524296xi32, #tpu.memory_space<vmem_shared>>
      tpu.wait_indirect_dma semaphore(%arg19 : memref<!tpu.dma_semaphore, #tpu.memory_space<semaphore_mem>>) src(%dma_wait3A_268 : memref<524296xi32, #tpu.memory_space<vmem_shared>>) dst(%arg14 : memref<2048xi32, #tpu.memory_space<vmem>>)
      %parallel_loop3A_269 = arith.constant 0 : i32
      %parallel_loop3A_270 = arith.constant 128 : i32
      %parallel_loop3A_271 = arith.constant 1 : i32
      scf.for %parallel_loop3A_299 = %parallel_loop3A_269 to %parallel_loop3A_270 step %parallel_loop3A_271  : i32 {
        %parallel_loop3A_300 = arith.constant 16 : i32
        %parallel_loop3A_301 = arith.muli %parallel_loop3A_299, %parallel_loop3A_300 : i32
        %parallel_loop3A_302 = arith.constant 0 : i32
        %parallel_loop3A_303 = arith.addi %parallel_loop3A_302, %parallel_loop3A_301 : i32
        %parallel_loop3A_304 = arith.constant 16 : i32
        %parallel_loop3A_305 = arith.muli %parallel_loop3A_299, %parallel_loop3A_304 : i32
        %parallel_loop3A_306 = arith.index_cast %parallel_loop3A_305 : i32 to index
        %parallel_loop3A_307 = tpu.vector_load %arg14[%parallel_loop3A_306] {strides = array<i32>} : memref<2048xi32, #tpu.memory_space<vmem>>, vector<16xi32>,
        %parallel_loop3A_308 = arith.index_cast %parallel_loop3A_303 : i32 to index
        %parallel_loop3A_309 = tpu.vector_load %arg13[%parallel_loop3A_308] {strides = array<i32>} : memref<8192xi32, #tpu.memory_space<vmem>>, vector<16xi32>,
        %parallel_loop3A_310 = arith.shrui %parallel_loop3A_307, %parallel_loop3A_309 : vector<16xi32>
        %parallel_loop3A_311 = arith.constant 1 : i32
        %parallel_loop3A_312 = vector.broadcast %parallel_loop3A_311 : i32 to vector<16xi32>
        %parallel_loop3A_313 = arith.andi %parallel_loop3A_310, %parallel_loop3A_312 : vector<16xi32>
        %parallel_loop3A_314 = arith.index_cast %parallel_loop3A_303 : i32 to index
        %parallel_loop3A_315 = tpu.vector_load %arg16[%parallel_loop3A_314] {strides = array<i32>} : memref<8192xi32, #tpu.memory_space<vmem>>, vector<16xi32>,
        tpu.vector_store %arg16[%parallel_loop3A_314], %parallel_loop3A_313 {strides = array<i32>} : memref<8192xi32, #tpu.memory_space<vmem>>, vector<16xi32>,
      } {sc.loop_unroll_factor = 4 : i64, sc.parallel_access}
      %parallel_loop3A_272 = arith.constant 0 : i32
      %parallel_loop3A_273 = arith.constant 128 : i32
      %parallel_loop3A_274 = arith.constant 1 : i32
      scf.for %parallel_loop3A_299 = %parallel_loop3A_272 to %parallel_loop3A_273 step %parallel_loop3A_274  : i32 {
        %parallel_loop3A_300 = arith.constant 16 : i32
        %parallel_loop3A_301 = arith.muli %parallel_loop3A_299, %parallel_loop3A_300 : i32
        %parallel_loop3A_302 = arith.constant 4096 : i32
        %parallel_loop3A_303 = arith.addi %parallel_loop3A_302, %parallel_loop3A_301 : i32
        %parallel_loop3A_304 = arith.constant 1 : i32
        %parallel_loop3A_305 = arith.index_cast %parallel_loop3A_304 : i32 to index
        %parallel_loop3A_306 = arith.index_cast %parallel_loop3A_303 : i32 to index
        %parallel_loop3A_307 = tpu.vector_load %arg8[%parallel_loop3A_305, %parallel_loop3A_306] {strides = array<i32>} : memref<2x8192xf32, #tpu.memory_space<vmem>>, vector<16xf32>,
        %parallel_loop3A_308 = arith.mulf %parallel_loop3A_307, %get3A_3 : vector<16xf32>
        %parallel_loop3A_309 = arith.addf %parallel_loop3A_308, %get3A_9 : vector<16xf32>
        %parallel_loop3A_310 = arith.constant 1 : i32
        %parallel_loop3A_311 = arith.index_cast %parallel_loop3A_310 : i32 to index
        %parallel_loop3A_312 = arith.index_cast %parallel_loop3A_303 : i32 to index
        %parallel_loop3A_313 = tpu.vector_load %arg9[%parallel_loop3A_311, %parallel_loop3A_312] {strides = array<i32>} : memref<2x8192xf32, #tpu.memory_space<vmem>>, vector<16xf32>,
        %parallel_loop3A_314 = arith.mulf %parallel_loop3A_313, %get3A_5 : vector<16xf32>
        %parallel_loop3A_315 = arith.addf %parallel_loop3A_314, %get3A_11 : vector<16xf32>
        %parallel_loop3A_316 = arith.constant 1 : i32
        %parallel_loop3A_317 = arith.index_cast %parallel_loop3A_316 : i32 to index
        %parallel_loop3A_318 = arith.index_cast %parallel_loop3A_303 : i32 to index
        %parallel_loop3A_319 = tpu.vector_load %arg10[%parallel_loop3A_317, %parallel_loop3A_318] {strides = array<i32>} : memref<2x8192xf32, #tpu.memory_space<vmem>>, vector<16xf32>,
        %parallel_loop3A_320 = arith.mulf %parallel_loop3A_319, %get3A_7 : vector<16xf32>
        %parallel_loop3A_321 = arith.addf %parallel_loop3A_320, %get3A_13 : vector<16xf32>
        %parallel_loop3A_322 = arith.minimumf %parallel_loop3A_309, %parallel_loop3A_315 : vector<16xf32>
        %parallel_loop3A_323 = arith.minimumf %parallel_loop3A_322, %parallel_loop3A_321 : vector<16xf32>
        %parallel_loop3A_324 = arith.maximumf %parallel_loop3A_309, %parallel_loop3A_315 : vector<16xf32>
        %parallel_loop3A_325 = arith.maximumf %parallel_loop3A_324, %parallel_loop3A_321 : vector<16xf32>
        %parallel_loop3A_326 = arith.constant -5.000000e-01 : f32
        %parallel_loop3A_327 = vector.broadcast %parallel_loop3A_326 : f32 to vector<16xf32>
        %parallel_loop3A_328 = arith.cmpf oge, %parallel_loop3A_323, %parallel_loop3A_327 : vector<16xf32>
        %parallel_loop3A_329 = vector.broadcast %sub3A_15 : f32 to vector<16xf32>
        %parallel_loop3A_330 = arith.cmpf olt, %parallel_loop3A_325, %parallel_loop3A_329 : vector<16xf32>
        %parallel_loop3A_331 = arith.andi %parallel_loop3A_328, %parallel_loop3A_330 : vector<16xi1>
        %parallel_loop3A_332 = arith.constant 5.000000e-01 : f32
        %parallel_loop3A_333 = arith.subf %sub3A_15, %parallel_loop3A_332 : f32
        %parallel_loop3A_334 = arith.constant 0.000000e+00 : f32
        %parallel_loop3A_335 = vector.broadcast %parallel_loop3A_334 : f32 to vector<16xf32>
        %parallel_loop3A_336 = arith.maximumf %parallel_loop3A_335, %parallel_loop3A_309 : vector<16xf32>
        %parallel_loop3A_337 = vector.broadcast %parallel_loop3A_333 : f32 to vector<16xf32>
        %parallel_loop3A_338 = arith.minimumf %parallel_loop3A_337, %parallel_loop3A_336 : vector<16xf32>
        %parallel_loop3A_339 = arith.constant 5.000000e-01 : f32
        %parallel_loop3A_340 = vector.broadcast %parallel_loop3A_339 : f32 to vector<16xf32>
        %parallel_loop3A_341 = arith.addf %parallel_loop3A_338, %parallel_loop3A_340 : vector<16xf32>
        %parallel_loop3A_342 = arith.fptosi %parallel_loop3A_341 : vector<16xf32> to vector<16xi32>
        %parallel_loop3A_343 = arith.sitofp %parallel_loop3A_342 : vector<16xi32> to vector<16xf32>
        %parallel_loop3A_344 = arith.subf %parallel_loop3A_343, %parallel_loop3A_338 : vector<16xf32>
        %parallel_loop3A_345 = arith.constant 5.000000e-01 : f32
        %parallel_loop3A_346 = vector.broadcast %parallel_loop3A_345 : f32 to vector<16xf32>
        %parallel_loop3A_347 = arith.cmpf oeq, %parallel_loop3A_344, %parallel_loop3A_346 : vector<16xf32>
        %parallel_loop3A_348 = arith.constant 1 : i32
        %parallel_loop3A_349 = vector.broadcast %parallel_loop3A_348 : i32 to vector<16xi32>
        %parallel_loop3A_350 = arith.andi %parallel_loop3A_342, %parallel_loop3A_349 : vector<16xi32>
        %parallel_loop3A_351 = arith.constant 0 : i32
        %parallel_loop3A_352 = vector.broadcast %parallel_loop3A_351 : i32 to vector<16xi32>
        %parallel_loop3A_353 = arith.select %parallel_loop3A_347, %parallel_loop3A_350, %parallel_loop3A_352 : vector<16xi1>, vector<16xi32>
        %parallel_loop3A_354 = arith.subi %parallel_loop3A_342, %parallel_loop3A_353 : vector<16xi32>
        %parallel_loop3A_355 = arith.constant 5.000000e-01 : f32
        %parallel_loop3A_356 = arith.subf %sub3A_18, %parallel_loop3A_355 : f32
        %parallel_loop3A_357 = arith.constant 0.000000e+00 : f32
        %parallel_loop3A_358 = vector.broadcast %parallel_loop3A_357 : f32 to vector<16xf32>
        %parallel_loop3A_359 = arith.maximumf %parallel_loop3A_358, %parallel_loop3A_315 : vector<16xf32>
        %parallel_loop3A_360 = vector.broadcast %parallel_loop3A_356 : f32 to vector<16xf32>
        %parallel_loop3A_361 = arith.minimumf %parallel_loop3A_360, %parallel_loop3A_359 : vector<16xf32>
        %parallel_loop3A_362 = arith.constant 5.000000e-01 : f32
        %parallel_loop3A_363 = vector.broadcast %parallel_loop3A_362 : f32 to vector<16xf32>
        %parallel_loop3A_364 = arith.addf %parallel_loop3A_361, %parallel_loop3A_363 : vector<16xf32>
        %parallel_loop3A_365 = arith.fptosi %parallel_loop3A_364 : vector<16xf32> to vector<16xi32>
        %parallel_loop3A_366 = arith.sitofp %parallel_loop3A_365 : vector<16xi32> to vector<16xf32>
        %parallel_loop3A_367 = arith.subf %parallel_loop3A_366, %parallel_loop3A_361 : vector<16xf32>
        %parallel_loop3A_368 = arith.constant 5.000000e-01 : f32
        %parallel_loop3A_369 = vector.broadcast %parallel_loop3A_368 : f32 to vector<16xf32>
        %parallel_loop3A_370 = arith.cmpf oeq, %parallel_loop3A_367, %parallel_loop3A_369 : vector<16xf32>
        %parallel_loop3A_371 = arith.constant 1 : i32
        %parallel_loop3A_372 = vector.broadcast %parallel_loop3A_371 : i32 to vector<16xi32>
        %parallel_loop3A_373 = arith.andi %parallel_loop3A_365, %parallel_loop3A_372 : vector<16xi32>
        %parallel_loop3A_374 = arith.constant 0 : i32
        %parallel_loop3A_375 = vector.broadcast %parallel_loop3A_374 : i32 to vector<16xi32>
        %parallel_loop3A_376 = arith.select %parallel_loop3A_370, %parallel_loop3A_373, %parallel_loop3A_375 : vector<16xi1>, vector<16xi32>
        %parallel_loop3A_377 = arith.subi %parallel_loop3A_365, %parallel_loop3A_376 : vector<16xi32>
        %parallel_loop3A_378 = arith.constant 5.000000e-01 : f32
        %parallel_loop3A_379 = arith.subf %sub3A_21, %parallel_loop3A_378 : f32
        %parallel_loop3A_380 = arith.constant 0.000000e+00 : f32
        %parallel_loop3A_381 = vector.broadcast %parallel_loop3A_380 : f32 to vector<16xf32>
        %parallel_loop3A_382 = arith.maximumf %parallel_loop3A_381, %parallel_loop3A_321 : vector<16xf32>
        %parallel_loop3A_383 = vector.broadcast %parallel_loop3A_379 : f32 to vector<16xf32>
        %parallel_loop3A_384 = arith.minimumf %parallel_loop3A_383, %parallel_loop3A_382 : vector<16xf32>
        %parallel_loop3A_385 = arith.constant 5.000000e-01 : f32
        %parallel_loop3A_386 = vector.broadcast %parallel_loop3A_385 : f32 to vector<16xf32>
        %parallel_loop3A_387 = arith.addf %parallel_loop3A_384, %parallel_loop3A_386 : vector<16xf32>
        %parallel_loop3A_388 = arith.fptosi %parallel_loop3A_387 : vector<16xf32> to vector<16xi32>
        %parallel_loop3A_389 = arith.sitofp %parallel_loop3A_388 : vector<16xi32> to vector<16xf32>
        %parallel_loop3A_390 = arith.subf %parallel_loop3A_389, %parallel_loop3A_384 : vector<16xf32>
        %parallel_loop3A_391 = arith.constant 5.000000e-01 : f32
        %parallel_loop3A_392 = vector.broadcast %parallel_loop3A_391 : f32 to vector<16xf32>
        %parallel_loop3A_393 = arith.cmpf oeq, %parallel_loop3A_390, %parallel_loop3A_392 : vector<16xf32>
        %parallel_loop3A_394 = arith.constant 1 : i32
        %parallel_loop3A_395 = vector.broadcast %parallel_loop3A_394 : i32 to vector<16xi32>
        %parallel_loop3A_396 = arith.andi %parallel_loop3A_388, %parallel_loop3A_395 : vector<16xi32>
        %parallel_loop3A_397 = arith.constant 0 : i32
        %parallel_loop3A_398 = vector.broadcast %parallel_loop3A_397 : i32 to vector<16xi32>
        %parallel_loop3A_399 = arith.select %parallel_loop3A_393, %parallel_loop3A_396, %parallel_loop3A_398 : vector<16xi1>, vector<16xi32>
        %parallel_loop3A_400 = arith.subi %parallel_loop3A_388, %parallel_loop3A_399 : vector<16xi32>
        %parallel_loop3A_401 = arith.constant 5 : i32
        %parallel_loop3A_402 = vector.broadcast %parallel_loop3A_401 : i32 to vector<16xi32>
        %parallel_loop3A_403 = arith.shrui %parallel_loop3A_354, %parallel_loop3A_402 : vector<16xi32>
        %parallel_loop3A_404 = arith.constant 65536 : i32
        %parallel_loop3A_405 = vector.broadcast %parallel_loop3A_404 : i32 to vector<16xi32>
        %parallel_loop3A_406 = arith.muli %parallel_loop3A_403, %parallel_loop3A_405 : vector<16xi32>
        %parallel_loop3A_407 = arith.constant 256 : i32
        %parallel_loop3A_408 = vector.broadcast %parallel_loop3A_407 : i32 to vector<16xi32>
        %parallel_loop3A_409 = arith.muli %parallel_loop3A_377, %parallel_loop3A_408 : vector<16xi32>
        %parallel_loop3A_410 = arith.addi %parallel_loop3A_406, %parallel_loop3A_409 : vector<16xi32>
        %parallel_loop3A_411 = arith.addi %parallel_loop3A_410, %parallel_loop3A_400 : vector<16xi32>
        %parallel_loop3A_412 = arith.constant 524288 : i32
        %parallel_loop3A_413 = vector.broadcast %parallel_loop3A_412 : i32 to vector<16xi32>
        %parallel_loop3A_414 = arith.select %parallel_loop3A_331, %parallel_loop3A_411, %parallel_loop3A_413 : vector<16xi1>, vector<16xi32>
        %parallel_loop3A_415 = arith.constant 16 : i32
        %parallel_loop3A_416 = arith.muli %parallel_loop3A_299, %parallel_loop3A_415 : i32
        %parallel_loop3A_417 = arith.index_cast %parallel_loop3A_416 : i32 to index
        %parallel_loop3A_418 = tpu.vector_load %arg11[%parallel_loop3A_417] {strides = array<i32>} : memref<2048xi32, #tpu.memory_space<vmem>>, vector<16xi32>,
        tpu.vector_store %arg11[%parallel_loop3A_417], %parallel_loop3A_414 {strides = array<i32>} : memref<2048xi32, #tpu.memory_space<vmem>>, vector<16xi32>,
        %parallel_loop3A_419 = arith.constant 31 : i32
        %parallel_loop3A_420 = vector.broadcast %parallel_loop3A_419 : i32 to vector<16xi32>
        %parallel_loop3A_421 = arith.andi %parallel_loop3A_354, %parallel_loop3A_420 : vector<16xi32>
        %parallel_loop3A_422 = arith.index_cast %parallel_loop3A_303 : i32 to index
        %parallel_loop3A_423 = tpu.vector_load %arg13[%parallel_loop3A_422] {strides = array<i32>} : memref<8192xi32, #tpu.memory_space<vmem>>, vector<16xi32>,
        tpu.vector_store %arg13[%parallel_loop3A_422], %parallel_loop3A_421 {strides = array<i32>} : memref<8192xi32, #tpu.memory_space<vmem>>, vector<16xi32>,
      } {sc.loop_unroll_factor = 4 : i64, sc.parallel_access}
      %dma_start3A_275 = arith.constant 0 : i32
      %dma_start3A_276 = tpu.memref_slice %arg18[%dma_start3A_275] : memref<524296xi32, #tpu.memory_space<vmem_shared>> -> memref<524296xi32, #tpu.memory_space<vmem_shared>>
      tpu.enqueue_indirect_dma source(%dma_start3A_276 : memref<524296xi32, #tpu.memory_space<vmem_shared>>) target(%arg14 : memref<2048xi32, #tpu.memory_space<vmem>>) offsets(%arg11 : memref<2048xi32, #tpu.memory_space<vmem>>) semaphore(%arg19 : memref<!tpu.dma_semaphore, #tpu.memory_space<semaphore_mem>>)
      %dma_wait3A_277 = arith.constant 0 : i32
      %dma_wait3A_278 = tpu.memref_slice %arg18[%dma_wait3A_277] : memref<524296xi32, #tpu.memory_space<vmem_shared>> -> memref<524296xi32, #tpu.memory_space<vmem_shared>>
      tpu.wait_indirect_dma semaphore(%arg20 : memref<!tpu.dma_semaphore, #tpu.memory_space<semaphore_mem>>) src(%dma_wait3A_278 : memref<524296xi32, #tpu.memory_space<vmem_shared>>) dst(%arg15 : memref<2048xi32, #tpu.memory_space<vmem>>)
      %parallel_loop3A_279 = arith.constant 0 : i32
      %parallel_loop3A_280 = arith.constant 128 : i32
      %parallel_loop3A_281 = arith.constant 1 : i32
      scf.for %parallel_loop3A_299 = %parallel_loop3A_279 to %parallel_loop3A_280 step %parallel_loop3A_281  : i32 {
        %parallel_loop3A_300 = arith.constant 16 : i32
        %parallel_loop3A_301 = arith.muli %parallel_loop3A_299, %parallel_loop3A_300 : i32
        %parallel_loop3A_302 = arith.constant 2048 : i32
        %parallel_loop3A_303 = arith.addi %parallel_loop3A_302, %parallel_loop3A_301 : i32
        %parallel_loop3A_304 = arith.constant 16 : i32
        %parallel_loop3A_305 = arith.muli %parallel_loop3A_299, %parallel_loop3A_304 : i32
        %parallel_loop3A_306 = arith.index_cast %parallel_loop3A_305 : i32 to index
        %parallel_loop3A_307 = tpu.vector_load %arg15[%parallel_loop3A_306] {strides = array<i32>} : memref<2048xi32, #tpu.memory_space<vmem>>, vector<16xi32>,
        %parallel_loop3A_308 = arith.index_cast %parallel_loop3A_303 : i32 to index
        %parallel_loop3A_309 = tpu.vector_load %arg13[%parallel_loop3A_308] {strides = array<i32>} : memref<8192xi32, #tpu.memory_space<vmem>>, vector<16xi32>,
        %parallel_loop3A_310 = arith.shrui %parallel_loop3A_307, %parallel_loop3A_309 : vector<16xi32>
        %parallel_loop3A_311 = arith.constant 1 : i32
        %parallel_loop3A_312 = vector.broadcast %parallel_loop3A_311 : i32 to vector<16xi32>
        %parallel_loop3A_313 = arith.andi %parallel_loop3A_310, %parallel_loop3A_312 : vector<16xi32>
        %parallel_loop3A_314 = arith.index_cast %parallel_loop3A_303 : i32 to index
        %parallel_loop3A_315 = tpu.vector_load %arg16[%parallel_loop3A_314] {strides = array<i32>} : memref<8192xi32, #tpu.memory_space<vmem>>, vector<16xi32>,
        tpu.vector_store %arg16[%parallel_loop3A_314], %parallel_loop3A_313 {strides = array<i32>} : memref<8192xi32, #tpu.memory_space<vmem>>, vector<16xi32>,
      } {sc.loop_unroll_factor = 4 : i64, sc.parallel_access}
      %parallel_loop3A_282 = arith.constant 0 : i32
      %parallel_loop3A_283 = arith.constant 128 : i32
      %parallel_loop3A_284 = arith.constant 1 : i32
      scf.for %parallel_loop3A_299 = %parallel_loop3A_282 to %parallel_loop3A_283 step %parallel_loop3A_284  : i32 {
        %parallel_loop3A_300 = arith.constant 16 : i32
        %parallel_loop3A_301 = arith.muli %parallel_loop3A_299, %parallel_loop3A_300 : i32
        %parallel_loop3A_302 = arith.constant 6144 : i32
        %parallel_loop3A_303 = arith.addi %parallel_loop3A_302, %parallel_loop3A_301 : i32
        %parallel_loop3A_304 = arith.constant 1 : i32
        %parallel_loop3A_305 = arith.index_cast %parallel_loop3A_304 : i32 to index
        %parallel_loop3A_306 = arith.index_cast %parallel_loop3A_303 : i32 to index
        %parallel_loop3A_307 = tpu.vector_load %arg8[%parallel_loop3A_305, %parallel_loop3A_306] {strides = array<i32>} : memref<2x8192xf32, #tpu.memory_space<vmem>>, vector<16xf32>,
        %parallel_loop3A_308 = arith.mulf %parallel_loop3A_307, %get3A_3 : vector<16xf32>
        %parallel_loop3A_309 = arith.addf %parallel_loop3A_308, %get3A_9 : vector<16xf32>
        %parallel_loop3A_310 = arith.constant 1 : i32
        %parallel_loop3A_311 = arith.index_cast %parallel_loop3A_310 : i32 to index
        %parallel_loop3A_312 = arith.index_cast %parallel_loop3A_303 : i32 to index
        %parallel_loop3A_313 = tpu.vector_load %arg9[%parallel_loop3A_311, %parallel_loop3A_312] {strides = array<i32>} : memref<2x8192xf32, #tpu.memory_space<vmem>>, vector<16xf32>,
        %parallel_loop3A_314 = arith.mulf %parallel_loop3A_313, %get3A_5 : vector<16xf32>
        %parallel_loop3A_315 = arith.addf %parallel_loop3A_314, %get3A_11 : vector<16xf32>
        %parallel_loop3A_316 = arith.constant 1 : i32
        %parallel_loop3A_317 = arith.index_cast %parallel_loop3A_316 : i32 to index
        %parallel_loop3A_318 = arith.index_cast %parallel_loop3A_303 : i32 to index
        %parallel_loop3A_319 = tpu.vector_load %arg10[%parallel_loop3A_317, %parallel_loop3A_318] {strides = array<i32>} : memref<2x8192xf32, #tpu.memory_space<vmem>>, vector<16xf32>,
        %parallel_loop3A_320 = arith.mulf %parallel_loop3A_319, %get3A_7 : vector<16xf32>
        %parallel_loop3A_321 = arith.addf %parallel_loop3A_320, %get3A_13 : vector<16xf32>
        %parallel_loop3A_322 = arith.minimumf %parallel_loop3A_309, %parallel_loop3A_315 : vector<16xf32>
        %parallel_loop3A_323 = arith.minimumf %parallel_loop3A_322, %parallel_loop3A_321 : vector<16xf32>
        %parallel_loop3A_324 = arith.maximumf %parallel_loop3A_309, %parallel_loop3A_315 : vector<16xf32>
        %parallel_loop3A_325 = arith.maximumf %parallel_loop3A_324, %parallel_loop3A_321 : vector<16xf32>
        %parallel_loop3A_326 = arith.constant -5.000000e-01 : f32
        %parallel_loop3A_327 = vector.broadcast %parallel_loop3A_326 : f32 to vector<16xf32>
        %parallel_loop3A_328 = arith.cmpf oge, %parallel_loop3A_323, %parallel_loop3A_327 : vector<16xf32>
        %parallel_loop3A_329 = vector.broadcast %sub3A_15 : f32 to vector<16xf32>
        %parallel_loop3A_330 = arith.cmpf olt, %parallel_loop3A_325, %parallel_loop3A_329 : vector<16xf32>
        %parallel_loop3A_331 = arith.andi %parallel_loop3A_328, %parallel_loop3A_330 : vector<16xi1>
        %parallel_loop3A_332 = arith.constant 5.000000e-01 : f32
        %parallel_loop3A_333 = arith.subf %sub3A_15, %parallel_loop3A_332 : f32
        %parallel_loop3A_334 = arith.constant 0.000000e+00 : f32
        %parallel_loop3A_335 = vector.broadcast %parallel_loop3A_334 : f32 to vector<16xf32>
        %parallel_loop3A_336 = arith.maximumf %parallel_loop3A_335, %parallel_loop3A_309 : vector<16xf32>
        %parallel_loop3A_337 = vector.broadcast %parallel_loop3A_333 : f32 to vector<16xf32>
        %parallel_loop3A_338 = arith.minimumf %parallel_loop3A_337, %parallel_loop3A_336 : vector<16xf32>
        %parallel_loop3A_339 = arith.constant 5.000000e-01 : f32
        %parallel_loop3A_340 = vector.broadcast %parallel_loop3A_339 : f32 to vector<16xf32>
        %parallel_loop3A_341 = arith.addf %parallel_loop3A_338, %parallel_loop3A_340 : vector<16xf32>
        %parallel_loop3A_342 = arith.fptosi %parallel_loop3A_341 : vector<16xf32> to vector<16xi32>
        %parallel_loop3A_343 = arith.sitofp %parallel_loop3A_342 : vector<16xi32> to vector<16xf32>
        %parallel_loop3A_344 = arith.subf %parallel_loop3A_343, %parallel_loop3A_338 : vector<16xf32>
        %parallel_loop3A_345 = arith.constant 5.000000e-01 : f32
        %parallel_loop3A_346 = vector.broadcast %parallel_loop3A_345 : f32 to vector<16xf32>
        %parallel_loop3A_347 = arith.cmpf oeq, %parallel_loop3A_344, %parallel_loop3A_346 : vector<16xf32>
        %parallel_loop3A_348 = arith.constant 1 : i32
        %parallel_loop3A_349 = vector.broadcast %parallel_loop3A_348 : i32 to vector<16xi32>
        %parallel_loop3A_350 = arith.andi %parallel_loop3A_342, %parallel_loop3A_349 : vector<16xi32>
        %parallel_loop3A_351 = arith.constant 0 : i32
        %parallel_loop3A_352 = vector.broadcast %parallel_loop3A_351 : i32 to vector<16xi32>
        %parallel_loop3A_353 = arith.select %parallel_loop3A_347, %parallel_loop3A_350, %parallel_loop3A_352 : vector<16xi1>, vector<16xi32>
        %parallel_loop3A_354 = arith.subi %parallel_loop3A_342, %parallel_loop3A_353 : vector<16xi32>
        %parallel_loop3A_355 = arith.constant 5.000000e-01 : f32
        %parallel_loop3A_356 = arith.subf %sub3A_18, %parallel_loop3A_355 : f32
        %parallel_loop3A_357 = arith.constant 0.000000e+00 : f32
        %parallel_loop3A_358 = vector.broadcast %parallel_loop3A_357 : f32 to vector<16xf32>
        %parallel_loop3A_359 = arith.maximumf %parallel_loop3A_358, %parallel_loop3A_315 : vector<16xf32>
        %parallel_loop3A_360 = vector.broadcast %parallel_loop3A_356 : f32 to vector<16xf32>
        %parallel_loop3A_361 = arith.minimumf %parallel_loop3A_360, %parallel_loop3A_359 : vector<16xf32>
        %parallel_loop3A_362 = arith.constant 5.000000e-01 : f32
        %parallel_loop3A_363 = vector.broadcast %parallel_loop3A_362 : f32 to vector<16xf32>
        %parallel_loop3A_364 = arith.addf %parallel_loop3A_361, %parallel_loop3A_363 : vector<16xf32>
        %parallel_loop3A_365 = arith.fptosi %parallel_loop3A_364 : vector<16xf32> to vector<16xi32>
        %parallel_loop3A_366 = arith.sitofp %parallel_loop3A_365 : vector<16xi32> to vector<16xf32>
        %parallel_loop3A_367 = arith.subf %parallel_loop3A_366, %parallel_loop3A_361 : vector<16xf32>
        %parallel_loop3A_368 = arith.constant 5.000000e-01 : f32
        %parallel_loop3A_369 = vector.broadcast %parallel_loop3A_368 : f32 to vector<16xf32>
        %parallel_loop3A_370 = arith.cmpf oeq, %parallel_loop3A_367, %parallel_loop3A_369 : vector<16xf32>
        %parallel_loop3A_371 = arith.constant 1 : i32
        %parallel_loop3A_372 = vector.broadcast %parallel_loop3A_371 : i32 to vector<16xi32>
        %parallel_loop3A_373 = arith.andi %parallel_loop3A_365, %parallel_loop3A_372 : vector<16xi32>
        %parallel_loop3A_374 = arith.constant 0 : i32
        %parallel_loop3A_375 = vector.broadcast %parallel_loop3A_374 : i32 to vector<16xi32>
        %parallel_loop3A_376 = arith.select %parallel_loop3A_370, %parallel_loop3A_373, %parallel_loop3A_375 : vector<16xi1>, vector<16xi32>
        %parallel_loop3A_377 = arith.subi %parallel_loop3A_365, %parallel_loop3A_376 : vector<16xi32>
        %parallel_loop3A_378 = arith.constant 5.000000e-01 : f32
        %parallel_loop3A_379 = arith.subf %sub3A_21, %parallel_loop3A_378 : f32
        %parallel_loop3A_380 = arith.constant 0.000000e+00 : f32
        %parallel_loop3A_381 = vector.broadcast %parallel_loop3A_380 : f32 to vector<16xf32>
        %parallel_loop3A_382 = arith.maximumf %parallel_loop3A_381, %parallel_loop3A_321 : vector<16xf32>
        %parallel_loop3A_383 = vector.broadcast %parallel_loop3A_379 : f32 to vector<16xf32>
        %parallel_loop3A_384 = arith.minimumf %parallel_loop3A_383, %parallel_loop3A_382 : vector<16xf32>
        %parallel_loop3A_385 = arith.constant 5.000000e-01 : f32
        %parallel_loop3A_386 = vector.broadcast %parallel_loop3A_385 : f32 to vector<16xf32>
        %parallel_loop3A_387 = arith.addf %parallel_loop3A_384, %parallel_loop3A_386 : vector<16xf32>
        %parallel_loop3A_388 = arith.fptosi %parallel_loop3A_387 : vector<16xf32> to vector<16xi32>
        %parallel_loop3A_389 = arith.sitofp %parallel_loop3A_388 : vector<16xi32> to vector<16xf32>
        %parallel_loop3A_390 = arith.subf %parallel_loop3A_389, %parallel_loop3A_384 : vector<16xf32>
        %parallel_loop3A_391 = arith.constant 5.000000e-01 : f32
        %parallel_loop3A_392 = vector.broadcast %parallel_loop3A_391 : f32 to vector<16xf32>
        %parallel_loop3A_393 = arith.cmpf oeq, %parallel_loop3A_390, %parallel_loop3A_392 : vector<16xf32>
        %parallel_loop3A_394 = arith.constant 1 : i32
        %parallel_loop3A_395 = vector.broadcast %parallel_loop3A_394 : i32 to vector<16xi32>
        %parallel_loop3A_396 = arith.andi %parallel_loop3A_388, %parallel_loop3A_395 : vector<16xi32>
        %parallel_loop3A_397 = arith.constant 0 : i32
        %parallel_loop3A_398 = vector.broadcast %parallel_loop3A_397 : i32 to vector<16xi32>
        %parallel_loop3A_399 = arith.select %parallel_loop3A_393, %parallel_loop3A_396, %parallel_loop3A_398 : vector<16xi1>, vector<16xi32>
        %parallel_loop3A_400 = arith.subi %parallel_loop3A_388, %parallel_loop3A_399 : vector<16xi32>
        %parallel_loop3A_401 = arith.constant 5 : i32
        %parallel_loop3A_402 = vector.broadcast %parallel_loop3A_401 : i32 to vector<16xi32>
        %parallel_loop3A_403 = arith.shrui %parallel_loop3A_354, %parallel_loop3A_402 : vector<16xi32>
        %parallel_loop3A_404 = arith.constant 65536 : i32
        %parallel_loop3A_405 = vector.broadcast %parallel_loop3A_404 : i32 to vector<16xi32>
        %parallel_loop3A_406 = arith.muli %parallel_loop3A_403, %parallel_loop3A_405 : vector<16xi32>
        %parallel_loop3A_407 = arith.constant 256 : i32
        %parallel_loop3A_408 = vector.broadcast %parallel_loop3A_407 : i32 to vector<16xi32>
        %parallel_loop3A_409 = arith.muli %parallel_loop3A_377, %parallel_loop3A_408 : vector<16xi32>
        %parallel_loop3A_410 = arith.addi %parallel_loop3A_406, %parallel_loop3A_409 : vector<16xi32>
        %parallel_loop3A_411 = arith.addi %parallel_loop3A_410, %parallel_loop3A_400 : vector<16xi32>
        %parallel_loop3A_412 = arith.constant 524288 : i32
        %parallel_loop3A_413 = vector.broadcast %parallel_loop3A_412 : i32 to vector<16xi32>
        %parallel_loop3A_414 = arith.select %parallel_loop3A_331, %parallel_loop3A_411, %parallel_loop3A_413 : vector<16xi1>, vector<16xi32>
        %parallel_loop3A_415 = arith.constant 16 : i32
        %parallel_loop3A_416 = arith.muli %parallel_loop3A_299, %parallel_loop3A_415 : i32
        %parallel_loop3A_417 = arith.index_cast %parallel_loop3A_416 : i32 to index
        %parallel_loop3A_418 = tpu.vector_load %arg12[%parallel_loop3A_417] {strides = array<i32>} : memref<2048xi32, #tpu.memory_space<vmem>>, vector<16xi32>,
        tpu.vector_store %arg12[%parallel_loop3A_417], %parallel_loop3A_414 {strides = array<i32>} : memref<2048xi32, #tpu.memory_space<vmem>>, vector<16xi32>,
        %parallel_loop3A_419 = arith.constant 31 : i32
        %parallel_loop3A_420 = vector.broadcast %parallel_loop3A_419 : i32 to vector<16xi32>
        %parallel_loop3A_421 = arith.andi %parallel_loop3A_354, %parallel_loop3A_420 : vector<16xi32>
        %parallel_loop3A_422 = arith.index_cast %parallel_loop3A_303 : i32 to index
        %parallel_loop3A_423 = tpu.vector_load %arg13[%parallel_loop3A_422] {strides = array<i32>} : memref<8192xi32, #tpu.memory_space<vmem>>, vector<16xi32>,
        tpu.vector_store %arg13[%parallel_loop3A_422], %parallel_loop3A_421 {strides = array<i32>} : memref<8192xi32, #tpu.memory_space<vmem>>, vector<16xi32>,
      } {sc.loop_unroll_factor = 4 : i64, sc.parallel_access}
      %dma_start3A_285 = arith.constant 0 : i32
      %dma_start3A_286 = tpu.memref_slice %arg18[%dma_start3A_285] : memref<524296xi32, #tpu.memory_space<vmem_shared>> -> memref<524296xi32, #tpu.memory_space<vmem_shared>>
      tpu.enqueue_indirect_dma source(%dma_start3A_286 : memref<524296xi32, #tpu.memory_space<vmem_shared>>) target(%arg15 : memref<2048xi32, #tpu.memory_space<vmem>>) offsets(%arg12 : memref<2048xi32, #tpu.memory_space<vmem>>) semaphore(%arg20 : memref<!tpu.dma_semaphore, #tpu.memory_space<semaphore_mem>>)
      %dma_wait3A_287 = arith.constant 0 : i32
      %dma_wait3A_288 = tpu.memref_slice %arg18[%dma_wait3A_287] : memref<524296xi32, #tpu.memory_space<vmem_shared>> -> memref<524296xi32, #tpu.memory_space<vmem_shared>>
      tpu.wait_indirect_dma semaphore(%arg19 : memref<!tpu.dma_semaphore, #tpu.memory_space<semaphore_mem>>) src(%dma_wait3A_288 : memref<524296xi32, #tpu.memory_space<vmem_shared>>) dst(%arg14 : memref<2048xi32, #tpu.memory_space<vmem>>)
      %parallel_loop3A_289 = arith.constant 0 : i32
      %parallel_loop3A_290 = arith.constant 128 : i32
      %parallel_loop3A_291 = arith.constant 1 : i32
      scf.for %parallel_loop3A_299 = %parallel_loop3A_289 to %parallel_loop3A_290 step %parallel_loop3A_291  : i32 {
        %parallel_loop3A_300 = arith.constant 16 : i32
        %parallel_loop3A_301 = arith.muli %parallel_loop3A_299, %parallel_loop3A_300 : i32
        %parallel_loop3A_302 = arith.constant 4096 : i32
        %parallel_loop3A_303 = arith.addi %parallel_loop3A_302, %parallel_loop3A_301 : i32
        %parallel_loop3A_304 = arith.constant 16 : i32
        %parallel_loop3A_305 = arith.muli %parallel_loop3A_299, %parallel_loop3A_304 : i32
        %parallel_loop3A_306 = arith.index_cast %parallel_loop3A_305 : i32 to index
        %parallel_loop3A_307 = tpu.vector_load %arg14[%parallel_loop3A_306] {strides = array<i32>} : memref<2048xi32, #tpu.memory_space<vmem>>, vector<16xi32>,
        %parallel_loop3A_308 = arith.index_cast %parallel_loop3A_303 : i32 to index
        %parallel_loop3A_309 = tpu.vector_load %arg13[%parallel_loop3A_308] {strides = array<i32>} : memref<8192xi32, #tpu.memory_space<vmem>>, vector<16xi32>,
        %parallel_loop3A_310 = arith.shrui %parallel_loop3A_307, %parallel_loop3A_309 : vector<16xi32>
        %parallel_loop3A_311 = arith.constant 1 : i32
        %parallel_loop3A_312 = vector.broadcast %parallel_loop3A_311 : i32 to vector<16xi32>
        %parallel_loop3A_313 = arith.andi %parallel_loop3A_310, %parallel_loop3A_312 : vector<16xi32>
        %parallel_loop3A_314 = arith.index_cast %parallel_loop3A_303 : i32 to index
        %parallel_loop3A_315 = tpu.vector_load %arg16[%parallel_loop3A_314] {strides = array<i32>} : memref<8192xi32, #tpu.memory_space<vmem>>, vector<16xi32>,
        tpu.vector_store %arg16[%parallel_loop3A_314], %parallel_loop3A_313 {strides = array<i32>} : memref<8192xi32, #tpu.memory_space<vmem>>, vector<16xi32>,
      } {sc.loop_unroll_factor = 4 : i64, sc.parallel_access}
      %dma_wait3A_292 = arith.constant 0 : i32
      %dma_wait3A_293 = tpu.memref_slice %arg18[%dma_wait3A_292] : memref<524296xi32, #tpu.memory_space<vmem_shared>> -> memref<524296xi32, #tpu.memory_space<vmem_shared>>
      tpu.wait_indirect_dma semaphore(%arg20 : memref<!tpu.dma_semaphore, #tpu.memory_space<semaphore_mem>>) src(%dma_wait3A_293 : memref<524296xi32, #tpu.memory_space<vmem_shared>>) dst(%arg15 : memref<2048xi32, #tpu.memory_space<vmem>>)
      %parallel_loop3A_294 = arith.constant 0 : i32
      %parallel_loop3A_295 = arith.constant 128 : i32
      %parallel_loop3A_296 = arith.constant 1 : i32
      scf.for %parallel_loop3A_299 = %parallel_loop3A_294 to %parallel_loop3A_295 step %parallel_loop3A_296  : i32 {
        %parallel_loop3A_300 = arith.constant 16 : i32
        %parallel_loop3A_301 = arith.muli %parallel_loop3A_299, %parallel_loop3A_300 : i32
        %parallel_loop3A_302 = arith.constant 6144 : i32
        %parallel_loop3A_303 = arith.addi %parallel_loop3A_302, %parallel_loop3A_301 : i32
        %parallel_loop3A_304 = arith.constant 16 : i32
        %parallel_loop3A_305 = arith.muli %parallel_loop3A_299, %parallel_loop3A_304 : i32
        %parallel_loop3A_306 = arith.index_cast %parallel_loop3A_305 : i32 to index
        %parallel_loop3A_307 = tpu.vector_load %arg15[%parallel_loop3A_306] {strides = array<i32>} : memref<2048xi32, #tpu.memory_space<vmem>>, vector<16xi32>,
        %parallel_loop3A_308 = arith.index_cast %parallel_loop3A_303 : i32 to index
        %parallel_loop3A_309 = tpu.vector_load %arg13[%parallel_loop3A_308] {strides = array<i32>} : memref<8192xi32, #tpu.memory_space<vmem>>, vector<16xi32>,
        %parallel_loop3A_310 = arith.shrui %parallel_loop3A_307, %parallel_loop3A_309 : vector<16xi32>
        %parallel_loop3A_311 = arith.constant 1 : i32
        %parallel_loop3A_312 = vector.broadcast %parallel_loop3A_311 : i32 to vector<16xi32>
        %parallel_loop3A_313 = arith.andi %parallel_loop3A_310, %parallel_loop3A_312 : vector<16xi32>
        %parallel_loop3A_314 = arith.index_cast %parallel_loop3A_303 : i32 to index
        %parallel_loop3A_315 = tpu.vector_load %arg16[%parallel_loop3A_314] {strides = array<i32>} : memref<8192xi32, #tpu.memory_space<vmem>>, vector<16xi32>,
        tpu.vector_store %arg16[%parallel_loop3A_314], %parallel_loop3A_313 {strides = array<i32>} : memref<8192xi32, #tpu.memory_space<vmem>>, vector<16xi32>,
      } {sc.loop_unroll_factor = 4 : i64, sc.parallel_access}
      "tpu.region"() ({
        %run_scoped3A = tpu.sem_alloc : memref<!tpu.dma_semaphore, #tpu.memory_space<semaphore_mem>>
        %dma_start3A_299 = tpu.memref_slice %arg7[%add3A_256] : memref<2097152xi32, #tpu.memory_space<hbm>> -> memref<8192xi32, #tpu.memory_space<hbm>>
        %dma_start3A_300 = tpu.memref_slice %arg7[%add3A_256] : memref<2097152xi32, #tpu.memory_space<hbm>> -> memref<8192xi32, #tpu.memory_space<hbm>>
        tpu.enqueue_dma source(%arg16 : memref<8192xi32, #tpu.memory_space<vmem>>) target(%dma_start3A_300 : memref<8192xi32, #tpu.memory_space<hbm>>) target_semaphore(%run_scoped3A : memref<!tpu.dma_semaphore, #tpu.memory_space<semaphore_mem>>)
        %dma_wait3A_301 = tpu.memref_slice %arg7[%add3A_256] : memref<2097152xi32, #tpu.memory_space<hbm>> -> memref<8192xi32, #tpu.memory_space<hbm>>
        %dma_wait3A_302 = tpu.memref_slice %arg7[%add3A_256] : memref<2097152xi32, #tpu.memory_space<hbm>> -> memref<8192xi32, #tpu.memory_space<hbm>>
        tpu.wait_dma2 semaphore(%run_scoped3A : memref<!tpu.dma_semaphore, #tpu.memory_space<semaphore_mem>>) src(%arg16 : memref<8192xi32, #tpu.memory_space<vmem>>) dst(%dma_wait3A_302 : memref<8192xi32, #tpu.memory_space<hbm>>)
        tpu.yield
      }) : () -> ()
      %add3A_297 = arith.constant 16384 : i32
      %add3A_298 = arith.addi %multiple_of3A_89, %add3A_297 : i32
      scf.yield %add3A_298 : i32
    }
    %scan3A_54 = arith.constant 4 : i32
    %dma_wait3A = arith.constant 0 : i32
    %dma_wait3A_55 = arith.constant 0 : i32
    %dma_wait3A_56 = tpu.memref_slice %arg8[%dma_wait3A, %dma_wait3A_55] : memref<2x8192xf32, #tpu.memory_space<vmem>> -> memref<1x8192xf32, #tpu.memory_space<vmem>>
    %dma_wait3A_57 = tpu.memref_squeeze %dma_wait3A_56 : memref<1x8192xf32, #tpu.memory_space<vmem>> -> memref<8192xf32, #tpu.memory_space<vmem>>
    %dma_wait3A_58 = arith.constant 0 : i32
    %dma_wait3A_59 = tpu.memref_slice %arg2[%dma_wait3A_58] : memref<2097152xf32, #tpu.memory_space<hbm>> -> memref<8192xf32, #tpu.memory_space<hbm>>
    %dma_wait3A_60 = arith.constant 0 : i32
    %dma_wait3A_61 = tpu.memref_slice %arg8[%dma_wait3A, %dma_wait3A_60] : memref<2x8192xf32, #tpu.memory_space<vmem>> -> memref<1x8192xf32, #tpu.memory_space<vmem>>
    %dma_wait3A_62 = tpu.memref_squeeze %dma_wait3A_61 : memref<1x8192xf32, #tpu.memory_space<vmem>> -> memref<8192xf32, #tpu.memory_space<vmem>>
    %dma_wait3A_63 = arith.constant 0 : i32
    %dma_wait3A_64 = tpu.memref_slice %arg2[%dma_wait3A_63] : memref<2097152xf32, #tpu.memory_space<hbm>> -> memref<8192xf32, #tpu.memory_space<hbm>>
    tpu.wait_dma2 semaphore(%arg21 : memref<!tpu.dma_semaphore, #tpu.memory_space<semaphore_mem>>) src(%dma_wait3A_64 : memref<8192xf32, #tpu.memory_space<hbm>>) dst(%dma_wait3A_62 : memref<8192xf32, #tpu.memory_space<vmem>>)
    %dma_wait3A_65 = arith.constant 0 : i32
    %dma_wait3A_66 = arith.constant 0 : i32
    %dma_wait3A_67 = tpu.memref_slice %arg9[%dma_wait3A_65, %dma_wait3A_66] : memref<2x8192xf32, #tpu.memory_space<vmem>> -> memref<1x8192xf32, #tpu.memory_space<vmem>>
    %dma_wait3A_68 = tpu.memref_squeeze %dma_wait3A_67 : memref<1x8192xf32, #tpu.memory_space<vmem>> -> memref<8192xf32, #tpu.memory_space<vmem>>
    %dma_wait3A_69 = arith.constant 0 : i32
    %dma_wait3A_70 = tpu.memref_slice %arg3[%dma_wait3A_69] : memref<2097152xf32, #tpu.memory_space<hbm>> -> memref<8192xf32, #tpu.memory_space<hbm>>
    %dma_wait3A_71 = arith.constant 0 : i32
    %dma_wait3A_72 = tpu.memref_slice %arg9[%dma_wait3A_65, %dma_wait3A_71] : memref<2x8192xf32, #tpu.memory_space<vmem>> -> memref<1x8192xf32, #tpu.memory_space<vmem>>
    %dma_wait3A_73 = tpu.memref_squeeze %dma_wait3A_72 : memref<1x8192xf32, #tpu.memory_space<vmem>> -> memref<8192xf32, #tpu.memory_space<vmem>>
    %dma_wait3A_74 = arith.constant 0 : i32
    %dma_wait3A_75 = tpu.memref_slice %arg3[%dma_wait3A_74] : memref<2097152xf32, #tpu.memory_space<hbm>> -> memref<8192xf32, #tpu.memory_space<hbm>>
    tpu.wait_dma2 semaphore(%arg21 : memref<!tpu.dma_semaphore, #tpu.memory_space<semaphore_mem>>) src(%dma_wait3A_75 : memref<8192xf32, #tpu.memory_space<hbm>>) dst(%dma_wait3A_73 : memref<8192xf32, #tpu.memory_space<vmem>>)
    %dma_wait3A_76 = arith.constant 0 : i32
    %dma_wait3A_77 = arith.constant 0 : i32
    %dma_wait3A_78 = tpu.memref_slice %arg10[%dma_wait3A_76, %dma_wait3A_77] : memref<2x8192xf32, #tpu.memory_space<vmem>> -> memref<1x8192xf32, #tpu.memory_space<vmem>>
    %dma_wait3A_79 = tpu.memref_squeeze %dma_wait3A_78 : memref<1x8192xf32, #tpu.memory_space<vmem>> -> memref<8192xf32, #tpu.memory_space<vmem>>
    %dma_wait3A_80 = arith.constant 0 : i32
    %dma_wait3A_81 = tpu.memref_slice %arg4[%dma_wait3A_80] : memref<2097152xf32, #tpu.memory_space<hbm>> -> memref<8192xf32, #tpu.memory_space<hbm>>
    %dma_wait3A_82 = arith.constant 0 : i32
    %dma_wait3A_83 = tpu.memref_slice %arg10[%dma_wait3A_76, %dma_wait3A_82] : memref<2x8192xf32, #tpu.memory_space<vmem>> -> memref<1x8192xf32, #tpu.memory_space<vmem>>
    %dma_wait3A_84 = tpu.memref_squeeze %dma_wait3A_83 : memref<1x8192xf32, #tpu.memory_space<vmem>> -> memref<8192xf32, #tpu.memory_space<vmem>>
    %dma_wait3A_85 = arith.constant 0 : i32
    %dma_wait3A_86 = tpu.memref_slice %arg4[%dma_wait3A_85] : memref<2097152xf32, #tpu.memory_space<hbm>> -> memref<8192xf32, #tpu.memory_space<hbm>>
    tpu.wait_dma2 semaphore(%arg21 : memref<!tpu.dma_semaphore, #tpu.memory_space<semaphore_mem>>) src(%dma_wait3A_86 : memref<8192xf32, #tpu.memory_space<hbm>>) dst(%dma_wait3A_84 : memref<8192xf32, #tpu.memory_space<vmem>>)
    return
  }
}

</mosaic_0001>

<sc_bundles>
// kernel: kernel.3.cloned.1.call-start
scs
__scs_entry_jumppad:
0x0: {  	(pc) =	sbr.rel $0x88, $3  }
0x1: {  	(tag) =	ssettag $0x0;
	lr =	simm.s32 $0x1  }
0x2: {  	[smem:$0x3F9D] =	sst lr;
	_ =	strace $0xD0000000  }
0x3: {  	_ = 	snop  }
0x4: {  	_ = 	snop  }
0x5: {  	_ = 	snop  }
0x6: {  	_ = 	snop  }
0x7: {  	_ = 	snop  }
__scs_overlays_trampoline_lowered:
0x8: {  	[smem:$0x3FAC] =	sst s0  }
0x9: {  	[smem:$0x3FAD] =	sst s1  }
0xa: {  	[smem:$0x3FAE] =	sst s2  }
0xb: {  	[smem:$0x3FAF] =	sst s3  }
0xc: {  	[smem:$0x3FB0] =	sst s4  }
0xd: {  	[smem:$0x3FB1] =	sst s5  }
0xe: {  	[smem:$0x3FB2] =	sst s6  }
0xf: {  	[smem:$0x3FB3] =	sst s7  }
0x10: {  	[smem:$0x3FB4] =	sst s8  }
0x11: {  	[smem:$0x3FB5] =	sst s9;
	s0 =	simm.s32 @!p0 $0x0  }
0x12: {  	s1 =	sld [smem:$0x3F9B];
	s0 =	simm.s32 @p0 $0x1  }
0x13: {  	[smem:$0x3FB6] =	sst s0;
	s0 =	simm.s32 @!p1 $0x0  }
0x14: {  	s2 =	sld [smem:$0x3F9A];
	s0 =	simm.s32 @p1 $0x1  }
0x15: {  	[smem:$0x3FB7] =	sst s0;
	s0 =	simm.s32 @!p2 $0x0  }
0x16: {  	s3 =	sld [smem:$0x3FDB];
	s0 =	simm.s32 @p2 $0x1  }
0x17: {  	s4 =	simm.s32 $0x1BF5;
	[smem:$0x3FB9] =	sst s0  }
0x18: {  	s0 =	sld [smem:$0x3F9C];
	_ =	swait.ge [sflag:s4], $0x0  }
0x19: {  	s7 =	sld [smem:$0x3F9D]  }
0x1a: {  	s8 =	sadd.s32 $0xFFFFE003, lr  }
0x1b: {  	s9 =	sadd.s32 $0xFFFFFEF7, lr;
	s5 =	simm.s32 $0xFFFFFFFF;
	p2 =	slt.u32 s8, $0xFFFFF086  }
0x1c: {  	p1 =	slt.u32 s9, $0xF7A;
	s5 =	simm.s32 @!p2 $0x0  }
0x1d: {  	s5 =	simm.s32 @p1 $0x1;
	p0 =	seq.s32 s7, s2  }
0x1e: {  	s7 =	smul.u32 @!p0 $0xF7A, s2;
	p2 =	seq.s32 @!p0 s5, $0x0  }
0x1f: {  	s9 =	smul.u32 $0xF7A, s1;
	s8 =	simm.s32 @!p0 $0x1BF5;
	p2 =	por !p2, p0  }
0x20: {  	[sflag:s8] =	ssyncset.s32 @!p0 $0xFFFFF086;
	s6 =	sadd.s32 @!p0 s3, s7;
	s7 =	simm.s32 @!p0 $0x108  }
0x21: {  	s3 =	sadd.s32 s3, s9;
	s6 =	sadd.s32 @!p0 $0x88, s6;
	s7 =	simm.s32 @p2 $0x1082  }
0x22: {  	[simem:s7], [sflag:s8] =	dma.local @!p0 [hbm:s6], $0xF7A  }
0x23: {  	s9 =	sor.u32 $0xD0000000, s2;
	s6 =	simm.s32 $0x108;
	_ =	swait.ge @!p0 [sflag:s8], $0x0  }
0x24: {  	s3 =	sadd.s32 $0x88, s3;
	s6 =	simm.s32 @!p1 $0x1082;
	[sflag:s4] =	ssyncset.s32 $0xFFFFF086  }
0x25: {  	[simem:s6], [sflag:s4] =	dma.local [hbm:s3], $0xF7A  }
0x26: {  	[smem:$0x3F9D] =	sst s1;
	(tag) =	ssettag s2;
	_ =	strace s9  }
0x27: {  	s1 =	sld [smem:$0x3FAD]  }
0x28: {  	s2 =	sld [smem:$0x3FAE]  }
0x29: {  	s4 =	sld [smem:$0x3FB0]  }
0x2a: {  	p0 =	seq.s32 s5, $0x0;
	s5 =	sld [smem:$0x3FB1]  }
0x2b: {  	s6 =	sld [smem:$0x3FB2]  }
0x2c: {  	s7 =	sld [smem:$0x3FB3]  }
0x2d: {  	s3 =	simm.s32 $0x108;
	s8 =	sld [smem:$0x3FB4]  }
0x2e: {  	s3 =	simm.s32 @!p0 $0x1082;
	s9 =	sld [smem:$0x3FB5]  }
0x2f: {  	lr =	sadd.s32 s0, s3;
	s0 =	sld [smem:$0x3FAC]  }
0x30: {  	s3 =	sld [smem:$0x3FAF]  }
0x31: {  	[smem:$0x3FB8] =	sst s10  }
0x32: {  	s10 =	sld [smem:$0x3FB6];
	_ =	sdelay $0x3  }
0x33: {  	p0 =	seq.s32 s10, $0x1;
	s10 =	sld [smem:$0x3FB8];
	_ =	sdelay $0x3  }
0x34: {  	[smem:$0x3FB8] =	sst s10  }
0x35: {  	s10 =	sld [smem:$0x3FB7];
	_ =	sdelay $0x3  }
0x36: {  	p1 =	seq.s32 s10, $0x1;
	s10 =	sld [smem:$0x3FB8];
	_ =	sdelay $0x3  }
0x37: {  	[smem:$0x3FB8] =	sst s10  }
0x38: {  	s10 =	sld [smem:$0x3FB9]  }
0x39: {  	_ = 	snop;
	(pc) =	sbr.ind lr, $3  }
0x3a: {  	_ = 	snop  }
0x3b: {  	_ = 	snop  }
0x3c: {  	p2 =	seq.s32 s10, $0x1;
	s10 =	sld [smem:$0x3FB8]  }
0x3d: {  	_ =	shalt  }
0x3e: {  	_ =	shalt  }
0x3f: {  	_ =	shalt  }
0x40: {  	_ =	shalt  }
0x41: {  	_ =	shalt  }
0x42: {  	_ =	shalt  }
0x43: {  	_ =	shalt  }
0x44: {  	_ =	shalt  }
0x45: {  	_ =	shalt  }
0x46: {  	_ =	shalt  }
0x47: {  	_ =	shalt  }
0x48: {  	_ =	shalt  }
0x49: {  	_ =	shalt  }
0x4a: {  	_ =	shalt  }
0x4b: {  	_ =	shalt  }
0x4c: {  	_ =	shalt  }
0x4d: {  	_ =	shalt  }
0x4e: {  	_ =	shalt  }
0x4f: {  	_ =	shalt  }
0x50: {  	_ =	shalt  }
0x51: {  	_ =	shalt  }
0x52: {  	_ =	shalt  }
0x53: {  	_ =	shalt  }
0x54: {  	_ =	shalt  }
0x55: {  	_ =	shalt  }
0x56: {  	_ =	shalt  }
0x57: {  	_ =	shalt  }
0x58: {  	_ =	shalt  }
0x59: {  	_ =	shalt  }
0x5a: {  	_ =	shalt  }
0x5b: {  	_ =	shalt  }
0x5c: {  	_ =	shalt  }
0x5d: {  	_ =	shalt  }
0x5e: {  	_ =	shalt  }
0x5f: {  	_ =	shalt  }
0x60: {  	_ =	shalt  }
0x61: {  	_ =	shalt  }
0x62: {  	_ =	shalt  }
0x63: {  	_ =	shalt  }
0x64: {  	_ =	shalt  }
0x65: {  	_ =	shalt  }
0x66: {  	_ =	shalt  }
0x67: {  	_ =	shalt  }
0x68: {  	_ =	shalt  }
0x69: {  	_ =	shalt  }
0x6a: {  	_ =	shalt  }
0x6b: {  	_ =	shalt  }
0x6c: {  	_ =	shalt  }
0x6d: {  	_ =	shalt  }
0x6e: {  	_ =	shalt  }
0x6f: {  	_ =	shalt  }
0x70: {  	_ =	shalt  }
0x71: {  	_ =	shalt  }
0x72: {  	_ =	shalt  }
0x73: {  	_ =	shalt  }
0x74: {  	_ =	shalt  }
0x75: {  	_ =	shalt  }
0x76: {  	_ =	shalt  }
0x77: {  	_ =	shalt  }
0x78: {  	_ =	shalt  }
0x79: {  	_ =	shalt  }
0x7a: {  	_ =	shalt  }
0x7b: {  	_ =	shalt  }
0x7c: {  	_ =	shalt  }
0x7d: {  	_ =	shalt  }
0x7e: {  	_ =	shalt  }
0x7f: {  	_ =	shalt  }
0x80: {  	_ =	shalt  }
0x81: {  	_ =	shalt  }
0x82: {  	_ =	shalt  }
0x83: {  	_ =	shalt  }
0x84: {  	_ =	shalt  }
0x85: {  	_ =	shalt  }
0x86: {  	_ =	shalt  }
0x87: {  	_ =	shalt  }
.Lfunc_end0:
.L_simem_size_0:
called_computation_lowered:
.L_overlay_start_0:
0x88: {  	s2 =	sld [smem:$0x3FD9]  }
0x89: {  	s3 =	sld [smem:$0x3FFE];
	_ =	sdelay $0x1  }
0x8a: {  	s1 =	srdreg.scid  }
0x8b: {  	s0 =	sand.u32 $0x1, s1  }
0x8c: {  	s17 =	sshll.u32 s0, $0xA;
	s2 =	sadd.s32 s3, s2  }
0x8d: {  	s2 =	sadd.s32 s2, s17  }
0x8e: {  	[smem:$0x3FC4] =	sst s2  }
0x8f: {  	_ = 	snop  }
0x90: {  	s2 =	sld [smem:$0x3FD0];
	(tm) =	ssettm $0x1  }
0x91: {  	s18 =	sld [smem:$0x3FFB];
	_ =	sdelay $0x3  }
0x92: {  	_ =	strace s18  }
0x93: {  	s3 =	sld [smem:$0x3FFC];
	_ =	sdelay $0x3  }
0x94: {  	_ =	strace s3  }
0x95: {  	s3 =	sld [smem:$0x3FFD];
	_ =	sdelay $0x3  }
0x96: {  	_ =	strace s3  }
0x97: {  	_ =	strace $0x8FFFFFFF  }
0x98: {  	s19 =	sld [smem:$0x3FDB];
	_ =	sdelay $0x1  }
0x99: {  	s4 =	simm.s32 $_scs_section_size  }
0x9a: {  	s5 =	simm.s32 $_size__tile_overlayer_lowered;
	s6 =	simm.s32 $_tile_overlayer_lowered  }
0x9b: {  	s22 =	simm.s32 $0x1BFF;
	s21 =	sshll.u32 s6, $0x1;
	s3 =	sadd.s32 s4, s19  }
0x9c: {  	s7 =	simm.s32 $0x0;
	s20 =	sshll.u32 s5, $0x1;
	s5 =	sadd.s32 s21, s3  }
0x9d: {  	[timem:s7], [sflag:s22] =	dma.local [hbm:s5], s20  }
0x9e: {  	_ =	swait.ge [sflag:s22], s20  }
0x9f: {  	s4 =	ssub.s32 $0x0, s20;
	[sflag:s22] =	ssyncset.done $0x0  }
0xa0: {  	[sflag:s22] =	ssyncadd.s32 s4;
	_ =	sdelay $0x1  }
0xa1: {  	s23 =	simm.s32 $0x1B8B  }
0xa2: {  	_ =	swait.ge [sflag:s23], $0x1  }
0xa3: {  	[sflag:s23] =	ssyncset.done $0x0  }
0xa4: {  	s25 =	simm.s32 $0x1B8E;
	s24 =	sld [smem:$0x3FFE];
	[sflag:s23] =	ssyncadd.s32 $0xFFFFFFFF  }
0xa5: {  	s26 =	simm.s32 $execute0_lowered;
	[smem:$0x3FD2] =	sst s25  }
0xa6: {  	s5 =	sshll.u32 s26, $0x1;
	_ =	strace $0x80000046;
	[dreg:$0x1] =	wrdreg $0xFFFFFFFF  }
0xa7: {  	s28 =	simm.s32 $_size_execute0_lowered;
	s3 =	sadd.s32 s3, s5;
	[dreg:$0x0] =	wrdreg $0x0  }
0xa8: {  	s5 =	sshll.u32 s28, $0x1;
	[dreg:$0x2] =	wrdreg s3  }
0xa9: {  	[dreg:$0x3] =	wrdreg s5  }
0xaa: {  	[dreg:$0x4] =	wrdreg $0xC0  }
0xab: {  	_ =	task [dreg:s7], $0x5FFFF  }
0xac: {  	[dreg:$0x1] =	wrdreg $0xFFFFFFFF  }
0xad: {  	[dreg:$0x0] =	wrdreg $0x60  }
0xae: {  	[dreg:$0x2] =	wrdreg s24  }
0xaf: {  	[dreg:$0x3] =	wrdreg s2  }
0xb0: {  	[dreg:$0x4] =	wrdreg $0x120800  }
0xb1: {  	[dreg:$0x5] =	wrdreg $0x9  }
0xb2: {  	_ =	task.clear_ibuf [dreg:s7], $0x6FFFF;
	_ =	strace $0x90000046  }
0xb3: {  	s29 =	simm.s32 $0x9;
	_ =	strace $0x80000048  }
0xb4: {  	_ =	swait.ge [sflag:s29], $0x1  }
0xb5: {  	[sflag:s29] =	ssyncadd.s32 $0xFFFFFFFF  }
0xb6: {  	_ =	strace $0x90000048  }
0xb7: {  	_ =	sfence  }
0xb8: {  	s30 =	sld [smem:$0x0];
	_ =	sdelay $0x2  }
0xb9: {  	s31 =	sshll.u32 s1, $0xD;
	s1 =	sshrl.u32 s1, $0x2  }
0xba: {  	s3 =	sand.u32 $0x4000, s31;
	s1 =	sadd.s32 s1, s30  }
0xbb: {  	s0 =	sor.u32 s3, s0;
	s1 =	sshll.u32 s1, $0x11  }
0xbc: {  	s0 =	sor.u32 s1, s0  }
0xbd: {  	s0 =	sadd.s32 $0x8F2B, s0  }
0xbe: {  	[sflag:s0] =	ssyncadd.remote.s32 $0x1  }
0xbf: {  	_ =	sfence.sel $0xFFFF  }
0xc0: {  	[dreg:$0x0] =	wrdreg $0xFFFFFFFF;
	(pc) =	sbr.abs _section_cstart, $3  }
0xc1: {  	[dreg:$0x1] =	wrdreg $0xFFFFFFFF  }
0xc2: {  	_ =	task.clear_ibuf [dreg:s7], $0x2FFFF;
	_ =	strace $0x9FFFFFFF  }
0xc3: {  	(tm) =	ssettm $0x7FFFFFFF  }
tec
execute0_lowered:
.L_overlay_start_1:
0x0: {  	(tag) =	ssettag $0x1  }
0x1: {  	s0 =	rddreg [dreg:$0x0]  }
0x2: {  	s26 =	rddreg [dreg:$0x2]  }
0x3: {  	s3 =	simm.s32 $0x0;
	s1 =	srdreg.scid;
	s4 =	stileid.u32  }
0x4: {  	s16 =	simm.s32 $0x4;
	s17 =	simm.s32 $0x3;
	s23 =	simm.s32 $0x1  }
0x5: {  	s24 =	simm.s32 $0x2;
	[smem:$0x7FF] =	sst s3;
	s21 =	sadd.s32 $0x80800, s0  }
0x6: {  	s22 =	sadd.s32 $0x40800, s0;
	s25 =	sadd.s32 $0x800, s0;
	s1 =	sand.u32 $0x1, s1  }
0x7: {  	s7 =	sshll.u32 s4, $0x11;
	s2 =	sadd.s32 $0xC0800, s0;
	p0 =	sne.s32 s4, $0x0  }
0x8: {  	_ =	strace $0x80000047;
	s5 =	ssub.s32 $0x2, s1;
	s1 =	sshll.u32 s1, $0x10  }
0x9: {  	[dreg:$0x4] =	wrdreg s2;
	s8 =	sshrl.u32 s5, $0x1;
	s1 =	sor.u32 s1, s7  }
0xa: {  	s31 =	ssub.s32 s5, s8;
	[dreg:$0x5] =	wrdreg s1;
	s1 =	sshrl.u32 s1, $0x3  }
0xb: {  	s2 =	sadd.s32 $0xD0A00, s0;
	s10 =	sadd.s32 s21, s1;
	s0 =	smax.u32 s31, $0x1  }
0xc: {  	s11 =	sadd.s32 s22, s1;
	[dreg:$0x6] =	wrdreg s0;
	s0 =	sshrl.u32 @!p0 s26, $0x3  }
0xd: {  	s12 =	sadd.s32 s25, s1;
	s1 =	simm.s32 $0x0;
	[dreg:$0x7] =	wrdreg s0  }
.LBB2_1:
0xe: {  	[dreg:$0x8] =	wrdreg s1  }
0xf: {  	s1 =	rddreg [dreg:$0x4]  }
0x10: {  	s0 =	simm.s32 @!p0 $0x1C04;
	s4 =	rddreg [dreg:$0x7]  }
0x11: {  	[spmem:s4], [sflag:s0] =	dma.local @!p0 [hbm:s1], $0x10010  }
0x12: {  	s0 =	simm.s32 @!p0 $0x4  }
0x13: {  	_ =	swait.ge @!p0 [sflag:s0], $0x10010  }
0x14: {  	[sflag:s0] =	ssyncset.done @!p0 $0x0  }
0x15: {  	[sflag:s0] =	ssyncadd.s32 @!p0 $0xFFFEFFF0  }
0x16: {  	[bflag:$0x0] =	sbarrier.arrive $0xFFFF  }
0x17: {  	s31 =	simm.s32 $0x12000;
	s30 =	rddreg [dreg:$0x1]  }
0x18: {  	[tilespmem:s31], [sflag:$0x4] =	stream.linear.gather [hbm4b:s30+s3], $0x80, $0x38;
	[tilespmem:$0x1A088] =	vst v63  }
0x19: {  	_ =	swait.ge [sflag:s16], $0x80  }
0x1a: {  	[sflag:s16] =	ssyncset.done $0x0  }
0x1b: {  	[sflag:s16] =	ssyncadd.s32 $0xFFFFFF80  }
0x1c: {  	v0 =	vld [tilespmem:$0x12000]  }
0x1d: {  	v1 =	vld [tilespmem:$0x12010]  }
0x1e: {  	v2 =	vld [tilespmem:$0x12020]  }
0x1f: {  	v3 =	vld [tilespmem:$0x12030]  }
0x20: {  	s5 =	sadd.s32 $0x0, s10;
	v4 =	vld [tilespmem:$0x12040]  }
0x21: {  	s1 =	simm.s32 $0x100;
	s4 =	simm.s32 $0x0;
	s0 =	simm.s32 $0x10;
	v5 =	vld [tilespmem:$0x12050]  }
.LBB2_2:
0x22: {  	[tilespmem:s4], [sflag:$0x3] =	stream.linear.gather [hbm4b:s5+s3], $0x80, $0x38;
	[tilespmem:$0x1A088] =	vst v63  }
0x23: {  	s5 =	smov.u32 s0;
	s4 =	smov.u32 s1;
	p1 =	sne.s32 s0, $0x3F0  }
.Ltmp0:
0x24: {  	s0 =	sadd.s32 $0x10, s0;
	(pc) =	sbr.rel @p1 .LBB2_2-.Ltmp0, $2  }
0x25: {  	_ =	sdelay $0x2  }
0x26: {  	s1 =	sadd.s32 $0x100, s1;
	s5 =	sadd.s32 s5, s10  }
0x27: {  	[tilespmem:s4], [sflag:$0x3] =	stream.linear.gather [hbm4b:s5+s3], $0x80, $0x38;
	[tilespmem:$0x1A088] =	vst v63  }
0x28: {  	s0 =	simm.s32 $0x4000  }
0x29: {  	s1 =	simm.s32 $0x10;
	s5 =	sadd.s32 $0x0, s11;
	s4 =	simm.s32 $0x4100  }
.LBB2_4:
0x2a: {  	[tilespmem:s0], [sflag:$0x3] =	stream.linear.gather [hbm4b:s5+s3], $0x80, $0x38;
	[tilespmem:$0x1A088] =	vst v63  }
0x2b: {  	s5 =	smov.u32 s1;
	s0 =	smov.u32 s4;
	p1 =	sne.s32 s1, $0x3F0  }
.Ltmp1:
0x2c: {  	s1 =	sadd.s32 $0x10, s1;
	(pc) =	sbr.rel @p1 .LBB2_4-.Ltmp1, $2  }
0x2d: {  	_ =	sdelay $0x2  }
0x2e: {  	s4 =	sadd.s32 $0x100, s4;
	s5 =	sadd.s32 s5, s11  }
0x2f: {  	[tilespmem:s0], [sflag:$0x3] =	stream.linear.gather [hbm4b:s5+s3], $0x80, $0x38;
	[tilespmem:$0x1A088] =	vst v63  }
0x30: {  	s28 =	simm.s32 $0x0;
	s0 =	simm.s32 $0x8000  }
0x31: {  	s1 =	simm.s32 $0x10;
	s5 =	sadd.s32 $0x0, s12;
	s4 =	simm.s32 $0x8100  }
.LBB2_6:
0x32: {  	[tilespmem:s0], [sflag:$0x3] =	stream.linear.gather [hbm4b:s5+s28], $0x80, $0x38;
	[tilespmem:$0x1A088] =	vst v63  }
0x33: {  	s5 =	smov.u32 s1;
	s0 =	smov.u32 s4;
	p1 =	sne.s32 s1, $0x3F0  }
.Ltmp2:
0x34: {  	s1 =	sadd.s32 $0x10, s1;
	(pc) =	sbr.rel @p1 .LBB2_6-.Ltmp2, $2  }
0x35: {  	_ =	sdelay $0x2  }
0x36: {  	s4 =	sadd.s32 $0x100, s4;
	s5 =	sadd.s32 s5, s12  }
0x37: {  	[tilespmem:s0], [sflag:$0x3] =	stream.linear.gather [hbm4b:s5+s28], $0x80, $0x38;
	[tilespmem:$0x1A088] =	vst v63  }
0x38: {  	s31 =	rddreg [dreg:$0x5]  }
0x39: {  	[dreg:$0x9] =	wrdreg s31  }
.LBB2_8:
0x3a: {  	_ =	swait.ge [sflag:s17], $0x2000  }
0x3b: {  	[sflag:s17] =	ssyncset.done $0x0  }
0x3c: {  	[sflag:s17] =	ssyncadd.s32 $0xFFFFE000  }
0x3d: {  	_ =	swait.ge [sflag:s17], $0x2000  }
0x3e: {  	[sflag:s17] =	ssyncset.done $0x0  }
0x3f: {  	[sflag:s17] =	ssyncadd.s32 $0xFFFFE000  }
0x40: {  	_ =	swait.ge [sflag:s17], $0x2000  }
0x41: {  	s0 =	rddreg [dreg:$0x9]  }
0x42: {  	s31 =	sshrl.u32 s0, $0x3  }
0x43: {  	s29 =	simm.s32 $0xC000;
	s1 =	simm.s32 $0x80;
	s6 =	sor.u32 $0x400, s31  }
0x44: {  	s4 =	simm.s32 $0x10;
	[sflag:s17] =	ssyncset.done $0x0;
	s0 =	sadd.s32 s21, s6  }
0x45: {  	s5 =	simm.s32 $0x180;
	[sflag:s17] =	ssyncadd.s32 $0xFFFFE000;
	s7 =	sadd.s32 $0x0, s0  }
.LBB2_9:
0x46: {  	[tilespmem:s1], [sflag:$0x3] =	stream.linear.gather [hbm4b:s7+s3], $0x80, $0x38;
	[tilespmem:$0x1A088] =	vst v63  }
0x47: {  	s7 =	smov.u32 s4;
	s1 =	smov.u32 s5;
	p1 =	sne.s32 s4, $0x3F0  }
.Ltmp3:
0x48: {  	s4 =	sadd.s32 $0x10, s4;
	(pc) =	sbr.rel @p1 .LBB2_9-.Ltmp3, $2  }
0x49: {  	_ =	sdelay $0x2  }
0x4a: {  	s5 =	sadd.s32 $0x100, s5;
	s7 =	sadd.s32 s7, s0  }
0x4b: {  	s30 =	smov.u32 s2  }
0x4c: {  	[tilespmem:s1], [sflag:$0x3] =	stream.linear.gather [hbm4b:s7+s3], $0x80, $0x38;
	[tilespmem:$0x1A088] =	vst v63  }
0x4d: {  	s16 =	smov.u32 s22;
	s0 =	sadd.s32 s22, s6;
	s1 =	simm.s32 $0x4080  }
0x4e: {  	s4 =	simm.s32 $0x10;
	s5 =	simm.s32 $0x4180;
	s7 =	sadd.s32 $0x0, s0  }
.LBB2_11:
0x4f: {  	[tilespmem:s1], [sflag:$0x3] =	stream.linear.gather [hbm4b:s7+s3], $0x80, $0x38;
	[tilespmem:$0x1A088] =	vst v63  }
0x50: {  	s7 =	smov.u32 s4;
	s1 =	smov.u32 s5;
	p1 =	sne.s32 s4, $0x3F0  }
.Ltmp4:
0x51: {  	s4 =	sadd.s32 $0x10, s4;
	(pc) =	sbr.rel @p1 .LBB2_11-.Ltmp4, $2  }
0x52: {  	_ =	sdelay $0x2  }
0x53: {  	s5 =	sadd.s32 $0x100, s5;
	s7 =	sadd.s32 s7, s0  }
0x54: {  	s18 =	smov.u32 s26;
	s22 =	smov.u32 s21  }
0x55: {  	[tilespmem:s1], [sflag:$0x3] =	stream.linear.gather [hbm4b:s7+s3], $0x80, $0x38;
	[tilespmem:$0x1A088] =	vst v63  }
0x56: {  	s2 =	smov.u32 s25;
	[dreg:$0xa] =	wrdreg s6;
	s0 =	sadd.s32 s25, s6  }
0x57: {  	s1 =	simm.s32 $0x0;
	s4 =	simm.s32 $0x8080;
	s5 =	simm.s32 $0x0  }
.LBB2_13:
0x58: {  	p1 =	sne.s32 s5, $0x3F0  }
.Ltmp5:
0x59: {  	_ = 	snop;
	(pc) =	sbr.rel @p1 .LBB2_13-.Ltmp5, $4  }
0x5a: {  	_ = 	snop  }
0x5b: {  	s7 =	sadd.s32 s5, s0  }
0x5c: {  	[tilespmem:s4], [sflag:$0x3] =	stream.linear.gather [hbm4b:s7+s1], $0x80, $0x38;
	[tilespmem:$0x1A088] =	vst v63  }
0x5d: {  	s5 =	sadd.s32 $0x10, s5;
	s4 =	sadd.s32 $0x100, s4  }
0x5e: {  	s0 =	sand.u32 $0x40, s1  }
0x5f: {  	s4 =	sand.u32 $0xF00, s1;
	s13 =	sor.u32 $0x30, s0  }
0x60: {  	s7 =	sor.u32 $0x10, s0;
	s15 =	sor.u32 $0x20, s0;
	s0 =	sor.u32 s0, s4  }
0x61: {  	s5 =	sor.u32 s4, s13;
	v13 =	vld [tilespmem:s0+$0x0]  }
0x62: {  	v6 =	vld [tilespmem:s5+$0x8000]  }
0x63: {  	v7 =	vld [tilespmem:s5+$0x0]  }
0x64: {  	s8 =	sor.u32 s4, s7;
	v8 =	vld [tilespmem:s5+$0x4000]  }
0x65: {  	v9 =	vld [tilespmem:s8+$0x0]  }
0x66: {  	s14 =	sor.u32 s4, s15;
	v10 =	vld [tilespmem:s8+$0x4000]  }
0x67: {  	v11 =	vld [tilespmem:s14+$0x0]  }
0x68: {  	v12 =	vld [tilespmem:s14+$0x4000]  }
0x69: {  	v13 =	vmul.f32 v13, v0;
	v6 =	vmul.f32 v6, v2  }
0x6a: {  	v7 =	vmul.f32 v7, v0;
	v8 =	vmul.f32 v8, v1  }
0x6b: {  	v9 =	vmul.f32 v9, v0;
	v10 =	vmul.f32 v10, v1;
	v13 =	vadd.f32 v13, v3  }
0x6c: {  	v17 =	vld [tilespmem:s0+$0x4000];
	v11 =	vmul.f32 v11, v0;
	v6 =	vadd.f32 v6, v5;
	v7 =	vadd.f32 v7, v3  }
0x6d: {  	v12 =	vmul.f32 v12, v1;
	v8 =	vadd.f32 v8, v4;
	v9 =	vadd.f32 v9, v3  }
0x6e: {  	v10 =	vadd.f32 v10, v4;
	v11 =	vadd.f32 v11, v3;
	v14 =	vmax.f32 v6, $0.0e+00  }
0x6f: {  	v15 =	vmax.f32 v7, $0.0e+00;
	v16 =	vmax.f32 v8, $0.0e+00;
	v14 =	vmin.f32 v14, $2.550000000e+02  }
0x70: {  	v15 =	vmin.f32 v15, $2.550000000e+02;
	v16 =	vmin.f32 v16, $2.550000000e+02;
	v18 =	vadd.f32 $5.000000000e-01, v14  }
0x71: {  	v17 =	vmul.f32 v17, v1;
	v19 =	vadd.f32 $5.000000000e-01, v15;
	v20 =	vadd.f32 $5.000000000e-01, v16  }
0x72: {  	v12 =	vadd.f32 v12, v4;
	v21 =	vmin.f32 v7, v8;
	v18 =	vtrunc.f32 v18  }
0x73: {  	v7 =	vmax.f32 v7, v8;
	v19 =	vtrunc.f32 v19;
	v20 =	vtrunc.f32 v20  }
0x74: {  	v35 =	vmin.f32 v9, v10;
	v19 =	vcvt.f32.s32 v19;
	v20 =	vcvt.f32.s32 v20  }
0x75: {  	v59 =	vmin.f32 v11, v12;
	v8 =	vmin.f32 v21, v6;
	v18 =	vcvt.f32.s32 v18  }
0x76: {  	v7 =	vmax.f32 v7, v6;
	v22 =	vcvt.s32.f32 v19;
	v23 =	vcvt.s32.f32 v20  }
0x77: {  	vm0 =	vge.f32 v8, $-5.000000000e-01;
	vm7 =	vlt.f32 v7, $2.555000000e+02;
	v21 =	vcvt.s32.f32 v18  }
0x78: {  	vm0 =	vmand vm0, vm7;
	v6 =	vsub.f32 v22, v15;
	v15 =	vsub.f32 v23, v16  }
0x79: {  	v8 =	vand.u32 $0x1, v19;
	v14 =	vsub.f32 v21, v14;
	v22 =	vand.u32 $0x1, v18  }
0x7a: {  	vm1 =	veq.f32 v6, $5.000000000e-01;
	vm2 =	veq.f32 v15, $5.000000000e-01;
	v6 =	vand.u32 $0x1, v20  }
0x7b: {  	v16 =	vld [tilespmem:s8+$0x8000];
	vm6 =	veq.f32 v14, $5.000000000e-01;
	v8 =	vnsel vm1, $0x0, v8;
	v23 =	vnsel vm2, $0x0, v6  }
0x7c: {  	v14 =	vnsel vm6, $0x0, v22;
	v6 =	vsub.s32 v19, v8;
	v8 =	vsub.s32 v20, v23  }
0x7d: {  	v21 =	vld [tilespmem:s14+$0x8000];
	v14 =	vsub.s32 v18, v14;
	v18 =	vmax.f32 v10, $0.0e+00;
	v20 =	vmax.f32 v12, $0.0e+00  }
0x7e: {  	v15 =	vld [tilespmem:s0+$0x8000];
	v19 =	vshll.u32 v6, $0xB;
	v8 =	vshll.u32 v8, $0x8;
	v18 =	vmin.f32 v18, $2.550000000e+02  }
0x7f: {  	v20 =	vmin.f32 v20, $2.550000000e+02;
	v7 =	vand.u32 $0xFFFF0000, v19;
	v8 =	vadd.s32 v8, v14  }
0x80: {  	v14 =	vmul.f32 v16, v2;
	v16 =	vadd.f32 v17, v4;
	v17 =	vmax.f32 v9, $0.0e+00  }
0x81: {  	v19 =	vmax.f32 v11, $0.0e+00;
	v27 =	vadd.f32 $5.000000000e-01, v18;
	v30 =	vadd.f32 $5.000000000e-01, v20  }
0x82: {  	v9 =	vmax.f32 v9, v10;
	v11 =	vmax.f32 v11, v12;
	v7 =	vadd.s32 v7, v8  }
0x83: {  	v8 =	vmul.f32 v15, v2;
	v15 =	vmul.f32 v21, v2;
	v21 =	vmax.f32 v13, $0.0e+00  }
0x84: {  	v17 =	vmin.f32 v17, $2.550000000e+02;
	v19 =	vmin.f32 v19, $2.550000000e+02;
	v7 =	vnsel vm0, $0x80000, v7  }
0x85: {  	v14 =	vadd.f32 v14, v5;
	v22 =	vmax.f32 v16, $0.0e+00;
	v21 =	vmin.f32 v21, $2.550000000e+02  }
0x86: {  	v25 =	vadd.f32 $5.000000000e-01, v17;
	v28 =	vadd.f32 $5.000000000e-01, v19;
	v27 =	vtrunc.f32 v27  }
0x87: {  	v30 =	vtrunc.f32 v30;
	v15 =	vadd.f32 v15, v5;
	v8 =	vadd.f32 v8, v5  }
0x88: {  	v22 =	vmin.f32 v22, $2.550000000e+02;
	v29 =	vadd.f32 $5.000000000e-01, v21;
	v27 =	vcvt.f32.s32 v27  }
0x89: {  	v30 =	vcvt.f32.s32 v30;
	v23 =	vmax.f32 v14, $0.0e+00;
	v31 =	vadd.f32 $5.000000000e-01, v22  }
0x8a: {  	v25 =	vtrunc.f32 v25;
	v28 =	vtrunc.f32 v28;
	v9 =	vmax.f32 v9, v14  }
0x8b: {  	v24 =	vmax.f32 v8, $0.0e+00;
	v26 =	vmax.f32 v15, $0.0e+00;
	v29 =	vtrunc.f32 v29  }
0x8c: {  	v23 =	vmin.f32 v23, $2.550000000e+02;
	v25 =	vcvt.f32.s32 v25;
	v12 =	vcvt.f32.s32 v28  }
0x8d: {  	v36 =	vand.u32 $0x1, v27;
	v38 =	vand.u32 $0x1, v30;
	v42 =	vcvt.s32.f32 v27  }
0x8e: {  	v60 =	vcvt.s32.f32 v30;
	v11 =	vmax.f32 v11, v15;
	vm15 =	vlt.f32 v9, $2.555000000e+02  }
0x8f: {  	s8 =	simm.s32 $0x40;
	v26 =	vmin.f32 v26, $2.550000000e+02;
	v24 =	vmin.f32 v24, $2.550000000e+02;
	v32 =	vadd.f32 $5.000000000e-01, v23  }
0x90: {  	s6 =	sand.u32 $0x40, s8;
	s0 =	simm.s32 $0x80;
	v10 =	vtrunc.f32 v31;
	v28 =	vcvt.f32.s32 v29;
	v33 =	vadd.f32 $5.000000000e-01, v24  }
0x91: {  	s14 =	sor.u32 $0x30, s6;
	s9 =	sand.u32 $0xF00, s0;
	v34 =	vadd.f32 $5.000000000e-01, v26;
	v29 =	vand.u32 $0x1, v25;
	v10 =	vcvt.f32.s32 v10  }
0x92: {  	s19 =	sor.u32 s9, s14;
	v37 =	vand.u32 $0x1, v12;
	v40 =	vcvt.s32.f32 v25;
	v43 =	vcvt.s32.f32 v12  }
0x93: {  	v9 =	vld [tilespmem:s19+$0x4000];
	v18 =	vsub.f32 v42, v18;
	v32 =	vtrunc.f32 v32;
	v44 =	vcvt.s32.f32 v28  }
0x94: {  	v39 =	vand.u32 $0x1, v28;
	v33 =	vtrunc.f32 v33;
	v34 =	vtrunc.f32 v34  }
0x95: {  	v32 =	vcvt.f32.s32 v32;
	v41 =	vand.u32 $0x1, v10;
	v17 =	vsub.f32 v40, v17  }
0x96: {  	v45 =	vcvt.s32.f32 v10;
	v19 =	vsub.f32 v43, v19;
	vm9 =	veq.f32 v18, $5.000000000e-01  }
0x97: {  	v34 =	vcvt.f32.s32 v34;
	v33 =	vcvt.f32.s32 v33;
	v21 =	vsub.f32 v44, v21  }
0x98: {  	v9 =	vmul.f32 v9, v1;
	v61 =	vcvt.s32.f32 v32;
	vm8 =	veq.f32 v17, $5.000000000e-01  }
0x99: {  	v17 =	vsub.f32 v60, v20;
	v20 =	vsub.f32 v45, v22;
	vm10 =	veq.f32 v19, $5.000000000e-01  }
0x9a: {  	v62 =	vcvt.s32.f32 v33;
	v63 =	vcvt.s32.f32 v34;
	vm3 =	veq.f32 v21, $5.000000000e-01  }
0x9b: {  	v21 =	vnsel vm10, $0x0, v37;
	v9 =	vadd.f32 v9, v4;
	v18 =	vsub.f32 v61, v23  }
0x9c: {  	vm4 =	veq.f32 v20, $5.000000000e-01;
	vm5 =	veq.f32 v17, $5.000000000e-01;
	v17 =	vnsel vm8, $0x0, v29  }
0x9d: {  	v20 =	vnsel vm9, $0x0, v36;
	v23 =	vnsel vm3, $0x0, v39;
	v21 =	vsub.s32 v12, v21  }
0x9e: {  	vm9 =	vlt.f32 v11, $2.555000000e+02;
	v22 =	vsub.f32 v62, v24;
	v19 =	vsub.f32 v63, v26  }
0x9f: {  	v24 =	vnsel vm4, $0x0, v41;
	v26 =	vnsel vm5, $0x0, v38;
	v17 =	vsub.s32 v25, v17  }
0xa0: {  	v20 =	vsub.s32 v27, v20;
	v12 =	vsub.s32 v28, v23;
	v25 =	vshll.u32 v21, $0xB  }
0xa1: {  	v27 =	vmin.f32 v35, v14;
	v14 =	vmin.f32 v59, v15;
	vm12 =	veq.f32 v18, $5.000000000e-01  }
0xa2: {  	v18 =	vand.u32 $0x1, v33;
	v10 =	vsub.s32 v10, v24;
	v23 =	vsub.s32 v30, v26  }
0xa3: {  	v24 =	vmin.f32 v13, v16;
	v13 =	vmax.f32 v13, v16;
	v16 =	vshll.u32 v17, $0xB  }
0xa4: {  	v20 =	vshll.u32 v20, $0x8;
	v26 =	vshll.u32 v12, $0xB;
	vm14 =	vge.f32 v27, $-5.000000000e-01  }
0xa5: {  	vm8 =	vge.f32 v14, $-5.000000000e-01;
	vm11 =	veq.f32 v22, $5.000000000e-01;
	vm13 =	veq.f32 v19, $5.000000000e-01  }
0xa6: {  	v19 =	vand.u32 $0x1, v32;
	v22 =	vand.u32 $0x1, v34;
	v23 =	vshll.u32 v23, $0x8  }
0xa7: {  	v10 =	vshll.u32 v10, $0x8;
	v15 =	vmin.f32 v24, v8;
	v8 =	vmax.f32 v13, v8  }
0xa8: {  	v13 =	vand.u32 $0xFFFF0000, v16;
	vm0 =	vmand vm14, vm15;
	v18 =	vnsel vm11, $0x0, v18  }
0xa9: {  	s26 =	sor.u32 $0x10, s6;
	v19 =	vnsel vm12, $0x0, v19;
	v22 =	vnsel vm13, $0x0, v22;
	vm10 =	vge.f32 v15, $-5.000000000e-01  }
0xaa: {  	s20 =	sor.u32 s9, s26;
	v24 =	vld [tilespmem:s19+$0x8000];
	vm11 =	vlt.f32 v8, $2.555000000e+02;
	vm13 =	vmand vm8, vm9;
	v19 =	vsub.s32 v32, v19  }
0xab: {  	v8 =	vld [tilespmem:s20+$0x0];
	v18 =	vsub.s32 v33, v18;
	v22 =	vsub.s32 v34, v22;
	vm12 =	vmand vm10, vm11  }
0xac: {  	s25 =	sor.u32 $0x20, s6;
	v16 =	vadd.s32 v20, v19;
	v19 =	vand.u32 $0xFFFF0000, v25;
	v20 =	vadd.s32 v23, v22;
	v23 =	vld [tilespmem:s19+$0x0]  }
0xad: {  	s21 =	sor.u32 s9, s25;
	v14 =	vld [tilespmem:s20+$0x4000];
	v22 =	vand.u32 $0xFFFF0000, v26;
	v10 =	vadd.s32 v10, v18;
	v11 =	vadd.s32 v13, v16  }
0xae: {  	s6 =	sor.u32 s6, s9;
	v10 =	vadd.s32 v22, v10;
	v13 =	vadd.s32 v19, v20;
	v19 =	vnsel vm0, $0x80000, v11;
	v11 =	vld [tilespmem:s21+$0x0]  }
0xaf: {  	v25 =	vmax.f32 v9, $0.0e+00;
	v18 =	vnsel vm12, $0x80000, v10;
	v10 =	vmul.f32 v24, v2;
	v24 =	vld [tilespmem:s6+$0x4000]  }
0xb0: {  	v15 =	vand.u32 $0x1F, v6;
	v16 =	vand.u32 $0x1F, v17;
	v22 =	vld [tilespmem:s21+$0x4000];
	v25 =	vmin.f32 v25, $2.550000000e+02  }
0xb1: {  	v20 =	vnsel vm13, $0x80000, v13;
	v8 =	vmul.f32 v8, v0;
	v13 =	vmul.f32 v23, v0  }
0xb2: {  	v6 =	vld [tilespmem:s6+$0x0];
	v17 =	vand.u32 $0x1F, v21;
	v28 =	vadd.f32 $5.000000000e-01, v25;
	v10 =	vadd.f32 v10, v5  }
0xb3: {  	v14 =	vmul.f32 v14, v1;
	v23 =	vadd.f32 v8, v3;
	v13 =	vadd.f32 v13, v3  }
0xb4: {  	v8 =	vmul.f32 v11, v0;
	v11 =	vmax.f32 v10, $0.0e+00;
	v24 =	vmul.f32 v24, v1  }
0xb5: {  	v22 =	vmul.f32 v22, v1;
	v11 =	vmin.f32 v11, $2.550000000e+02;
	v21 =	vmax.f32 v13, $0.0e+00  }
0xb6: {  	v26 =	vadd.f32 $5.000000000e-01, v11;
	v24 =	vadd.f32 v24, v4;
	v21 =	vmin.f32 v21, $2.550000000e+02  }
0xb7: {  	v29 =	vmul.f32 v6, v0;
	v14 =	vadd.f32 v14, v4;
	v27 =	vadd.f32 $5.000000000e-01, v21  }
0xb8: {  	v22 =	vadd.f32 v22, v4;
	v6 =	vtrunc.f32 v26;
	v47 =	vmax.f32 v24, $0.0e+00  }
0xb9: {  	v45 =	vcvt.f32.s32 v6;
	v30 =	vmin.f32 v47, $2.550000000e+02;
	v26 =	vtrunc.f32 v27  }
0xba: {  	v27 =	vadd.f32 v8, v3;
	v8 =	vtrunc.f32 v28;
	v28 =	vmin.f32 v13, v9  }
0xbb: {  	v9 =	vmax.f32 v13, v9;
	v26 =	vcvt.f32.s32 v26;
	v8 =	vcvt.f32.s32 v8  }
0xbc: {  	v28 =	vmin.f32 v28, v10;
	v9 =	vmax.f32 v9, v10;
	v10 =	vcvt.s32.f32 v45  }
0xbd: {  	v54 =	vadd.f32 $5.000000000e-01, v30;
	vm14 =	vge.f32 v28, $-5.000000000e-01;
	vm6 =	vlt.f32 v9, $2.555000000e+02  }
0xbe: {  	v6 =	vcvt.s32.f32 v26;
	v13 =	vcvt.s32.f32 v8;
	v10 =	vsub.f32 v10, v11  }
0xbf: {  	v39 =	vtrunc.f32 v54;
	v11 =	vand.u32 $0x1, v45;
	vm0 =	vmand vm14, vm6  }
0xc0: {  	v6 =	vsub.f32 v6, v21;
	v13 =	vsub.f32 v13, v25;
	vm5 =	veq.f32 v10, $5.000000000e-01  }
0xc1: {  	v28 =	vld [tilespmem:s6+$0x8000];
	v39 =	vcvt.f32.s32 v39;
	v21 =	vand.u32 $0x1, v26;
	v10 =	vnsel vm5, $0x0, v11  }
0xc2: {  	v25 =	vld [tilespmem:s20+$0x8000];
	vm15 =	veq.f32 v6, $5.000000000e-01;
	vm4 =	veq.f32 v13, $5.000000000e-01;
	v6 =	vand.u32 $0x1, v8  }
0xc3: {  	v10 =	vsub.s32 v45, v10;
	v13 =	vnsel vm15, $0x0, v21;
	v46 =	vnsel vm4, $0x0, v6  }
0xc4: {  	v45 =	vmin.f32 v23, v14;
	v21 =	vld [tilespmem:s21+$0x8000];
	v6 =	vsub.s32 v26, v13;
	v8 =	vsub.s32 v8, v46  }
0xc5: {  	v26 =	vmax.f32 v23, $0.0e+00;
	v11 =	vshll.u32 v6, $0xB;
	v8 =	vshll.u32 v8, $0x8  }
0xc6: {  	v26 =	vmin.f32 v26, $2.550000000e+02;
	v9 =	vand.u32 $0xFFFF0000, v11;
	v8 =	vadd.s32 v8, v10  }
0xc7: {  	v10 =	vmul.f32 v25, v2;
	v11 =	vmul.f32 v28, v2;
	v25 =	vadd.f32 v29, v3  }
0xc8: {  	v28 =	vmax.f32 v14, $0.0e+00;
	v49 =	vadd.f32 $5.000000000e-01, v26;
	v8 =	vadd.s32 v9, v8  }
0xc9: {  	v28 =	vmin.f32 v28, $2.550000000e+02;
	v13 =	vmul.f32 v21, v2;
	v21 =	vnsel vm0, $0x80000, v8  }
0xca: {  	v9 =	vadd.f32 v10, v5;
	v8 =	vadd.f32 v11, v5;
	v11 =	vmax.f32 v27, $0.0e+00  }
0xcb: {  	v29 =	vmax.f32 v25, $0.0e+00;
	v51 =	vadd.f32 $5.000000000e-01, v28;
	v33 =	vtrunc.f32 v49  }
0xcc: {  	v48 =	vmin.f32 v11, $2.550000000e+02;
	v29 =	vmin.f32 v29, $2.550000000e+02;
	v33 =	vcvt.f32.s32 v33  }
0xcd: {  	v10 =	vadd.f32 v13, v5;
	v13 =	vmax.f32 v22, $0.0e+00;
	v11 =	vmax.f32 v9, $0.0e+00  }
0xce: {  	v52 =	vadd.f32 $5.000000000e-01, v29;
	v35 =	vtrunc.f32 v51;
	v51 =	vand.u32 $0x1F, v12  }
0xcf: {  	v32 =	vmin.f32 v13, $2.550000000e+02;
	v13 =	vmax.f32 v8, $0.0e+00;
	v36 =	vmin.f32 v11, $2.550000000e+02  }
0xd0: {  	v11 =	vadd.f32 $5.000000000e-01, v48;
	v35 =	vcvt.f32.s32 v35;
	v61 =	vcvt.s32.f32 v33  }
0xd1: {  	v54 =	vand.u32 $0x1, v33;
	v50 =	vmax.f32 v10, $0.0e+00;
	v53 =	vadd.f32 $5.000000000e-01, v32  }
0xd2: {  	v55 =	vmin.f32 v13, $2.550000000e+02;
	v13 =	vtrunc.f32 v52;
	v57 =	vadd.f32 $5.000000000e-01, v36  }
0xd3: {  	v34 =	vmin.f32 v50, $2.550000000e+02;
	v11 =	vtrunc.f32 v11;
	v58 =	vadd.f32 $5.000000000e-01, v55  }
0xd4: {  	v44 =	vcvt.f32.s32 v13;
	v13 =	vmin.f32 v27, v22;
	v56 =	vtrunc.f32 v53  }
0xd5: {  	v26 =	vsub.f32 v61, v26;
	v42 =	vcvt.f32.s32 v11;
	v38 =	vtrunc.f32 v57  }
0xd6: {  	v11 =	vmax.f32 v23, v14;
	v14 =	vmax.f32 v27, v22;
	v22 =	vcvt.s32.f32 v35  }
0xd7: {  	v59 =	vadd.f32 $5.000000000e-01, v34;
	v37 =	vcvt.f32.s32 v56;
	v23 =	vtrunc.f32 v58  }
0xd8: {  	v38 =	vcvt.f32.s32 v38;
	v63 =	vcvt.s32.f32 v44;
	vm7 =	veq.f32 v26, $5.000000000e-01  }
0xd9: {  	v58 =	vand.u32 $0x1, v44;
	v60 =	vtrunc.f32 v59;
	v62 =	vcvt.s32.f32 v42  }
0xda: {  	v46 =	vcvt.f32.s32 v23;
	v22 =	vsub.f32 v22, v28;
	v56 =	vand.u32 $0x1, v42  }
0xdb: {  	v59 =	vand.u32 $0x1, v39;
	v27 =	vcvt.f32.s32 v60;
	v23 =	vcvt.s32.f32 v37  }
0xdc: {  	v29 =	vsub.f32 v63, v29;
	v49 =	vcvt.s32.f32 v38;
	v57 =	vand.u32 $0x1, v37  }
0xdd: {  	v60 =	vand.u32 $0x1, v38;
	v28 =	vsub.f32 v62, v48;
	v48 =	vcvt.s32.f32 v39  }
0xde: {  	s6 =	sand.u32 $0x780, s1;
	v50 =	vcvt.s32.f32 v46;
	vm8 =	veq.f32 v22, $5.000000000e-01;
	v22 =	vnsel vm7, $0x0, v54  }
0xdf: {  	s19 =	sor.u32 s6, s7;
	v23 =	vsub.f32 v23, v32;
	v52 =	vcvt.s32.f32 v27;
	v53 =	vsub.f32 v49, v36  }
0xe0: {  	[tilespmem:s19+$0xC000] =	vst v19;
	vm10 =	veq.f32 v29, $5.000000000e-01;
	v61 =	vand.u32 $0x1, v27;
	v19 =	vsub.s32 v33, v22  }
0xe1: {  	v22 =	vmin.f32 v25, v24;
	v12 =	vsub.f32 v48, v30;
	v32 =	vsub.f32 v50, v55  }
0xe2: {  	v55 =	vand.u32 $0x1, v35;
	vm9 =	veq.f32 v28, $5.000000000e-01;
	v26 =	vsub.f32 v52, v34  }
0xe3: {  	v28 =	vnsel vm8, $0x0, v55;
	v30 =	vnsel vm9, $0x0, v56;
	vm12 =	veq.f32 v23, $5.000000000e-01  }
0xe4: {  	s20 =	sor.u32 s6, s15;
	vm14 =	veq.f32 v53, $5.000000000e-01;
	vm11 =	veq.f32 v12, $5.000000000e-01;
	v12 =	vnsel vm10, $0x0, v58  }
0xe5: {  	s9 =	sor.u32 s6, s13;
	[tilespmem:s20+$0xC000] =	vst v20;
	v29 =	vnsel vm12, $0x0, v57;
	vm13 =	veq.f32 v32, $5.000000000e-01;
	v20 =	vsub.s32 v35, v28  }
0xe6: {  	s1 =	simm.s32 $0xC000;
	[tilespmem:s9+$0xC000] =	vst v7;
	v7 =	vsub.s32 v42, v30;
	v23 =	vnsel vm11, $0x0, v59;
	vm15 =	veq.f32 v26, $5.000000000e-01  }
0xe7: {  	[tilespmem:s1+$0x0] =	vst v18;
	v26 =	vand.u32 $0x1, v46;
	v12 =	vsub.s32 v44, v12;
	v29 =	vsub.s32 v37, v29  }
0xe8: {  	[tilespmem:s20+$0xD000] =	vst v17;
	v17 =	vshll.u32 v20, $0x8;
	v18 =	vshll.u32 v7, $0xB;
	v28 =	vsub.s32 v39, v23  }
0xe9: {  	[tilespmem:s19+$0xD000] =	vst v16;
	s21 =	sand.u32 $0x780, s8;
	v62 =	vnsel vm13, $0x0, v26;
	v26 =	vnsel vm14, $0x0, v60;
	v63 =	vnsel vm15, $0x0, v61  }
0xea: {  	[tilespmem:s9+$0xD000] =	vst v15;
	s15 =	sor.u32 s21, s14;
	v23 =	vmax.f32 v25, v24;
	v24 =	vshll.u32 v19, $0xB;
	v20 =	vshll.u32 v29, $0x8  }
0xeb: {  	s7 =	simm.s32 $0xD000;
	s13 =	simm.s32 $0x4;
	[tilespmem:s15+$0xC000] =	vst v21;
	v15 =	vshll.u32 v12, $0xB;
	v25 =	vmin.f32 v45, v9;
	v16 =	vshll.u32 v28, $0x8  }
0xec: {  	s26 =	sor.u32 s21, s26;
	s8 =	sor.u32 s21, s25;
	s14 =	simm.s32 $0x80;
	[tilespmem:s7+$0x0] =	vst v51;
	v26 =	vsub.s32 v38, v26;
	v21 =	vsub.s32 v46, v62;
	v27 =	vsub.s32 v27, v63  }
.LBB2_15:
0xed: {  	s6 =	sand.u32 $0x40, s14;
	v9 =	vmax.f32 v11, v9;
	v11 =	vmin.f32 v13, v10;
	v10 =	vmax.f32 v14, v10;
	s0 =	sadd.s32 $0x80, s0  }
0xee: {  	v13 =	vmin.f32 v22, v8;
	v8 =	vmax.f32 v23, v8;
	v14 =	vand.u32 $0xFFFF0000, v24;
	s9 =	sand.u32 $0xF00, s0;
	s4 =	sor.u32 $0x10, s6;
	s25 =	sor.u32 $0x30, s6  }
0xef: {  	s13 =	sadd.s32 $0x4, s13;
	v17 =	vadd.s32 v17, v26;
	v18 =	vand.u32 $0xFFFF0000, v18;
	v20 =	vadd.s32 v20, v27;
	s5 =	sor.u32 $0x20, s6;
	s19 =	sor.u32 s9, s25  }
0xf0: {  	v15 =	vand.u32 $0xFFFF0000, v15;
	v16 =	vadd.s32 v16, v21;
	vm0 =	vge.f32 v25, $-5.000000000e-01;
	p1 =	slt.u32 s13, $0x7C;
	s20 =	sor.u32 s9, s4;
	s21 =	sor.u32 s9, s5;
	v22 =	vld [tilespmem:s19+$0x8000]  }
0xf1: {  	vm1 =	vlt.f32 v9, $2.555000000e+02;
	vm2 =	vge.f32 v11, $-5.000000000e-01;
	vm3 =	vlt.f32 v10, $2.555000000e+02;
	s6 =	sor.u32 s6, s9;
	v21 =	vld [tilespmem:s19+$0x0]  }
0xf2: {  	vm4 =	vge.f32 v13, $-5.000000000e-01;
	vm5 =	vlt.f32 v8, $2.555000000e+02;
	v8 =	vadd.s32 v14, v17;
	v9 =	vld [tilespmem:s19+$0x4000]  }
0xf3: {  	v11 =	vadd.s32 v15, v16;
	v13 =	vadd.s32 v18, v20;
	vm0 =	vmand vm0, vm1;
	v10 =	vld [tilespmem:s20+$0x0]  }
0xf4: {  	vm1 =	vmand vm4, vm5;
	v8 =	vnsel vm0, $0x80000, v8;
	vm0 =	vmand vm2, vm3;
	v14 =	vld [tilespmem:s20+$0x4000]  }
0xf5: {  	v11 =	vnsel vm1, $0x80000, v11;
	v13 =	vnsel vm0, $0x80000, v13;
	v15 =	vld [tilespmem:s21+$0x0];
	[tilespmem:s26+$0xC000] =	vst v8;
	v8 =	vand.u32 $0x1F, v19  }
0xf6: {  	v6 =	vand.u32 $0x1F, v6;
	s1 =	sadd.s32 $0x40, s1;
	v17 =	vmul.f32 v22, v2;
	v16 =	vld [tilespmem:s21+$0x4000];
	[tilespmem:s8+$0xC000] =	vst v13;
	v13 =	vand.u32 $0x1F, v7  }
0xf7: {  	s7 =	sadd.s32 $0x40, s7;
	v7 =	vmul.f32 v21, v0;
	v18 =	vld [tilespmem:s6+$0x0];
	v9 =	vmul.f32 v9, v1;
	[tilespmem:s1+$0x0] =	vst v11;
	v11 =	vand.u32 $0x1F, v12  }
0xf8: {  	v17 =	vadd.f32 v17, v5;
	v12 =	vld [tilespmem:s6+$0x4000];
	v10 =	vmul.f32 v10, v0;
	[tilespmem:s7+$0x0] =	vst v11  }
0xf9: {  	v19 =	vadd.f32 v7, v3;
	v11 =	vmul.f32 v14, v1;
	v14 =	vld [tilespmem:s20+$0x8000];
	v9 =	vadd.f32 v9, v4;
	[tilespmem:s26+$0xD000] =	vst v8  }
0xfa: {  	v7 =	vadd.f32 v10, v3;
	v8 =	vmul.f32 v15, v0;
	v10 =	vld [tilespmem:s21+$0x8000];
	v15 =	vmax.f32 v17, $0.0e+00;
	[tilespmem:s8+$0xD000] =	vst v13  }
0xfb: {  	v20 =	vmax.f32 v19, $0.0e+00;
	v13 =	vld [tilespmem:s6+$0x8000];
	v21 =	vmax.f32 v9, $0.0e+00;
	v15 =	vmin.f32 v15, $2.550000000e+02;
	[tilespmem:s15+$0xD000] =	vst v6  }
0xfc: {  	v6 =	vmin.f32 v20, $2.550000000e+02;
	v20 =	vmin.f32 v21, $2.550000000e+02;
	v21 =	vadd.f32 $5.000000000e-01, v15  }
0xfd: {  	v16 =	vmul.f32 v16, v1;
	v22 =	vadd.f32 $5.000000000e-01, v6;
	v23 =	vadd.f32 $5.000000000e-01, v20  }
0xfe: {  	v11 =	vadd.f32 v11, v4;
	v18 =	vmul.f32 v18, v0;
	v21 =	vtrunc.f32 v21  }
0xff: {  	v24 =	vadd.f32 v8, v3;
	v8 =	vtrunc.f32 v22;
	v22 =	vtrunc.f32 v23  }
0x100: {  	v23 =	vadd.f32 v16, v4;
	v8 =	vcvt.f32.s32 v8;
	v16 =	vcvt.f32.s32 v22  }
0x101: {  	v12 =	vmul.f32 v12, v1;
	v21 =	vcvt.f32.s32 v21;
	v22 =	vmin.f32 v19, v9  }
0x102: {  	v9 =	vmax.f32 v19, v9;
	v19 =	vcvt.s32.f32 v8;
	v25 =	vcvt.s32.f32 v16  }
0x103: {  	v22 =	vmin.f32 v22, v17;
	v9 =	vmax.f32 v9, v17;
	v17 =	vcvt.s32.f32 v21  }
0x104: {  	vm0 =	vge.f32 v22, $-5.000000000e-01;
	v6 =	vsub.f32 v19, v6;
	v19 =	vsub.f32 v25, v20  }
0x105: {  	v15 =	vsub.f32 v17, v15;
	v17 =	vand.u32 $0x1, v21;
	v20 =	vand.u32 $0x1, v8  }
0x106: {  	vm1 =	veq.f32 v6, $5.000000000e-01;
	v6 =	vand.u32 $0x1, v16;
	vm2 =	veq.f32 v19, $5.000000000e-01  }
0x107: {  	v19 =	vnsel vm1, $0x0, v20;
	vm1 =	veq.f32 v15, $5.000000000e-01;
	v20 =	vnsel vm2, $0x0, v6  }
0x108: {  	v6 =	vsub.s32 v8, v19;
	v15 =	vnsel vm1, $0x0, v17;
	v8 =	vsub.s32 v16, v20  }
0x109: {  	v16 =	vshll.u32 v6, $0xB;
	v15 =	vsub.s32 v21, v15;
	v8 =	vshll.u32 v8, $0x8  }
0x10a: {  	vm1 =	vlt.f32 v9, $2.555000000e+02;
	v9 =	vand.u32 $0xFFFF0000, v16;
	v8 =	vadd.s32 v8, v15  }
0x10b: {  	s6 =	sand.u32 $0x780, s14;
	v14 =	vmul.f32 v14, v2;
	vm0 =	vmand vm0, vm1;
	v8 =	vadd.s32 v9, v8  }
0x10c: {  	s26 =	sor.u32 s6, s4;
	s8 =	sor.u32 s6, s5;
	s15 =	sor.u32 s6, s25;
	v10 =	vmul.f32 v10, v2;
	v13 =	vmul.f32 v13, v2;
	v8 =	vnsel vm0, $0x80000, v8  }
0x10d: {  	v16 =	vadd.f32 v12, v4;
	v12 =	vmax.f32 v7, $0.0e+00;
	v15 =	vadd.f32 v18, v3;
	[tilespmem:s15+$0xC000] =	vst v8  }
0x10e: {  	v10 =	vadd.f32 v10, v5;
	v9 =	vadd.f32 v14, v5;
	v14 =	vmax.f32 v11, $0.0e+00  }
0x10f: {  	v17 =	vmax.f32 v23, $0.0e+00;
	v8 =	vadd.f32 v13, v5;
	v13 =	vmax.f32 v24, $0.0e+00  }
0x110: {  	v12 =	vmin.f32 v12, $2.550000000e+02;
	v19 =	vmax.f32 v16, $0.0e+00;
	v18 =	vmax.f32 v15, $0.0e+00  }
0x111: {  	v17 =	vmin.f32 v17, $2.550000000e+02;
	v20 =	vmin.f32 v14, $2.550000000e+02;
	v21 =	vmin.f32 v13, $2.550000000e+02  }
0x112: {  	v19 =	vmin.f32 v19, $2.550000000e+02;
	v18 =	vmin.f32 v18, $2.550000000e+02;
	v13 =	vmax.f32 v9, $0.0e+00  }
0x113: {  	v25 =	vmax.f32 v10, $0.0e+00;
	v22 =	vadd.f32 $5.000000000e-01, v12;
	v14 =	vmax.f32 v8, $0.0e+00  }
0x114: {  	v26 =	vadd.f32 $5.000000000e-01, v20;
	v27 =	vmin.f32 v13, $2.550000000e+02;
	v13 =	vadd.f32 $5.000000000e-01, v21  }
0x115: {  	v25 =	vmin.f32 v25, $2.550000000e+02;
	v29 =	vadd.f32 $5.000000000e-01, v17;
	v28 =	vadd.f32 $5.000000000e-01, v18  }
0x116: {  	v30 =	vadd.f32 $5.000000000e-01, v19;
	v31 =	vmin.f32 v14, $2.550000000e+02;
	v32 =	vadd.f32 $5.000000000e-01, v27  }
0x117: {  	v14 =	vtrunc.f32 v22;
	v22 =	vadd.f32 $5.000000000e-01, v25;
	v33 =	vadd.f32 $5.000000000e-01, v31  }
0x118: {  	v34 =	vmin.f32 v7, v11;
	v26 =	vtrunc.f32 v26;
	v35 =	vtrunc.f32 v13  }
0x119: {  	v11 =	vmax.f32 v7, v11;
	v7 =	vtrunc.f32 v29;
	v28 =	vtrunc.f32 v28  }
0x11a: {  	v29 =	vtrunc.f32 v30;
	v30 =	vcvt.f32.s32 v14;
	v13 =	vmin.f32 v24, v23  }
0x11b: {  	v26 =	vcvt.f32.s32 v26;
	v14 =	vmax.f32 v24, v23;
	v23 =	vcvt.f32.s32 v35  }
0x11c: {  	v24 =	vcvt.f32.s32 v28;
	v35 =	vcvt.f32.s32 v7;
	v28 =	vand.u32 $0x1, v30  }
0x11d: {  	v29 =	vcvt.f32.s32 v29;
	v7 =	vand.u32 $0x1, v26;
	v32 =	vtrunc.f32 v32  }
0x11e: {  	v22 =	vtrunc.f32 v22;
	v33 =	vtrunc.f32 v33;
	v36 =	vand.u32 $0x1, v23  }
0x11f: {  	v32 =	vcvt.f32.s32 v32;
	v38 =	vcvt.f32.s32 v22;
	v37 =	vand.u32 $0x1, v35  }
0x120: {  	v22 =	vand.u32 $0x1, v24;
	v39 =	vcvt.s32.f32 v30;
	v33 =	vcvt.f32.s32 v33  }
0x121: {  	v40 =	vand.u32 $0x1, v29;
	v41 =	vcvt.s32.f32 v26;
	v42 =	vcvt.s32.f32 v23  }
0x122: {  	v43 =	vcvt.s32.f32 v24;
	v12 =	vsub.f32 v39, v12;
	v39 =	vcvt.s32.f32 v35  }
0x123: {  	v44 =	vcvt.s32.f32 v29;
	v20 =	vsub.f32 v41, v20;
	v41 =	vcvt.s32.f32 v32  }
0x124: {  	v45 =	vcvt.s32.f32 v33;
	v21 =	vsub.f32 v42, v21;
	v42 =	vcvt.s32.f32 v38  }
0x125: {  	v18 =	vsub.f32 v43, v18;
	vm0 =	veq.f32 v12, $5.000000000e-01;
	v12 =	vsub.f32 v39, v17  }
0x126: {  	vm1 =	veq.f32 v20, $5.000000000e-01;
	v17 =	vsub.f32 v44, v19;
	v19 =	vsub.f32 v41, v27  }
0x127: {  	v20 =	vsub.f32 v45, v31;
	vm2 =	veq.f32 v21, $5.000000000e-01;
	v21 =	vsub.f32 v42, v25  }
0x128: {  	vm3 =	veq.f32 v18, $5.000000000e-01;
	vm4 =	veq.f32 v17, $5.000000000e-01;
	vm5 =	veq.f32 v12, $5.000000000e-01  }
0x129: {  	v7 =	vnsel vm1, $0x0, v7;
	v12 =	vnsel vm0, $0x0, v28;
	v17 =	vnsel vm2, $0x0, v36  }
0x12a: {  	v18 =	vnsel vm3, $0x0, v22;
	v22 =	vnsel vm4, $0x0, v40;
	v25 =	vnsel vm5, $0x0, v37  }
0x12b: {  	vm1 =	veq.f32 v19, $5.000000000e-01;
	vm0 =	veq.f32 v20, $5.000000000e-01;
	vm2 =	veq.f32 v21, $5.000000000e-01  }
0x12c: {  	v27 =	vand.u32 $0x1, v38;
	v20 =	vand.u32 $0x1, v33;
	v21 =	vand.u32 $0x1, v32  }
0x12d: {  	v26 =	vsub.s32 v26, v7;
	v19 =	vsub.s32 v30, v12;
	v7 =	vsub.s32 v23, v17  }
0x12e: {  	v12 =	vsub.s32 v24, v18;
	v28 =	vsub.s32 v29, v22;
	v25 =	vsub.s32 v35, v25  }
.Ltmp6:
0x12f: {  	v29 =	vnsel vm0, $0x0, v20;
	v21 =	vnsel vm1, $0x0, v21;
	v27 =	vnsel vm2, $0x0, v27;
	(pc) =	sbr.rel @p1 .LBB2_15-.Ltmp6, $4  }
0x130: {  	v23 =	vmax.f32 v15, v16;
	v22 =	vmin.f32 v15, v16;
	v24 =	vshll.u32 v19, $0xB  }
0x131: {  	v17 =	vshll.u32 v26, $0x8;
	v18 =	vshll.u32 v7, $0xB;
	v20 =	vshll.u32 v25, $0x8  }
0x132: {  	v15 =	vshll.u32 v12, $0xB;
	v16 =	vshll.u32 v28, $0x8;
	v26 =	vsub.s32 v32, v21  }
0x133: {  	s14 =	sadd.s32 $0x40, s14;
	v21 =	vsub.s32 v33, v29;
	v25 =	vmin.f32 v34, v9;
	v27 =	vsub.s32 v38, v27  }
0x134: {  	v9 =	vmax.f32 v11, v9;
	v11 =	vmin.f32 v13, v10;
	v10 =	vmax.f32 v14, v10  }
0x135: {  	v13 =	vmin.f32 v22, v8;
	v8 =	vmax.f32 v23, v8;
	v14 =	vand.u32 $0xFFFF0000, v24  }
0x136: {  	v17 =	vadd.s32 v17, v26;
	v18 =	vand.u32 $0xFFFF0000, v18;
	v20 =	vadd.s32 v20, v27  }
0x137: {  	v15 =	vand.u32 $0xFFFF0000, v15;
	v16 =	vadd.s32 v16, v21;
	vm0 =	vge.f32 v25, $-5.000000000e-01  }
0x138: {  	v7 =	vand.u32 $0x1F, v7;
	v6 =	vand.u32 $0x1F, v6;
	vm1 =	vlt.f32 v9, $2.555000000e+02  }
0x139: {  	vm2 =	vge.f32 v11, $-5.000000000e-01;
	vm3 =	vlt.f32 v10, $2.555000000e+02;
	vm4 =	vge.f32 v13, $-5.000000000e-01  }
0x13a: {  	vm5 =	vlt.f32 v8, $2.555000000e+02;
	v8 =	vadd.s32 v14, v17;
	[tilespmem:s8+$0xD000] =	vst v7;
	vm0 =	vmand vm0, vm1  }
0x13b: {  	v9 =	vadd.s32 v18, v20;
	[tilespmem:s15+$0xD000] =	vst v6;
	vm8 =	vmand vm2, vm3;
	v8 =	vnsel vm0, $0x80000, v8  }
0x13c: {  	v10 =	vadd.s32 v15, v16;
	vm9 =	vmand vm4, vm5;
	[tilespmem:s26+$0xC000] =	vst v8;
	v8 =	vnsel vm8, $0x80000, v9  }
0x13d: {  	s0 =	sadd.s32 $0x40, s1;
	v9 =	vnsel vm9, $0x80000, v10;
	[tilespmem:s8+$0xC000] =	vst v8  }
0x13e: {  	s4 =	sadd.s32 $0x40, s7;
	s6 =	simm.s32 $0x820;
	s7 =	simm.s32 $0x1040;
	[tilespmem:s0+$0x0] =	vst v9;
	v8 =	vand.u32 $0x1F, v12  }
0x13f: {  	s5 =	simm.s32 $0xF000;
	s1 =	sand.u32 $0x1F00, s7;
	v9 =	vand.u32 $0x1F, v19;
	s0 =	sand.u32 $0x60, s6;
	[tilespmem:s4+$0x0] =	vst v8  }
0x140: {  	[tilespmem:s26+$0xD000] =	vst v9;
	s26 =	smov.u32 s18;
	s18 =	simm.s32 $0x800;
	s0 =	sor.u32 s0, s1  }
0x141: {  	[tilespmem:s5], [sflag:$0x1] =	stream.indirect.gather [spmem:s26], $0x1, s29, s18, $0xb8;
	[tilespmem:$0x1A088] =	vst v63  }
0x142: {  	s8 =	simm.s32 $0x1000;
	s4 =	simm.s32 $0x0;
	v6 =	vld [tilespmem:s0+$0x8000]  }
0x143: {  	s14 =	simm.s32 $0x810;
	s1 =	sand.u32 $0x1F00, s8;
	s9 =	sand.u32 $0x40, s4;
	v7 =	vld [tilespmem:s0+$0x0]  }
0x144: {  	s20 =	simm.s32 $0x830;
	s5 =	simm.s32 $0x1020;
	s1 =	sor.u32 s9, s1;
	v8 =	vld [tilespmem:s0+$0x4000]  }
0x145: {  	s21 =	simm.s32 $0x1060;
	s15 =	sand.u32 $0x50, s14;
	s19 =	sand.u32 $0x1F00, s5;
	v9 =	vld [tilespmem:s1+$0x0]  }
0x146: {  	s4 =	sand.u32 $0x70, s20;
	s5 =	sand.u32 $0x1F00, s21;
	s0 =	sor.u32 s15, s19;
	v10 =	vld [tilespmem:s1+$0x4000]  }
0x147: {  	s4 =	sor.u32 s4, s5;
	v12 =	vld [tilespmem:s0+$0x4000]  }
0x148: {  	v18 =	vld [tilespmem:s4+$0x4000]  }
0x149: {  	v11 =	vld [tilespmem:s0+$0x0];
	v6 =	vmul.f32 v6, v2  }
0x14a: {  	v7 =	vmul.f32 v7, v0;
	v8 =	vmul.f32 v8, v1  }
0x14b: {  	v9 =	vmul.f32 v9, v0;
	v6 =	vadd.f32 v6, v5  }
0x14c: {  	v13 =	vld [tilespmem:s4+$0x0];
	v10 =	vmul.f32 v10, v1;
	v7 =	vadd.f32 v7, v3;
	v8 =	vadd.f32 v8, v4  }
0x14d: {  	v12 =	vmul.f32 v12, v1;
	v18 =	vmul.f32 v18, v1;
	v14 =	vadd.f32 v9, v3  }
0x14e: {  	v9 =	vmul.f32 v11, v0;
	v10 =	vadd.f32 v10, v4;
	v11 =	vmax.f32 v6, $0.0e+00  }
0x14f: {  	v15 =	vmax.f32 v7, $0.0e+00;
	v16 =	vmax.f32 v8, $0.0e+00;
	v17 =	vmin.f32 v11, $2.550000000e+02  }
0x150: {  	v15 =	vmin.f32 v15, $2.550000000e+02;
	v16 =	vmin.f32 v16, $2.550000000e+02;
	v11 =	vadd.f32 $5.000000000e-01, v17  }
0x151: {  	v13 =	vmul.f32 v13, v0;
	v19 =	vadd.f32 $5.000000000e-01, v15;
	v20 =	vadd.f32 $5.000000000e-01, v16  }
0x152: {  	v12 =	vadd.f32 v12, v4;
	v18 =	vadd.f32 v18, v4;
	v21 =	vtrunc.f32 v11  }
0x153: {  	v11 =	vadd.f32 v9, v3;
	v9 =	vtrunc.f32 v19;
	v19 =	vtrunc.f32 v20  }
0x154: {  	v20 =	vmin.f32 v7, v8;
	v9 =	vcvt.f32.s32 v9;
	v19 =	vcvt.f32.s32 v19  }
0x155: {  	v7 =	vmax.f32 v7, v8;
	v21 =	vcvt.f32.s32 v21;
	v20 =	vmin.f32 v20, v6  }
0x156: {  	v6 =	vmax.f32 v7, v6;
	v8 =	vcvt.s32.f32 v9;
	v22 =	vcvt.s32.f32 v19  }
0x157: {  	vm10 =	vge.f32 v20, $-5.000000000e-01;
	vm14 =	vlt.f32 v6, $2.555000000e+02;
	v7 =	vcvt.s32.f32 v21  }
0x158: {  	v20 =	vand.u32 $0x1, v9;
	v8 =	vsub.f32 v8, v15;
	v15 =	vsub.f32 v22, v16  }
0x159: {  	vm0 =	vmand vm10, vm14;
	v7 =	vsub.f32 v7, v17;
	v17 =	vand.u32 $0x1, v21  }
0x15a: {  	v16 =	vld [tilespmem:s1+$0x8000];
	vm11 =	veq.f32 v8, $5.000000000e-01;
	vm12 =	veq.f32 v15, $5.000000000e-01;
	v8 =	vand.u32 $0x1, v19  }
0x15b: {  	vm13 =	veq.f32 v7, $5.000000000e-01;
	v20 =	vnsel vm11, $0x0, v20;
	v8 =	vnsel vm12, $0x0, v8  }
0x15c: {  	v22 =	vld [tilespmem:s0+$0x8000];
	v7 =	vsub.s32 v9, v20;
	v8 =	vsub.s32 v19, v8;
	v9 =	vnsel vm13, $0x0, v17  }
0x15d: {  	v15 =	vld [tilespmem:s4+$0x8000];
	v20 =	vmax.f32 v18, $0.0e+00;
	v17 =	vshll.u32 v7, $0xB;
	v8 =	vshll.u32 v8, $0x8  }
0x15e: {  	v9 =	vsub.s32 v21, v9;
	v23 =	vand.u32 $0x1F, v7;
	v20 =	vmin.f32 v20, $2.550000000e+02  }
0x15f: {  	v6 =	vand.u32 $0xFFFF0000, v17;
	v8 =	vadd.s32 v8, v9;
	v9 =	vmul.f32 v16, v2  }
0x160: {  	v17 =	vadd.f32 v13, v3;
	v13 =	vmax.f32 v10, $0.0e+00;
	v16 =	vmax.f32 v11, $0.0e+00  }
0x161: {  	v31 =	vadd.f32 $5.000000000e-01, v20;
	v6 =	vadd.s32 v6, v8;
	v8 =	vmul.f32 v22, v2  }
0x162: {  	v15 =	vmul.f32 v15, v2;
	v24 =	vmin.f32 v13, $2.550000000e+02;
	v16 =	vmin.f32 v16, $2.550000000e+02  }
0x163: {  	v21 =	vnsel vm0, $0x80000, v6;
	v7 =	vadd.f32 v9, v5;
	v9 =	vmax.f32 v14, $0.0e+00  }
0x164: {  	v19 =	vmax.f32 v17, $0.0e+00;
	v27 =	vadd.f32 $5.000000000e-01, v24;
	v6 =	vadd.f32 v8, v5  }
0x165: {  	v8 =	vadd.f32 v15, v5;
	v15 =	vmax.f32 v12, $0.0e+00;
	v22 =	vmin.f32 v9, $2.550000000e+02  }
0x166: {  	v19 =	vmin.f32 v19, $2.550000000e+02;
	v9 =	vmax.f32 v7, $0.0e+00;
	v15 =	vmin.f32 v15, $2.550000000e+02  }
0x167: {  	v26 =	vadd.f32 $5.000000000e-01, v22;
	v27 =	vtrunc.f32 v27;
	v13 =	vmax.f32 v6, $0.0e+00  }
0x168: {  	v25 =	vmax.f32 v8, $0.0e+00;
	v28 =	vmin.f32 v9, $2.550000000e+02;
	v9 =	vadd.f32 $5.000000000e-01, v16  }
0x169: {  	v29 =	vadd.f32 $5.000000000e-01, v15;
	v27 =	vcvt.f32.s32 v27;
	v30 =	vmin.f32 v13, $2.550000000e+02  }
0x16a: {  	v13 =	vadd.f32 $5.000000000e-01, v19;
	v25 =	vmin.f32 v25, $2.550000000e+02;
	v26 =	vtrunc.f32 v26  }
0x16b: {  	v32 =	vadd.f32 $5.000000000e-01, v28;
	v34 =	vtrunc.f32 v9;
	v9 =	vmin.f32 v14, v10  }
0x16c: {  	v29 =	vtrunc.f32 v29;
	v10 =	vmax.f32 v14, v10;
	v14 =	vcvt.f32.s32 v26  }
0x16d: {  	v33 =	vadd.f32 $5.000000000e-01, v30;
	v26 =	vtrunc.f32 v31;
	v42 =	vcvt.s32.f32 v27  }
0x16e: {  	v35 =	vadd.f32 $5.000000000e-01, v25;
	v36 =	vtrunc.f32 v13;
	v52 =	vcvt.f32.s32 v34  }
0x16f: {  	v37 =	vand.u32 $0x1, v27;
	v32 =	vtrunc.f32 v32;
	v29 =	vcvt.f32.s32 v29  }
0x170: {  	v13 =	vmin.f32 v11, v12;
	v26 =	vcvt.f32.s32 v26;
	v33 =	vtrunc.f32 v33  }
0x171: {  	v53 =	vand.u32 $0x1, v14;
	v36 =	vcvt.f32.s32 v36;
	v35 =	vtrunc.f32 v35  }
0x172: {  	v32 =	vcvt.f32.s32 v32;
	v40 =	vcvt.s32.f32 v14;
	v24 =	vsub.f32 v42, v24  }
0x173: {  	v38 =	vand.u32 $0x1, v52;
	v39 =	vand.u32 $0x1, v29;
	v33 =	vcvt.f32.s32 v33  }
0x174: {  	v35 =	vcvt.f32.s32 v35;
	v43 =	vcvt.s32.f32 v52;
	v44 =	vand.u32 $0x1, v26  }
0x175: {  	v54 =	vcvt.s32.f32 v29;
	v56 =	vcvt.s32.f32 v26;
	v41 =	vand.u32 $0x1, v36  }
0x176: {  	v22 =	vsub.f32 v40, v22;
	v45 =	vcvt.s32.f32 v36;
	v55 =	vcvt.s32.f32 v32  }
0x177: {  	vm8 =	veq.f32 v24, $5.000000000e-01;
	v16 =	vsub.f32 v43, v16;
	v15 =	vsub.f32 v54, v15  }
0x178: {  	v57 =	vcvt.s32.f32 v33;
	v58 =	vcvt.s32.f32 v35;
	v20 =	vsub.f32 v56, v20  }
0x179: {  	v60 =	vand.u32 $0x1, v33;
	v61 =	vand.u32 $0x1, v35;
	v19 =	vsub.f32 v45, v19  }
0x17a: {  	vm15 =	veq.f32 v22, $5.000000000e-01;
	v22 =	vsub.f32 v55, v28;
	vm9 =	veq.f32 v16, $5.000000000e-01  }
0x17b: {  	v16 =	vsub.f32 v57, v30;
	v24 =	vsub.f32 v58, v25;
	vm10 =	veq.f32 v15, $5.000000000e-01  }
0x17c: {  	vm12 =	veq.f32 v20, $5.000000000e-01;
	v15 =	vnsel vm15, $0x0, v53;
	vm11 =	veq.f32 v19, $5.000000000e-01  }
0x17d: {  	v19 =	vnsel vm8, $0x0, v37;
	v20 =	vnsel vm9, $0x0, v38;
	vm13 =	veq.f32 v22, $5.000000000e-01  }
0x17e: {  	v22 =	vnsel vm10, $0x0, v39;
	v59 =	vnsel vm12, $0x0, v44;
	vm14 =	veq.f32 v16, $5.000000000e-01  }
0x17f: {  	v25 =	vnsel vm11, $0x0, v41;
	vm15 =	veq.f32 v24, $5.000000000e-01;
	v24 =	vand.u32 $0x1, v32  }
0x180: {  	v16 =	vsub.s32 v14, v15;
	v27 =	vsub.s32 v27, v19;
	v14 =	vsub.s32 v52, v20  }
0x181: {  	v22 =	vsub.s32 v29, v22;
	v19 =	vmax.f32 v11, v12;
	v20 =	vmin.f32 v17, v18  }
0x182: {  	v18 =	vmax.f32 v17, v18;
	v24 =	vnsel vm13, $0x0, v24;
	v62 =	vnsel vm14, $0x0, v60  }
0x183: {  	v15 =	vsub.s32 v36, v25;
	v25 =	vsub.s32 v26, v59;
	v63 =	vnsel vm15, $0x0, v61  }
0x184: {  	s25 =	simm.s32 $0x800;
	s13 =	simm.s32 $0x0;
	s0 =	simm.s32 $0xC820;
	v11 =	vshll.u32 v16, $0xB;
	v12 =	vshll.u32 v27, $0x8;
	v17 =	vshll.u32 v14, $0xB  }
0x185: {  	s14 =	simm.s32 $0x10E0;
	s1 =	simm.s32 $0xD830;
	s4 =	sand.u32 $0xF80, s25;
	[tilespmem:s0+$0x0] =	vst v21;
	v21 =	vshll.u32 v22, $0x8;
	v26 =	vsub.s32 v32, v24;
	v22 =	vsub.s32 v33, v62  }
0x186: {  	s29 =	simm.s32 $0xF000;
	s15 =	simm.s32 $0x870;
	s7 =	sor.u32 s9, s4;
	[tilespmem:s1+$0xFFFFFFF0] =	vst v23;
	v24 =	vshll.u32 v15, $0xB;
	v23 =	vshll.u32 v25, $0x8;
	v25 =	vsub.s32 v35, v63  }
.LBB2_17:
0x187: {  	s4 =	sadd.s32 $0xFFFFFFA0, s14;
	s5 =	sadd.s32 $0xFFFFFFF0, s15;
	s6 =	sadd.s32 $0xFFFFFFE0, s14;
	v9 =	vmin.f32 v9, v7;
	v7 =	vmax.f32 v10, v7;
	v10 =	vmin.f32 v13, v6  }
0x188: {  	s8 =	sadd.s32 $0xFFFFFFE0, s15;
	v6 =	vmax.f32 v19, v6;
	v13 =	vmin.f32 v20, v8;
	v8 =	vmax.f32 v18, v8;
	s5 =	sand.u32 $0x60, s5;
	s6 =	sand.u32 $0x1F00, s6  }
0x189: {  	s9 =	sadd.s32 $0xFFFFF7D0, s15;
	s19 =	sadd.s32 $0xFFFFFFC0, s14;
	v11 =	vand.u32 $0xFFFF0000, v11;
	v12 =	vadd.s32 v12, v26;
	v17 =	vand.u32 $0xFFFF0000, v17;
	s5 =	sor.u32 s5, s6  }
0x18a: {  	s13 =	sadd.s32 $0x4, s13;
	v19 =	vadd.s32 v21, v22;
	v20 =	vand.u32 $0xFFFF0000, v24;
	v21 =	vadd.s32 v23, v25;
	s4 =	sand.u32 $0x1F00, s4;
	s6 =	sand.u32 $0x40, s9;
	v18 =	vld [tilespmem:s5+$0x8000]  }
0x18b: {  	s8 =	sand.u32 $0x50, s8;
	p1 =	slt.u32 s13, $0x7C;
	vm0 =	vge.f32 v9, $-5.000000000e-01;
	vm1 =	vlt.f32 v7, $2.555000000e+02;
	vm2 =	vge.f32 v10, $-5.000000000e-01;
	s9 =	sand.u32 $0x1F00, s19;
	v22 =	vld [tilespmem:s5+$0x0]  }
0x18c: {  	vm3 =	vlt.f32 v6, $2.555000000e+02;
	vm4 =	vge.f32 v13, $-5.000000000e-01;
	vm5 =	vlt.f32 v8, $2.555000000e+02;
	s19 =	sand.u32 $0x1F00, s14;
	s4 =	sor.u32 s6, s4;
	v7 =	vld [tilespmem:s5+$0x4000];
	s5 =	sand.u32 $0x70, s15  }
0x18d: {  	s20 =	sadd.s32 $0xFFFFFFD0, s15;
	v8 =	vadd.s32 v11, v12;
	v9 =	vadd.s32 v17, v19;
	v10 =	vadd.s32 v20, v21;
	s8 =	sor.u32 s8, s9;
	v6 =	vld [tilespmem:s4+$0x0];
	s5 =	sor.u32 s5, s19  }
0x18e: {  	vm0 =	vmand vm0, vm1;
	vm1 =	vmand vm2, vm3;
	vm2 =	vmand vm4, vm5;
	s9 =	sand.u32 $0xF80, s20;
	v11 =	vld [tilespmem:s4+$0x4000]  }
0x18f: {  	v8 =	vnsel vm0, $0x80000, v8;
	v9 =	vnsel vm1, $0x80000, v9;
	v13 =	vnsel vm2, $0x80000, v10;
	s6 =	sor.u32 s6, s9;
	v12 =	vld [tilespmem:s8+$0x0]  }
0x190: {  	v14 =	vand.u32 $0x1F, v14;
	v10 =	vmul.f32 v18, v2;
	v17 =	vld [tilespmem:s8+$0x4000];
	[tilespmem:s0+$0xFFFFFFE0] =	vst v8;
	v8 =	vand.u32 $0x1F, v16  }
0x191: {  	v16 =	vmul.f32 v22, v0;
	v7 =	vmul.f32 v7, v1;
	v18 =	vld [tilespmem:s5+$0x0];
	[tilespmem:s7+$0xD000] =	vst v8;
	v8 =	vand.u32 $0x1F, v15;
	s7 =	smov.u32 s6  }
0x192: {  	v15 =	vadd.f32 v10, v5;
	v6 =	vmul.f32 v6, v0;
	v19 =	vld [tilespmem:s5+$0x4000];
	[tilespmem:s0+$0xFFFFFFF0] =	vst v9  }
0x193: {  	v16 =	vadd.f32 v16, v3;
	v9 =	vmul.f32 v11, v1;
	v20 =	vld [tilespmem:s4+$0x8000];
	v7 =	vadd.f32 v7, v4;
	[tilespmem:s1+$0xFFFFFFE0] =	vst v14  }
0x194: {  	v11 =	vmax.f32 v15, $0.0e+00;
	v10 =	vadd.f32 v6, v3;
	v6 =	vmul.f32 v12, v0;
	v14 =	vld [tilespmem:s8+$0x8000];
	[tilespmem:s0+$0x10] =	vst v13  }
0x195: {  	v12 =	vmax.f32 v16, $0.0e+00;
	v21 =	vmin.f32 v11, $2.550000000e+02;
	v13 =	vmax.f32 v7, $0.0e+00;
	v22 =	vld [tilespmem:s5+$0x8000];
	[tilespmem:s1+$0x0] =	vst v8  }
0x196: {  	v8 =	vmin.f32 v12, $2.550000000e+02;
	v11 =	vadd.f32 $5.000000000e-01, v21;
	v13 =	vmin.f32 v13, $2.550000000e+02  }
0x197: {  	v12 =	vmul.f32 v17, v1;
	v17 =	vadd.f32 $5.000000000e-01, v8;
	v23 =	vadd.f32 $5.000000000e-01, v13  }
0x198: {  	v24 =	vadd.f32 v9, v4;
	v18 =	vmul.f32 v18, v0;
	v9 =	vtrunc.f32 v11  }
0x199: {  	v11 =	vadd.f32 v6, v3;
	v6 =	vtrunc.f32 v17;
	v17 =	vtrunc.f32 v23  }
0x19a: {  	v12 =	vadd.f32 v12, v4;
	v6 =	vcvt.f32.s32 v6;
	v17 =	vcvt.f32.s32 v17  }
0x19b: {  	v19 =	vmul.f32 v19, v1;
	v9 =	vcvt.f32.s32 v9;
	v23 =	vmin.f32 v16, v7  }
0x19c: {  	v7 =	vmax.f32 v16, v7;
	v16 =	vcvt.s32.f32 v6;
	v25 =	vcvt.s32.f32 v17  }
0x19d: {  	v23 =	vmin.f32 v23, v15;
	v7 =	vmax.f32 v7, v15;
	v15 =	vcvt.s32.f32 v9  }
0x19e: {  	vm0 =	vge.f32 v23, $-5.000000000e-01;
	v8 =	vsub.f32 v16, v8;
	v13 =	vsub.f32 v25, v13  }
0x19f: {  	v15 =	vsub.f32 v15, v21;
	v21 =	vand.u32 $0x1, v9;
	v16 =	vand.u32 $0x1, v6  }
0x1a0: {  	vm1 =	veq.f32 v8, $5.000000000e-01;
	v8 =	vand.u32 $0x1, v17;
	vm2 =	veq.f32 v13, $5.000000000e-01  }
0x1a1: {  	v13 =	vnsel vm1, $0x0, v16;
	vm1 =	veq.f32 v15, $5.000000000e-01;
	v8 =	vnsel vm2, $0x0, v8  }
0x1a2: {  	v6 =	vsub.s32 v6, v13;
	v13 =	vnsel vm1, $0x0, v21;
	v8 =	vsub.s32 v17, v8  }
0x1a3: {  	v15 =	vshll.u32 v6, $0xB;
	v9 =	vsub.s32 v9, v13;
	v8 =	vshll.u32 v8, $0x8  }
0x1a4: {  	vm1 =	vlt.f32 v7, $2.555000000e+02;
	v7 =	vand.u32 $0xFFFF0000, v15;
	v8 =	vadd.s32 v8, v9  }
0x1a5: {  	vm0 =	vmand vm0, vm1;
	v9 =	vmul.f32 v20, v2;
	v7 =	vadd.s32 v7, v8  }
0x1a6: {  	s0 =	sadd.s32 $0x40, s0;
	v13 =	vmul.f32 v22, v2;
	v8 =	vmul.f32 v14, v2;
	v7 =	vnsel vm0, $0x80000, v7  }
0x1a7: {  	s1 =	sadd.s32 $0x40, s1;
	v17 =	vadd.f32 v18, v3;
	v18 =	vadd.f32 v19, v4;
	v14 =	vand.u32 $0x1F, v6;
	[tilespmem:s0+$0x0] =	vst v7  }
0x1a8: {  	v7 =	vadd.f32 v9, v5;
	v9 =	vmax.f32 v10, $0.0e+00;
	v6 =	vadd.f32 v8, v5;
	[tilespmem:s1+$0xFFFFFFF0] =	vst v14  }
0x1a9: {  	v15 =	vmax.f32 v11, $0.0e+00;
	v8 =	vadd.f32 v13, v5;
	v14 =	vmax.f32 v24, $0.0e+00  }
0x1aa: {  	v16 =	vmax.f32 v17, $0.0e+00;
	v19 =	vmax.f32 v18, $0.0e+00;
	v13 =	vmax.f32 v12, $0.0e+00  }
0x1ab: {  	v15 =	vmin.f32 v15, $2.550000000e+02;
	v20 =	vmin.f32 v9, $2.550000000e+02;
	v14 =	vmin.f32 v14, $2.550000000e+02  }
0x1ac: {  	v21 =	vmin.f32 v13, $2.550000000e+02;
	v9 =	vmax.f32 v7, $0.0e+00;
	v13 =	vmax.f32 v6, $0.0e+00  }
0x1ad: {  	v16 =	vmin.f32 v16, $2.550000000e+02;
	v19 =	vmin.f32 v19, $2.550000000e+02;
	v22 =	vmax.f32 v8, $0.0e+00  }
0x1ae: {  	v23 =	vadd.f32 $5.000000000e-01, v20;
	v25 =	vadd.f32 $5.000000000e-01, v14;
	v26 =	vmin.f32 v9, $2.550000000e+02  }
0x1af: {  	v27 =	vadd.f32 $5.000000000e-01, v21;
	v9 =	vadd.f32 $5.000000000e-01, v15;
	v28 =	vmin.f32 v13, $2.550000000e+02  }
0x1b0: {  	v29 =	vadd.f32 $5.000000000e-01, v19;
	v13 =	vadd.f32 $5.000000000e-01, v16;
	v22 =	vmin.f32 v22, $2.550000000e+02  }
0x1b1: {  	v23 =	vtrunc.f32 v23;
	v30 =	vadd.f32 $5.000000000e-01, v26;
	v31 =	vadd.f32 $5.000000000e-01, v28  }
0x1b2: {  	v33 =	vadd.f32 $5.000000000e-01, v22;
	v25 =	vtrunc.f32 v25;
	v32 =	vtrunc.f32 v9  }
0x1b3: {  	v27 =	vtrunc.f32 v27;
	v9 =	vmin.f32 v10, v24;
	v34 =	vtrunc.f32 v13  }
0x1b4: {  	v10 =	vmax.f32 v10, v24;
	v23 =	vcvt.f32.s32 v23;
	v24 =	vtrunc.f32 v29  }
0x1b5: {  	v13 =	vmin.f32 v11, v12;
	v25 =	vcvt.f32.s32 v25;
	v29 =	vcvt.f32.s32 v32  }
0x1b6: {  	v27 =	vcvt.f32.s32 v27;
	v30 =	vtrunc.f32 v30;
	v32 =	vand.u32 $0x1, v23  }
0x1b7: {  	v31 =	vtrunc.f32 v31;
	v34 =	vcvt.f32.s32 v34;
	v35 =	vand.u32 $0x1, v25  }
0x1b8: {  	v24 =	vcvt.f32.s32 v24;
	v33 =	vtrunc.f32 v33;
	v36 =	vand.u32 $0x1, v29  }
0x1b9: {  	v30 =	vcvt.f32.s32 v30;
	v37 =	vand.u32 $0x1, v27;
	v31 =	vcvt.f32.s32 v31  }
0x1ba: {  	v38 =	vcvt.s32.f32 v23;
	v33 =	vcvt.f32.s32 v33;
	v39 =	vand.u32 $0x1, v34  }
0x1bb: {  	v40 =	vcvt.s32.f32 v25;
	v41 =	vcvt.s32.f32 v29;
	v42 =	vand.u32 $0x1, v24  }
0x1bc: {  	v43 =	vcvt.s32.f32 v34;
	v20 =	vsub.f32 v38, v20;
	v38 =	vcvt.s32.f32 v27  }
0x1bd: {  	v44 =	vcvt.s32.f32 v24;
	v14 =	vsub.f32 v40, v14;
	v40 =	vcvt.s32.f32 v30  }
0x1be: {  	v45 =	vcvt.s32.f32 v33;
	v15 =	vsub.f32 v41, v15;
	v41 =	vcvt.s32.f32 v31  }
0x1bf: {  	v16 =	vsub.f32 v43, v16;
	vm0 =	veq.f32 v20, $5.000000000e-01;
	v20 =	vsub.f32 v38, v21  }
0x1c0: {  	v19 =	vsub.f32 v44, v19;
	vm1 =	veq.f32 v14, $5.000000000e-01;
	v14 =	vsub.f32 v40, v26  }
0x1c1: {  	v21 =	vsub.f32 v45, v22;
	vm2 =	veq.f32 v15, $5.000000000e-01;
	v15 =	vsub.f32 v41, v28  }
0x1c2: {  	vm4 =	veq.f32 v16, $5.000000000e-01;
	vm5 =	veq.f32 v19, $5.000000000e-01;
	vm3 =	veq.f32 v20, $5.000000000e-01  }
0x1c3: {  	v16 =	vnsel vm0, $0x0, v32;
	v19 =	vnsel vm1, $0x0, v35;
	v20 =	vnsel vm2, $0x0, v36  }
0x1c4: {  	vm0 =	veq.f32 v14, $5.000000000e-01;
	v22 =	vnsel vm3, $0x0, v37;
	vm1 =	veq.f32 v15, $5.000000000e-01  }
0x1c5: {  	v26 =	vnsel vm5, $0x0, v42;
	vm2 =	veq.f32 v21, $5.000000000e-01;
	v15 =	vnsel vm4, $0x0, v39  }
0x1c6: {  	v28 =	vand.u32 $0x1, v31;
	v32 =	vand.u32 $0x1, v33;
	v21 =	vand.u32 $0x1, v30  }
0x1c7: {  	v16 =	vsub.s32 v23, v16;
	v23 =	vsub.s32 v25, v19;
	v14 =	vsub.s32 v29, v20  }
0x1c8: {  	v21 =	vnsel vm0, $0x0, v21;
	v22 =	vsub.s32 v27, v22;
	v25 =	vnsel vm1, $0x0, v28  }
.Ltmp7:
0x1c9: {  	v15 =	vsub.s32 v34, v15;
	v27 =	vsub.s32 v24, v26;
	v28 =	vnsel vm2, $0x0, v32;
	(pc) =	sbr.rel @p1 .LBB2_17-.Ltmp7, $4  }
0x1ca: {  	v19 =	vmax.f32 v11, v12;
	v20 =	vmin.f32 v17, v18;
	v18 =	vmax.f32 v17, v18  }
0x1cb: {  	v11 =	vshll.u32 v16, $0xB;
	v12 =	vshll.u32 v23, $0x8;
	v17 =	vshll.u32 v14, $0xB  }
0x1cc: {  	v26 =	vsub.s32 v30, v21;
	v21 =	vshll.u32 v22, $0x8;
	v22 =	vsub.s32 v31, v25  }
0x1cd: {  	s14 =	sadd.s32 $0x80, s14;
	s15 =	sadd.s32 $0x40, s15;
	v24 =	vshll.u32 v15, $0xB;
	v23 =	vshll.u32 v27, $0x8;
	v25 =	vsub.s32 v33, v28  }
0x1ce: {  	v9 =	vmin.f32 v9, v7  }
0x1cf: {  	v7 =	vmax.f32 v10, v7;
	v10 =	vmin.f32 v13, v6;
	v6 =	vmax.f32 v19, v6  }
0x1d0: {  	v13 =	vmin.f32 v20, v8;
	v8 =	vmax.f32 v18, v8;
	v11 =	vand.u32 $0xFFFF0000, v11  }
0x1d1: {  	v12 =	vadd.s32 v12, v26;
	v17 =	vand.u32 $0xFFFF0000, v17;
	v62 =	vadd.s32 v21, v22  }
0x1d2: {  	v63 =	vand.u32 $0xFFFF0000, v24;
	vm0 =	vge.f32 v9, $-5.000000000e-01;
	vm1 =	vlt.f32 v7, $2.555000000e+02  }
0x1d3: {  	v7 =	vadd.s32 v23, v25;
	v9 =	vadd.s32 v11, v12;
	vm0 =	vmand vm0, vm1  }
0x1d4: {  	vm11 =	vge.f32 v10, $-5.000000000e-01;
	vm2 =	vlt.f32 v6, $2.555000000e+02;
	v6 =	vnsel vm0, $0x80000, v9  }
0x1d5: {  	vm12 =	vmand vm11, vm2;
	v9 =	vadd.s32 v17, v62;
	[tilespmem:s0+$0xFFFFFFE0] =	vst v6;
	v6 =	vand.u32 $0x1F, v16  }
0x1d6: {  	vm13 =	vge.f32 v13, $-5.000000000e-01;
	vm14 =	vlt.f32 v8, $2.555000000e+02;
	v8 =	vnsel vm12, $0x80000, v9;
	[tilespmem:s7+$0xD000] =	vst v6  }
0x1d7: {  	vm15 =	vmand vm13, vm14;
	v6 =	vadd.s32 v63, v7;
	v7 =	vand.u32 $0x1F, v14;
	[tilespmem:s0+$0xFFFFFFF0] =	vst v8  }
0x1d8: {  	v6 =	vnsel vm15, $0x80000, v6;
	[tilespmem:s1+$0xFFFFFFE0] =	vst v7  }
0x1d9: {  	v7 =	vand.u32 $0x1F, v15;
	[tilespmem:s0+$0x10] =	vst v6  }
0x1da: {  	s20 =	simm.s32 $0xC800;
	s21 =	simm.s32 $0xF800;
	[tilespmem:s1+$0x0] =	vst v7  }
0x1db: {  	[tilespmem:s21], [sflag:$0x2] =	stream.indirect.gather [spmem:s26], $0x1, s20, s18, $0xb8;
	[tilespmem:$0x1A088] =	vst v63  }
0x1dc: {  	_ =	swait.ge [sflag:s23], $0x800  }
0x1dd: {  	[sflag:s23] =	ssyncset.done $0x0  }
0x1de: {  	s25 =	simm.s32 $0xF020;
	[sflag:s23] =	ssyncadd.s32 $0xFFFFF800  }
0x1df: {  	s8 =	simm.s32 $0xD020;
	v11 =	vld [tilespmem:s25+$0x10]  }
0x1e0: {  	v12 =	vld [tilespmem:s8+$0x10]  }
0x1e1: {  	v8 =	vld [tilespmem:s8+$0xFFFFFFE0]  }
0x1e2: {  	v7 =	vld [tilespmem:s25+$0xFFFFFFF0]  }
0x1e3: {  	v9 =	vld [tilespmem:s8+$0xFFFFFFF0]  }
0x1e4: {  	v6 =	vld [tilespmem:s25+$0x0]  }
0x1e5: {  	s13 =	simm.s32 $0x0;
	s14 =	simm.s32 $0xF060;
	s7 =	simm.s32 $0x10020;
	v10 =	vld [tilespmem:s8+$0x0];
	v12 =	vshrl.u32 v11, v12  }
0x1e6: {  	s0 =	simm.s32 $0xE030;
	s1 =	simm.s32 $0xC020;
	v11 =	vld [tilespmem:s25+$0xFFFFFFE0];
	s25 =	smov.u32 s2;
	v12 =	vand.u32 $0x1, v12  }
.LBB2_19:
0x1e7: {  	v13 =	vld [tilespmem:s14+$0x10];
	[tilespmem:s7+$0x10] =	vst v12;
	s8 =	sadd.s32 $0x40, s8;
	s5 =	simm.s32 $0x1030;
	s4 =	simm.s32 $0x2060  }
0x1e8: {  	s13 =	sadd.s32 $0x4, s13;
	v12 =	vld [tilespmem:s8+$0x10];
	v7 =	vshrl.u32 v7, v9  }
0x1e9: {  	p1 =	slt.u32 s13, $0x7C;
	v14 =	vld [tilespmem:s8+$0xFFFFFFE0];
	v9 =	vand.u32 $0x1, v7  }
.Ltmp8:
0x1ea: {  	v7 =	vld [tilespmem:s14+$0xFFFFFFF0];
	[tilespmem:s7+$0xFFFFFFF0] =	vst v9;
	v6 =	vshrl.u32 v6, v10;
	(pc) =	sbr.rel @p1 .LBB2_19-.Ltmp8, $4  }
0x1eb: {  	v9 =	vld [tilespmem:s8+$0xFFFFFFF0];
	v8 =	vshrl.u32 v11, v8;
	v10 =	vand.u32 $0x1, v6  }
0x1ec: {  	v6 =	vld [tilespmem:s14+$0x0];
	v15 =	vand.u32 $0x1, v8;
	[tilespmem:s7+$0x0] =	vst v10  }
0x1ed: {  	v10 =	vld [tilespmem:s8+$0x0];
	v12 =	vshrl.u32 v13, v12;
	[tilespmem:s7+$0xFFFFFFE0] =	vst v15  }
0x1ee: {  	s7 =	sadd.s32 $0x40, s7;
	v11 =	vld [tilespmem:s14+$0xFFFFFFE0];
	v12 =	vand.u32 $0x1, v12;
	s14 =	sadd.s32 $0x40, s14;
	v8 =	vmov v14  }
0x1ef: {  	_ =	sdelay $0x1  }
0x1f0: {  	v7 =	vshrl.u32 v7, v9  }
0x1f1: {  	[tilespmem:s7+$0x10] =	vst v12;
	v7 =	vand.u32 $0x1, v7;
	v6 =	vshrl.u32 v6, v10  }
0x1f2: {  	s6 =	simm.s32 $0x1020;
	s8 =	simm.s32 $0x2040;
	[tilespmem:s7+$0xFFFFFFF0] =	vst v7;
	v7 =	vshrl.u32 v11, v8;
	v6 =	vand.u32 $0x1, v6  }
0x1f3: {  	s6 =	sand.u32 $0x60, s6;
	s8 =	sand.u32 $0x2F00, s8;
	v7 =	vand.u32 $0x1, v7;
	[tilespmem:s7+$0x0] =	vst v6  }
0x1f4: {  	s6 =	sor.u32 s6, s8;
	[tilespmem:s7+$0xFFFFFFE0] =	vst v7  }
0x1f5: {  	s14 =	simm.s32 $0x2000;
	v6 =	vld [tilespmem:s6+$0x8000]  }
0x1f6: {  	s15 =	simm.s32 $0x0;
	s5 =	sand.u32 $0x70, s5;
	s4 =	sand.u32 $0x2F00, s4;
	v7 =	vld [tilespmem:s6+$0x0]  }
0x1f7: {  	s4 =	sor.u32 s5, s4;
	s8 =	sand.u32 $0x2F00, s14;
	s7 =	sand.u32 $0x40, s15;
	v8 =	vld [tilespmem:s6+$0x4000]  }
0x1f8: {  	s9 =	simm.s32 $0x1010;
	s13 =	simm.s32 $0x2020;
	s8 =	sor.u32 s7, s8;
	v18 =	vld [tilespmem:s4+$0x4000]  }
0x1f9: {  	s19 =	sand.u32 $0x50, s9;
	s20 =	sand.u32 $0x2F00, s13;
	v9 =	vld [tilespmem:s8+$0x0]  }
0x1fa: {  	s6 =	sor.u32 s19, s20;
	v10 =	vld [tilespmem:s8+$0x4000]  }
0x1fb: {  	v12 =	vld [tilespmem:s6+$0x4000]  }
0x1fc: {  	v11 =	vld [tilespmem:s6+$0x0];
	v6 =	vmul.f32 v6, v2  }
0x1fd: {  	v7 =	vmul.f32 v7, v0;
	v8 =	vmul.f32 v8, v1  }
0x1fe: {  	v18 =	vmul.f32 v18, v1;
	v9 =	vmul.f32 v9, v0  }
0x1ff: {  	v13 =	vld [tilespmem:s4+$0x0];
	v10 =	vmul.f32 v10, v1;
	v6 =	vadd.f32 v6, v5;
	v7 =	vadd.f32 v7, v3  }
0x200: {  	v12 =	vmul.f32 v12, v1;
	v8 =	vadd.f32 v8, v4;
	v18 =	vadd.f32 v18, v4  }
0x201: {  	v14 =	vadd.f32 v9, v3;
	v9 =	vmul.f32 v11, v0;
	v11 =	vmax.f32 v6, $0.0e+00  }
0x202: {  	v15 =	vmax.f32 v7, $0.0e+00;
	v16 =	vmax.f32 v8, $0.0e+00;
	v17 =	vmin.f32 v11, $2.550000000e+02  }
0x203: {  	v15 =	vmin.f32 v15, $2.550000000e+02;
	v16 =	vmin.f32 v16, $2.550000000e+02;
	v11 =	vadd.f32 $5.000000000e-01, v17  }
0x204: {  	v13 =	vmul.f32 v13, v0;
	v19 =	vadd.f32 $5.000000000e-01, v15;
	v20 =	vadd.f32 $5.000000000e-01, v16  }
0x205: {  	v10 =	vadd.f32 v10, v4;
	v12 =	vadd.f32 v12, v4;
	v21 =	vtrunc.f32 v11  }
0x206: {  	v11 =	vadd.f32 v9, v3;
	v9 =	vtrunc.f32 v19;
	v19 =	vtrunc.f32 v20  }
0x207: {  	v20 =	vmin.f32 v7, v8;
	v9 =	vcvt.f32.s32 v9;
	v19 =	vcvt.f32.s32 v19  }
0x208: {  	v7 =	vmax.f32 v7, v8;
	v21 =	vcvt.f32.s32 v21;
	v20 =	vmin.f32 v20, v6  }
0x209: {  	v6 =	vmax.f32 v7, v6;
	v8 =	vcvt.s32.f32 v9;
	v22 =	vcvt.s32.f32 v19  }
0x20a: {  	vm0 =	vge.f32 v20, $-5.000000000e-01;
	vm9 =	vlt.f32 v6, $2.555000000e+02;
	v7 =	vcvt.s32.f32 v21  }
0x20b: {  	v20 =	vand.u32 $0x1, v9;
	v8 =	vsub.f32 v8, v15;
	v15 =	vsub.f32 v22, v16  }
0x20c: {  	vm0 =	vmand vm0, vm9;
	v7 =	vsub.f32 v7, v17;
	v17 =	vand.u32 $0x1, v21  }
0x20d: {  	v16 =	vld [tilespmem:s8+$0x8000];
	vm1 =	veq.f32 v8, $5.000000000e-01;
	vm2 =	veq.f32 v15, $5.000000000e-01;
	v8 =	vand.u32 $0x1, v19  }
0x20e: {  	vm8 =	veq.f32 v7, $5.000000000e-01;
	v20 =	vnsel vm1, $0x0, v20;
	v8 =	vnsel vm2, $0x0, v8  }
0x20f: {  	v22 =	vld [tilespmem:s6+$0x8000];
	v7 =	vsub.s32 v9, v20;
	v8 =	vsub.s32 v19, v8;
	v9 =	vnsel vm8, $0x0, v17  }
0x210: {  	v15 =	vld [tilespmem:s4+$0x8000];
	v20 =	vmax.f32 v18, $0.0e+00;
	v17 =	vshll.u32 v7, $0xB;
	v8 =	vshll.u32 v8, $0x8  }
0x211: {  	v9 =	vsub.s32 v21, v9;
	v23 =	vand.u32 $0x1F, v7;
	v20 =	vmin.f32 v20, $2.550000000e+02  }
0x212: {  	v6 =	vand.u32 $0xFFFF0000, v17;
	v8 =	vadd.s32 v8, v9;
	v9 =	vmul.f32 v16, v2  }
0x213: {  	v17 =	vadd.f32 v13, v3;
	v13 =	vmax.f32 v10, $0.0e+00;
	v16 =	vmax.f32 v11, $0.0e+00  }
0x214: {  	v31 =	vadd.f32 $5.000000000e-01, v20;
	v6 =	vadd.s32 v6, v8;
	v8 =	vmul.f32 v22, v2  }
0x215: {  	v15 =	vmul.f32 v15, v2;
	v24 =	vmin.f32 v13, $2.550000000e+02;
	v16 =	vmin.f32 v16, $2.550000000e+02  }
0x216: {  	v22 =	vnsel vm0, $0x80000, v6;
	v7 =	vadd.f32 v9, v5;
	v9 =	vmax.f32 v14, $0.0e+00  }
0x217: {  	v19 =	vmax.f32 v17, $0.0e+00;
	v27 =	vadd.f32 $5.000000000e-01, v24;
	v6 =	vadd.f32 v8, v5  }
0x218: {  	v8 =	vadd.f32 v15, v5;
	v15 =	vmax.f32 v12, $0.0e+00;
	v21 =	vmin.f32 v9, $2.550000000e+02  }
0x219: {  	v19 =	vmin.f32 v19, $2.550000000e+02;
	v9 =	vmax.f32 v7, $0.0e+00;
	v15 =	vmin.f32 v15, $2.550000000e+02  }
0x21a: {  	v26 =	vadd.f32 $5.000000000e-01, v21;
	v27 =	vtrunc.f32 v27;
	v13 =	vmax.f32 v6, $0.0e+00  }
0x21b: {  	v25 =	vmax.f32 v8, $0.0e+00;
	v28 =	vmin.f32 v9, $2.550000000e+02;
	v9 =	vadd.f32 $5.000000000e-01, v16  }
0x21c: {  	v29 =	vadd.f32 $5.000000000e-01, v15;
	v27 =	vcvt.f32.s32 v27;
	v30 =	vmin.f32 v13, $2.550000000e+02  }
0x21d: {  	v13 =	vadd.f32 $5.000000000e-01, v19;
	v25 =	vmin.f32 v25, $2.550000000e+02;
	v26 =	vtrunc.f32 v26  }
0x21e: {  	v32 =	vadd.f32 $5.000000000e-01, v28;
	v34 =	vtrunc.f32 v9;
	v9 =	vmin.f32 v14, v10  }
0x21f: {  	v29 =	vtrunc.f32 v29;
	v10 =	vmax.f32 v14, v10;
	v14 =	vcvt.f32.s32 v26  }
0x220: {  	v33 =	vadd.f32 $5.000000000e-01, v30;
	v26 =	vtrunc.f32 v31;
	v42 =	vcvt.s32.f32 v27  }
0x221: {  	v35 =	vadd.f32 $5.000000000e-01, v25;
	v36 =	vtrunc.f32 v13;
	v53 =	vcvt.f32.s32 v34  }
0x222: {  	v37 =	vand.u32 $0x1, v27;
	v32 =	vtrunc.f32 v32;
	v29 =	vcvt.f32.s32 v29  }
0x223: {  	v13 =	vmin.f32 v11, v12;
	v26 =	vcvt.f32.s32 v26;
	v33 =	vtrunc.f32 v33  }
0x224: {  	v54 =	vand.u32 $0x1, v14;
	v36 =	vcvt.f32.s32 v36;
	v35 =	vtrunc.f32 v35  }
0x225: {  	v32 =	vcvt.f32.s32 v32;
	v40 =	vcvt.s32.f32 v14;
	v24 =	vsub.f32 v42, v24  }
0x226: {  	v38 =	vand.u32 $0x1, v53;
	v39 =	vand.u32 $0x1, v29;
	v33 =	vcvt.f32.s32 v33  }
0x227: {  	v35 =	vcvt.f32.s32 v35;
	v43 =	vcvt.s32.f32 v53;
	v44 =	vand.u32 $0x1, v26  }
0x228: {  	v55 =	vcvt.s32.f32 v29;
	v57 =	vcvt.s32.f32 v26;
	v41 =	vand.u32 $0x1, v36  }
0x229: {  	v21 =	vsub.f32 v40, v21;
	v45 =	vcvt.s32.f32 v36;
	v56 =	vcvt.s32.f32 v32  }
0x22a: {  	vm11 =	veq.f32 v24, $5.000000000e-01;
	v16 =	vsub.f32 v43, v16;
	v15 =	vsub.f32 v55, v15  }
0x22b: {  	v58 =	vcvt.s32.f32 v33;
	v59 =	vcvt.s32.f32 v35;
	v20 =	vsub.f32 v57, v20  }
0x22c: {  	v61 =	vand.u32 $0x1, v33;
	v62 =	vand.u32 $0x1, v35;
	v19 =	vsub.f32 v45, v19  }
0x22d: {  	vm10 =	veq.f32 v21, $5.000000000e-01;
	v21 =	vsub.f32 v56, v28;
	vm12 =	veq.f32 v16, $5.000000000e-01  }
0x22e: {  	v16 =	vsub.f32 v58, v30;
	v24 =	vsub.f32 v59, v25;
	vm3 =	veq.f32 v15, $5.000000000e-01  }
0x22f: {  	vm5 =	veq.f32 v20, $5.000000000e-01;
	v15 =	vnsel vm10, $0x0, v54;
	vm4 =	veq.f32 v19, $5.000000000e-01  }
0x230: {  	v19 =	vnsel vm11, $0x0, v37;
	v20 =	vnsel vm12, $0x0, v38;
	vm13 =	veq.f32 v21, $5.000000000e-01  }
0x231: {  	v21 =	vnsel vm3, $0x0, v39;
	v60 =	vnsel vm5, $0x0, v44;
	vm14 =	veq.f32 v16, $5.000000000e-01  }
0x232: {  	v25 =	vnsel vm4, $0x0, v41;
	vm15 =	veq.f32 v24, $5.000000000e-01;
	v24 =	vand.u32 $0x1, v32  }
0x233: {  	v16 =	vsub.s32 v14, v15;
	v27 =	vsub.s32 v27, v19;
	v14 =	vsub.s32 v53, v20  }
0x234: {  	v29 =	vsub.s32 v29, v21;
	v19 =	vmax.f32 v11, v12;
	v20 =	vmin.f32 v17, v18  }
0x235: {  	v21 =	vmax.f32 v17, v18;
	v24 =	vnsel vm13, $0x0, v24;
	v30 =	vnsel vm14, $0x0, v61  }
0x236: {  	v15 =	vsub.s32 v36, v25;
	v25 =	vsub.s32 v26, v60;
	v63 =	vnsel vm15, $0x0, v62  }
0x237: {  	s21 =	simm.s32 $0x1000;
	s2 =	smov.u32 s30;
	v11 =	vshll.u32 v16, $0xB;
	v12 =	vshll.u32 v27, $0x8;
	v17 =	vshll.u32 v14, $0xB  }
0x238: {  	s13 =	simm.s32 $0x0;
	s14 =	simm.s32 $0x20E0;
	s4 =	sand.u32 $0x1780, s21;
	[tilespmem:s1+$0x0] =	vst v22;
	v18 =	vshll.u32 v29, $0x8;
	v26 =	vsub.s32 v32, v24;
	v22 =	vsub.s32 v33, v30  }
0x239: {  	s15 =	simm.s32 $0x1070;
	s21 =	smov.u32 s22;
	s7 =	sor.u32 s7, s4;
	[tilespmem:s0+$0xFFFFFFF0] =	vst v23;
	v24 =	vshll.u32 v15, $0xB;
	v23 =	vshll.u32 v25, $0x8;
	v25 =	vsub.s32 v35, v63  }
.LBB2_21:
0x23a: {  	s4 =	sadd.s32 $0xFFFFFFA0, s14;
	s5 =	sadd.s32 $0xFFFFFFF0, s15;
	s6 =	sadd.s32 $0xFFFFFFE0, s14;
	v9 =	vmin.f32 v9, v7;
	v7 =	vmax.f32 v10, v7;
	v10 =	vmin.f32 v13, v6  }
0x23b: {  	s8 =	sadd.s32 $0xFFFFFFE0, s15;
	v6 =	vmax.f32 v19, v6;
	v13 =	vmin.f32 v20, v8;
	v8 =	vmax.f32 v21, v8;
	s5 =	sand.u32 $0x60, s5;
	s6 =	sand.u32 $0x2F00, s6  }
0x23c: {  	s9 =	sadd.s32 $0xFFFFEFD0, s15;
	s19 =	sadd.s32 $0xFFFFFFC0, s14;
	v11 =	vand.u32 $0xFFFF0000, v11;
	v12 =	vadd.s32 v12, v26;
	v17 =	vand.u32 $0xFFFF0000, v17;
	s5 =	sor.u32 s5, s6  }
0x23d: {  	s13 =	sadd.s32 $0x4, s13;
	v18 =	vadd.s32 v18, v22;
	v20 =	vand.u32 $0xFFFF0000, v24;
	v21 =	vadd.s32 v23, v25;
	s4 =	sand.u32 $0x2F00, s4;
	s6 =	sand.u32 $0x40, s9;
	v19 =	vld [tilespmem:s5+$0x8000]  }
0x23e: {  	s8 =	sand.u32 $0x50, s8;
	p1 =	slt.u32 s13, $0x7C;
	vm0 =	vge.f32 v9, $-5.000000000e-01;
	vm1 =	vlt.f32 v7, $2.555000000e+02;
	vm2 =	vge.f32 v10, $-5.000000000e-01;
	s9 =	sand.u32 $0x2F00, s19;
	v22 =	vld [tilespmem:s5+$0x0]  }
0x23f: {  	vm3 =	vlt.f32 v6, $2.555000000e+02;
	vm4 =	vge.f32 v13, $-5.000000000e-01;
	vm5 =	vlt.f32 v8, $2.555000000e+02;
	s19 =	sand.u32 $0x2F00, s14;
	s4 =	sor.u32 s6, s4;
	v7 =	vld [tilespmem:s5+$0x4000];
	s5 =	sand.u32 $0x70, s15  }
0x240: {  	s20 =	sadd.s32 $0xFFFFFFD0, s15;
	v8 =	vadd.s32 v11, v12;
	v9 =	vadd.s32 v17, v18;
	v10 =	vadd.s32 v20, v21;
	s8 =	sor.u32 s8, s9;
	v6 =	vld [tilespmem:s4+$0x0];
	s5 =	sor.u32 s5, s19  }
0x241: {  	vm0 =	vmand vm0, vm1;
	vm1 =	vmand vm2, vm3;
	vm2 =	vmand vm4, vm5;
	s9 =	sand.u32 $0x1780, s20;
	v11 =	vld [tilespmem:s4+$0x4000]  }
0x242: {  	v8 =	vnsel vm0, $0x80000, v8;
	v9 =	vnsel vm1, $0x80000, v9;
	v13 =	vnsel vm2, $0x80000, v10;
	s6 =	sor.u32 s6, s9;
	v12 =	vld [tilespmem:s8+$0x0]  }
0x243: {  	v14 =	vand.u32 $0x1F, v14;
	v10 =	vmul.f32 v19, v2;
	v17 =	vld [tilespmem:s8+$0x4000];
	[tilespmem:s1+$0xFFFFFFE0] =	vst v8;
	v8 =	vand.u32 $0x1F, v16  }
0x244: {  	v16 =	vmul.f32 v22, v0;
	v7 =	vmul.f32 v7, v1;
	v18 =	vld [tilespmem:s5+$0x0];
	[tilespmem:s7+$0xD000] =	vst v8;
	v8 =	vand.u32 $0x1F, v15;
	s7 =	smov.u32 s6  }
0x245: {  	v15 =	vadd.f32 v10, v5;
	v6 =	vmul.f32 v6, v0;
	v19 =	vld [tilespmem:s5+$0x4000];
	[tilespmem:s1+$0xFFFFFFF0] =	vst v9  }
0x246: {  	v16 =	vadd.f32 v16, v3;
	v9 =	vmul.f32 v11, v1;
	v20 =	vld [tilespmem:s4+$0x8000];
	v7 =	vadd.f32 v7, v4;
	[tilespmem:s0+$0xFFFFFFE0] =	vst v14  }
0x247: {  	v11 =	vmax.f32 v15, $0.0e+00;
	v10 =	vadd.f32 v6, v3;
	v6 =	vmul.f32 v12, v0;
	v14 =	vld [tilespmem:s8+$0x8000];
	[tilespmem:s1+$0x10] =	vst v13  }
0x248: {  	v12 =	vmax.f32 v16, $0.0e+00;
	v21 =	vmin.f32 v11, $2.550000000e+02;
	v13 =	vmax.f32 v7, $0.0e+00;
	v22 =	vld [tilespmem:s5+$0x8000];
	[tilespmem:s0+$0x0] =	vst v8  }
0x249: {  	v8 =	vmin.f32 v12, $2.550000000e+02;
	v11 =	vadd.f32 $5.000000000e-01, v21;
	v13 =	vmin.f32 v13, $2.550000000e+02  }
0x24a: {  	v12 =	vmul.f32 v17, v1;
	v17 =	vadd.f32 $5.000000000e-01, v8;
	v23 =	vadd.f32 $5.000000000e-01, v13  }
0x24b: {  	v24 =	vadd.f32 v9, v4;
	v18 =	vmul.f32 v18, v0;
	v9 =	vtrunc.f32 v11  }
0x24c: {  	v11 =	vadd.f32 v6, v3;
	v6 =	vtrunc.f32 v17;
	v17 =	vtrunc.f32 v23  }
0x24d: {  	v12 =	vadd.f32 v12, v4;
	v6 =	vcvt.f32.s32 v6;
	v17 =	vcvt.f32.s32 v17  }
0x24e: {  	v19 =	vmul.f32 v19, v1;
	v9 =	vcvt.f32.s32 v9;
	v23 =	vmin.f32 v16, v7  }
0x24f: {  	v7 =	vmax.f32 v16, v7;
	v16 =	vcvt.s32.f32 v6;
	v25 =	vcvt.s32.f32 v17  }
0x250: {  	v23 =	vmin.f32 v23, v15;
	v7 =	vmax.f32 v7, v15;
	v15 =	vcvt.s32.f32 v9  }
0x251: {  	vm0 =	vge.f32 v23, $-5.000000000e-01;
	v8 =	vsub.f32 v16, v8;
	v13 =	vsub.f32 v25, v13  }
0x252: {  	v15 =	vsub.f32 v15, v21;
	v21 =	vand.u32 $0x1, v9;
	v16 =	vand.u32 $0x1, v6  }
0x253: {  	vm1 =	veq.f32 v8, $5.000000000e-01;
	v8 =	vand.u32 $0x1, v17;
	vm2 =	veq.f32 v13, $5.000000000e-01  }
0x254: {  	v13 =	vnsel vm1, $0x0, v16;
	vm1 =	veq.f32 v15, $5.000000000e-01;
	v8 =	vnsel vm2, $0x0, v8  }
0x255: {  	v6 =	vsub.s32 v6, v13;
	v13 =	vnsel vm1, $0x0, v21;
	v8 =	vsub.s32 v17, v8  }
0x256: {  	v15 =	vshll.u32 v6, $0xB;
	v9 =	vsub.s32 v9, v13;
	v8 =	vshll.u32 v8, $0x8  }
0x257: {  	vm1 =	vlt.f32 v7, $2.555000000e+02;
	v7 =	vand.u32 $0xFFFF0000, v15;
	v8 =	vadd.s32 v8, v9  }
0x258: {  	vm0 =	vmand vm0, vm1;
	v9 =	vmul.f32 v20, v2;
	v7 =	vadd.s32 v7, v8  }
0x259: {  	s1 =	sadd.s32 $0x40, s1;
	v13 =	vmul.f32 v22, v2;
	v8 =	vmul.f32 v14, v2;
	v7 =	vnsel vm0, $0x80000, v7  }
0x25a: {  	s0 =	sadd.s32 $0x40, s0;
	v17 =	vadd.f32 v18, v3;
	v18 =	vadd.f32 v19, v4;
	v14 =	vand.u32 $0x1F, v6;
	[tilespmem:s1+$0x0] =	vst v7  }
0x25b: {  	v7 =	vadd.f32 v9, v5;
	v9 =	vmax.f32 v10, $0.0e+00;
	v6 =	vadd.f32 v8, v5;
	[tilespmem:s0+$0xFFFFFFF0] =	vst v14  }
0x25c: {  	v15 =	vmax.f32 v11, $0.0e+00;
	v8 =	vadd.f32 v13, v5;
	v14 =	vmax.f32 v24, $0.0e+00  }
0x25d: {  	v16 =	vmax.f32 v17, $0.0e+00;
	v19 =	vmax.f32 v18, $0.0e+00;
	v13 =	vmax.f32 v12, $0.0e+00  }
0x25e: {  	v15 =	vmin.f32 v15, $2.550000000e+02;
	v20 =	vmin.f32 v9, $2.550000000e+02;
	v14 =	vmin.f32 v14, $2.550000000e+02  }
0x25f: {  	v21 =	vmin.f32 v13, $2.550000000e+02;
	v9 =	vmax.f32 v7, $0.0e+00;
	v13 =	vmax.f32 v6, $0.0e+00  }
0x260: {  	v16 =	vmin.f32 v16, $2.550000000e+02;
	v19 =	vmin.f32 v19, $2.550000000e+02;
	v22 =	vmax.f32 v8, $0.0e+00  }
0x261: {  	v23 =	vadd.f32 $5.000000000e-01, v20;
	v25 =	vadd.f32 $5.000000000e-01, v14;
	v26 =	vmin.f32 v9, $2.550000000e+02  }
0x262: {  	v27 =	vadd.f32 $5.000000000e-01, v21;
	v9 =	vadd.f32 $5.000000000e-01, v15;
	v28 =	vmin.f32 v13, $2.550000000e+02  }
0x263: {  	v29 =	vadd.f32 $5.000000000e-01, v19;
	v13 =	vadd.f32 $5.000000000e-01, v16;
	v22 =	vmin.f32 v22, $2.550000000e+02  }
0x264: {  	v23 =	vtrunc.f32 v23;
	v30 =	vadd.f32 $5.000000000e-01, v26;
	v31 =	vadd.f32 $5.000000000e-01, v28  }
0x265: {  	v33 =	vadd.f32 $5.000000000e-01, v22;
	v25 =	vtrunc.f32 v25;
	v32 =	vtrunc.f32 v9  }
0x266: {  	v27 =	vtrunc.f32 v27;
	v9 =	vmin.f32 v10, v24;
	v34 =	vtrunc.f32 v13  }
0x267: {  	v10 =	vmax.f32 v10, v24;
	v23 =	vcvt.f32.s32 v23;
	v24 =	vtrunc.f32 v29  }
0x268: {  	v13 =	vmin.f32 v11, v12;
	v25 =	vcvt.f32.s32 v25;
	v29 =	vcvt.f32.s32 v32  }
0x269: {  	v27 =	vcvt.f32.s32 v27;
	v30 =	vtrunc.f32 v30;
	v32 =	vand.u32 $0x1, v23  }
0x26a: {  	v31 =	vtrunc.f32 v31;
	v34 =	vcvt.f32.s32 v34;
	v35 =	vand.u32 $0x1, v25  }
0x26b: {  	v24 =	vcvt.f32.s32 v24;
	v33 =	vtrunc.f32 v33;
	v36 =	vand.u32 $0x1, v29  }
0x26c: {  	v30 =	vcvt.f32.s32 v30;
	v37 =	vand.u32 $0x1, v27;
	v31 =	vcvt.f32.s32 v31  }
0x26d: {  	v38 =	vcvt.s32.f32 v23;
	v33 =	vcvt.f32.s32 v33;
	v39 =	vand.u32 $0x1, v34  }
0x26e: {  	v40 =	vcvt.s32.f32 v25;
	v41 =	vcvt.s32.f32 v29;
	v42 =	vand.u32 $0x1, v24  }
0x26f: {  	v43 =	vcvt.s32.f32 v34;
	v20 =	vsub.f32 v38, v20;
	v38 =	vcvt.s32.f32 v27  }
0x270: {  	v44 =	vcvt.s32.f32 v24;
	v14 =	vsub.f32 v40, v14;
	v40 =	vcvt.s32.f32 v30  }
0x271: {  	v45 =	vcvt.s32.f32 v33;
	v15 =	vsub.f32 v41, v15;
	v41 =	vcvt.s32.f32 v31  }
0x272: {  	v16 =	vsub.f32 v43, v16;
	vm0 =	veq.f32 v20, $5.000000000e-01;
	v20 =	vsub.f32 v38, v21  }
0x273: {  	v19 =	vsub.f32 v44, v19;
	vm1 =	veq.f32 v14, $5.000000000e-01;
	v14 =	vsub.f32 v40, v26  }
0x274: {  	v21 =	vsub.f32 v45, v22;
	vm2 =	veq.f32 v15, $5.000000000e-01;
	v15 =	vsub.f32 v41, v28  }
0x275: {  	vm4 =	veq.f32 v16, $5.000000000e-01;
	vm5 =	veq.f32 v19, $5.000000000e-01;
	vm3 =	veq.f32 v20, $5.000000000e-01  }
0x276: {  	v16 =	vnsel vm0, $0x0, v32;
	v19 =	vnsel vm1, $0x0, v35;
	v20 =	vnsel vm2, $0x0, v36  }
0x277: {  	vm0 =	veq.f32 v14, $5.000000000e-01;
	v22 =	vnsel vm3, $0x0, v37;
	vm1 =	veq.f32 v15, $5.000000000e-01  }
0x278: {  	v26 =	vnsel vm5, $0x0, v42;
	vm2 =	veq.f32 v21, $5.000000000e-01;
	v15 =	vnsel vm4, $0x0, v39  }
0x279: {  	v28 =	vand.u32 $0x1, v31;
	v32 =	vand.u32 $0x1, v33;
	v21 =	vand.u32 $0x1, v30  }
0x27a: {  	v16 =	vsub.s32 v23, v16;
	v23 =	vsub.s32 v25, v19;
	v14 =	vsub.s32 v29, v20  }
0x27b: {  	v25 =	vnsel vm0, $0x0, v21;
	v22 =	vsub.s32 v27, v22;
	v27 =	vnsel vm1, $0x0, v28  }
.Ltmp9:
0x27c: {  	v29 =	vnsel vm2, $0x0, v32;
	v15 =	vsub.s32 v34, v15;
	v28 =	vsub.s32 v24, v26;
	(pc) =	sbr.rel @p1 .LBB2_21-.Ltmp9, $4  }
0x27d: {  	v19 =	vmax.f32 v11, v12;
	v20 =	vmin.f32 v17, v18;
	v21 =	vmax.f32 v17, v18  }
0x27e: {  	v11 =	vshll.u32 v16, $0xB;
	v12 =	vshll.u32 v23, $0x8;
	v17 =	vshll.u32 v14, $0xB  }
0x27f: {  	v26 =	vsub.s32 v30, v25;
	v18 =	vshll.u32 v22, $0x8;
	v22 =	vsub.s32 v31, v27  }
0x280: {  	s14 =	sadd.s32 $0x80, s14;
	s15 =	sadd.s32 $0x40, s15;
	v24 =	vshll.u32 v15, $0xB;
	v23 =	vshll.u32 v28, $0x8;
	v25 =	vsub.s32 v33, v29  }
0x281: {  	v9 =	vmin.f32 v9, v7  }
0x282: {  	v7 =	vmax.f32 v10, v7;
	v10 =	vmin.f32 v13, v6;
	v6 =	vmax.f32 v19, v6  }
0x283: {  	v13 =	vmin.f32 v20, v8;
	v8 =	vmax.f32 v21, v8;
	v11 =	vand.u32 $0xFFFF0000, v11  }
0x284: {  	v12 =	vadd.s32 v12, v26;
	v17 =	vand.u32 $0xFFFF0000, v17;
	v18 =	vadd.s32 v18, v22  }
0x285: {  	v63 =	vand.u32 $0xFFFF0000, v24;
	vm0 =	vge.f32 v9, $-5.000000000e-01;
	vm1 =	vlt.f32 v7, $2.555000000e+02  }
0x286: {  	v7 =	vadd.s32 v23, v25;
	v9 =	vadd.s32 v11, v12;
	vm0 =	vmand vm0, vm1  }
0x287: {  	vm11 =	vge.f32 v10, $-5.000000000e-01;
	vm2 =	vlt.f32 v6, $2.555000000e+02;
	v6 =	vnsel vm0, $0x80000, v9  }
0x288: {  	vm12 =	vmand vm11, vm2;
	v9 =	vadd.s32 v17, v18;
	[tilespmem:s1+$0xFFFFFFE0] =	vst v6;
	v6 =	vand.u32 $0x1F, v16  }
0x289: {  	vm13 =	vge.f32 v13, $-5.000000000e-01;
	vm14 =	vlt.f32 v8, $2.555000000e+02;
	v8 =	vnsel vm12, $0x80000, v9;
	[tilespmem:s7+$0xD000] =	vst v6  }
0x28a: {  	vm15 =	vmand vm13, vm14;
	v6 =	vadd.s32 v63, v7;
	v7 =	vand.u32 $0x1F, v14;
	[tilespmem:s1+$0xFFFFFFF0] =	vst v8  }
0x28b: {  	v6 =	vnsel vm15, $0x80000, v6;
	[tilespmem:s0+$0xFFFFFFE0] =	vst v7  }
0x28c: {  	v7 =	vand.u32 $0x1F, v15;
	[tilespmem:s1+$0x10] =	vst v6  }
0x28d: {  	s30 =	simm.s32 $0xC000;
	[tilespmem:s0+$0x0] =	vst v7  }
0x28e: {  	[tilespmem:s29], [sflag:$0x1] =	stream.indirect.gather [spmem:s26], $0x1, s30, s18, $0xb8;
	[tilespmem:$0x1A088] =	vst v63  }
0x28f: {  	_ =	swait.ge [sflag:s24], $0x800  }
0x290: {  	[sflag:s24] =	ssyncset.done $0x0  }
0x291: {  	s22 =	simm.s32 $0xF820;
	[sflag:s24] =	ssyncadd.s32 $0xFFFFF800  }
0x292: {  	s8 =	simm.s32 $0xD830;
	v11 =	vld [tilespmem:s22+$0x10]  }
0x293: {  	v12 =	vld [tilespmem:s8+$0x0]  }
0x294: {  	v8 =	vld [tilespmem:s8+$0xFFFFFFD0]  }
0x295: {  	v7 =	vld [tilespmem:s22+$0xFFFFFFF0]  }
0x296: {  	v9 =	vld [tilespmem:s8+$0xFFFFFFE0]  }
0x297: {  	v6 =	vld [tilespmem:s22+$0x0]  }
0x298: {  	s13 =	simm.s32 $0x0;
	s14 =	simm.s32 $0xF860;
	v10 =	vld [tilespmem:s8+$0xFFFFFFF0];
	v12 =	vshrl.u32 v11, v12  }
0x299: {  	s7 =	simm.s32 $0x10830;
	s0 =	simm.s32 $0xE830;
	v11 =	vld [tilespmem:s22+$0xFFFFFFE0];
	s22 =	smov.u32 s16;
	v12 =	vand.u32 $0x1, v12  }
.LBB2_23:
0x29a: {  	v13 =	vld [tilespmem:s14+$0x10];
	[tilespmem:s7+$0x0] =	vst v12;
	s8 =	sadd.s32 $0x40, s8;
	s5 =	simm.s32 $0x1830;
	s4 =	simm.s32 $0x3060  }
0x29b: {  	s13 =	sadd.s32 $0x4, s13;
	v12 =	vld [tilespmem:s8+$0x0];
	v7 =	vshrl.u32 v7, v9  }
0x29c: {  	p1 =	slt.u32 s13, $0x7C;
	v14 =	vld [tilespmem:s8+$0xFFFFFFD0];
	v9 =	vand.u32 $0x1, v7  }
.Ltmp10:
0x29d: {  	v7 =	vld [tilespmem:s14+$0xFFFFFFF0];
	[tilespmem:s7+$0xFFFFFFE0] =	vst v9;
	v6 =	vshrl.u32 v6, v10;
	(pc) =	sbr.rel @p1 .LBB2_23-.Ltmp10, $4  }
0x29e: {  	v9 =	vld [tilespmem:s8+$0xFFFFFFE0];
	v8 =	vshrl.u32 v11, v8;
	v10 =	vand.u32 $0x1, v6  }
0x29f: {  	v6 =	vld [tilespmem:s14+$0x0];
	v15 =	vand.u32 $0x1, v8;
	[tilespmem:s7+$0xFFFFFFF0] =	vst v10  }
0x2a0: {  	v10 =	vld [tilespmem:s8+$0xFFFFFFF0];
	v12 =	vshrl.u32 v13, v12;
	[tilespmem:s7+$0xFFFFFFD0] =	vst v15  }
0x2a1: {  	s1 =	simm.s32 $0xC820;
	s7 =	sadd.s32 $0x40, s7;
	v11 =	vld [tilespmem:s14+$0xFFFFFFE0];
	v12 =	vand.u32 $0x1, v12;
	s14 =	sadd.s32 $0x40, s14;
	v8 =	vmov v14  }
0x2a2: {  	_ =	sdelay $0x1  }
0x2a3: {  	v7 =	vshrl.u32 v7, v9  }
0x2a4: {  	[tilespmem:s7+$0x0] =	vst v12;
	v7 =	vand.u32 $0x1, v7;
	v6 =	vshrl.u32 v6, v10  }
0x2a5: {  	s6 =	simm.s32 $0x1820;
	s8 =	simm.s32 $0x3040;
	[tilespmem:s7+$0xFFFFFFE0] =	vst v7;
	v7 =	vshrl.u32 v11, v8;
	v6 =	vand.u32 $0x1, v6  }
0x2a6: {  	s6 =	sand.u32 $0x60, s6;
	s8 =	sand.u32 $0x3F00, s8;
	v7 =	vand.u32 $0x1, v7;
	[tilespmem:s7+$0xFFFFFFF0] =	vst v6  }
0x2a7: {  	s6 =	sor.u32 s6, s8;
	[tilespmem:s7+$0xFFFFFFD0] =	vst v7  }
0x2a8: {  	s14 =	simm.s32 $0x3000;
	v6 =	vld [tilespmem:s6+$0x8000]  }
0x2a9: {  	s15 =	simm.s32 $0x0;
	s5 =	sand.u32 $0x70, s5;
	s4 =	sand.u32 $0x3F00, s4;
	v7 =	vld [tilespmem:s6+$0x0]  }
0x2aa: {  	s4 =	sor.u32 s5, s4;
	s8 =	sand.u32 $0x3F00, s14;
	s7 =	sand.u32 $0x40, s15;
	v8 =	vld [tilespmem:s6+$0x4000]  }
0x2ab: {  	s9 =	simm.s32 $0x1810;
	s13 =	simm.s32 $0x3020;
	s8 =	sor.u32 s7, s8;
	v18 =	vld [tilespmem:s4+$0x4000]  }
0x2ac: {  	s16 =	sand.u32 $0x50, s9;
	s19 =	sand.u32 $0x3F00, s13;
	v9 =	vld [tilespmem:s8+$0x0]  }
0x2ad: {  	s6 =	sor.u32 s16, s19;
	v10 =	vld [tilespmem:s8+$0x4000]  }
0x2ae: {  	v12 =	vld [tilespmem:s6+$0x4000]  }
0x2af: {  	v11 =	vld [tilespmem:s6+$0x0];
	v6 =	vmul.f32 v6, v2  }
0x2b0: {  	v7 =	vmul.f32 v7, v0;
	v8 =	vmul.f32 v8, v1  }
0x2b1: {  	v18 =	vmul.f32 v18, v1;
	v9 =	vmul.f32 v9, v0  }
0x2b2: {  	v13 =	vld [tilespmem:s4+$0x0];
	v10 =	vmul.f32 v10, v1;
	v6 =	vadd.f32 v6, v5;
	v7 =	vadd.f32 v7, v3  }
0x2b3: {  	v12 =	vmul.f32 v12, v1;
	v8 =	vadd.f32 v8, v4;
	v18 =	vadd.f32 v18, v4  }
0x2b4: {  	v14 =	vadd.f32 v9, v3;
	v9 =	vmul.f32 v11, v0;
	v11 =	vmax.f32 v6, $0.0e+00  }
0x2b5: {  	v15 =	vmax.f32 v7, $0.0e+00;
	v16 =	vmax.f32 v8, $0.0e+00;
	v17 =	vmin.f32 v11, $2.550000000e+02  }
0x2b6: {  	v15 =	vmin.f32 v15, $2.550000000e+02;
	v16 =	vmin.f32 v16, $2.550000000e+02;
	v11 =	vadd.f32 $5.000000000e-01, v17  }
0x2b7: {  	v13 =	vmul.f32 v13, v0;
	v19 =	vadd.f32 $5.000000000e-01, v15;
	v20 =	vadd.f32 $5.000000000e-01, v16  }
0x2b8: {  	v10 =	vadd.f32 v10, v4;
	v12 =	vadd.f32 v12, v4;
	v21 =	vtrunc.f32 v11  }
0x2b9: {  	v11 =	vadd.f32 v9, v3;
	v9 =	vtrunc.f32 v19;
	v19 =	vtrunc.f32 v20  }
0x2ba: {  	v20 =	vmin.f32 v7, v8;
	v9 =	vcvt.f32.s32 v9;
	v19 =	vcvt.f32.s32 v19  }
0x2bb: {  	v7 =	vmax.f32 v7, v8;
	v21 =	vcvt.f32.s32 v21;
	v20 =	vmin.f32 v20, v6  }
0x2bc: {  	v6 =	vmax.f32 v7, v6;
	v8 =	vcvt.s32.f32 v9;
	v22 =	vcvt.s32.f32 v19  }
0x2bd: {  	vm0 =	vge.f32 v20, $-5.000000000e-01;
	vm9 =	vlt.f32 v6, $2.555000000e+02;
	v7 =	vcvt.s32.f32 v21  }
0x2be: {  	v20 =	vand.u32 $0x1, v9;
	v8 =	vsub.f32 v8, v15;
	v15 =	vsub.f32 v22, v16  }
0x2bf: {  	vm0 =	vmand vm0, vm9;
	v7 =	vsub.f32 v7, v17;
	v17 =	vand.u32 $0x1, v21  }
0x2c0: {  	v16 =	vld [tilespmem:s8+$0x8000];
	vm1 =	veq.f32 v8, $5.000000000e-01;
	vm2 =	veq.f32 v15, $5.000000000e-01;
	v8 =	vand.u32 $0x1, v19  }
0x2c1: {  	vm8 =	veq.f32 v7, $5.000000000e-01;
	v20 =	vnsel vm1, $0x0, v20;
	v8 =	vnsel vm2, $0x0, v8  }
0x2c2: {  	v22 =	vld [tilespmem:s6+$0x8000];
	v7 =	vsub.s32 v9, v20;
	v8 =	vsub.s32 v19, v8;
	v9 =	vnsel vm8, $0x0, v17  }
0x2c3: {  	v15 =	vld [tilespmem:s4+$0x8000];
	v20 =	vmax.f32 v18, $0.0e+00;
	v17 =	vshll.u32 v7, $0xB;
	v8 =	vshll.u32 v8, $0x8  }
0x2c4: {  	v9 =	vsub.s32 v21, v9;
	v23 =	vand.u32 $0x1F, v7;
	v20 =	vmin.f32 v20, $2.550000000e+02  }
0x2c5: {  	v6 =	vand.u32 $0xFFFF0000, v17;
	v8 =	vadd.s32 v8, v9;
	v9 =	vmul.f32 v16, v2  }
0x2c6: {  	v17 =	vadd.f32 v13, v3;
	v13 =	vmax.f32 v10, $0.0e+00;
	v16 =	vmax.f32 v11, $0.0e+00  }
0x2c7: {  	v31 =	vadd.f32 $5.000000000e-01, v20;
	v6 =	vadd.s32 v6, v8;
	v8 =	vmul.f32 v22, v2  }
0x2c8: {  	v15 =	vmul.f32 v15, v2;
	v24 =	vmin.f32 v13, $2.550000000e+02;
	v16 =	vmin.f32 v16, $2.550000000e+02  }
0x2c9: {  	v22 =	vnsel vm0, $0x80000, v6;
	v7 =	vadd.f32 v9, v5;
	v9 =	vmax.f32 v14, $0.0e+00  }
0x2ca: {  	v19 =	vmax.f32 v17, $0.0e+00;
	v27 =	vadd.f32 $5.000000000e-01, v24;
	v6 =	vadd.f32 v8, v5  }
0x2cb: {  	v8 =	vadd.f32 v15, v5;
	v15 =	vmax.f32 v12, $0.0e+00;
	v21 =	vmin.f32 v9, $2.550000000e+02  }
0x2cc: {  	v19 =	vmin.f32 v19, $2.550000000e+02;
	v9 =	vmax.f32 v7, $0.0e+00;
	v15 =	vmin.f32 v15, $2.550000000e+02  }
0x2cd: {  	v26 =	vadd.f32 $5.000000000e-01, v21;
	v27 =	vtrunc.f32 v27;
	v13 =	vmax.f32 v6, $0.0e+00  }
0x2ce: {  	v25 =	vmax.f32 v8, $0.0e+00;
	v28 =	vmin.f32 v9, $2.550000000e+02;
	v9 =	vadd.f32 $5.000000000e-01, v16  }
0x2cf: {  	v29 =	vadd.f32 $5.000000000e-01, v15;
	v27 =	vcvt.f32.s32 v27;
	v30 =	vmin.f32 v13, $2.550000000e+02  }
0x2d0: {  	v13 =	vadd.f32 $5.000000000e-01, v19;
	v25 =	vmin.f32 v25, $2.550000000e+02;
	v26 =	vtrunc.f32 v26  }
0x2d1: {  	v32 =	vadd.f32 $5.000000000e-01, v28;
	v34 =	vtrunc.f32 v9;
	v9 =	vmin.f32 v14, v10  }
0x2d2: {  	v29 =	vtrunc.f32 v29;
	v10 =	vmax.f32 v14, v10;
	v14 =	vcvt.f32.s32 v26  }
0x2d3: {  	v33 =	vadd.f32 $5.000000000e-01, v30;
	v26 =	vtrunc.f32 v31;
	v42 =	vcvt.s32.f32 v27  }
0x2d4: {  	v35 =	vadd.f32 $5.000000000e-01, v25;
	v36 =	vtrunc.f32 v13;
	v53 =	vcvt.f32.s32 v34  }
0x2d5: {  	v37 =	vand.u32 $0x1, v27;
	v32 =	vtrunc.f32 v32;
	v29 =	vcvt.f32.s32 v29  }
0x2d6: {  	v13 =	vmin.f32 v11, v12;
	v26 =	vcvt.f32.s32 v26;
	v33 =	vtrunc.f32 v33  }
0x2d7: {  	v54 =	vand.u32 $0x1, v14;
	v36 =	vcvt.f32.s32 v36;
	v35 =	vtrunc.f32 v35  }
0x2d8: {  	v32 =	vcvt.f32.s32 v32;
	v40 =	vcvt.s32.f32 v14;
	v24 =	vsub.f32 v42, v24  }
0x2d9: {  	v38 =	vand.u32 $0x1, v53;
	v39 =	vand.u32 $0x1, v29;
	v33 =	vcvt.f32.s32 v33  }
0x2da: {  	v35 =	vcvt.f32.s32 v35;
	v43 =	vcvt.s32.f32 v53;
	v44 =	vand.u32 $0x1, v26  }
0x2db: {  	v55 =	vcvt.s32.f32 v29;
	v57 =	vcvt.s32.f32 v26;
	v41 =	vand.u32 $0x1, v36  }
0x2dc: {  	v21 =	vsub.f32 v40, v21;
	v45 =	vcvt.s32.f32 v36;
	v56 =	vcvt.s32.f32 v32  }
0x2dd: {  	vm11 =	veq.f32 v24, $5.000000000e-01;
	v16 =	vsub.f32 v43, v16;
	v15 =	vsub.f32 v55, v15  }
0x2de: {  	v58 =	vcvt.s32.f32 v33;
	v59 =	vcvt.s32.f32 v35;
	v20 =	vsub.f32 v57, v20  }
0x2df: {  	v61 =	vand.u32 $0x1, v33;
	v62 =	vand.u32 $0x1, v35;
	v19 =	vsub.f32 v45, v19  }
0x2e0: {  	vm10 =	veq.f32 v21, $5.000000000e-01;
	v21 =	vsub.f32 v56, v28;
	vm12 =	veq.f32 v16, $5.000000000e-01  }
0x2e1: {  	v16 =	vsub.f32 v58, v30;
	v24 =	vsub.f32 v59, v25;
	vm3 =	veq.f32 v15, $5.000000000e-01  }
0x2e2: {  	vm5 =	veq.f32 v20, $5.000000000e-01;
	v15 =	vnsel vm10, $0x0, v54;
	vm4 =	veq.f32 v19, $5.000000000e-01  }
0x2e3: {  	v19 =	vnsel vm11, $0x0, v37;
	v20 =	vnsel vm12, $0x0, v38;
	vm13 =	veq.f32 v21, $5.000000000e-01  }
0x2e4: {  	v21 =	vnsel vm3, $0x0, v39;
	v60 =	vnsel vm5, $0x0, v44;
	vm14 =	veq.f32 v16, $5.000000000e-01  }
0x2e5: {  	v25 =	vnsel vm4, $0x0, v41;
	vm15 =	veq.f32 v24, $5.000000000e-01;
	v24 =	vand.u32 $0x1, v32  }
0x2e6: {  	v16 =	vsub.s32 v14, v15;
	v27 =	vsub.s32 v27, v19;
	v14 =	vsub.s32 v53, v20  }
0x2e7: {  	v29 =	vsub.s32 v29, v21;
	v19 =	vmax.f32 v11, v12;
	v20 =	vmin.f32 v17, v18  }
0x2e8: {  	v21 =	vmax.f32 v17, v18;
	v24 =	vnsel vm13, $0x0, v24;
	v30 =	vnsel vm14, $0x0, v61  }
0x2e9: {  	v15 =	vsub.s32 v36, v25;
	v25 =	vsub.s32 v26, v60;
	v63 =	vnsel vm15, $0x0, v62  }
0x2ea: {  	s20 =	simm.s32 $0x1800;
	v11 =	vshll.u32 v16, $0xB;
	v12 =	vshll.u32 v27, $0x8;
	v17 =	vshll.u32 v14, $0xB  }
0x2eb: {  	s13 =	simm.s32 $0x0;
	s14 =	simm.s32 $0x30E0;
	s4 =	sand.u32 $0x1F80, s20;
	[tilespmem:s1+$0x0] =	vst v22;
	v18 =	vshll.u32 v29, $0x8;
	v26 =	vsub.s32 v32, v24;
	v22 =	vsub.s32 v33, v30  }
0x2ec: {  	s15 =	simm.s32 $0x1870;
	s16 =	simm.s32 $0x4;
	s7 =	sor.u32 s7, s4;
	[tilespmem:s0+$0xFFFFFFF0] =	vst v23;
	v24 =	vshll.u32 v15, $0xB;
	v23 =	vshll.u32 v25, $0x8;
	v25 =	vsub.s32 v35, v63  }
.LBB2_25:
0x2ed: {  	s4 =	sadd.s32 $0xFFFFFFA0, s14;
	s5 =	sadd.s32 $0xFFFFFFF0, s15;
	s6 =	sadd.s32 $0xFFFFFFE0, s14;
	v9 =	vmin.f32 v9, v7;
	v7 =	vmax.f32 v10, v7;
	v10 =	vmin.f32 v13, v6  }
0x2ee: {  	s8 =	sadd.s32 $0xFFFFFFE0, s15;
	v6 =	vmax.f32 v19, v6;
	v13 =	vmin.f32 v20, v8;
	v8 =	vmax.f32 v21, v8;
	s5 =	sand.u32 $0x60, s5;
	s6 =	sand.u32 $0x3F00, s6  }
0x2ef: {  	s9 =	sadd.s32 $0xFFFFE7D0, s15;
	s19 =	sadd.s32 $0xFFFFFFC0, s14;
	v11 =	vand.u32 $0xFFFF0000, v11;
	v12 =	vadd.s32 v12, v26;
	v17 =	vand.u32 $0xFFFF0000, v17;
	s5 =	sor.u32 s5, s6  }
0x2f0: {  	s13 =	sadd.s32 $0x4, s13;
	v18 =	vadd.s32 v18, v22;
	v20 =	vand.u32 $0xFFFF0000, v24;
	v21 =	vadd.s32 v23, v25;
	s4 =	sand.u32 $0x3F00, s4;
	s6 =	sand.u32 $0x40, s9;
	v19 =	vld [tilespmem:s5+$0x8000]  }
0x2f1: {  	s8 =	sand.u32 $0x50, s8;
	p1 =	slt.u32 s13, $0x7C;
	vm0 =	vge.f32 v9, $-5.000000000e-01;
	vm1 =	vlt.f32 v7, $2.555000000e+02;
	vm2 =	vge.f32 v10, $-5.000000000e-01;
	s9 =	sand.u32 $0x3F00, s19;
	v22 =	vld [tilespmem:s5+$0x0]  }
0x2f2: {  	vm3 =	vlt.f32 v6, $2.555000000e+02;
	vm4 =	vge.f32 v13, $-5.000000000e-01;
	vm5 =	vlt.f32 v8, $2.555000000e+02;
	s19 =	sand.u32 $0x3F00, s14;
	s4 =	sor.u32 s6, s4;
	v7 =	vld [tilespmem:s5+$0x4000];
	s5 =	sand.u32 $0x70, s15  }
0x2f3: {  	s20 =	sadd.s32 $0xFFFFFFD0, s15;
	v8 =	vadd.s32 v11, v12;
	v9 =	vadd.s32 v17, v18;
	v10 =	vadd.s32 v20, v21;
	s8 =	sor.u32 s8, s9;
	v6 =	vld [tilespmem:s4+$0x0];
	s5 =	sor.u32 s5, s19  }
0x2f4: {  	vm0 =	vmand vm0, vm1;
	vm1 =	vmand vm2, vm3;
	vm2 =	vmand vm4, vm5;
	s9 =	sand.u32 $0x1F80, s20;
	v11 =	vld [tilespmem:s4+$0x4000]  }
0x2f5: {  	v8 =	vnsel vm0, $0x80000, v8;
	v9 =	vnsel vm1, $0x80000, v9;
	v13 =	vnsel vm2, $0x80000, v10;
	s6 =	sor.u32 s6, s9;
	v12 =	vld [tilespmem:s8+$0x0]  }
0x2f6: {  	v14 =	vand.u32 $0x1F, v14;
	v10 =	vmul.f32 v19, v2;
	v17 =	vld [tilespmem:s8+$0x4000];
	[tilespmem:s1+$0xFFFFFFE0] =	vst v8;
	v8 =	vand.u32 $0x1F, v16  }
0x2f7: {  	v16 =	vmul.f32 v22, v0;
	v7 =	vmul.f32 v7, v1;
	v18 =	vld [tilespmem:s5+$0x0];
	[tilespmem:s7+$0xD000] =	vst v8;
	v8 =	vand.u32 $0x1F, v15;
	s7 =	smov.u32 s6  }
0x2f8: {  	v15 =	vadd.f32 v10, v5;
	v6 =	vmul.f32 v6, v0;
	v19 =	vld [tilespmem:s5+$0x4000];
	[tilespmem:s1+$0xFFFFFFF0] =	vst v9  }
0x2f9: {  	v16 =	vadd.f32 v16, v3;
	v9 =	vmul.f32 v11, v1;
	v20 =	vld [tilespmem:s4+$0x8000];
	v7 =	vadd.f32 v7, v4;
	[tilespmem:s0+$0xFFFFFFE0] =	vst v14  }
0x2fa: {  	v11 =	vmax.f32 v15, $0.0e+00;
	v10 =	vadd.f32 v6, v3;
	v6 =	vmul.f32 v12, v0;
	v14 =	vld [tilespmem:s8+$0x8000];
	[tilespmem:s1+$0x10] =	vst v13  }
0x2fb: {  	v12 =	vmax.f32 v16, $0.0e+00;
	v21 =	vmin.f32 v11, $2.550000000e+02;
	v13 =	vmax.f32 v7, $0.0e+00;
	v22 =	vld [tilespmem:s5+$0x8000];
	[tilespmem:s0+$0x0] =	vst v8  }
0x2fc: {  	v8 =	vmin.f32 v12, $2.550000000e+02;
	v11 =	vadd.f32 $5.000000000e-01, v21;
	v13 =	vmin.f32 v13, $2.550000000e+02  }
0x2fd: {  	v12 =	vmul.f32 v17, v1;
	v17 =	vadd.f32 $5.000000000e-01, v8;
	v23 =	vadd.f32 $5.000000000e-01, v13  }
0x2fe: {  	v24 =	vadd.f32 v9, v4;
	v18 =	vmul.f32 v18, v0;
	v9 =	vtrunc.f32 v11  }
0x2ff: {  	v11 =	vadd.f32 v6, v3;
	v6 =	vtrunc.f32 v17;
	v17 =	vtrunc.f32 v23  }
0x300: {  	v12 =	vadd.f32 v12, v4;
	v6 =	vcvt.f32.s32 v6;
	v17 =	vcvt.f32.s32 v17  }
0x301: {  	v19 =	vmul.f32 v19, v1;
	v9 =	vcvt.f32.s32 v9;
	v23 =	vmin.f32 v16, v7  }
0x302: {  	v7 =	vmax.f32 v16, v7;
	v16 =	vcvt.s32.f32 v6;
	v25 =	vcvt.s32.f32 v17  }
0x303: {  	v23 =	vmin.f32 v23, v15;
	v7 =	vmax.f32 v7, v15;
	v15 =	vcvt.s32.f32 v9  }
0x304: {  	vm0 =	vge.f32 v23, $-5.000000000e-01;
	v8 =	vsub.f32 v16, v8;
	v13 =	vsub.f32 v25, v13  }
0x305: {  	v15 =	vsub.f32 v15, v21;
	v21 =	vand.u32 $0x1, v9;
	v16 =	vand.u32 $0x1, v6  }
0x306: {  	vm1 =	veq.f32 v8, $5.000000000e-01;
	v8 =	vand.u32 $0x1, v17;
	vm2 =	veq.f32 v13, $5.000000000e-01  }
0x307: {  	v13 =	vnsel vm1, $0x0, v16;
	vm1 =	veq.f32 v15, $5.000000000e-01;
	v8 =	vnsel vm2, $0x0, v8  }
0x308: {  	v6 =	vsub.s32 v6, v13;
	v13 =	vnsel vm1, $0x0, v21;
	v8 =	vsub.s32 v17, v8  }
0x309: {  	v15 =	vshll.u32 v6, $0xB;
	v9 =	vsub.s32 v9, v13;
	v8 =	vshll.u32 v8, $0x8  }
0x30a: {  	vm1 =	vlt.f32 v7, $2.555000000e+02;
	v7 =	vand.u32 $0xFFFF0000, v15;
	v8 =	vadd.s32 v8, v9  }
0x30b: {  	vm0 =	vmand vm0, vm1;
	v9 =	vmul.f32 v20, v2;
	v7 =	vadd.s32 v7, v8  }
0x30c: {  	s1 =	sadd.s32 $0x40, s1;
	v13 =	vmul.f32 v22, v2;
	v8 =	vmul.f32 v14, v2;
	v7 =	vnsel vm0, $0x80000, v7  }
0x30d: {  	s0 =	sadd.s32 $0x40, s0;
	v17 =	vadd.f32 v18, v3;
	v18 =	vadd.f32 v19, v4;
	v14 =	vand.u32 $0x1F, v6;
	[tilespmem:s1+$0x0] =	vst v7  }
0x30e: {  	v7 =	vadd.f32 v9, v5;
	v9 =	vmax.f32 v10, $0.0e+00;
	v6 =	vadd.f32 v8, v5;
	[tilespmem:s0+$0xFFFFFFF0] =	vst v14  }
0x30f: {  	v15 =	vmax.f32 v11, $0.0e+00;
	v8 =	vadd.f32 v13, v5;
	v14 =	vmax.f32 v24, $0.0e+00  }
0x310: {  	v16 =	vmax.f32 v17, $0.0e+00;
	v19 =	vmax.f32 v18, $0.0e+00;
	v13 =	vmax.f32 v12, $0.0e+00  }
0x311: {  	v15 =	vmin.f32 v15, $2.550000000e+02;
	v20 =	vmin.f32 v9, $2.550000000e+02;
	v14 =	vmin.f32 v14, $2.550000000e+02  }
0x312: {  	v21 =	vmin.f32 v13, $2.550000000e+02;
	v9 =	vmax.f32 v7, $0.0e+00;
	v13 =	vmax.f32 v6, $0.0e+00  }
0x313: {  	v16 =	vmin.f32 v16, $2.550000000e+02;
	v19 =	vmin.f32 v19, $2.550000000e+02;
	v22 =	vmax.f32 v8, $0.0e+00  }
0x314: {  	v23 =	vadd.f32 $5.000000000e-01, v20;
	v25 =	vadd.f32 $5.000000000e-01, v14;
	v26 =	vmin.f32 v9, $2.550000000e+02  }
0x315: {  	v27 =	vadd.f32 $5.000000000e-01, v21;
	v9 =	vadd.f32 $5.000000000e-01, v15;
	v28 =	vmin.f32 v13, $2.550000000e+02  }
0x316: {  	v29 =	vadd.f32 $5.000000000e-01, v19;
	v13 =	vadd.f32 $5.000000000e-01, v16;
	v22 =	vmin.f32 v22, $2.550000000e+02  }
0x317: {  	v23 =	vtrunc.f32 v23;
	v30 =	vadd.f32 $5.000000000e-01, v26;
	v31 =	vadd.f32 $5.000000000e-01, v28  }
0x318: {  	v33 =	vadd.f32 $5.000000000e-01, v22;
	v25 =	vtrunc.f32 v25;
	v32 =	vtrunc.f32 v9  }
0x319: {  	v27 =	vtrunc.f32 v27;
	v9 =	vmin.f32 v10, v24;
	v34 =	vtrunc.f32 v13  }
0x31a: {  	v10 =	vmax.f32 v10, v24;
	v23 =	vcvt.f32.s32 v23;
	v24 =	vtrunc.f32 v29  }
0x31b: {  	v13 =	vmin.f32 v11, v12;
	v25 =	vcvt.f32.s32 v25;
	v29 =	vcvt.f32.s32 v32  }
0x31c: {  	v27 =	vcvt.f32.s32 v27;
	v30 =	vtrunc.f32 v30;
	v32 =	vand.u32 $0x1, v23  }
0x31d: {  	v31 =	vtrunc.f32 v31;
	v34 =	vcvt.f32.s32 v34;
	v35 =	vand.u32 $0x1, v25  }
0x31e: {  	v24 =	vcvt.f32.s32 v24;
	v33 =	vtrunc.f32 v33;
	v36 =	vand.u32 $0x1, v29  }
0x31f: {  	v30 =	vcvt.f32.s32 v30;
	v37 =	vand.u32 $0x1, v27;
	v31 =	vcvt.f32.s32 v31  }
0x320: {  	v38 =	vcvt.s32.f32 v23;
	v33 =	vcvt.f32.s32 v33;
	v39 =	vand.u32 $0x1, v34  }
0x321: {  	v40 =	vcvt.s32.f32 v25;
	v41 =	vcvt.s32.f32 v29;
	v42 =	vand.u32 $0x1, v24  }
0x322: {  	v43 =	vcvt.s32.f32 v34;
	v20 =	vsub.f32 v38, v20;
	v38 =	vcvt.s32.f32 v27  }
0x323: {  	v44 =	vcvt.s32.f32 v24;
	v14 =	vsub.f32 v40, v14;
	v40 =	vcvt.s32.f32 v30  }
0x324: {  	v45 =	vcvt.s32.f32 v33;
	v15 =	vsub.f32 v41, v15;
	v41 =	vcvt.s32.f32 v31  }
0x325: {  	v16 =	vsub.f32 v43, v16;
	vm0 =	veq.f32 v20, $5.000000000e-01;
	v20 =	vsub.f32 v38, v21  }
0x326: {  	v19 =	vsub.f32 v44, v19;
	vm1 =	veq.f32 v14, $5.000000000e-01;
	v14 =	vsub.f32 v40, v26  }
0x327: {  	v21 =	vsub.f32 v45, v22;
	vm2 =	veq.f32 v15, $5.000000000e-01;
	v15 =	vsub.f32 v41, v28  }
0x328: {  	vm4 =	veq.f32 v16, $5.000000000e-01;
	vm5 =	veq.f32 v19, $5.000000000e-01;
	vm3 =	veq.f32 v20, $5.000000000e-01  }
0x329: {  	v16 =	vnsel vm0, $0x0, v32;
	v19 =	vnsel vm1, $0x0, v35;
	v20 =	vnsel vm2, $0x0, v36  }
0x32a: {  	vm0 =	veq.f32 v14, $5.000000000e-01;
	v22 =	vnsel vm3, $0x0, v37;
	vm1 =	veq.f32 v15, $5.000000000e-01  }
0x32b: {  	v26 =	vnsel vm5, $0x0, v42;
	vm2 =	veq.f32 v21, $5.000000000e-01;
	v15 =	vnsel vm4, $0x0, v39  }
0x32c: {  	v28 =	vand.u32 $0x1, v31;
	v32 =	vand.u32 $0x1, v33;
	v21 =	vand.u32 $0x1, v30  }
0x32d: {  	v16 =	vsub.s32 v23, v16;
	v23 =	vsub.s32 v25, v19;
	v14 =	vsub.s32 v29, v20  }
0x32e: {  	v25 =	vnsel vm0, $0x0, v21;
	v22 =	vsub.s32 v27, v22;
	v27 =	vnsel vm1, $0x0, v28  }
.Ltmp11:
0x32f: {  	v29 =	vnsel vm2, $0x0, v32;
	v15 =	vsub.s32 v34, v15;
	v28 =	vsub.s32 v24, v26;
	(pc) =	sbr.rel @p1 .LBB2_25-.Ltmp11, $4  }
0x330: {  	v19 =	vmax.f32 v11, v12;
	v20 =	vmin.f32 v17, v18;
	v21 =	vmax.f32 v17, v18  }
0x331: {  	v11 =	vshll.u32 v16, $0xB;
	v12 =	vshll.u32 v23, $0x8;
	v17 =	vshll.u32 v14, $0xB  }
0x332: {  	v26 =	vsub.s32 v30, v25;
	v18 =	vshll.u32 v22, $0x8;
	v22 =	vsub.s32 v31, v27  }
0x333: {  	s14 =	sadd.s32 $0x80, s14;
	s15 =	sadd.s32 $0x40, s15;
	v24 =	vshll.u32 v15, $0xB;
	v23 =	vshll.u32 v28, $0x8;
	v25 =	vsub.s32 v33, v29  }
0x334: {  	v9 =	vmin.f32 v9, v7  }
0x335: {  	v7 =	vmax.f32 v10, v7;
	v10 =	vmin.f32 v13, v6;
	v6 =	vmax.f32 v19, v6  }
0x336: {  	v13 =	vmin.f32 v20, v8;
	v8 =	vmax.f32 v21, v8;
	v11 =	vand.u32 $0xFFFF0000, v11  }
0x337: {  	v12 =	vadd.s32 v12, v26;
	v17 =	vand.u32 $0xFFFF0000, v17;
	v18 =	vadd.s32 v18, v22  }
0x338: {  	v63 =	vand.u32 $0xFFFF0000, v24;
	vm0 =	vge.f32 v9, $-5.000000000e-01;
	vm1 =	vlt.f32 v7, $2.555000000e+02  }
0x339: {  	v7 =	vadd.s32 v23, v25;
	v9 =	vadd.s32 v11, v12;
	vm0 =	vmand vm0, vm1  }
0x33a: {  	vm11 =	vge.f32 v10, $-5.000000000e-01;
	vm2 =	vlt.f32 v6, $2.555000000e+02;
	v6 =	vnsel vm0, $0x80000, v9  }
0x33b: {  	vm12 =	vmand vm11, vm2;
	v9 =	vadd.s32 v17, v18;
	[tilespmem:s1+$0xFFFFFFE0] =	vst v6;
	v6 =	vand.u32 $0x1F, v16  }
0x33c: {  	vm13 =	vge.f32 v13, $-5.000000000e-01;
	vm14 =	vlt.f32 v8, $2.555000000e+02;
	v8 =	vnsel vm12, $0x80000, v9;
	[tilespmem:s7+$0xD000] =	vst v6  }
0x33d: {  	vm15 =	vmand vm13, vm14;
	v6 =	vadd.s32 v63, v7;
	v7 =	vand.u32 $0x1F, v14;
	[tilespmem:s1+$0xFFFFFFF0] =	vst v8  }
0x33e: {  	v6 =	vnsel vm15, $0x80000, v6;
	[tilespmem:s0+$0xFFFFFFE0] =	vst v7  }
0x33f: {  	v7 =	vand.u32 $0x1F, v15;
	[tilespmem:s1+$0x10] =	vst v6  }
0x340: {  	s19 =	simm.s32 $0xC800;
	s20 =	simm.s32 $0xF800;
	[tilespmem:s0+$0x0] =	vst v7  }
0x341: {  	[tilespmem:s20], [sflag:$0x2] =	stream.indirect.gather [spmem:s26], $0x1, s19, s18, $0xb8;
	[tilespmem:$0x1A088] =	vst v63  }
0x342: {  	_ =	swait.ge [sflag:s23], $0x800  }
0x343: {  	[sflag:s23] =	ssyncset.done $0x0  }
0x344: {  	s5 =	simm.s32 $0xF020;
	[sflag:s23] =	ssyncadd.s32 $0xFFFFF800  }
0x345: {  	s1 =	simm.s32 $0xE030;
	v11 =	vld [tilespmem:s5+$0x10]  }
0x346: {  	v12 =	vld [tilespmem:s1+$0x0]  }
0x347: {  	v8 =	vld [tilespmem:s1+$0xFFFFFFD0]  }
0x348: {  	v7 =	vld [tilespmem:s5+$0xFFFFFFF0]  }
0x349: {  	v10 =	vld [tilespmem:s1+$0xFFFFFFE0]  }
0x34a: {  	v6 =	vld [tilespmem:s5+$0x0]  }
0x34b: {  	v9 =	vld [tilespmem:s1+$0xFFFFFFF0];
	v12 =	vshrl.u32 v11, v12  }
0x34c: {  	s4 =	simm.s32 $0x0;
	s0 =	simm.s32 $0x11030;
	v11 =	vld [tilespmem:s5+$0xFFFFFFE0];
	s5 =	simm.s32 $0xF060;
	v12 =	vand.u32 $0x1, v12  }
.LBB2_27:
0x34d: {  	v13 =	vld [tilespmem:s5+$0x10];
	[tilespmem:s0+$0x0] =	vst v12;
	s1 =	sadd.s32 $0x40, s1  }
0x34e: {  	s4 =	sadd.s32 $0x4, s4;
	v12 =	vld [tilespmem:s1+$0x0];
	v7 =	vshrl.u32 v7, v10  }
0x34f: {  	p1 =	slt.u32 s4, $0x7C;
	v14 =	vld [tilespmem:s1+$0xFFFFFFD0];
	v10 =	vand.u32 $0x1, v7  }
.Ltmp12:
0x350: {  	v7 =	vld [tilespmem:s5+$0xFFFFFFF0];
	[tilespmem:s0+$0xFFFFFFE0] =	vst v10;
	v6 =	vshrl.u32 v6, v9;
	(pc) =	sbr.rel @p1 .LBB2_27-.Ltmp12, $4  }
0x351: {  	v10 =	vld [tilespmem:s1+$0xFFFFFFE0];
	v8 =	vshrl.u32 v11, v8;
	v9 =	vand.u32 $0x1, v6  }
0x352: {  	v6 =	vld [tilespmem:s5+$0x0];
	v15 =	vand.u32 $0x1, v8;
	[tilespmem:s0+$0xFFFFFFF0] =	vst v9  }
0x353: {  	v9 =	vld [tilespmem:s1+$0xFFFFFFF0];
	v12 =	vshrl.u32 v13, v12;
	[tilespmem:s0+$0xFFFFFFD0] =	vst v15  }
0x354: {  	s0 =	sadd.s32 $0x40, s0;
	v11 =	vld [tilespmem:s5+$0xFFFFFFE0];
	v12 =	vand.u32 $0x1, v12;
	s5 =	sadd.s32 $0x40, s5;
	v8 =	vmov v14  }
0x355: {  	_ =	sdelay $0x1  }
0x356: {  	v7 =	vshrl.u32 v7, v10  }
0x357: {  	[tilespmem:s0+$0x0] =	vst v12;
	v7 =	vand.u32 $0x1, v7;
	v6 =	vshrl.u32 v6, v9  }
0x358: {  	[tilespmem:s0+$0xFFFFFFE0] =	vst v7;
	v7 =	vshrl.u32 v11, v8;
	v6 =	vand.u32 $0x1, v6  }
0x359: {  	v7 =	vand.u32 $0x1, v7;
	[tilespmem:s0+$0xFFFFFFF0] =	vst v6  }
0x35a: {  	[tilespmem:s0+$0xFFFFFFD0] =	vst v7  }
0x35b: {  	_ =	swait.ge [sflag:s24], $0x800  }
0x35c: {  	[sflag:s24] =	ssyncset.done $0x0  }
0x35d: {  	s5 =	simm.s32 $0xF820;
	[sflag:s24] =	ssyncadd.s32 $0xFFFFF800  }
0x35e: {  	s1 =	simm.s32 $0xE830;
	v11 =	vld [tilespmem:s5+$0x10]  }
0x35f: {  	v12 =	vld [tilespmem:s1+$0x0]  }
0x360: {  	v8 =	vld [tilespmem:s1+$0xFFFFFFD0]  }
0x361: {  	v7 =	vld [tilespmem:s5+$0xFFFFFFF0]  }
0x362: {  	v10 =	vld [tilespmem:s1+$0xFFFFFFE0]  }
0x363: {  	v6 =	vld [tilespmem:s5+$0x0]  }
0x364: {  	v9 =	vld [tilespmem:s1+$0xFFFFFFF0];
	v12 =	vshrl.u32 v11, v12  }
0x365: {  	s4 =	simm.s32 $0x0;
	s0 =	simm.s32 $0x11830;
	v11 =	vld [tilespmem:s5+$0xFFFFFFE0];
	s5 =	simm.s32 $0xF860;
	v12 =	vand.u32 $0x1, v12  }
.LBB2_29:
0x366: {  	v13 =	vld [tilespmem:s5+$0x10];
	[tilespmem:s0+$0x0] =	vst v12;
	s1 =	sadd.s32 $0x40, s1  }
0x367: {  	s4 =	sadd.s32 $0x4, s4;
	v12 =	vld [tilespmem:s1+$0x0];
	v7 =	vshrl.u32 v7, v10  }
0x368: {  	p1 =	slt.u32 s4, $0x7C;
	v14 =	vld [tilespmem:s1+$0xFFFFFFD0];
	v10 =	vand.u32 $0x1, v7  }
.Ltmp13:
0x369: {  	v7 =	vld [tilespmem:s5+$0xFFFFFFF0];
	[tilespmem:s0+$0xFFFFFFE0] =	vst v10;
	v6 =	vshrl.u32 v6, v9;
	(pc) =	sbr.rel @p1 .LBB2_29-.Ltmp13, $4  }
0x36a: {  	v10 =	vld [tilespmem:s1+$0xFFFFFFE0];
	v8 =	vshrl.u32 v11, v8;
	v9 =	vand.u32 $0x1, v6  }
0x36b: {  	v6 =	vld [tilespmem:s5+$0x0];
	v15 =	vand.u32 $0x1, v8;
	[tilespmem:s0+$0xFFFFFFF0] =	vst v9  }
0x36c: {  	v9 =	vld [tilespmem:s1+$0xFFFFFFF0];
	v12 =	vshrl.u32 v13, v12;
	[tilespmem:s0+$0xFFFFFFD0] =	vst v15  }
0x36d: {  	s0 =	sadd.s32 $0x40, s0;
	v11 =	vld [tilespmem:s5+$0xFFFFFFE0];
	v12 =	vand.u32 $0x1, v12;
	s5 =	sadd.s32 $0x40, s5;
	v8 =	vmov v14  }
0x36e: {  	_ =	sdelay $0x1  }
0x36f: {  	v7 =	vshrl.u32 v7, v10  }
0x370: {  	[tilespmem:s0+$0x0] =	vst v12;
	v7 =	vand.u32 $0x1, v7;
	v6 =	vshrl.u32 v6, v9  }
0x371: {  	[tilespmem:s0+$0xFFFFFFE0] =	vst v7;
	v7 =	vshrl.u32 v11, v8;
	v6 =	vand.u32 $0x1, v6  }
0x372: {  	v7 =	vand.u32 $0x1, v7;
	[tilespmem:s0+$0xFFFFFFF0] =	vst v6  }
0x373: {  	s19 =	sadd.s32 s2, s31;
	s1 =	simm.s32 $0x0;
	s31 =	simm.s32 $0x10000;
	[tilespmem:s0+$0xFFFFFFD0] =	vst v7  }
0x374: {  	[hbm4b:s19+s1] =	stream.linear.scatter [tilespmem:s31], [sflag:$0x4], $0x2000, $0x38;
	[tilespmem:$0x1A088] =	vst v63  }
0x375: {  	_ =	swait.ge [sflag:s16], $0x2000  }
0x376: {  	[sflag:s16] =	ssyncset.done $0x0  }
0x377: {  	[sflag:s16] =	ssyncadd.s32 $0xFFFFE000  }
0x378: {  	_ =	swait.ge [sflag:s17], $0x2000  }
0x379: {  	[sflag:s17] =	ssyncset.done $0x0  }
0x37a: {  	[sflag:s17] =	ssyncadd.s32 $0xFFFFE000  }
0x37b: {  	_ =	swait.ge [sflag:s17], $0x2000  }
0x37c: {  	s20 =	rddreg [dreg:$0x9]  }
0x37d: {  	s0 =	sadd.s32 $0x4000, s20  }
0x37e: {  	[sflag:s17] =	ssyncset.done $0x0;
	p1 =	slt.s32 s0, $0x1FE000  }
0x37f: {  	[sflag:s17] =	ssyncadd.s32 $0xFFFFE000;
	[dreg:$0x9] =	wrdreg s0;
	s0 =	simm.s32 @!p1 $0x1FE000  }
0x380: {  	_ =	swait.ge [sflag:s17], $0x2000;
	s0 =	sshrl.u32 s0, $0x3  }
0x381: {  	s5 =	simm.s32 $0x10;
	[sflag:s17] =	ssyncset.done $0x0;
	s4 =	sadd.s32 s21, s0  }
0x382: {  	s7 =	simm.s32 $0x100;
	[sflag:s17] =	ssyncadd.s32 $0xFFFFE000;
	s8 =	sadd.s32 $0x0, s4  }
.LBB2_31:
0x383: {  	[tilespmem:s1], [sflag:$0x3] =	stream.linear.gather [hbm4b:s8+s3], $0x80, $0x38;
	[tilespmem:$0x1A088] =	vst v63  }
0x384: {  	s6 =	smov.u32 s5;
	s1 =	smov.u32 s7;
	p1 =	sne.s32 s5, $0x3F0  }
.Ltmp14:
0x385: {  	s5 =	sadd.s32 $0x10, s5;
	(pc) =	sbr.rel @p1 .LBB2_31-.Ltmp14, $2  }
0x386: {  	_ =	sdelay $0x2  }
0x387: {  	s7 =	sadd.s32 $0x100, s7;
	s8 =	sadd.s32 s6, s4  }
0x388: {  	[tilespmem:s1], [sflag:$0x3] =	stream.linear.gather [hbm4b:s8+s3], $0x80, $0x38;
	[tilespmem:$0x1A088] =	vst v63  }
0x389: {  	s1 =	sadd.s32 s22, s0;
	s4 =	simm.s32 $0x4000  }
0x38a: {  	s5 =	simm.s32 $0x10;
	s7 =	simm.s32 $0x4100;
	s8 =	sadd.s32 $0x0, s1  }
.LBB2_33:
0x38b: {  	[tilespmem:s4], [sflag:$0x3] =	stream.linear.gather [hbm4b:s8+s3], $0x80, $0x38;
	[tilespmem:$0x1A088] =	vst v63  }
0x38c: {  	s6 =	smov.u32 s5;
	s4 =	smov.u32 s7;
	p1 =	sne.s32 s5, $0x3F0  }
.Ltmp15:
0x38d: {  	s5 =	sadd.s32 $0x10, s5;
	(pc) =	sbr.rel @p1 .LBB2_33-.Ltmp15, $2  }
0x38e: {  	_ =	sdelay $0x2  }
0x38f: {  	s7 =	sadd.s32 $0x100, s7;
	s8 =	sadd.s32 s6, s1  }
0x390: {  	[tilespmem:s4], [sflag:$0x3] =	stream.linear.gather [hbm4b:s8+s3], $0x80, $0x38;
	[tilespmem:$0x1A088] =	vst v63  }
0x391: {  	s1 =	sadd.s32 s25, s0  }
0x392: {  	s0 =	simm.s32 $0x0;
	s4 =	simm.s32 $0x8000;
	s5 =	simm.s32 $0x0  }
.LBB2_35:
0x393: {  	p1 =	sne.s32 s5, $0x3F0  }
.Ltmp16:
0x394: {  	_ = 	snop;
	(pc) =	sbr.rel @p1 .LBB2_35-.Ltmp16, $4  }
0x395: {  	_ = 	snop  }
0x396: {  	s6 =	sadd.s32 s5, s1  }
0x397: {  	[tilespmem:s4], [sflag:$0x3] =	stream.linear.gather [hbm4b:s6+s0], $0x80, $0x38;
	[tilespmem:$0x1A088] =	vst v63  }
0x398: {  	s5 =	sadd.s32 $0x10, s5;
	s4 =	sadd.s32 $0x100, s4  }
0x399: {  	p1 =	por $0x0, $0x0;
	s1 =	simm.s32 $0x1  }
0x39a: {  	s1 =	simm.s32 @!p1 $0x0  }
0x39b: {  	s1 =	sshll.u32 s1, $0x6  }
0x39c: {  	s1 =	sadd.s32 $0x0, s1  }
0x39d: {  	s4 =	sadd.s32 $0x30, s1  }
0x39e: {  	s5 =	sadd.s32 $0x10, s1;
	s9 =	sadd.s32 $0x20, s1;
	s1 =	sor.u32 $0x80, s1  }
0x39f: {  	s4 =	sor.u32 $0x80, s4;
	v13 =	vld [tilespmem:s1+$0x0]  }
0x3a0: {  	v6 =	vld [tilespmem:s4+$0x8000]  }
0x3a1: {  	v7 =	vld [tilespmem:s4+$0x0]  }
0x3a2: {  	s5 =	sor.u32 $0x80, s5;
	v8 =	vld [tilespmem:s4+$0x4000]  }
0x3a3: {  	v9 =	vld [tilespmem:s5+$0x0]  }
0x3a4: {  	s4 =	sor.u32 $0x80, s9;
	v10 =	vld [tilespmem:s5+$0x4000]  }
0x3a5: {  	v11 =	vld [tilespmem:s4+$0x0]  }
0x3a6: {  	v12 =	vld [tilespmem:s4+$0x4000]  }
0x3a7: {  	v13 =	vmul.f32 v13, v0;
	v6 =	vmul.f32 v6, v2  }
0x3a8: {  	v7 =	vmul.f32 v7, v0;
	v8 =	vmul.f32 v8, v1  }
0x3a9: {  	v9 =	vmul.f32 v9, v0;
	v10 =	vmul.f32 v10, v1;
	v13 =	vadd.f32 v13, v3  }
0x3aa: {  	v17 =	vld [tilespmem:s1+$0x4000];
	v11 =	vmul.f32 v11, v0;
	v6 =	vadd.f32 v6, v5;
	v7 =	vadd.f32 v7, v3  }
0x3ab: {  	v12 =	vmul.f32 v12, v1;
	v8 =	vadd.f32 v8, v4;
	v9 =	vadd.f32 v9, v3  }
0x3ac: {  	v10 =	vadd.f32 v10, v4;
	v14 =	vmax.f32 v6, $0.0e+00;
	v15 =	vmax.f32 v7, $0.0e+00  }
0x3ad: {  	v16 =	vmax.f32 v8, $0.0e+00;
	v14 =	vmin.f32 v14, $2.550000000e+02;
	v15 =	vmin.f32 v15, $2.550000000e+02  }
0x3ae: {  	v16 =	vmin.f32 v16, $2.550000000e+02;
	v18 =	vadd.f32 $5.000000000e-01, v14;
	v19 =	vadd.f32 $5.000000000e-01, v15  }
0x3af: {  	v17 =	vmul.f32 v17, v1;
	v11 =	vadd.f32 v11, v3;
	v20 =	vadd.f32 $5.000000000e-01, v16  }
0x3b0: {  	v12 =	vadd.f32 v12, v4;
	v18 =	vtrunc.f32 v18;
	v19 =	vtrunc.f32 v19  }
0x3b1: {  	v21 =	vmin.f32 v7, v8;
	v20 =	vtrunc.f32 v20;
	v19 =	vcvt.f32.s32 v19  }
0x3b2: {  	v7 =	vmax.f32 v7, v8;
	v20 =	vcvt.f32.s32 v20;
	v18 =	vcvt.f32.s32 v18  }
0x3b3: {  	v35 =	vmin.f32 v9, v10;
	v8 =	vmin.f32 v21, v6;
	v22 =	vcvt.s32.f32 v19  }
0x3b4: {  	v7 =	vmax.f32 v7, v6;
	v23 =	vcvt.s32.f32 v20;
	v21 =	vcvt.s32.f32 v18  }
0x3b5: {  	vm0 =	vge.f32 v8, $-5.000000000e-01;
	vm7 =	vlt.f32 v7, $2.555000000e+02;
	v6 =	vsub.f32 v22, v15  }
0x3b6: {  	vm0 =	vmand vm0, vm7;
	v15 =	vsub.f32 v23, v16;
	v14 =	vsub.f32 v21, v14  }
0x3b7: {  	v8 =	vand.u32 $0x1, v19;
	v22 =	vand.u32 $0x1, v18;
	vm1 =	veq.f32 v6, $5.000000000e-01  }
0x3b8: {  	v16 =	vld [tilespmem:s5+$0x8000];
	vm2 =	veq.f32 v15, $5.000000000e-01;
	v6 =	vand.u32 $0x1, v20;
	vm6 =	veq.f32 v14, $5.000000000e-01  }
0x3b9: {  	v8 =	vnsel vm1, $0x0, v8;
	v23 =	vnsel vm2, $0x0, v6;
	v14 =	vnsel vm6, $0x0, v22  }
0x3ba: {  	v21 =	vld [tilespmem:s4+$0x8000];
	v6 =	vsub.s32 v19, v8;
	v8 =	vsub.s32 v20, v23;
	v14 =	vsub.s32 v18, v14  }
0x3bb: {  	v15 =	vld [tilespmem:s1+$0x8000];
	v18 =	vmax.f32 v10, $0.0e+00;
	v20 =	vmax.f32 v12, $0.0e+00;
	v19 =	vshll.u32 v6, $0xB  }
0x3bc: {  	v8 =	vshll.u32 v8, $0x8;
	v18 =	vmin.f32 v18, $2.550000000e+02;
	v20 =	vmin.f32 v20, $2.550000000e+02  }
0x3bd: {  	v7 =	vand.u32 $0xFFFF0000, v19;
	v8 =	vadd.s32 v8, v14;
	v14 =	vmul.f32 v16, v2  }
0x3be: {  	v16 =	vadd.f32 v17, v4;
	v17 =	vmax.f32 v9, $0.0e+00;
	v19 =	vmax.f32 v11, $0.0e+00  }
0x3bf: {  	v27 =	vadd.f32 $5.000000000e-01, v18;
	v30 =	vadd.f32 $5.000000000e-01, v20;
	v9 =	vmax.f32 v9, v10  }
0x3c0: {  	v7 =	vadd.s32 v7, v8;
	v8 =	vmul.f32 v15, v2;
	v15 =	vmul.f32 v21, v2  }
0x3c1: {  	v21 =	vmax.f32 v13, $0.0e+00;
	v17 =	vmin.f32 v17, $2.550000000e+02;
	v19 =	vmin.f32 v19, $2.550000000e+02  }
0x3c2: {  	v7 =	vnsel vm0, $0x80000, v7;
	v14 =	vadd.f32 v14, v5;
	v22 =	vmax.f32 v16, $0.0e+00  }
0x3c3: {  	v21 =	vmin.f32 v21, $2.550000000e+02;
	v25 =	vadd.f32 $5.000000000e-01, v17;
	v28 =	vadd.f32 $5.000000000e-01, v19  }
0x3c4: {  	v27 =	vtrunc.f32 v27;
	v30 =	vtrunc.f32 v30;
	v15 =	vadd.f32 v15, v5  }
0x3c5: {  	v8 =	vadd.f32 v8, v5;
	v22 =	vmin.f32 v22, $2.550000000e+02;
	v29 =	vadd.f32 $5.000000000e-01, v21  }
0x3c6: {  	v27 =	vcvt.f32.s32 v27;
	v30 =	vcvt.f32.s32 v30;
	v23 =	vmax.f32 v14, $0.0e+00  }
0x3c7: {  	v31 =	vadd.f32 $5.000000000e-01, v22;
	v25 =	vtrunc.f32 v25;
	v28 =	vtrunc.f32 v28  }
0x3c8: {  	v9 =	vmax.f32 v9, v14;
	v24 =	vmax.f32 v8, $0.0e+00;
	v26 =	vmax.f32 v15, $0.0e+00  }
0x3c9: {  	v23 =	vmin.f32 v23, $2.550000000e+02;
	v29 =	vtrunc.f32 v29;
	v25 =	vcvt.f32.s32 v25  }
0x3ca: {  	v36 =	vand.u32 $0x1, v27;
	v38 =	vand.u32 $0x1, v30;
	v42 =	vcvt.s32.f32 v27  }
0x3cb: {  	p1 =	por !p1, !p1;
	s1 =	simm.s32 $0x1;
	v48 =	vcvt.s32.f32 v30;
	vm15 =	vlt.f32 v9, $2.555000000e+02;
	v26 =	vmin.f32 v26, $2.550000000e+02  }
0x3cc: {  	s1 =	simm.s32 @!p1 $0x0;
	v24 =	vmin.f32 v24, $2.550000000e+02;
	v32 =	vadd.f32 $5.000000000e-01, v23;
	v10 =	vtrunc.f32 v31  }
0x3cd: {  	s1 =	sshll.u32 s1, $0x6;
	v31 =	vmin.f32 v11, v12;
	v11 =	vmax.f32 v11, v12;
	v12 =	vcvt.f32.s32 v28  }
0x3ce: {  	s13 =	sadd.s32 $0x80, s1;
	v28 =	vcvt.f32.s32 v29;
	v33 =	vadd.f32 $5.000000000e-01, v24;
	v34 =	vadd.f32 $5.000000000e-01, v26  }
0x3cf: {  	s1 =	sadd.s32 $0x30, s13;
	v29 =	vand.u32 $0x1, v25;
	v10 =	vcvt.f32.s32 v10;
	v40 =	vcvt.s32.f32 v25  }
0x3d0: {  	s14 =	sor.u32 $0x80, s1;
	v18 =	vsub.f32 v42, v18;
	v11 =	vmax.f32 v11, v15;
	v32 =	vtrunc.f32 v32  }
0x3d1: {  	v9 =	vld [tilespmem:s14+$0x4000];
	v37 =	vand.u32 $0x1, v12;
	v43 =	vcvt.s32.f32 v12;
	v44 =	vcvt.s32.f32 v28  }
0x3d2: {  	v39 =	vand.u32 $0x1, v28;
	v33 =	vtrunc.f32 v33;
	v34 =	vtrunc.f32 v34  }
0x3d3: {  	v32 =	vcvt.f32.s32 v32;
	v41 =	vand.u32 $0x1, v10;
	v17 =	vsub.f32 v40, v17  }
0x3d4: {  	v45 =	vcvt.s32.f32 v10;
	vm9 =	veq.f32 v18, $5.000000000e-01;
	v34 =	vcvt.f32.s32 v34  }
0x3d5: {  	v33 =	vcvt.f32.s32 v33;
	v19 =	vsub.f32 v43, v19;
	v21 =	vsub.f32 v44, v21  }
0x3d6: {  	v9 =	vmul.f32 v9, v1;
	v49 =	vcvt.s32.f32 v32;
	vm8 =	veq.f32 v17, $5.000000000e-01  }
0x3d7: {  	v17 =	vsub.f32 v48, v20;
	v20 =	vsub.f32 v45, v22;
	v50 =	vcvt.s32.f32 v33  }
0x3d8: {  	v51 =	vcvt.s32.f32 v34;
	vm10 =	veq.f32 v19, $5.000000000e-01;
	vm3 =	veq.f32 v21, $5.000000000e-01  }
0x3d9: {  	v9 =	vadd.f32 v9, v4;
	v18 =	vsub.f32 v49, v23;
	vm4 =	veq.f32 v20, $5.000000000e-01  }
0x3da: {  	vm5 =	veq.f32 v17, $5.000000000e-01;
	v17 =	vnsel vm8, $0x0, v29;
	v20 =	vnsel vm9, $0x0, v36  }
0x3db: {  	v21 =	vnsel vm10, $0x0, v37;
	v23 =	vnsel vm3, $0x0, v39;
	vm9 =	vlt.f32 v11, $2.555000000e+02  }
0x3dc: {  	v22 =	vsub.f32 v50, v24;
	v19 =	vsub.f32 v51, v26;
	v24 =	vnsel vm4, $0x0, v41  }
0x3dd: {  	v26 =	vnsel vm5, $0x0, v38;
	v17 =	vsub.s32 v25, v17;
	v20 =	vsub.s32 v27, v20  }
0x3de: {  	v12 =	vsub.s32 v12, v21;
	v23 =	vsub.s32 v28, v23;
	v27 =	vmin.f32 v35, v14  }
0x3df: {  	v14 =	vmin.f32 v31, v15;
	vm12 =	veq.f32 v18, $5.000000000e-01;
	v18 =	vand.u32 $0x1, v33  }
0x3e0: {  	v10 =	vsub.s32 v10, v24;
	v21 =	vsub.s32 v30, v26;
	v24 =	vmin.f32 v13, v16  }
0x3e1: {  	v13 =	vmax.f32 v13, v16;
	v16 =	vshll.u32 v17, $0xB;
	v20 =	vshll.u32 v20, $0x8  }
0x3e2: {  	v25 =	vshll.u32 v12, $0xB;
	v26 =	vshll.u32 v23, $0xB;
	vm14 =	vge.f32 v27, $-5.000000000e-01  }
0x3e3: {  	vm8 =	vge.f32 v14, $-5.000000000e-01;
	v17 =	vand.u32 $0x1F, v17;
	vm11 =	veq.f32 v22, $5.000000000e-01  }
0x3e4: {  	vm13 =	veq.f32 v19, $5.000000000e-01;
	v19 =	vand.u32 $0x1, v32;
	v22 =	vand.u32 $0x1, v34  }
0x3e5: {  	s15 =	sadd.s32 $0x10, s13;
	v21 =	vshll.u32 v21, $0x8;
	v10 =	vshll.u32 v10, $0x8;
	v15 =	vmin.f32 v24, v8  }
0x3e6: {  	s1 =	sor.u32 $0x80, s15;
	v8 =	vmax.f32 v13, v8;
	v13 =	vand.u32 $0xFFFF0000, v16;
	vm0 =	vmand vm14, vm15  }
0x3e7: {  	v11 =	vld [tilespmem:s1+$0x0];
	v18 =	vnsel vm11, $0x0, v18;
	v19 =	vnsel vm12, $0x0, v19;
	v22 =	vnsel vm13, $0x0, v22  }
0x3e8: {  	v24 =	vld [tilespmem:s14+$0x8000];
	vm10 =	vge.f32 v15, $-5.000000000e-01;
	vm11 =	vlt.f32 v8, $2.555000000e+02;
	vm13 =	vmand vm8, vm9  }
0x3e9: {  	v15 =	vand.u32 $0x1F, v6;
	v19 =	vsub.s32 v32, v19;
	v18 =	vsub.s32 v33, v18  }
0x3ea: {  	v22 =	vsub.s32 v34, v22;
	v16 =	vadd.s32 v20, v19;
	v19 =	vand.u32 $0xFFFF0000, v25;
	v25 =	vld [tilespmem:s14+$0x0]  }
0x3eb: {  	v14 =	vld [tilespmem:s1+$0x4000];
	v20 =	vadd.s32 v21, v22;
	v21 =	vand.u32 $0xFFFF0000, v26;
	v10 =	vadd.s32 v10, v18  }
0x3ec: {  	s19 =	sadd.s32 $0x20, s13;
	vm12 =	vmand vm10, vm11;
	v11 =	vmul.f32 v11, v0;
	v10 =	vadd.s32 v21, v10  }
0x3ed: {  	s5 =	sor.u32 $0x80, s19;
	v8 =	vadd.s32 v13, v16;
	v18 =	vnsel vm12, $0x80000, v10;
	v10 =	vmul.f32 v24, v2  }
0x3ee: {  	v13 =	vadd.s32 v19, v20;
	v16 =	vand.u32 $0x1F, v12;
	v12 =	vld [tilespmem:s5+$0x4000];
	v19 =	vand.u32 $0x1F, v23  }
0x3ef: {  	s4 =	sor.u32 $0x80, s13;
	v21 =	vnsel vm0, $0x80000, v8;
	v8 =	vld [tilespmem:s5+$0x0];
	v10 =	vadd.f32 v10, v5;
	v6 =	vmul.f32 v25, v0  }
0x3f0: {  	v14 =	vmul.f32 v14, v1;
	v20 =	vadd.f32 v11, v3;
	v22 =	vnsel vm13, $0x80000, v13;
	v13 =	vld [tilespmem:s4+$0x0]  }
0x3f1: {  	v24 =	vmax.f32 v9, $0.0e+00;
	v25 =	vld [tilespmem:s4+$0x4000];
	v11 =	vmax.f32 v10, $0.0e+00;
	v6 =	vadd.f32 v6, v3  }
0x3f2: {  	v24 =	vmin.f32 v24, $2.550000000e+02;
	v14 =	vadd.f32 v14, v4;
	v11 =	vmin.f32 v11, $2.550000000e+02  }
0x3f3: {  	v28 =	vadd.f32 $5.000000000e-01, v24;
	v26 =	vadd.f32 $5.000000000e-01, v11;
	v23 =	vmax.f32 v6, $0.0e+00  }
0x3f4: {  	v12 =	vmul.f32 v12, v1;
	v8 =	vmul.f32 v8, v0;
	v23 =	vmin.f32 v23, $2.550000000e+02  }
0x3f5: {  	v13 =	vmul.f32 v13, v0;
	v26 =	vtrunc.f32 v26;
	v27 =	vadd.f32 $5.000000000e-01, v23  }
0x3f6: {  	v29 =	vadd.f32 v8, v3;
	v25 =	vmul.f32 v25, v1;
	v26 =	vcvt.f32.s32 v26  }
0x3f7: {  	v8 =	vtrunc.f32 v27;
	v27 =	vtrunc.f32 v28;
	v28 =	vadd.f32 v12, v4  }
0x3f8: {  	v8 =	vcvt.f32.s32 v8;
	v12 =	vcvt.f32.s32 v27;
	v27 =	vmin.f32 v6, v9  }
0x3f9: {  	v25 =	vadd.f32 v25, v4;
	v6 =	vmax.f32 v6, v9;
	v27 =	vmin.f32 v27, v10  }
0x3fa: {  	v10 =	vmax.f32 v6, v10;
	v9 =	vcvt.s32.f32 v8;
	v30 =	vcvt.s32.f32 v12  }
0x3fb: {  	v6 =	vcvt.s32.f32 v26;
	vm14 =	vge.f32 v27, $-5.000000000e-01;
	v27 =	vand.u32 $0x1, v8  }
0x3fc: {  	vm6 =	vlt.f32 v10, $2.555000000e+02;
	v9 =	vsub.f32 v9, v23;
	v23 =	vsub.f32 v30, v24  }
0x3fd: {  	v6 =	vsub.f32 v6, v11;
	v11 =	vand.u32 $0x1, v26;
	vm0 =	vmand vm14, vm6  }
0x3fe: {  	v24 =	vld [tilespmem:s1+$0x8000];
	vm15 =	veq.f32 v9, $5.000000000e-01;
	vm4 =	veq.f32 v23, $5.000000000e-01;
	v9 =	vand.u32 $0x1, v12  }
0x3ff: {  	v30 =	vld [tilespmem:s5+$0x8000];
	vm5 =	veq.f32 v6, $5.000000000e-01;
	v27 =	vnsel vm15, $0x0, v27;
	v9 =	vnsel vm4, $0x0, v9  }
0x400: {  	v23 =	vld [tilespmem:s4+$0x8000];
	v6 =	vsub.s32 v8, v27;
	v8 =	vsub.s32 v12, v9;
	v9 =	vnsel vm5, $0x0, v11  }
0x401: {  	v12 =	vmax.f32 v20, $0.0e+00;
	v27 =	vmax.f32 v25, $0.0e+00;
	v11 =	vshll.u32 v6, $0xB  }
0x402: {  	v8 =	vshll.u32 v8, $0x8;
	v9 =	vsub.s32 v26, v9;
	v31 =	vmin.f32 v12, $2.550000000e+02  }
0x403: {  	v27 =	vmin.f32 v27, $2.550000000e+02;
	v10 =	vand.u32 $0xFFFF0000, v11;
	v8 =	vadd.s32 v8, v9  }
0x404: {  	v9 =	vmul.f32 v24, v2;
	v24 =	vmax.f32 v28, $0.0e+00;
	v11 =	vadd.s32 v10, v8  }
0x405: {  	v8 =	vmul.f32 v23, v2;
	v10 =	vmul.f32 v30, v2;
	v30 =	vadd.f32 v13, v3  }
0x406: {  	v13 =	vmax.f32 v14, $0.0e+00;
	v23 =	vmax.f32 v29, $0.0e+00;
	v54 =	vmin.f32 v24, $2.550000000e+02  }
0x407: {  	v9 =	vadd.f32 v9, v5;
	v52 =	vmin.f32 v13, $2.550000000e+02;
	v53 =	vmin.f32 v23, $2.550000000e+02  }
0x408: {  	v23 =	vadd.f32 $5.000000000e-01, v31;
	v57 =	vadd.f32 $5.000000000e-01, v54;
	v48 =	vnsel vm0, $0x80000, v11  }
0x409: {  	s20 =	sand.u32 $0x7C0, s0;
	v11 =	vmin.f32 v20, v14;
	v10 =	vadd.f32 v10, v5;
	v8 =	vadd.f32 v8, v5  }
0x40a: {  	[tilespmem:s20+$0xD010] =	vst v17;
	v26 =	vmax.f32 v30, $0.0e+00;
	v55 =	vadd.f32 $5.000000000e-01, v52;
	v17 =	vmin.f32 v30, v25  }
0x40b: {  	[tilespmem:s20+$0xD030] =	vst v15;
	v15 =	vmax.f32 v30, v25;
	v26 =	vmin.f32 v26, $2.550000000e+02;
	v12 =	vmax.f32 v9, $0.0e+00  }
0x40c: {  	v23 =	vtrunc.f32 v23;
	v60 =	vtrunc.f32 v57;
	v13 =	vmax.f32 v8, $0.0e+00  }
0x40d: {  	v24 =	vmax.f32 v10, $0.0e+00;
	v36 =	vmin.f32 v12, $2.550000000e+02;
	v12 =	vadd.f32 $5.000000000e-01, v53  }
0x40e: {  	v56 =	vadd.f32 $5.000000000e-01, v26;
	v35 =	vtrunc.f32 v55;
	v62 =	vcvt.f32.s32 v23  }
0x40f: {  	v37 =	vcvt.f32.s32 v60;
	v58 =	vmin.f32 v24, $2.550000000e+02;
	v24 =	vadd.f32 $5.000000000e-01, v27  }
0x410: {  	v59 =	vmin.f32 v13, $2.550000000e+02;
	v35 =	vcvt.f32.s32 v35;
	v12 =	vtrunc.f32 v12  }
0x411: {  	v61 =	vadd.f32 $5.000000000e-01, v36;
	v13 =	vtrunc.f32 v56;
	v51 =	vcvt.s32.f32 v62  }
0x412: {  	v23 =	vadd.f32 $5.000000000e-01, v59;
	v24 =	vtrunc.f32 v24;
	v42 =	vcvt.f32.s32 v12  }
0x413: {  	v12 =	vadd.f32 $5.000000000e-01, v58;
	v63 =	vcvt.f32.s32 v13;
	v13 =	vtrunc.f32 v61  }
0x414: {  	v46 =	vcvt.s32.f32 v35;
	v56 =	vand.u32 $0x1, v35;
	v49 =	vcvt.f32.s32 v24  }
0x415: {  	v24 =	vtrunc.f32 v23;
	v23 =	vcvt.f32.s32 v13;
	v13 =	vmin.f32 v29, v28  }
0x416: {  	v50 =	vtrunc.f32 v12;
	v12 =	vmax.f32 v20, v14;
	v14 =	vmax.f32 v29, v28  }
0x417: {  	v24 =	vcvt.f32.s32 v24;
	v28 =	vcvt.s32.f32 v42;
	v29 =	vsub.f32 v51, v31  }
0x418: {  	v31 =	vcvt.s32.f32 v63;
	v32 =	vsub.f32 v46, v52;
	v52 =	vcvt.s32.f32 v37  }
0x419: {  	v57 =	vand.u32 $0x1, v42;
	v20 =	vcvt.f32.s32 v50;
	v60 =	vand.u32 $0x1, v49  }
0x41a: {  	v28 =	vsub.f32 v28, v53;
	v53 =	vcvt.s32.f32 v49;
	v26 =	vsub.f32 v31, v26  }
0x41b: {  	v31 =	vcvt.s32.f32 v23;
	vm7 =	veq.f32 v29, $5.000000000e-01;
	v29 =	vand.u32 $0x1, v62  }
0x41c: {  	v34 =	vsub.f32 v52, v54;
	v54 =	vcvt.s32.f32 v24;
	vm8 =	veq.f32 v32, $5.000000000e-01  }
0x41d: {  	[tilespmem:s20+$0xC020] =	vst v22;
	v22 =	vand.u32 $0x1, v24;
	v55 =	vcvt.s32.f32 v20;
	v29 =	vnsel vm7, $0x0, v29  }
0x41e: {  	v61 =	vand.u32 $0x1, v20;
	v27 =	vsub.f32 v53, v27;
	v31 =	vsub.f32 v31, v36  }
0x41f: {  	s0 =	simm.s32 $0xC000;
	[tilespmem:s20+$0xC030] =	vst v7;
	v38 =	vsub.f32 v54, v59;
	v59 =	vand.u32 $0x1, v63;
	vm9 =	veq.f32 v28, $5.000000000e-01  }
0x420: {  	[tilespmem:s0+$0x0] =	vst v18;
	s1 =	simm.s32 $0xD000;
	v28 =	vnsel vm8, $0x0, v56;
	vm10 =	veq.f32 v26, $5.000000000e-01;
	vm12 =	veq.f32 v34, $5.000000000e-01  }
0x421: {  	[tilespmem:s1+$0x0] =	vst v19;
	v19 =	vsub.s32 v62, v29;
	v33 =	vsub.f32 v55, v58;
	v58 =	vand.u32 $0x1, v37  }
0x422: {  	[tilespmem:s20+$0xC010] =	vst v21;
	v7 =	vnsel vm9, $0x0, v57;
	v21 =	vnsel vm10, $0x0, v59;
	v62 =	vsub.s32 v35, v28  }
0x423: {  	[tilespmem:s20+$0xD020] =	vst v16;
	v16 =	vshll.u32 v19, $0xB;
	vm11 =	veq.f32 v27, $5.000000000e-01;
	v27 =	vnsel vm12, $0x0, v58  }
0x424: {  	vm13 =	veq.f32 v38, $5.000000000e-01;
	vm14 =	veq.f32 v31, $5.000000000e-01;
	v31 =	vand.u32 $0x1, v23  }
0x425: {  	v18 =	vsub.s32 v42, v7;
	v7 =	vsub.s32 v63, v21;
	v21 =	vshll.u32 v62, $0x8  }
0x426: {  	s7 =	simm.s32 $0x40;
	v26 =	vnsel vm11, $0x0, v60;
	vm15 =	veq.f32 v33, $5.000000000e-01;
	v63 =	vsub.s32 v37, v27  }
0x427: {  	s15 =	sand.u32 $0x7C0, s7;
	v27 =	vnsel vm13, $0x0, v22;
	v29 =	vnsel vm14, $0x0, v31;
	v22 =	vshll.u32 v18, $0xB  }
0x428: {  	p1 =	por !p1, !p1;
	s13 =	simm.s32 $0x80;
	s14 =	simm.s32 $0x4;
	[tilespmem:s15+$0xC030] =	vst v48;
	v26 =	vsub.s32 v49, v26;
	v28 =	vnsel vm15, $0x0, v61;
	v25 =	vshll.u32 v63, $0x8  }
.LBB2_37:
0x429: {  	s4 =	simm.s32 $0x1  }
0x42a: {  	v30 =	vshll.u32 v7, $0xB;
	v26 =	vshll.u32 v26, $0x8;
	v23 =	vsub.s32 v23, v29;
	s4 =	simm.s32 @!p1 $0x0  }
0x42b: {  	v24 =	vsub.s32 v24, v27;
	v11 =	vmin.f32 v11, v9;
	v20 =	vsub.s32 v20, v28;
	s13 =	sadd.s32 $0x80, s13;
	s4 =	sshll.u32 s4, $0x6  }
0x42c: {  	s14 =	sadd.s32 $0x4, s14;
	v9 =	vmax.f32 v12, v9;
	v12 =	vmin.f32 v13, v10;
	v10 =	vmax.f32 v14, v10;
	s4 =	sadd.s32 s4, s13  }
0x42d: {  	v13 =	vmin.f32 v17, v8;
	v8 =	vmax.f32 v15, v8;
	v14 =	vand.u32 $0xFFFF0000, v16;
	p2 =	slt.u32 s14, $0x7C;
	s5 =	sadd.s32 $0x10, s4;
	s6 =	sadd.s32 $0x30, s4  }
0x42e: {  	v16 =	vand.u32 $0xFFFF0000, v22;
	v15 =	vadd.s32 v21, v23;
	v17 =	vadd.s32 v25, v20;
	s8 =	sadd.s32 $0x20, s4;
	s5 =	sor.u32 $0x80, s5;
	s6 =	sor.u32 $0x80, s6  }
0x42f: {  	v21 =	vand.u32 $0xFFFF0000, v30;
	v22 =	vadd.s32 v26, v24;
	vm0 =	vge.f32 v11, $-5.000000000e-01;
	s4 =	sor.u32 $0x80, s4;
	s8 =	sor.u32 $0x80, s8;
	v20 =	vld [tilespmem:s6+$0x8000]  }
0x430: {  	vm1 =	vlt.f32 v9, $2.555000000e+02;
	vm2 =	vge.f32 v12, $-5.000000000e-01;
	vm3 =	vlt.f32 v10, $2.555000000e+02;
	v11 =	vld [tilespmem:s6+$0x0]  }
0x431: {  	vm4 =	vge.f32 v13, $-5.000000000e-01;
	vm5 =	vlt.f32 v8, $2.555000000e+02;
	v8 =	vadd.s32 v14, v15;
	v9 =	vld [tilespmem:s6+$0x4000]  }
0x432: {  	v12 =	vadd.s32 v21, v22;
	vm0 =	vmand vm0, vm1;
	v13 =	vadd.s32 v16, v17;
	v10 =	vld [tilespmem:s5+$0x0]  }
0x433: {  	vm1 =	vmand vm4, vm5;
	v8 =	vnsel vm0, $0x80000, v8;
	vm0 =	vmand vm2, vm3;
	v14 =	vld [tilespmem:s5+$0x4000]  }
0x434: {  	v12 =	vnsel vm1, $0x80000, v12;
	v13 =	vnsel vm0, $0x80000, v13;
	v15 =	vld [tilespmem:s8+$0x0];
	[tilespmem:s15+$0xC010] =	vst v8;
	v8 =	vand.u32 $0x1F, v19  }
0x435: {  	v6 =	vand.u32 $0x1F, v6;
	s0 =	sadd.s32 $0x40, s0;
	v17 =	vmul.f32 v20, v2;
	v16 =	vld [tilespmem:s8+$0x4000];
	[tilespmem:s15+$0xC020] =	vst v13;
	v13 =	vand.u32 $0x1F, v18  }
0x436: {  	v7 =	vand.u32 $0x1F, v7;
	s1 =	sadd.s32 $0x40, s1;
	v11 =	vmul.f32 v11, v0;
	v18 =	vld [tilespmem:s4+$0x0];
	v9 =	vmul.f32 v9, v1;
	[tilespmem:s0+$0x0] =	vst v12  }
0x437: {  	v17 =	vadd.f32 v17, v5;
	v12 =	vld [tilespmem:s4+$0x4000];
	v10 =	vmul.f32 v10, v0;
	[tilespmem:s1+$0x0] =	vst v7  }
0x438: {  	v11 =	vadd.f32 v11, v3;
	v14 =	vmul.f32 v14, v1;
	v19 =	vld [tilespmem:s5+$0x8000];
	v9 =	vadd.f32 v9, v4;
	[tilespmem:s15+$0xD010] =	vst v8  }
0x439: {  	v7 =	vadd.f32 v10, v3;
	v8 =	vmul.f32 v15, v0;
	v10 =	vld [tilespmem:s8+$0x8000];
	v15 =	vmax.f32 v17, $0.0e+00;
	[tilespmem:s15+$0xD020] =	vst v13  }
0x43a: {  	v20 =	vmax.f32 v11, $0.0e+00;
	v13 =	vld [tilespmem:s4+$0x8000];
	v21 =	vmax.f32 v9, $0.0e+00;
	v15 =	vmin.f32 v15, $2.550000000e+02;
	[tilespmem:s15+$0xD030] =	vst v6  }
0x43b: {  	v6 =	vmin.f32 v20, $2.550000000e+02;
	v20 =	vmin.f32 v21, $2.550000000e+02;
	v21 =	vadd.f32 $5.000000000e-01, v15  }
0x43c: {  	v16 =	vmul.f32 v16, v1;
	v22 =	vadd.f32 $5.000000000e-01, v6;
	v23 =	vadd.f32 $5.000000000e-01, v20  }
0x43d: {  	v14 =	vadd.f32 v14, v4;
	v18 =	vmul.f32 v18, v0;
	v21 =	vtrunc.f32 v21  }
0x43e: {  	v24 =	vadd.f32 v8, v3;
	v8 =	vtrunc.f32 v22;
	v22 =	vtrunc.f32 v23  }
0x43f: {  	v23 =	vadd.f32 v16, v4;
	v8 =	vcvt.f32.s32 v8;
	v16 =	vcvt.f32.s32 v22  }
0x440: {  	v12 =	vmul.f32 v12, v1;
	v21 =	vcvt.f32.s32 v21;
	v22 =	vmin.f32 v11, v9  }
0x441: {  	v9 =	vmax.f32 v11, v9;
	v11 =	vcvt.s32.f32 v8;
	v25 =	vcvt.s32.f32 v16  }
0x442: {  	v22 =	vmin.f32 v22, v17;
	v9 =	vmax.f32 v9, v17;
	v17 =	vcvt.s32.f32 v21  }
0x443: {  	vm0 =	vge.f32 v22, $-5.000000000e-01;
	v6 =	vsub.f32 v11, v6;
	v11 =	vsub.f32 v25, v20  }
0x444: {  	v15 =	vsub.f32 v17, v15;
	v17 =	vand.u32 $0x1, v21;
	v20 =	vand.u32 $0x1, v8  }
0x445: {  	vm1 =	veq.f32 v6, $5.000000000e-01;
	v6 =	vand.u32 $0x1, v16;
	vm2 =	veq.f32 v11, $5.000000000e-01  }
0x446: {  	v11 =	vnsel vm1, $0x0, v20;
	vm1 =	veq.f32 v15, $5.000000000e-01;
	v20 =	vnsel vm2, $0x0, v6  }
0x447: {  	v6 =	vsub.s32 v8, v11;
	v11 =	vnsel vm1, $0x0, v17;
	v8 =	vsub.s32 v16, v20  }
0x448: {  	v15 =	vshll.u32 v6, $0xB;
	v11 =	vsub.s32 v21, v11;
	v8 =	vshll.u32 v8, $0x8  }
0x449: {  	vm1 =	vlt.f32 v9, $2.555000000e+02;
	v9 =	vand.u32 $0xFFFF0000, v15;
	v8 =	vadd.s32 v8, v11  }
0x44a: {  	s7 =	sadd.s32 $0x40, s7;
	vm0 =	vmand vm0, vm1;
	v11 =	vmul.f32 v19, v2;
	v8 =	vadd.s32 v9, v8  }
0x44b: {  	s15 =	sand.u32 $0x7C0, s7;
	v10 =	vmul.f32 v10, v2;
	v13 =	vmul.f32 v13, v2;
	v8 =	vnsel vm0, $0x80000, v8  }
0x44c: {  	v16 =	vadd.f32 v12, v4;
	v12 =	vmax.f32 v7, $0.0e+00;
	v15 =	vadd.f32 v18, v3;
	[tilespmem:s15+$0xC030] =	vst v8  }
0x44d: {  	v10 =	vadd.f32 v10, v5;
	v9 =	vadd.f32 v11, v5;
	v11 =	vmax.f32 v14, $0.0e+00  }
0x44e: {  	v17 =	vmax.f32 v23, $0.0e+00;
	v8 =	vadd.f32 v13, v5;
	v13 =	vmax.f32 v24, $0.0e+00  }
0x44f: {  	v21 =	vmin.f32 v12, $2.550000000e+02;
	v19 =	vmax.f32 v16, $0.0e+00;
	v18 =	vmax.f32 v15, $0.0e+00  }
0x450: {  	v17 =	vmin.f32 v17, $2.550000000e+02;
	v22 =	vmin.f32 v11, $2.550000000e+02;
	v25 =	vmin.f32 v13, $2.550000000e+02  }
0x451: {  	v19 =	vmin.f32 v19, $2.550000000e+02;
	v18 =	vmin.f32 v18, $2.550000000e+02;
	v11 =	vmax.f32 v9, $0.0e+00  }
0x452: {  	v20 =	vmax.f32 v10, $0.0e+00;
	v13 =	vadd.f32 $5.000000000e-01, v21;
	v12 =	vmax.f32 v8, $0.0e+00  }
0x453: {  	v26 =	vadd.f32 $5.000000000e-01, v22;
	v27 =	vmin.f32 v11, $2.550000000e+02;
	v28 =	vadd.f32 $5.000000000e-01, v25  }
0x454: {  	v30 =	vadd.f32 $5.000000000e-01, v17;
	v31 =	vmin.f32 v20, $2.550000000e+02;
	v29 =	vadd.f32 $5.000000000e-01, v18  }
0x455: {  	v20 =	vadd.f32 $5.000000000e-01, v19;
	v32 =	vmin.f32 v12, $2.550000000e+02;
	v33 =	vadd.f32 $5.000000000e-01, v27  }
0x456: {  	v35 =	vadd.f32 $5.000000000e-01, v31;
	v13 =	vtrunc.f32 v13;
	v34 =	vadd.f32 $5.000000000e-01, v32  }
0x457: {  	v11 =	vmin.f32 v7, v14;
	v26 =	vtrunc.f32 v26;
	v28 =	vtrunc.f32 v28  }
0x458: {  	v29 =	vtrunc.f32 v29;
	v12 =	vmax.f32 v7, v14;
	v7 =	vtrunc.f32 v30  }
0x459: {  	v20 =	vtrunc.f32 v20;
	v30 =	vcvt.f32.s32 v13;
	v13 =	vmin.f32 v24, v23  }
0x45a: {  	v14 =	vmax.f32 v24, v23;
	v26 =	vcvt.f32.s32 v26;
	v28 =	vcvt.f32.s32 v28  }
0x45b: {  	v29 =	vcvt.f32.s32 v29;
	v37 =	vcvt.f32.s32 v7;
	v36 =	vand.u32 $0x1, v30  }
0x45c: {  	v38 =	vcvt.f32.s32 v20;
	v20 =	vtrunc.f32 v33;
	v7 =	vand.u32 $0x1, v26  }
0x45d: {  	v24 =	vtrunc.f32 v34;
	v34 =	vtrunc.f32 v35;
	v33 =	vand.u32 $0x1, v28  }
0x45e: {  	v23 =	vcvt.f32.s32 v20;
	v35 =	vand.u32 $0x1, v37;
	v20 =	vcvt.f32.s32 v34  }
0x45f: {  	v39 =	vcvt.s32.f32 v30;
	v34 =	vand.u32 $0x1, v29;
	v24 =	vcvt.f32.s32 v24  }
0x460: {  	v40 =	vand.u32 $0x1, v38;
	v41 =	vcvt.s32.f32 v26;
	v42 =	vcvt.s32.f32 v28  }
0x461: {  	v43 =	vcvt.s32.f32 v29;
	v21 =	vsub.f32 v39, v21;
	v39 =	vcvt.s32.f32 v37  }
0x462: {  	v44 =	vcvt.s32.f32 v38;
	v22 =	vsub.f32 v41, v22;
	v41 =	vcvt.s32.f32 v23  }
0x463: {  	v45 =	vcvt.s32.f32 v24;
	v25 =	vsub.f32 v42, v25;
	v42 =	vcvt.s32.f32 v20  }
0x464: {  	v18 =	vsub.f32 v43, v18;
	vm0 =	veq.f32 v21, $5.000000000e-01;
	v17 =	vsub.f32 v39, v17  }
0x465: {  	v19 =	vsub.f32 v44, v19;
	vm1 =	veq.f32 v22, $5.000000000e-01;
	v21 =	vsub.f32 v41, v27  }
0x466: {  	v22 =	vsub.f32 v45, v32;
	vm2 =	veq.f32 v25, $5.000000000e-01;
	v25 =	vsub.f32 v42, v31  }
0x467: {  	vm4 =	veq.f32 v19, $5.000000000e-01;
	vm3 =	veq.f32 v18, $5.000000000e-01;
	vm5 =	veq.f32 v17, $5.000000000e-01  }
0x468: {  	v7 =	vnsel vm1, $0x0, v7;
	v17 =	vnsel vm0, $0x0, v36;
	v18 =	vnsel vm2, $0x0, v33  }
0x469: {  	v27 =	vnsel vm3, $0x0, v34;
	v31 =	vnsel vm4, $0x0, v40;
	v32 =	vnsel vm5, $0x0, v35  }
0x46a: {  	vm1 =	veq.f32 v21, $5.000000000e-01;
	vm0 =	veq.f32 v22, $5.000000000e-01;
	vm2 =	veq.f32 v25, $5.000000000e-01  }
0x46b: {  	v21 =	vand.u32 $0x1, v24;
	v22 =	vand.u32 $0x1, v23;
	v25 =	vand.u32 $0x1, v20  }
.Ltmp17:
0x46c: {  	v19 =	vsub.s32 v30, v17;
	v30 =	vsub.s32 v26, v7;
	v18 =	vsub.s32 v28, v18;
	(pc) =	sbr.rel @p2 .LBB2_37-.Ltmp17, $4  }
0x46d: {  	v7 =	vsub.s32 v29, v27;
	v26 =	vsub.s32 v38, v31;
	v31 =	vsub.s32 v37, v32  }
0x46e: {  	v27 =	vnsel vm0, $0x0, v21;
	v29 =	vnsel vm1, $0x0, v22;
	v28 =	vnsel vm2, $0x0, v25  }
0x46f: {  	v17 =	vmin.f32 v15, v16;
	v15 =	vmax.f32 v15, v16;
	v16 =	vshll.u32 v19, $0xB  }
0x470: {  	p1 =	por !p1, !p1;
	v21 =	vshll.u32 v30, $0x8;
	v22 =	vshll.u32 v18, $0xB;
	v25 =	vshll.u32 v31, $0x8  }
0x471: {  	v30 =	vshll.u32 v7, $0xB;
	v26 =	vshll.u32 v26, $0x8  }
0x472: {  	v23 =	vsub.s32 v23, v29;
	v24 =	vsub.s32 v24, v27;
	v11 =	vmin.f32 v11, v9  }
0x473: {  	v20 =	vsub.s32 v20, v28;
	v9 =	vmax.f32 v12, v9;
	v12 =	vmin.f32 v13, v10  }
0x474: {  	v10 =	vmax.f32 v14, v10;
	v13 =	vmin.f32 v17, v8;
	v8 =	vmax.f32 v15, v8  }
0x475: {  	v14 =	vand.u32 $0xFFFF0000, v16;
	v16 =	vand.u32 $0xFFFF0000, v22;
	v6 =	vand.u32 $0x1F, v6  }
0x476: {  	v15 =	vadd.s32 v21, v23;
	v17 =	vadd.s32 v25, v20;
	v20 =	vand.u32 $0xFFFF0000, v30  }
0x477: {  	v21 =	vadd.s32 v26, v24;
	vm0 =	vge.f32 v11, $-5.000000000e-01;
	vm1 =	vlt.f32 v9, $2.555000000e+02  }
0x478: {  	vm2 =	vge.f32 v12, $-5.000000000e-01;
	vm3 =	vlt.f32 v10, $2.555000000e+02;
	vm4 =	vge.f32 v13, $-5.000000000e-01  }
0x479: {  	vm5 =	vlt.f32 v8, $2.555000000e+02;
	v8 =	vadd.s32 v14, v15;
	vm0 =	vmand vm0, vm1  }
0x47a: {  	[tilespmem:s15+$0xD030] =	vst v6;
	v9 =	vadd.s32 v16, v17;
	vm8 =	vmand vm2, vm3;
	v8 =	vnsel vm0, $0x80000, v8  }
0x47b: {  	v10 =	vadd.s32 v20, v21;
	vm9 =	vmand vm4, vm5;
	[tilespmem:s15+$0xC010] =	vst v8;
	v8 =	vnsel vm8, $0x80000, v9  }
0x47c: {  	s0 =	sadd.s32 $0x40, s0;
	v9 =	vnsel vm9, $0x80000, v10;
	[tilespmem:s15+$0xC020] =	vst v8  }
0x47d: {  	v7 =	vand.u32 $0x1F, v7;
	s5 =	sadd.s32 $0x40, s1;
	[tilespmem:s0+$0x0] =	vst v9  }
0x47e: {  	s6 =	simm.s32 $0x820;
	s7 =	simm.s32 $0x1040;
	v8 =	vand.u32 $0x1F, v19;
	[tilespmem:s5+$0x0] =	vst v7  }
0x47f: {  	s1 =	sand.u32 $0x1F00, s7;
	s0 =	sand.u32 $0x60, s6;
	v7 =	vand.u32 $0x1F, v18;
	[tilespmem:s15+$0xD010] =	vst v8  }
0x480: {  	s0 =	sor.u32 s1, s0;
	[tilespmem:s15+$0xD020] =	vst v7  }
0x481: {  	[tilespmem:s29], [sflag:$0x1] =	stream.indirect.gather [spmem:s26], $0x1, s30, s18, $0xb8;
	[tilespmem:$0x1A088] =	vst v63  }
0x482: {  	s8 =	simm.s32 $0x1000;
	s4 =	simm.s32 $0x0;
	v6 =	vld [tilespmem:s0+$0x8080]  }
0x483: {  	s9 =	simm.s32 $0x810;
	s7 =	sand.u32 $0x40, s4;
	s1 =	sand.u32 $0x1F00, s8;
	v7 =	vld [tilespmem:s0+$0x80]  }
0x484: {  	s19 =	simm.s32 $0x1060;
	s5 =	simm.s32 $0x1020;
	s1 =	sor.u32 s1, s7;
	v8 =	vld [tilespmem:s0+$0x4080]  }
0x485: {  	s13 =	sand.u32 $0x50, s9;
	s14 =	sand.u32 $0x1F00, s5;
	s15 =	simm.s32 $0x830;
	v9 =	vld [tilespmem:s1+$0x80]  }
0x486: {  	s5 =	sand.u32 $0x1F00, s19;
	s4 =	sand.u32 $0x70, s15;
	s0 =	sor.u32 s14, s13;
	v10 =	vld [tilespmem:s1+$0x4080]  }
0x487: {  	s4 =	sor.u32 s5, s4;
	v12 =	vld [tilespmem:s0+$0x4080]  }
0x488: {  	v18 =	vld [tilespmem:s4+$0x4080]  }
0x489: {  	v11 =	vld [tilespmem:s0+$0x80];
	v6 =	vmul.f32 v6, v2  }
0x48a: {  	v7 =	vmul.f32 v7, v0;
	v8 =	vmul.f32 v8, v1  }
0x48b: {  	v9 =	vmul.f32 v9, v0;
	v10 =	vmul.f32 v10, v1  }
0x48c: {  	v13 =	vld [tilespmem:s4+$0x80];
	v12 =	vmul.f32 v12, v1;
	v6 =	vadd.f32 v6, v5;
	v7 =	vadd.f32 v7, v3  }
0x48d: {  	v18 =	vmul.f32 v18, v1;
	v8 =	vadd.f32 v8, v4;
	v14 =	vadd.f32 v9, v3  }
0x48e: {  	v9 =	vmul.f32 v11, v0;
	v10 =	vadd.f32 v10, v4;
	v11 =	vmax.f32 v6, $0.0e+00  }
0x48f: {  	v15 =	vmax.f32 v7, $0.0e+00;
	v16 =	vmax.f32 v8, $0.0e+00;
	v17 =	vmin.f32 v11, $2.550000000e+02  }
0x490: {  	v15 =	vmin.f32 v15, $2.550000000e+02;
	v16 =	vmin.f32 v16, $2.550000000e+02;
	v11 =	vadd.f32 $5.000000000e-01, v17  }
0x491: {  	v13 =	vmul.f32 v13, v0;
	v19 =	vadd.f32 $5.000000000e-01, v15;
	v20 =	vadd.f32 $5.000000000e-01, v16  }
0x492: {  	v12 =	vadd.f32 v12, v4;
	v18 =	vadd.f32 v18, v4;
	v21 =	vtrunc.f32 v11  }
0x493: {  	v11 =	vadd.f32 v9, v3;
	v9 =	vtrunc.f32 v19;
	v19 =	vtrunc.f32 v20  }
0x494: {  	v20 =	vmin.f32 v7, v8;
	v9 =	vcvt.f32.s32 v9;
	v19 =	vcvt.f32.s32 v19  }
0x495: {  	v7 =	vmax.f32 v7, v8;
	v21 =	vcvt.f32.s32 v21;
	v20 =	vmin.f32 v20, v6  }
0x496: {  	v6 =	vmax.f32 v7, v6;
	v8 =	vcvt.s32.f32 v9;
	v22 =	vcvt.s32.f32 v19  }
0x497: {  	vm10 =	vge.f32 v20, $-5.000000000e-01;
	vm14 =	vlt.f32 v6, $2.555000000e+02;
	v7 =	vcvt.s32.f32 v21  }
0x498: {  	v20 =	vand.u32 $0x1, v9;
	v8 =	vsub.f32 v8, v15;
	v15 =	vsub.f32 v22, v16  }
0x499: {  	vm0 =	vmand vm10, vm14;
	v7 =	vsub.f32 v7, v17;
	v17 =	vand.u32 $0x1, v21  }
0x49a: {  	v16 =	vld [tilespmem:s1+$0x8080];
	vm11 =	veq.f32 v8, $5.000000000e-01;
	vm12 =	veq.f32 v15, $5.000000000e-01;
	v8 =	vand.u32 $0x1, v19  }
0x49b: {  	vm13 =	veq.f32 v7, $5.000000000e-01;
	v20 =	vnsel vm11, $0x0, v20;
	v8 =	vnsel vm12, $0x0, v8  }
0x49c: {  	v22 =	vld [tilespmem:s0+$0x8080];
	v7 =	vsub.s32 v9, v20;
	v8 =	vsub.s32 v19, v8;
	v9 =	vnsel vm13, $0x0, v17  }
0x49d: {  	v15 =	vld [tilespmem:s4+$0x8080];
	v20 =	vmax.f32 v18, $0.0e+00;
	v17 =	vshll.u32 v7, $0xB;
	v8 =	vshll.u32 v8, $0x8  }
0x49e: {  	v9 =	vsub.s32 v21, v9;
	v23 =	vand.u32 $0x1F, v7;
	v20 =	vmin.f32 v20, $2.550000000e+02  }
0x49f: {  	v6 =	vand.u32 $0xFFFF0000, v17;
	v8 =	vadd.s32 v8, v9;
	v9 =	vmul.f32 v16, v2  }
0x4a0: {  	v17 =	vadd.f32 v13, v3;
	v13 =	vmax.f32 v10, $0.0e+00;
	v16 =	vmax.f32 v11, $0.0e+00  }
0x4a1: {  	v31 =	vadd.f32 $5.000000000e-01, v20;
	v6 =	vadd.s32 v6, v8;
	v8 =	vmul.f32 v22, v2  }
0x4a2: {  	v15 =	vmul.f32 v15, v2;
	v24 =	vmin.f32 v13, $2.550000000e+02;
	v16 =	vmin.f32 v16, $2.550000000e+02  }
0x4a3: {  	v21 =	vnsel vm0, $0x80000, v6;
	v7 =	vadd.f32 v9, v5;
	v9 =	vmax.f32 v14, $0.0e+00  }
0x4a4: {  	v19 =	vmax.f32 v17, $0.0e+00;
	v27 =	vadd.f32 $5.000000000e-01, v24;
	v6 =	vadd.f32 v8, v5  }
0x4a5: {  	v8 =	vadd.f32 v15, v5;
	v15 =	vmax.f32 v12, $0.0e+00;
	v22 =	vmin.f32 v9, $2.550000000e+02  }
0x4a6: {  	v19 =	vmin.f32 v19, $2.550000000e+02;
	v9 =	vmax.f32 v7, $0.0e+00;
	v15 =	vmin.f32 v15, $2.550000000e+02  }
0x4a7: {  	v26 =	vadd.f32 $5.000000000e-01, v22;
	v27 =	vtrunc.f32 v27;
	v13 =	vmax.f32 v6, $0.0e+00  }
0x4a8: {  	v25 =	vmax.f32 v8, $0.0e+00;
	v49 =	vmin.f32 v9, $2.550000000e+02;
	v9 =	vadd.f32 $5.000000000e-01, v16  }
0x4a9: {  	v50 =	vadd.f32 $5.000000000e-01, v15;
	v27 =	vcvt.f32.s32 v27;
	v51 =	vmin.f32 v13, $2.550000000e+02  }
0x4aa: {  	v13 =	vadd.f32 $5.000000000e-01, v19;
	v25 =	vmin.f32 v25, $2.550000000e+02;
	v26 =	vtrunc.f32 v26  }
0x4ab: {  	v32 =	vadd.f32 $5.000000000e-01, v49;
	v34 =	vtrunc.f32 v9;
	v9 =	vmin.f32 v14, v10  }
0x4ac: {  	v29 =	vtrunc.f32 v50;
	v10 =	vmax.f32 v14, v10;
	v14 =	vcvt.f32.s32 v26  }
0x4ad: {  	v33 =	vadd.f32 $5.000000000e-01, v51;
	v26 =	vtrunc.f32 v31;
	v42 =	vcvt.s32.f32 v27  }
0x4ae: {  	v35 =	vadd.f32 $5.000000000e-01, v25;
	v36 =	vtrunc.f32 v13;
	v52 =	vcvt.f32.s32 v34  }
0x4af: {  	v37 =	vand.u32 $0x1, v27;
	v32 =	vtrunc.f32 v32;
	v29 =	vcvt.f32.s32 v29  }
0x4b0: {  	v13 =	vmin.f32 v11, v12;
	v26 =	vcvt.f32.s32 v26;
	v33 =	vtrunc.f32 v33  }
0x4b1: {  	v53 =	vand.u32 $0x1, v14;
	v36 =	vcvt.f32.s32 v36;
	v35 =	vtrunc.f32 v35  }
0x4b2: {  	v32 =	vcvt.f32.s32 v32;
	v40 =	vcvt.s32.f32 v14;
	v24 =	vsub.f32 v42, v24  }
0x4b3: {  	v38 =	vand.u32 $0x1, v52;
	v39 =	vand.u32 $0x1, v29;
	v33 =	vcvt.f32.s32 v33  }
0x4b4: {  	v35 =	vcvt.f32.s32 v35;
	v43 =	vcvt.s32.f32 v52;
	v44 =	vand.u32 $0x1, v26  }
0x4b5: {  	v54 =	vcvt.s32.f32 v29;
	v56 =	vcvt.s32.f32 v26;
	v41 =	vand.u32 $0x1, v36  }
0x4b6: {  	v22 =	vsub.f32 v40, v22;
	v45 =	vcvt.s32.f32 v36;
	v55 =	vcvt.s32.f32 v32  }
0x4b7: {  	vm8 =	veq.f32 v24, $5.000000000e-01;
	v16 =	vsub.f32 v43, v16;
	v15 =	vsub.f32 v54, v15  }
0x4b8: {  	v57 =	vcvt.s32.f32 v33;
	v58 =	vcvt.s32.f32 v35;
	v20 =	vsub.f32 v56, v20  }
0x4b9: {  	v60 =	vand.u32 $0x1, v33;
	v61 =	vand.u32 $0x1, v35;
	v19 =	vsub.f32 v45, v19  }
0x4ba: {  	vm15 =	veq.f32 v22, $5.000000000e-01;
	v22 =	vsub.f32 v55, v49;
	vm9 =	veq.f32 v16, $5.000000000e-01  }
0x4bb: {  	v16 =	vsub.f32 v57, v51;
	v24 =	vsub.f32 v58, v25;
	vm10 =	veq.f32 v15, $5.000000000e-01  }
0x4bc: {  	vm12 =	veq.f32 v20, $5.000000000e-01;
	v15 =	vnsel vm15, $0x0, v53;
	vm11 =	veq.f32 v19, $5.000000000e-01  }
0x4bd: {  	v19 =	vnsel vm8, $0x0, v37;
	v20 =	vnsel vm9, $0x0, v38;
	vm13 =	veq.f32 v22, $5.000000000e-01  }
0x4be: {  	v22 =	vnsel vm10, $0x0, v39;
	v59 =	vnsel vm12, $0x0, v44;
	vm14 =	veq.f32 v16, $5.000000000e-01  }
0x4bf: {  	v25 =	vnsel vm11, $0x0, v41;
	vm15 =	veq.f32 v24, $5.000000000e-01;
	v24 =	vand.u32 $0x1, v32  }
0x4c0: {  	v16 =	vsub.s32 v14, v15;
	v27 =	vsub.s32 v27, v19;
	v14 =	vsub.s32 v52, v20  }
0x4c1: {  	v22 =	vsub.s32 v29, v22;
	v19 =	vmax.f32 v11, v12;
	v20 =	vmin.f32 v17, v18  }
0x4c2: {  	v18 =	vmax.f32 v17, v18;
	v24 =	vnsel vm13, $0x0, v24;
	v62 =	vnsel vm14, $0x0, v60  }
0x4c3: {  	v15 =	vsub.s32 v36, v25;
	v25 =	vsub.s32 v26, v59;
	v63 =	vnsel vm15, $0x0, v61  }
0x4c4: {  	s20 =	simm.s32 $0x800;
	s0 =	simm.s32 $0xC820;
	v11 =	vshll.u32 v16, $0xB;
	v12 =	vshll.u32 v27, $0x8;
	v17 =	vshll.u32 v14, $0xB  }
0x4c5: {  	s15 =	simm.s32 $0x870;
	s1 =	simm.s32 $0xD830;
	s4 =	sand.u32 $0xF80, s20;
	[tilespmem:s0+$0x0] =	vst v21;
	v21 =	vshll.u32 v22, $0x8;
	v26 =	vsub.s32 v32, v24;
	v22 =	vsub.s32 v33, v62  }
0x4c6: {  	s13 =	simm.s32 $0x0;
	s14 =	simm.s32 $0x10E0;
	s7 =	sor.u32 s7, s4;
	[tilespmem:s1+$0xFFFFFFF0] =	vst v23;
	v24 =	vshll.u32 v15, $0xB;
	v23 =	vshll.u32 v25, $0x8;
	v25 =	vsub.s32 v35, v63  }
.LBB2_39:
0x4c7: {  	s4 =	sadd.s32 $0xFFFFFFA0, s14;
	s5 =	sadd.s32 $0xFFFFFFF0, s15;
	s6 =	sadd.s32 $0xFFFFFFE0, s14;
	v9 =	vmin.f32 v9, v7;
	v7 =	vmax.f32 v10, v7;
	v10 =	vmin.f32 v13, v6  }
0x4c8: {  	s8 =	sadd.s32 $0xFFFFFFE0, s15;
	v6 =	vmax.f32 v19, v6;
	v13 =	vmin.f32 v20, v8;
	v8 =	vmax.f32 v18, v8;
	s5 =	sand.u32 $0x60, s5;
	s6 =	sand.u32 $0x1F00, s6  }
0x4c9: {  	s9 =	sadd.s32 $0xFFFFF7D0, s15;
	s19 =	sadd.s32 $0xFFFFFFC0, s14;
	v11 =	vand.u32 $0xFFFF0000, v11;
	v12 =	vadd.s32 v12, v26;
	v17 =	vand.u32 $0xFFFF0000, v17;
	s5 =	sor.u32 s6, s5  }
0x4ca: {  	s13 =	sadd.s32 $0x4, s13;
	v19 =	vadd.s32 v21, v22;
	v20 =	vand.u32 $0xFFFF0000, v24;
	v21 =	vadd.s32 v23, v25;
	s4 =	sand.u32 $0x1F00, s4;
	s6 =	sand.u32 $0x40, s9;
	v18 =	vld [tilespmem:s5+$0x8080]  }
0x4cb: {  	s8 =	sand.u32 $0x50, s8;
	p1 =	slt.u32 s13, $0x7C;
	vm0 =	vge.f32 v9, $-5.000000000e-01;
	vm1 =	vlt.f32 v7, $2.555000000e+02;
	vm2 =	vge.f32 v10, $-5.000000000e-01;
	s9 =	sand.u32 $0x1F00, s19;
	v22 =	vld [tilespmem:s5+$0x80]  }
0x4cc: {  	vm3 =	vlt.f32 v6, $2.555000000e+02;
	vm4 =	vge.f32 v13, $-5.000000000e-01;
	vm5 =	vlt.f32 v8, $2.555000000e+02;
	s19 =	sand.u32 $0x1F00, s14;
	s4 =	sor.u32 s4, s6;
	v7 =	vld [tilespmem:s5+$0x4080];
	s5 =	sand.u32 $0x70, s15  }
0x4cd: {  	s20 =	sadd.s32 $0xFFFFFFD0, s15;
	v8 =	vadd.s32 v11, v12;
	v9 =	vadd.s32 v17, v19;
	v10 =	vadd.s32 v20, v21;
	s8 =	sor.u32 s9, s8;
	v6 =	vld [tilespmem:s4+$0x80];
	s5 =	sor.u32 s19, s5  }
0x4ce: {  	vm0 =	vmand vm0, vm1;
	vm1 =	vmand vm2, vm3;
	vm2 =	vmand vm4, vm5;
	s9 =	sand.u32 $0xF80, s20;
	v11 =	vld [tilespmem:s4+$0x4080]  }
0x4cf: {  	v8 =	vnsel vm0, $0x80000, v8;
	v9 =	vnsel vm1, $0x80000, v9;
	v13 =	vnsel vm2, $0x80000, v10;
	s6 =	sor.u32 s6, s9;
	v12 =	vld [tilespmem:s8+$0x80]  }
0x4d0: {  	v14 =	vand.u32 $0x1F, v14;
	v10 =	vmul.f32 v18, v2;
	v17 =	vld [tilespmem:s8+$0x4080];
	[tilespmem:s0+$0xFFFFFFE0] =	vst v8;
	v8 =	vand.u32 $0x1F, v16  }
0x4d1: {  	v16 =	vmul.f32 v22, v0;
	v7 =	vmul.f32 v7, v1;
	v18 =	vld [tilespmem:s5+$0x80];
	[tilespmem:s7+$0xD000] =	vst v8;
	v8 =	vand.u32 $0x1F, v15;
	s7 =	smov.u32 s6  }
0x4d2: {  	v15 =	vadd.f32 v10, v5;
	v6 =	vmul.f32 v6, v0;
	v19 =	vld [tilespmem:s5+$0x4080];
	[tilespmem:s0+$0xFFFFFFF0] =	vst v9  }
0x4d3: {  	v16 =	vadd.f32 v16, v3;
	v9 =	vmul.f32 v11, v1;
	v20 =	vld [tilespmem:s4+$0x8080];
	v7 =	vadd.f32 v7, v4;
	[tilespmem:s1+$0xFFFFFFE0] =	vst v14  }
0x4d4: {  	v11 =	vmax.f32 v15, $0.0e+00;
	v10 =	vadd.f32 v6, v3;
	v6 =	vmul.f32 v12, v0;
	v14 =	vld [tilespmem:s8+$0x8080];
	[tilespmem:s0+$0x10] =	vst v13  }
0x4d5: {  	v12 =	vmax.f32 v16, $0.0e+00;
	v21 =	vmin.f32 v11, $2.550000000e+02;
	v13 =	vmax.f32 v7, $0.0e+00;
	v22 =	vld [tilespmem:s5+$0x8080];
	[tilespmem:s1+$0x0] =	vst v8  }
0x4d6: {  	v8 =	vmin.f32 v12, $2.550000000e+02;
	v11 =	vadd.f32 $5.000000000e-01, v21;
	v13 =	vmin.f32 v13, $2.550000000e+02  }
0x4d7: {  	v12 =	vmul.f32 v17, v1;
	v17 =	vadd.f32 $5.000000000e-01, v8;
	v23 =	vadd.f32 $5.000000000e-01, v13  }
0x4d8: {  	v24 =	vadd.f32 v9, v4;
	v18 =	vmul.f32 v18, v0;
	v9 =	vtrunc.f32 v11  }
0x4d9: {  	v11 =	vadd.f32 v6, v3;
	v6 =	vtrunc.f32 v17;
	v17 =	vtrunc.f32 v23  }
0x4da: {  	v12 =	vadd.f32 v12, v4;
	v6 =	vcvt.f32.s32 v6;
	v17 =	vcvt.f32.s32 v17  }
0x4db: {  	v19 =	vmul.f32 v19, v1;
	v9 =	vcvt.f32.s32 v9;
	v23 =	vmin.f32 v16, v7  }
0x4dc: {  	v7 =	vmax.f32 v16, v7;
	v16 =	vcvt.s32.f32 v6;
	v25 =	vcvt.s32.f32 v17  }
0x4dd: {  	v23 =	vmin.f32 v23, v15;
	v7 =	vmax.f32 v7, v15;
	v15 =	vcvt.s32.f32 v9  }
0x4de: {  	vm0 =	vge.f32 v23, $-5.000000000e-01;
	v8 =	vsub.f32 v16, v8;
	v13 =	vsub.f32 v25, v13  }
0x4df: {  	v15 =	vsub.f32 v15, v21;
	v21 =	vand.u32 $0x1, v9;
	v16 =	vand.u32 $0x1, v6  }
0x4e0: {  	vm1 =	veq.f32 v8, $5.000000000e-01;
	v8 =	vand.u32 $0x1, v17;
	vm2 =	veq.f32 v13, $5.000000000e-01  }
0x4e1: {  	v13 =	vnsel vm1, $0x0, v16;
	vm1 =	veq.f32 v15, $5.000000000e-01;
	v8 =	vnsel vm2, $0x0, v8  }
0x4e2: {  	v6 =	vsub.s32 v6, v13;
	v13 =	vnsel vm1, $0x0, v21;
	v8 =	vsub.s32 v17, v8  }
0x4e3: {  	v15 =	vshll.u32 v6, $0xB;
	v9 =	vsub.s32 v9, v13;
	v8 =	vshll.u32 v8, $0x8  }
0x4e4: {  	vm1 =	vlt.f32 v7, $2.555000000e+02;
	v7 =	vand.u32 $0xFFFF0000, v15;
	v8 =	vadd.s32 v8, v9  }
0x4e5: {  	vm0 =	vmand vm0, vm1;
	v9 =	vmul.f32 v20, v2;
	v7 =	vadd.s32 v7, v8  }
0x4e6: {  	s0 =	sadd.s32 $0x40, s0;
	v13 =	vmul.f32 v22, v2;
	v8 =	vmul.f32 v14, v2;
	v7 =	vnsel vm0, $0x80000, v7  }
0x4e7: {  	s1 =	sadd.s32 $0x40, s1;
	v17 =	vadd.f32 v18, v3;
	v18 =	vadd.f32 v19, v4;
	v14 =	vand.u32 $0x1F, v6;
	[tilespmem:s0+$0x0] =	vst v7  }
0x4e8: {  	v7 =	vadd.f32 v9, v5;
	v9 =	vmax.f32 v10, $0.0e+00;
	v6 =	vadd.f32 v8, v5;
	[tilespmem:s1+$0xFFFFFFF0] =	vst v14  }
0x4e9: {  	v15 =	vmax.f32 v11, $0.0e+00;
	v8 =	vadd.f32 v13, v5;
	v14 =	vmax.f32 v24, $0.0e+00  }
0x4ea: {  	v16 =	vmax.f32 v17, $0.0e+00;
	v19 =	vmax.f32 v18, $0.0e+00;
	v13 =	vmax.f32 v12, $0.0e+00  }
0x4eb: {  	v15 =	vmin.f32 v15, $2.550000000e+02;
	v20 =	vmin.f32 v9, $2.550000000e+02;
	v14 =	vmin.f32 v14, $2.550000000e+02  }
0x4ec: {  	v21 =	vmin.f32 v13, $2.550000000e+02;
	v9 =	vmax.f32 v7, $0.0e+00;
	v13 =	vmax.f32 v6, $0.0e+00  }
0x4ed: {  	v16 =	vmin.f32 v16, $2.550000000e+02;
	v19 =	vmin.f32 v19, $2.550000000e+02;
	v22 =	vmax.f32 v8, $0.0e+00  }
0x4ee: {  	v23 =	vadd.f32 $5.000000000e-01, v20;
	v25 =	vadd.f32 $5.000000000e-01, v14;
	v26 =	vmin.f32 v9, $2.550000000e+02  }
0x4ef: {  	v27 =	vadd.f32 $5.000000000e-01, v21;
	v9 =	vadd.f32 $5.000000000e-01, v15;
	v28 =	vmin.f32 v13, $2.550000000e+02  }
0x4f0: {  	v29 =	vadd.f32 $5.000000000e-01, v19;
	v13 =	vadd.f32 $5.000000000e-01, v16;
	v22 =	vmin.f32 v22, $2.550000000e+02  }
0x4f1: {  	v23 =	vtrunc.f32 v23;
	v30 =	vadd.f32 $5.000000000e-01, v26;
	v31 =	vadd.f32 $5.000000000e-01, v28  }
0x4f2: {  	v33 =	vadd.f32 $5.000000000e-01, v22;
	v25 =	vtrunc.f32 v25;
	v32 =	vtrunc.f32 v9  }
0x4f3: {  	v27 =	vtrunc.f32 v27;
	v9 =	vmin.f32 v10, v24;
	v34 =	vtrunc.f32 v13  }
0x4f4: {  	v10 =	vmax.f32 v10, v24;
	v23 =	vcvt.f32.s32 v23;
	v24 =	vtrunc.f32 v29  }
0x4f5: {  	v13 =	vmin.f32 v11, v12;
	v25 =	vcvt.f32.s32 v25;
	v29 =	vcvt.f32.s32 v32  }
0x4f6: {  	v27 =	vcvt.f32.s32 v27;
	v30 =	vtrunc.f32 v30;
	v32 =	vand.u32 $0x1, v23  }
0x4f7: {  	v31 =	vtrunc.f32 v31;
	v34 =	vcvt.f32.s32 v34;
	v35 =	vand.u32 $0x1, v25  }
0x4f8: {  	v24 =	vcvt.f32.s32 v24;
	v33 =	vtrunc.f32 v33;
	v36 =	vand.u32 $0x1, v29  }
0x4f9: {  	v30 =	vcvt.f32.s32 v30;
	v37 =	vand.u32 $0x1, v27;
	v31 =	vcvt.f32.s32 v31  }
0x4fa: {  	v38 =	vcvt.s32.f32 v23;
	v33 =	vcvt.f32.s32 v33;
	v39 =	vand.u32 $0x1, v34  }
0x4fb: {  	v40 =	vcvt.s32.f32 v25;
	v41 =	vcvt.s32.f32 v29;
	v42 =	vand.u32 $0x1, v24  }
0x4fc: {  	v43 =	vcvt.s32.f32 v34;
	v20 =	vsub.f32 v38, v20;
	v38 =	vcvt.s32.f32 v27  }
0x4fd: {  	v44 =	vcvt.s32.f32 v24;
	v14 =	vsub.f32 v40, v14;
	v40 =	vcvt.s32.f32 v30  }
0x4fe: {  	v45 =	vcvt.s32.f32 v33;
	v15 =	vsub.f32 v41, v15;
	v41 =	vcvt.s32.f32 v31  }
0x4ff: {  	v16 =	vsub.f32 v43, v16;
	vm0 =	veq.f32 v20, $5.000000000e-01;
	v20 =	vsub.f32 v38, v21  }
0x500: {  	v19 =	vsub.f32 v44, v19;
	vm1 =	veq.f32 v14, $5.000000000e-01;
	v14 =	vsub.f32 v40, v26  }
0x501: {  	v21 =	vsub.f32 v45, v22;
	vm2 =	veq.f32 v15, $5.000000000e-01;
	v15 =	vsub.f32 v41, v28  }
0x502: {  	vm4 =	veq.f32 v16, $5.000000000e-01;
	vm5 =	veq.f32 v19, $5.000000000e-01;
	vm3 =	veq.f32 v20, $5.000000000e-01  }
0x503: {  	v16 =	vnsel vm0, $0x0, v32;
	v19 =	vnsel vm1, $0x0, v35;
	v20 =	vnsel vm2, $0x0, v36  }
0x504: {  	vm0 =	veq.f32 v14, $5.000000000e-01;
	v22 =	vnsel vm3, $0x0, v37;
	vm1 =	veq.f32 v15, $5.000000000e-01  }
0x505: {  	v26 =	vnsel vm5, $0x0, v42;
	vm2 =	veq.f32 v21, $5.000000000e-01;
	v15 =	vnsel vm4, $0x0, v39  }
0x506: {  	v28 =	vand.u32 $0x1, v31;
	v32 =	vand.u32 $0x1, v33;
	v21 =	vand.u32 $0x1, v30  }
0x507: {  	v16 =	vsub.s32 v23, v16;
	v23 =	vsub.s32 v25, v19;
	v14 =	vsub.s32 v29, v20  }
0x508: {  	v21 =	vnsel vm0, $0x0, v21;
	v22 =	vsub.s32 v27, v22;
	v25 =	vnsel vm1, $0x0, v28  }
.Ltmp18:
0x509: {  	v15 =	vsub.s32 v34, v15;
	v27 =	vsub.s32 v24, v26;
	v28 =	vnsel vm2, $0x0, v32;
	(pc) =	sbr.rel @p1 .LBB2_39-.Ltmp18, $4  }
0x50a: {  	v19 =	vmax.f32 v11, v12;
	v20 =	vmin.f32 v17, v18;
	v18 =	vmax.f32 v17, v18  }
0x50b: {  	v11 =	vshll.u32 v16, $0xB;
	v12 =	vshll.u32 v23, $0x8;
	v17 =	vshll.u32 v14, $0xB  }
0x50c: {  	v26 =	vsub.s32 v30, v21;
	v21 =	vshll.u32 v22, $0x8;
	v22 =	vsub.s32 v31, v25  }
0x50d: {  	s14 =	sadd.s32 $0x80, s14;
	s15 =	sadd.s32 $0x40, s15;
	v24 =	vshll.u32 v15, $0xB;
	v23 =	vshll.u32 v27, $0x8;
	v25 =	vsub.s32 v33, v28  }
0x50e: {  	v9 =	vmin.f32 v9, v7  }
0x50f: {  	v7 =	vmax.f32 v10, v7;
	v10 =	vmin.f32 v13, v6;
	v6 =	vmax.f32 v19, v6  }
0x510: {  	v13 =	vmin.f32 v20, v8;
	v8 =	vmax.f32 v18, v8;
	v11 =	vand.u32 $0xFFFF0000, v11  }
0x511: {  	v12 =	vadd.s32 v12, v26;
	v17 =	vand.u32 $0xFFFF0000, v17;
	v62 =	vadd.s32 v21, v22  }
0x512: {  	v63 =	vand.u32 $0xFFFF0000, v24;
	vm0 =	vge.f32 v9, $-5.000000000e-01;
	vm1 =	vlt.f32 v7, $2.555000000e+02  }
0x513: {  	v7 =	vadd.s32 v23, v25;
	v9 =	vadd.s32 v11, v12;
	vm0 =	vmand vm0, vm1  }
0x514: {  	vm11 =	vge.f32 v10, $-5.000000000e-01;
	vm2 =	vlt.f32 v6, $2.555000000e+02;
	v6 =	vnsel vm0, $0x80000, v9  }
0x515: {  	vm12 =	vmand vm11, vm2;
	v9 =	vadd.s32 v17, v62;
	[tilespmem:s0+$0xFFFFFFE0] =	vst v6;
	v6 =	vand.u32 $0x1F, v16  }
0x516: {  	vm13 =	vge.f32 v13, $-5.000000000e-01;
	vm14 =	vlt.f32 v8, $2.555000000e+02;
	v8 =	vnsel vm12, $0x80000, v9;
	[tilespmem:s7+$0xD000] =	vst v6  }
0x517: {  	vm15 =	vmand vm13, vm14;
	v6 =	vadd.s32 v63, v7;
	v7 =	vand.u32 $0x1F, v14;
	[tilespmem:s0+$0xFFFFFFF0] =	vst v8  }
0x518: {  	v6 =	vnsel vm15, $0x80000, v6;
	[tilespmem:s1+$0xFFFFFFE0] =	vst v7  }
0x519: {  	v7 =	vand.u32 $0x1F, v15;
	[tilespmem:s0+$0x10] =	vst v6  }
0x51a: {  	s15 =	simm.s32 $0xC800;
	s19 =	simm.s32 $0xF800;
	[tilespmem:s1+$0x0] =	vst v7  }
0x51b: {  	[tilespmem:s19], [sflag:$0x2] =	stream.indirect.gather [spmem:s26], $0x1, s15, s18, $0xb8;
	[tilespmem:$0x1A088] =	vst v63  }
0x51c: {  	_ =	swait.ge [sflag:s23], $0x800  }
0x51d: {  	[sflag:s23] =	ssyncset.done $0x0  }
0x51e: {  	s20 =	simm.s32 $0xF020;
	[sflag:s23] =	ssyncadd.s32 $0xFFFFF800  }
0x51f: {  	s5 =	simm.s32 $0xD020;
	v11 =	vld [tilespmem:s20+$0x10]  }
0x520: {  	v12 =	vld [tilespmem:s5+$0x10]  }
0x521: {  	v9 =	vld [tilespmem:s5+$0xFFFFFFE0]  }
0x522: {  	v7 =	vld [tilespmem:s20+$0xFFFFFFF0]  }
0x523: {  	v10 =	vld [tilespmem:s5+$0xFFFFFFF0]  }
0x524: {  	v6 =	vld [tilespmem:s20+$0x0]  }
0x525: {  	v8 =	vld [tilespmem:s5+$0x0];
	v12 =	vshrl.u32 v11, v12  }
0x526: {  	s4 =	simm.s32 $0x10020;
	s8 =	simm.s32 $0xF060;
	s7 =	simm.s32 $0x0;
	v11 =	vld [tilespmem:s20+$0xFFFFFFE0];
	v12 =	vand.u32 $0x1, v12  }
.LBB2_41:
0x527: {  	v13 =	vld [tilespmem:s8+$0x10];
	[tilespmem:s4+$0x10] =	vst v12;
	s5 =	sadd.s32 $0x40, s5  }
0x528: {  	s7 =	sadd.s32 $0x4, s7;
	v12 =	vld [tilespmem:s5+$0x10];
	v7 =	vshrl.u32 v7, v10  }
0x529: {  	p1 =	slt.u32 s7, $0x7C;
	v14 =	vld [tilespmem:s5+$0xFFFFFFE0];
	v10 =	vand.u32 $0x1, v7  }
.Ltmp19:
0x52a: {  	v7 =	vld [tilespmem:s8+$0xFFFFFFF0];
	[tilespmem:s4+$0xFFFFFFF0] =	vst v10;
	v6 =	vshrl.u32 v6, v8;
	(pc) =	sbr.rel @p1 .LBB2_41-.Ltmp19, $4  }
0x52b: {  	v10 =	vld [tilespmem:s5+$0xFFFFFFF0];
	v8 =	vshrl.u32 v11, v9;
	v9 =	vand.u32 $0x1, v6  }
0x52c: {  	v6 =	vld [tilespmem:s8+$0x0];
	v11 =	vand.u32 $0x1, v8;
	[tilespmem:s4+$0x0] =	vst v9  }
0x52d: {  	s0 =	simm.s32 $0xE030;
	v8 =	vld [tilespmem:s5+$0x0];
	v13 =	vshrl.u32 v13, v12;
	[tilespmem:s4+$0xFFFFFFE0] =	vst v11  }
0x52e: {  	s1 =	simm.s32 $0xC020;
	s4 =	sadd.s32 $0x40, s4;
	v11 =	vld [tilespmem:s8+$0xFFFFFFE0];
	v12 =	vand.u32 $0x1, v13;
	s8 =	sadd.s32 $0x40, s8;
	v9 =	vmov v14  }
0x52f: {  	_ =	sdelay $0x1  }
0x530: {  	v7 =	vshrl.u32 v7, v10  }
0x531: {  	[tilespmem:s4+$0x10] =	vst v12;
	v7 =	vand.u32 $0x1, v7;
	v6 =	vshrl.u32 v6, v8  }
0x532: {  	s5 =	simm.s32 $0x1020;
	s6 =	simm.s32 $0x2040;
	[tilespmem:s4+$0xFFFFFFF0] =	vst v7;
	v7 =	vshrl.u32 v11, v9;
	v6 =	vand.u32 $0x1, v6  }
0x533: {  	s5 =	sand.u32 $0x60, s5;
	s6 =	sand.u32 $0x2F00, s6;
	v7 =	vand.u32 $0x1, v7;
	[tilespmem:s4+$0x0] =	vst v6  }
0x534: {  	s19 =	sor.u32 s6, s5;
	[tilespmem:s4+$0xFFFFFFE0] =	vst v7  }
0x535: {  	s20 =	simm.s32 $0x2000;
	s8 =	simm.s32 $0x0;
	v6 =	vld [tilespmem:s19+$0x8080]  }
0x536: {  	s7 =	sand.u32 $0x40, s8;
	s5 =	sand.u32 $0x2F00, s20;
	v7 =	vld [tilespmem:s19+$0x80]  }
0x537: {  	s9 =	simm.s32 $0x1010;
	s8 =	simm.s32 $0x2020;
	s5 =	sor.u32 s5, s7;
	v8 =	vld [tilespmem:s19+$0x4080]  }
0x538: {  	s13 =	sand.u32 $0x50, s9;
	s14 =	sand.u32 $0x2F00, s8;
	v9 =	vld [tilespmem:s5+$0x80]  }
0x539: {  	s15 =	simm.s32 $0x1030;
	s4 =	sor.u32 s14, s13;
	v10 =	vld [tilespmem:s5+$0x4080];
	s19 =	simm.s32 $0x2060  }
0x53a: {  	s6 =	sand.u32 $0x70, s15;
	v12 =	vld [tilespmem:s4+$0x4080];
	s8 =	sand.u32 $0x2F00, s19  }
0x53b: {  	v11 =	vld [tilespmem:s4+$0x80];
	s6 =	sor.u32 s8, s6  }
0x53c: {  	v18 =	vld [tilespmem:s6+$0x4080];
	v6 =	vmul.f32 v6, v2  }
0x53d: {  	v7 =	vmul.f32 v7, v0;
	v8 =	vmul.f32 v8, v1  }
0x53e: {  	v9 =	vmul.f32 v9, v0;
	v10 =	vmul.f32 v10, v1;
	v6 =	vadd.f32 v6, v5  }
0x53f: {  	v12 =	vmul.f32 v12, v1;
	v7 =	vadd.f32 v7, v3;
	v8 =	vadd.f32 v8, v4  }
0x540: {  	v13 =	vld [tilespmem:s6+$0x80];
	v14 =	vadd.f32 v9, v3;
	v9 =	vmul.f32 v11, v0;
	v10 =	vadd.f32 v10, v4  }
0x541: {  	v12 =	vadd.f32 v12, v4;
	v18 =	vmul.f32 v18, v1;
	v11 =	vmax.f32 v6, $0.0e+00  }
0x542: {  	v15 =	vmax.f32 v7, $0.0e+00;
	v16 =	vmax.f32 v8, $0.0e+00;
	v17 =	vmin.f32 v11, $2.550000000e+02  }
0x543: {  	v15 =	vmin.f32 v15, $2.550000000e+02;
	v16 =	vmin.f32 v16, $2.550000000e+02;
	v11 =	vadd.f32 $5.000000000e-01, v17  }
0x544: {  	v19 =	vadd.f32 $5.000000000e-01, v15;
	v20 =	vadd.f32 $5.000000000e-01, v16  }
0x545: {  	v13 =	vmul.f32 v13, v0;
	v18 =	vadd.f32 v18, v4;
	v21 =	vtrunc.f32 v11  }
0x546: {  	v11 =	vadd.f32 v9, v3;
	v9 =	vtrunc.f32 v19;
	v19 =	vtrunc.f32 v20  }
0x547: {  	v20 =	vmin.f32 v7, v8;
	v9 =	vcvt.f32.s32 v9;
	v19 =	vcvt.f32.s32 v19  }
0x548: {  	v7 =	vmax.f32 v7, v8;
	v21 =	vcvt.f32.s32 v21;
	v20 =	vmin.f32 v20, v6  }
0x549: {  	v6 =	vmax.f32 v7, v6;
	v8 =	vcvt.s32.f32 v9;
	v22 =	vcvt.s32.f32 v19  }
0x54a: {  	vm0 =	vge.f32 v20, $-5.000000000e-01;
	vm9 =	vlt.f32 v6, $2.555000000e+02;
	v7 =	vcvt.s32.f32 v21  }
0x54b: {  	v20 =	vand.u32 $0x1, v9;
	v8 =	vsub.f32 v8, v15;
	v15 =	vsub.f32 v22, v16  }
0x54c: {  	vm0 =	vmand vm0, vm9;
	v7 =	vsub.f32 v7, v17;
	v17 =	vand.u32 $0x1, v21  }
0x54d: {  	v16 =	vld [tilespmem:s5+$0x8080];
	vm1 =	veq.f32 v8, $5.000000000e-01;
	vm2 =	veq.f32 v15, $5.000000000e-01;
	v8 =	vand.u32 $0x1, v19  }
0x54e: {  	vm8 =	veq.f32 v7, $5.000000000e-01;
	v20 =	vnsel vm1, $0x0, v20;
	v8 =	vnsel vm2, $0x0, v8  }
0x54f: {  	v22 =	vld [tilespmem:s4+$0x8080];
	v7 =	vsub.s32 v9, v20;
	v8 =	vsub.s32 v19, v8;
	v9 =	vnsel vm8, $0x0, v17  }
0x550: {  	v15 =	vld [tilespmem:s6+$0x8080];
	v20 =	vmax.f32 v18, $0.0e+00;
	v17 =	vshll.u32 v7, $0xB;
	v8 =	vshll.u32 v8, $0x8  }
0x551: {  	v9 =	vsub.s32 v21, v9;
	v23 =	vand.u32 $0x1F, v7;
	v20 =	vmin.f32 v20, $2.550000000e+02  }
0x552: {  	v6 =	vand.u32 $0xFFFF0000, v17;
	v8 =	vadd.s32 v8, v9;
	v9 =	vmul.f32 v16, v2  }
0x553: {  	v17 =	vadd.f32 v13, v3;
	v13 =	vmax.f32 v10, $0.0e+00;
	v16 =	vmax.f32 v11, $0.0e+00  }
0x554: {  	v31 =	vadd.f32 $5.000000000e-01, v20;
	v6 =	vadd.s32 v6, v8;
	v8 =	vmul.f32 v22, v2  }
0x555: {  	v15 =	vmul.f32 v15, v2;
	v24 =	vmin.f32 v13, $2.550000000e+02;
	v16 =	vmin.f32 v16, $2.550000000e+02  }
0x556: {  	v22 =	vnsel vm0, $0x80000, v6;
	v7 =	vadd.f32 v9, v5;
	v9 =	vmax.f32 v14, $0.0e+00  }
0x557: {  	v19 =	vmax.f32 v17, $0.0e+00;
	v27 =	vadd.f32 $5.000000000e-01, v24;
	v6 =	vadd.f32 v8, v5  }
0x558: {  	v8 =	vadd.f32 v15, v5;
	v15 =	vmax.f32 v12, $0.0e+00;
	v21 =	vmin.f32 v9, $2.550000000e+02  }
0x559: {  	v19 =	vmin.f32 v19, $2.550000000e+02;
	v9 =	vmax.f32 v7, $0.0e+00;
	v15 =	vmin.f32 v15, $2.550000000e+02  }
0x55a: {  	v26 =	vadd.f32 $5.000000000e-01, v21;
	v27 =	vtrunc.f32 v27;
	v13 =	vmax.f32 v6, $0.0e+00  }
0x55b: {  	v25 =	vmax.f32 v8, $0.0e+00;
	v28 =	vmin.f32 v9, $2.550000000e+02;
	v9 =	vadd.f32 $5.000000000e-01, v16  }
0x55c: {  	v29 =	vadd.f32 $5.000000000e-01, v15;
	v27 =	vcvt.f32.s32 v27;
	v30 =	vmin.f32 v13, $2.550000000e+02  }
0x55d: {  	v13 =	vadd.f32 $5.000000000e-01, v19;
	v25 =	vmin.f32 v25, $2.550000000e+02;
	v26 =	vtrunc.f32 v26  }
0x55e: {  	v32 =	vadd.f32 $5.000000000e-01, v28;
	v34 =	vtrunc.f32 v9;
	v9 =	vmin.f32 v14, v10  }
0x55f: {  	v29 =	vtrunc.f32 v29;
	v10 =	vmax.f32 v14, v10;
	v14 =	vcvt.f32.s32 v26  }
0x560: {  	v33 =	vadd.f32 $5.000000000e-01, v30;
	v26 =	vtrunc.f32 v31;
	v42 =	vcvt.s32.f32 v27  }
0x561: {  	v35 =	vadd.f32 $5.000000000e-01, v25;
	v36 =	vtrunc.f32 v13;
	v53 =	vcvt.f32.s32 v34  }
0x562: {  	v37 =	vand.u32 $0x1, v27;
	v32 =	vtrunc.f32 v32;
	v29 =	vcvt.f32.s32 v29  }
0x563: {  	v13 =	vmin.f32 v11, v12;
	v26 =	vcvt.f32.s32 v26;
	v33 =	vtrunc.f32 v33  }
0x564: {  	v54 =	vand.u32 $0x1, v14;
	v36 =	vcvt.f32.s32 v36;
	v35 =	vtrunc.f32 v35  }
0x565: {  	v32 =	vcvt.f32.s32 v32;
	v40 =	vcvt.s32.f32 v14;
	v24 =	vsub.f32 v42, v24  }
0x566: {  	v38 =	vand.u32 $0x1, v53;
	v39 =	vand.u32 $0x1, v29;
	v33 =	vcvt.f32.s32 v33  }
0x567: {  	v35 =	vcvt.f32.s32 v35;
	v43 =	vcvt.s32.f32 v53;
	v44 =	vand.u32 $0x1, v26  }
0x568: {  	v55 =	vcvt.s32.f32 v29;
	v57 =	vcvt.s32.f32 v26;
	v41 =	vand.u32 $0x1, v36  }
0x569: {  	v21 =	vsub.f32 v40, v21;
	v45 =	vcvt.s32.f32 v36;
	v56 =	vcvt.s32.f32 v32  }
0x56a: {  	vm11 =	veq.f32 v24, $5.000000000e-01;
	v16 =	vsub.f32 v43, v16;
	v15 =	vsub.f32 v55, v15  }
0x56b: {  	v58 =	vcvt.s32.f32 v33;
	v59 =	vcvt.s32.f32 v35;
	v20 =	vsub.f32 v57, v20  }
0x56c: {  	v61 =	vand.u32 $0x1, v33;
	v62 =	vand.u32 $0x1, v35;
	v19 =	vsub.f32 v45, v19  }
0x56d: {  	vm10 =	veq.f32 v21, $5.000000000e-01;
	v21 =	vsub.f32 v56, v28;
	vm12 =	veq.f32 v16, $5.000000000e-01  }
0x56e: {  	v16 =	vsub.f32 v58, v30;
	v24 =	vsub.f32 v59, v25;
	vm3 =	veq.f32 v15, $5.000000000e-01  }
0x56f: {  	vm5 =	veq.f32 v20, $5.000000000e-01;
	v15 =	vnsel vm10, $0x0, v54;
	vm4 =	veq.f32 v19, $5.000000000e-01  }
0x570: {  	v19 =	vnsel vm11, $0x0, v37;
	v20 =	vnsel vm12, $0x0, v38;
	vm13 =	veq.f32 v21, $5.000000000e-01  }
0x571: {  	v21 =	vnsel vm3, $0x0, v39;
	v60 =	vnsel vm5, $0x0, v44;
	vm14 =	veq.f32 v16, $5.000000000e-01  }
0x572: {  	v25 =	vnsel vm4, $0x0, v41;
	vm15 =	veq.f32 v24, $5.000000000e-01;
	v24 =	vand.u32 $0x1, v32  }
0x573: {  	v16 =	vsub.s32 v14, v15;
	v27 =	vsub.s32 v27, v19;
	v14 =	vsub.s32 v53, v20  }
0x574: {  	v29 =	vsub.s32 v29, v21;
	v19 =	vmax.f32 v11, v12;
	v20 =	vmin.f32 v17, v18  }
0x575: {  	v21 =	vmax.f32 v17, v18;
	v24 =	vnsel vm13, $0x0, v24;
	v30 =	vnsel vm14, $0x0, v61  }
0x576: {  	v15 =	vsub.s32 v36, v25;
	v25 =	vsub.s32 v26, v60;
	v63 =	vnsel vm15, $0x0, v62  }
0x577: {  	s20 =	simm.s32 $0x1000;
	v11 =	vshll.u32 v16, $0xB;
	v12 =	vshll.u32 v27, $0x8;
	v17 =	vshll.u32 v14, $0xB  }
0x578: {  	s15 =	simm.s32 $0x1070;
	s4 =	sand.u32 $0x1780, s20;
	[tilespmem:s1+$0x0] =	vst v22;
	v18 =	vshll.u32 v29, $0x8;
	v26 =	vsub.s32 v32, v24;
	v22 =	vsub.s32 v33, v30  }
0x579: {  	s13 =	simm.s32 $0x0;
	s14 =	simm.s32 $0x20E0;
	s7 =	sor.u32 s7, s4;
	[tilespmem:s0+$0xFFFFFFF0] =	vst v23;
	v24 =	vshll.u32 v15, $0xB;
	v23 =	vshll.u32 v25, $0x8;
	v25 =	vsub.s32 v35, v63  }
.LBB2_43:
0x57a: {  	s4 =	sadd.s32 $0xFFFFFFA0, s14;
	s5 =	sadd.s32 $0xFFFFFFF0, s15;
	s6 =	sadd.s32 $0xFFFFFFE0, s14;
	v9 =	vmin.f32 v9, v7;
	v7 =	vmax.f32 v10, v7;
	v10 =	vmin.f32 v13, v6  }
0x57b: {  	s8 =	sadd.s32 $0xFFFFFFE0, s15;
	v6 =	vmax.f32 v19, v6;
	v13 =	vmin.f32 v20, v8;
	v8 =	vmax.f32 v21, v8;
	s5 =	sand.u32 $0x60, s5;
	s6 =	sand.u32 $0x2F00, s6  }
0x57c: {  	s9 =	sadd.s32 $0xFFFFEFD0, s15;
	s19 =	sadd.s32 $0xFFFFFFC0, s14;
	v11 =	vand.u32 $0xFFFF0000, v11;
	v12 =	vadd.s32 v12, v26;
	v17 =	vand.u32 $0xFFFF0000, v17;
	s5 =	sor.u32 s6, s5  }
0x57d: {  	s13 =	sadd.s32 $0x4, s13;
	v18 =	vadd.s32 v18, v22;
	v20 =	vand.u32 $0xFFFF0000, v24;
	v21 =	vadd.s32 v23, v25;
	s4 =	sand.u32 $0x2F00, s4;
	s6 =	sand.u32 $0x40, s9;
	v19 =	vld [tilespmem:s5+$0x8080]  }
0x57e: {  	s8 =	sand.u32 $0x50, s8;
	p1 =	slt.u32 s13, $0x7C;
	vm0 =	vge.f32 v9, $-5.000000000e-01;
	vm1 =	vlt.f32 v7, $2.555000000e+02;
	vm2 =	vge.f32 v10, $-5.000000000e-01;
	s9 =	sand.u32 $0x2F00, s19;
	v22 =	vld [tilespmem:s5+$0x80]  }
0x57f: {  	vm3 =	vlt.f32 v6, $2.555000000e+02;
	vm4 =	vge.f32 v13, $-5.000000000e-01;
	vm5 =	vlt.f32 v8, $2.555000000e+02;
	s19 =	sand.u32 $0x2F00, s14;
	s4 =	sor.u32 s4, s6;
	v7 =	vld [tilespmem:s5+$0x4080];
	s5 =	sand.u32 $0x70, s15  }
0x580: {  	s20 =	sadd.s32 $0xFFFFFFD0, s15;
	v8 =	vadd.s32 v11, v12;
	v9 =	vadd.s32 v17, v18;
	v10 =	vadd.s32 v20, v21;
	s8 =	sor.u32 s9, s8;
	v6 =	vld [tilespmem:s4+$0x80];
	s5 =	sor.u32 s19, s5  }
0x581: {  	vm0 =	vmand vm0, vm1;
	vm1 =	vmand vm2, vm3;
	vm2 =	vmand vm4, vm5;
	s9 =	sand.u32 $0x1780, s20;
	v11 =	vld [tilespmem:s4+$0x4080]  }
0x582: {  	v8 =	vnsel vm0, $0x80000, v8;
	v9 =	vnsel vm1, $0x80000, v9;
	v13 =	vnsel vm2, $0x80000, v10;
	s6 =	sor.u32 s6, s9;
	v12 =	vld [tilespmem:s8+$0x80]  }
0x583: {  	v14 =	vand.u32 $0x1F, v14;
	v10 =	vmul.f32 v19, v2;
	v17 =	vld [tilespmem:s8+$0x4080];
	[tilespmem:s1+$0xFFFFFFE0] =	vst v8;
	v8 =	vand.u32 $0x1F, v16  }
0x584: {  	v16 =	vmul.f32 v22, v0;
	v7 =	vmul.f32 v7, v1;
	v18 =	vld [tilespmem:s5+$0x80];
	[tilespmem:s7+$0xD000] =	vst v8;
	v8 =	vand.u32 $0x1F, v15;
	s7 =	smov.u32 s6  }
0x585: {  	v15 =	vadd.f32 v10, v5;
	v6 =	vmul.f32 v6, v0;
	v19 =	vld [tilespmem:s5+$0x4080];
	[tilespmem:s1+$0xFFFFFFF0] =	vst v9  }
0x586: {  	v16 =	vadd.f32 v16, v3;
	v9 =	vmul.f32 v11, v1;
	v20 =	vld [tilespmem:s4+$0x8080];
	v7 =	vadd.f32 v7, v4;
	[tilespmem:s0+$0xFFFFFFE0] =	vst v14  }
0x587: {  	v11 =	vmax.f32 v15, $0.0e+00;
	v10 =	vadd.f32 v6, v3;
	v6 =	vmul.f32 v12, v0;
	v14 =	vld [tilespmem:s8+$0x8080];
	[tilespmem:s1+$0x10] =	vst v13  }
0x588: {  	v12 =	vmax.f32 v16, $0.0e+00;
	v21 =	vmin.f32 v11, $2.550000000e+02;
	v13 =	vmax.f32 v7, $0.0e+00;
	v22 =	vld [tilespmem:s5+$0x8080];
	[tilespmem:s0+$0x0] =	vst v8  }
0x589: {  	v8 =	vmin.f32 v12, $2.550000000e+02;
	v11 =	vadd.f32 $5.000000000e-01, v21;
	v13 =	vmin.f32 v13, $2.550000000e+02  }
0x58a: {  	v12 =	vmul.f32 v17, v1;
	v17 =	vadd.f32 $5.000000000e-01, v8;
	v23 =	vadd.f32 $5.000000000e-01, v13  }
0x58b: {  	v24 =	vadd.f32 v9, v4;
	v18 =	vmul.f32 v18, v0;
	v9 =	vtrunc.f32 v11  }
0x58c: {  	v11 =	vadd.f32 v6, v3;
	v6 =	vtrunc.f32 v17;
	v17 =	vtrunc.f32 v23  }
0x58d: {  	v12 =	vadd.f32 v12, v4;
	v6 =	vcvt.f32.s32 v6;
	v17 =	vcvt.f32.s32 v17  }
0x58e: {  	v19 =	vmul.f32 v19, v1;
	v9 =	vcvt.f32.s32 v9;
	v23 =	vmin.f32 v16, v7  }
0x58f: {  	v7 =	vmax.f32 v16, v7;
	v16 =	vcvt.s32.f32 v6;
	v25 =	vcvt.s32.f32 v17  }
0x590: {  	v23 =	vmin.f32 v23, v15;
	v7 =	vmax.f32 v7, v15;
	v15 =	vcvt.s32.f32 v9  }
0x591: {  	vm0 =	vge.f32 v23, $-5.000000000e-01;
	v8 =	vsub.f32 v16, v8;
	v13 =	vsub.f32 v25, v13  }
0x592: {  	v15 =	vsub.f32 v15, v21;
	v21 =	vand.u32 $0x1, v9;
	v16 =	vand.u32 $0x1, v6  }
0x593: {  	vm1 =	veq.f32 v8, $5.000000000e-01;
	v8 =	vand.u32 $0x1, v17;
	vm2 =	veq.f32 v13, $5.000000000e-01  }
0x594: {  	v13 =	vnsel vm1, $0x0, v16;
	vm1 =	veq.f32 v15, $5.000000000e-01;
	v8 =	vnsel vm2, $0x0, v8  }
0x595: {  	v6 =	vsub.s32 v6, v13;
	v13 =	vnsel vm1, $0x0, v21;
	v8 =	vsub.s32 v17, v8  }
0x596: {  	v15 =	vshll.u32 v6, $0xB;
	v9 =	vsub.s32 v9, v13;
	v8 =	vshll.u32 v8, $0x8  }
0x597: {  	vm1 =	vlt.f32 v7, $2.555000000e+02;
	v7 =	vand.u32 $0xFFFF0000, v15;
	v8 =	vadd.s32 v8, v9  }
0x598: {  	vm0 =	vmand vm0, vm1;
	v9 =	vmul.f32 v20, v2;
	v7 =	vadd.s32 v7, v8  }
0x599: {  	s1 =	sadd.s32 $0x40, s1;
	v13 =	vmul.f32 v22, v2;
	v8 =	vmul.f32 v14, v2;
	v7 =	vnsel vm0, $0x80000, v7  }
0x59a: {  	s0 =	sadd.s32 $0x40, s0;
	v17 =	vadd.f32 v18, v3;
	v18 =	vadd.f32 v19, v4;
	v14 =	vand.u32 $0x1F, v6;
	[tilespmem:s1+$0x0] =	vst v7  }
0x59b: {  	v7 =	vadd.f32 v9, v5;
	v9 =	vmax.f32 v10, $0.0e+00;
	v6 =	vadd.f32 v8, v5;
	[tilespmem:s0+$0xFFFFFFF0] =	vst v14  }
0x59c: {  	v15 =	vmax.f32 v11, $0.0e+00;
	v8 =	vadd.f32 v13, v5;
	v14 =	vmax.f32 v24, $0.0e+00  }
0x59d: {  	v16 =	vmax.f32 v17, $0.0e+00;
	v19 =	vmax.f32 v18, $0.0e+00;
	v13 =	vmax.f32 v12, $0.0e+00  }
0x59e: {  	v15 =	vmin.f32 v15, $2.550000000e+02;
	v20 =	vmin.f32 v9, $2.550000000e+02;
	v14 =	vmin.f32 v14, $2.550000000e+02  }
0x59f: {  	v21 =	vmin.f32 v13, $2.550000000e+02;
	v9 =	vmax.f32 v7, $0.0e+00;
	v13 =	vmax.f32 v6, $0.0e+00  }
0x5a0: {  	v16 =	vmin.f32 v16, $2.550000000e+02;
	v19 =	vmin.f32 v19, $2.550000000e+02;
	v22 =	vmax.f32 v8, $0.0e+00  }
0x5a1: {  	v23 =	vadd.f32 $5.000000000e-01, v20;
	v25 =	vadd.f32 $5.000000000e-01, v14;
	v26 =	vmin.f32 v9, $2.550000000e+02  }
0x5a2: {  	v27 =	vadd.f32 $5.000000000e-01, v21;
	v9 =	vadd.f32 $5.000000000e-01, v15;
	v28 =	vmin.f32 v13, $2.550000000e+02  }
0x5a3: {  	v29 =	vadd.f32 $5.000000000e-01, v19;
	v13 =	vadd.f32 $5.000000000e-01, v16;
	v22 =	vmin.f32 v22, $2.550000000e+02  }
0x5a4: {  	v23 =	vtrunc.f32 v23;
	v30 =	vadd.f32 $5.000000000e-01, v26;
	v31 =	vadd.f32 $5.000000000e-01, v28  }
0x5a5: {  	v33 =	vadd.f32 $5.000000000e-01, v22;
	v25 =	vtrunc.f32 v25;
	v32 =	vtrunc.f32 v9  }
0x5a6: {  	v27 =	vtrunc.f32 v27;
	v9 =	vmin.f32 v10, v24;
	v34 =	vtrunc.f32 v13  }
0x5a7: {  	v10 =	vmax.f32 v10, v24;
	v23 =	vcvt.f32.s32 v23;
	v24 =	vtrunc.f32 v29  }
0x5a8: {  	v13 =	vmin.f32 v11, v12;
	v25 =	vcvt.f32.s32 v25;
	v29 =	vcvt.f32.s32 v32  }
0x5a9: {  	v27 =	vcvt.f32.s32 v27;
	v30 =	vtrunc.f32 v30;
	v32 =	vand.u32 $0x1, v23  }
0x5aa: {  	v31 =	vtrunc.f32 v31;
	v34 =	vcvt.f32.s32 v34;
	v35 =	vand.u32 $0x1, v25  }
0x5ab: {  	v24 =	vcvt.f32.s32 v24;
	v33 =	vtrunc.f32 v33;
	v36 =	vand.u32 $0x1, v29  }
0x5ac: {  	v30 =	vcvt.f32.s32 v30;
	v37 =	vand.u32 $0x1, v27;
	v31 =	vcvt.f32.s32 v31  }
0x5ad: {  	v38 =	vcvt.s32.f32 v23;
	v33 =	vcvt.f32.s32 v33;
	v39 =	vand.u32 $0x1, v34  }
0x5ae: {  	v40 =	vcvt.s32.f32 v25;
	v41 =	vcvt.s32.f32 v29;
	v42 =	vand.u32 $0x1, v24  }
0x5af: {  	v43 =	vcvt.s32.f32 v34;
	v20 =	vsub.f32 v38, v20;
	v38 =	vcvt.s32.f32 v27  }
0x5b0: {  	v44 =	vcvt.s32.f32 v24;
	v14 =	vsub.f32 v40, v14;
	v40 =	vcvt.s32.f32 v30  }
0x5b1: {  	v45 =	vcvt.s32.f32 v33;
	v15 =	vsub.f32 v41, v15;
	v41 =	vcvt.s32.f32 v31  }
0x5b2: {  	v16 =	vsub.f32 v43, v16;
	vm0 =	veq.f32 v20, $5.000000000e-01;
	v20 =	vsub.f32 v38, v21  }
0x5b3: {  	v19 =	vsub.f32 v44, v19;
	vm1 =	veq.f32 v14, $5.000000000e-01;
	v14 =	vsub.f32 v40, v26  }
0x5b4: {  	v21 =	vsub.f32 v45, v22;
	vm2 =	veq.f32 v15, $5.000000000e-01;
	v15 =	vsub.f32 v41, v28  }
0x5b5: {  	vm4 =	veq.f32 v16, $5.000000000e-01;
	vm5 =	veq.f32 v19, $5.000000000e-01;
	vm3 =	veq.f32 v20, $5.000000000e-01  }
0x5b6: {  	v16 =	vnsel vm0, $0x0, v32;
	v19 =	vnsel vm1, $0x0, v35;
	v20 =	vnsel vm2, $0x0, v36  }
0x5b7: {  	vm0 =	veq.f32 v14, $5.000000000e-01;
	v22 =	vnsel vm3, $0x0, v37;
	vm1 =	veq.f32 v15, $5.000000000e-01  }
0x5b8: {  	v26 =	vnsel vm5, $0x0, v42;
	vm2 =	veq.f32 v21, $5.000000000e-01;
	v15 =	vnsel vm4, $0x0, v39  }
0x5b9: {  	v28 =	vand.u32 $0x1, v31;
	v32 =	vand.u32 $0x1, v33;
	v21 =	vand.u32 $0x1, v30  }
0x5ba: {  	v16 =	vsub.s32 v23, v16;
	v23 =	vsub.s32 v25, v19;
	v14 =	vsub.s32 v29, v20  }
0x5bb: {  	v25 =	vnsel vm0, $0x0, v21;
	v22 =	vsub.s32 v27, v22;
	v27 =	vnsel vm1, $0x0, v28  }
.Ltmp20:
0x5bc: {  	v29 =	vnsel vm2, $0x0, v32;
	v15 =	vsub.s32 v34, v15;
	v28 =	vsub.s32 v24, v26;
	(pc) =	sbr.rel @p1 .LBB2_43-.Ltmp20, $4  }
0x5bd: {  	v19 =	vmax.f32 v11, v12;
	v20 =	vmin.f32 v17, v18;
	v21 =	vmax.f32 v17, v18  }
0x5be: {  	v11 =	vshll.u32 v16, $0xB;
	v12 =	vshll.u32 v23, $0x8;
	v17 =	vshll.u32 v14, $0xB  }
0x5bf: {  	v26 =	vsub.s32 v30, v25;
	v18 =	vshll.u32 v22, $0x8;
	v22 =	vsub.s32 v31, v27  }
0x5c0: {  	s14 =	sadd.s32 $0x80, s14;
	s15 =	sadd.s32 $0x40, s15;
	v24 =	vshll.u32 v15, $0xB;
	v23 =	vshll.u32 v28, $0x8;
	v25 =	vsub.s32 v33, v29  }
0x5c1: {  	v9 =	vmin.f32 v9, v7  }
0x5c2: {  	v7 =	vmax.f32 v10, v7;
	v10 =	vmin.f32 v13, v6;
	v6 =	vmax.f32 v19, v6  }
0x5c3: {  	v13 =	vmin.f32 v20, v8;
	v8 =	vmax.f32 v21, v8;
	v11 =	vand.u32 $0xFFFF0000, v11  }
0x5c4: {  	v12 =	vadd.s32 v12, v26;
	v17 =	vand.u32 $0xFFFF0000, v17;
	v18 =	vadd.s32 v18, v22  }
0x5c5: {  	v63 =	vand.u32 $0xFFFF0000, v24;
	vm0 =	vge.f32 v9, $-5.000000000e-01;
	vm1 =	vlt.f32 v7, $2.555000000e+02  }
0x5c6: {  	v7 =	vadd.s32 v23, v25;
	v9 =	vadd.s32 v11, v12;
	vm0 =	vmand vm0, vm1  }
0x5c7: {  	vm11 =	vge.f32 v10, $-5.000000000e-01;
	vm2 =	vlt.f32 v6, $2.555000000e+02;
	v6 =	vnsel vm0, $0x80000, v9  }
0x5c8: {  	vm12 =	vmand vm11, vm2;
	v9 =	vadd.s32 v17, v18;
	[tilespmem:s1+$0xFFFFFFE0] =	vst v6;
	v6 =	vand.u32 $0x1F, v16  }
0x5c9: {  	vm13 =	vge.f32 v13, $-5.000000000e-01;
	vm14 =	vlt.f32 v8, $2.555000000e+02;
	v8 =	vnsel vm12, $0x80000, v9;
	[tilespmem:s7+$0xD000] =	vst v6  }
0x5ca: {  	vm15 =	vmand vm13, vm14;
	v6 =	vadd.s32 v63, v7;
	v7 =	vand.u32 $0x1F, v14;
	[tilespmem:s1+$0xFFFFFFF0] =	vst v8  }
0x5cb: {  	v6 =	vnsel vm15, $0x80000, v6;
	[tilespmem:s0+$0xFFFFFFE0] =	vst v7  }
0x5cc: {  	v7 =	vand.u32 $0x1F, v15;
	[tilespmem:s1+$0x10] =	vst v6  }
0x5cd: {  	[tilespmem:s0+$0x0] =	vst v7  }
0x5ce: {  	[tilespmem:s29], [sflag:$0x1] =	stream.indirect.gather [spmem:s26], $0x1, s30, s18, $0xb8;
	[tilespmem:$0x1A088] =	vst v63  }
0x5cf: {  	_ =	swait.ge [sflag:s24], $0x800  }
0x5d0: {  	[sflag:s24] =	ssyncset.done $0x0  }
0x5d1: {  	s30 =	simm.s32 $0xF820;
	[sflag:s24] =	ssyncadd.s32 $0xFFFFF800  }
0x5d2: {  	s5 =	simm.s32 $0xD830;
	v11 =	vld [tilespmem:s30+$0x10]  }
0x5d3: {  	v12 =	vld [tilespmem:s5+$0x0]  }
0x5d4: {  	v9 =	vld [tilespmem:s5+$0xFFFFFFD0]  }
0x5d5: {  	v7 =	vld [tilespmem:s30+$0xFFFFFFF0]  }
0x5d6: {  	v10 =	vld [tilespmem:s5+$0xFFFFFFE0]  }
0x5d7: {  	v6 =	vld [tilespmem:s30+$0x0]  }
0x5d8: {  	v8 =	vld [tilespmem:s5+$0xFFFFFFF0];
	v12 =	vshrl.u32 v11, v12  }
0x5d9: {  	s4 =	simm.s32 $0x10830;
	s8 =	simm.s32 $0xF860;
	s7 =	simm.s32 $0x0;
	v11 =	vld [tilespmem:s30+$0xFFFFFFE0];
	v12 =	vand.u32 $0x1, v12  }
.LBB2_45:
0x5da: {  	v13 =	vld [tilespmem:s8+$0x10];
	[tilespmem:s4+$0x0] =	vst v12;
	s5 =	sadd.s32 $0x40, s5  }
0x5db: {  	s7 =	sadd.s32 $0x4, s7;
	v12 =	vld [tilespmem:s5+$0x0];
	v7 =	vshrl.u32 v7, v10  }
0x5dc: {  	p1 =	slt.u32 s7, $0x7C;
	v14 =	vld [tilespmem:s5+$0xFFFFFFD0];
	v10 =	vand.u32 $0x1, v7  }
.Ltmp21:
0x5dd: {  	v7 =	vld [tilespmem:s8+$0xFFFFFFF0];
	[tilespmem:s4+$0xFFFFFFE0] =	vst v10;
	v6 =	vshrl.u32 v6, v8;
	(pc) =	sbr.rel @p1 .LBB2_45-.Ltmp21, $4  }
0x5de: {  	v10 =	vld [tilespmem:s5+$0xFFFFFFE0];
	v8 =	vshrl.u32 v11, v9;
	v9 =	vand.u32 $0x1, v6  }
0x5df: {  	v6 =	vld [tilespmem:s8+$0x0];
	v11 =	vand.u32 $0x1, v8;
	[tilespmem:s4+$0xFFFFFFF0] =	vst v9  }
0x5e0: {  	s0 =	simm.s32 $0xE830;
	v8 =	vld [tilespmem:s5+$0xFFFFFFF0];
	v13 =	vshrl.u32 v13, v12;
	[tilespmem:s4+$0xFFFFFFD0] =	vst v11  }
0x5e1: {  	s1 =	simm.s32 $0xC820;
	s4 =	sadd.s32 $0x40, s4;
	v11 =	vld [tilespmem:s8+$0xFFFFFFE0];
	v12 =	vand.u32 $0x1, v13;
	s8 =	sadd.s32 $0x40, s8;
	v9 =	vmov v14  }
0x5e2: {  	_ =	sdelay $0x1  }
0x5e3: {  	v7 =	vshrl.u32 v7, v10  }
0x5e4: {  	[tilespmem:s4+$0x0] =	vst v12;
	v7 =	vand.u32 $0x1, v7;
	v6 =	vshrl.u32 v6, v8  }
0x5e5: {  	s5 =	simm.s32 $0x1820;
	s6 =	simm.s32 $0x3040;
	[tilespmem:s4+$0xFFFFFFE0] =	vst v7;
	v7 =	vshrl.u32 v11, v9;
	v6 =	vand.u32 $0x1, v6  }
0x5e6: {  	s5 =	sand.u32 $0x60, s5;
	s6 =	sand.u32 $0x3F00, s6;
	v7 =	vand.u32 $0x1, v7;
	[tilespmem:s4+$0xFFFFFFF0] =	vst v6  }
0x5e7: {  	s30 =	sor.u32 s6, s5;
	[tilespmem:s4+$0xFFFFFFD0] =	vst v7  }
0x5e8: {  	s9 =	simm.s32 $0x3000;
	s13 =	simm.s32 $0x0;
	v6 =	vld [tilespmem:s30+$0x8080]  }
0x5e9: {  	s14 =	simm.s32 $0x1810;
	s7 =	sand.u32 $0x40, s13;
	s5 =	sand.u32 $0x3F00, s9;
	v7 =	vld [tilespmem:s30+$0x80]  }
0x5ea: {  	s8 =	simm.s32 $0x3020;
	s20 =	simm.s32 $0x1830;
	s5 =	sor.u32 s5, s7;
	v8 =	vld [tilespmem:s30+$0x4080]  }
0x5eb: {  	s29 =	simm.s32 $0x3060;
	s15 =	sand.u32 $0x50, s14;
	s19 =	sand.u32 $0x3F00, s8;
	v9 =	vld [tilespmem:s5+$0x80]  }
0x5ec: {  	s8 =	sand.u32 $0x3F00, s29;
	s6 =	sand.u32 $0x70, s20;
	s4 =	sor.u32 s19, s15;
	v10 =	vld [tilespmem:s5+$0x4080]  }
0x5ed: {  	s6 =	sor.u32 s8, s6;
	v12 =	vld [tilespmem:s4+$0x4080]  }
0x5ee: {  	v18 =	vld [tilespmem:s6+$0x4080]  }
0x5ef: {  	v11 =	vld [tilespmem:s4+$0x80];
	v6 =	vmul.f32 v6, v2  }
0x5f0: {  	v7 =	vmul.f32 v7, v0;
	v8 =	vmul.f32 v8, v1  }
0x5f1: {  	v9 =	vmul.f32 v9, v0;
	v10 =	vmul.f32 v10, v1  }
0x5f2: {  	v13 =	vld [tilespmem:s6+$0x80];
	v12 =	vmul.f32 v12, v1;
	v6 =	vadd.f32 v6, v5;
	v7 =	vadd.f32 v7, v3  }
0x5f3: {  	v18 =	vmul.f32 v18, v1;
	v8 =	vadd.f32 v8, v4;
	v14 =	vadd.f32 v9, v3  }
0x5f4: {  	v9 =	vmul.f32 v11, v0;
	v10 =	vadd.f32 v10, v4;
	v11 =	vmax.f32 v6, $0.0e+00  }
0x5f5: {  	v15 =	vmax.f32 v7, $0.0e+00;
	v16 =	vmax.f32 v8, $0.0e+00;
	v17 =	vmin.f32 v11, $2.550000000e+02  }
0x5f6: {  	v15 =	vmin.f32 v15, $2.550000000e+02;
	v16 =	vmin.f32 v16, $2.550000000e+02;
	v11 =	vadd.f32 $5.000000000e-01, v17  }
0x5f7: {  	v13 =	vmul.f32 v13, v0;
	v19 =	vadd.f32 $5.000000000e-01, v15;
	v20 =	vadd.f32 $5.000000000e-01, v16  }
0x5f8: {  	v12 =	vadd.f32 v12, v4;
	v18 =	vadd.f32 v18, v4;
	v21 =	vtrunc.f32 v11  }
0x5f9: {  	v11 =	vadd.f32 v9, v3;
	v9 =	vtrunc.f32 v19;
	v19 =	vtrunc.f32 v20  }
0x5fa: {  	v20 =	vmin.f32 v7, v8;
	v9 =	vcvt.f32.s32 v9;
	v19 =	vcvt.f32.s32 v19  }
0x5fb: {  	v7 =	vmax.f32 v7, v8;
	v21 =	vcvt.f32.s32 v21;
	v20 =	vmin.f32 v20, v6  }
0x5fc: {  	v6 =	vmax.f32 v7, v6;
	v8 =	vcvt.s32.f32 v9;
	v22 =	vcvt.s32.f32 v19  }
0x5fd: {  	vm0 =	vge.f32 v20, $-5.000000000e-01;
	vm9 =	vlt.f32 v6, $2.555000000e+02;
	v7 =	vcvt.s32.f32 v21  }
0x5fe: {  	v20 =	vand.u32 $0x1, v9;
	v8 =	vsub.f32 v8, v15;
	v15 =	vsub.f32 v22, v16  }
0x5ff: {  	vm0 =	vmand vm0, vm9;
	v7 =	vsub.f32 v7, v17;
	v17 =	vand.u32 $0x1, v21  }
0x600: {  	v16 =	vld [tilespmem:s5+$0x8080];
	vm1 =	veq.f32 v8, $5.000000000e-01;
	vm2 =	veq.f32 v15, $5.000000000e-01;
	v8 =	vand.u32 $0x1, v19  }
0x601: {  	vm8 =	veq.f32 v7, $5.000000000e-01;
	v20 =	vnsel vm1, $0x0, v20;
	v8 =	vnsel vm2, $0x0, v8  }
0x602: {  	v22 =	vld [tilespmem:s4+$0x8080];
	v7 =	vsub.s32 v9, v20;
	v8 =	vsub.s32 v19, v8;
	v9 =	vnsel vm8, $0x0, v17  }
0x603: {  	v15 =	vld [tilespmem:s6+$0x8080];
	v20 =	vmax.f32 v18, $0.0e+00;
	v17 =	vshll.u32 v7, $0xB;
	v8 =	vshll.u32 v8, $0x8  }
0x604: {  	v9 =	vsub.s32 v21, v9;
	v23 =	vand.u32 $0x1F, v7;
	v20 =	vmin.f32 v20, $2.550000000e+02  }
0x605: {  	v6 =	vand.u32 $0xFFFF0000, v17;
	v8 =	vadd.s32 v8, v9;
	v9 =	vmul.f32 v16, v2  }
0x606: {  	v17 =	vadd.f32 v13, v3;
	v13 =	vmax.f32 v10, $0.0e+00;
	v16 =	vmax.f32 v11, $0.0e+00  }
0x607: {  	v31 =	vadd.f32 $5.000000000e-01, v20;
	v6 =	vadd.s32 v6, v8;
	v8 =	vmul.f32 v22, v2  }
0x608: {  	v15 =	vmul.f32 v15, v2;
	v24 =	vmin.f32 v13, $2.550000000e+02;
	v16 =	vmin.f32 v16, $2.550000000e+02  }
0x609: {  	v22 =	vnsel vm0, $0x80000, v6;
	v7 =	vadd.f32 v9, v5;
	v9 =	vmax.f32 v14, $0.0e+00  }
0x60a: {  	v19 =	vmax.f32 v17, $0.0e+00;
	v27 =	vadd.f32 $5.000000000e-01, v24;
	v6 =	vadd.f32 v8, v5  }
0x60b: {  	v8 =	vadd.f32 v15, v5;
	v15 =	vmax.f32 v12, $0.0e+00;
	v21 =	vmin.f32 v9, $2.550000000e+02  }
0x60c: {  	v19 =	vmin.f32 v19, $2.550000000e+02;
	v9 =	vmax.f32 v7, $0.0e+00;
	v15 =	vmin.f32 v15, $2.550000000e+02  }
0x60d: {  	v26 =	vadd.f32 $5.000000000e-01, v21;
	v27 =	vtrunc.f32 v27;
	v13 =	vmax.f32 v6, $0.0e+00  }
0x60e: {  	v25 =	vmax.f32 v8, $0.0e+00;
	v28 =	vmin.f32 v9, $2.550000000e+02;
	v9 =	vadd.f32 $5.000000000e-01, v16  }
0x60f: {  	v29 =	vadd.f32 $5.000000000e-01, v15;
	v27 =	vcvt.f32.s32 v27;
	v30 =	vmin.f32 v13, $2.550000000e+02  }
0x610: {  	v13 =	vadd.f32 $5.000000000e-01, v19;
	v25 =	vmin.f32 v25, $2.550000000e+02;
	v26 =	vtrunc.f32 v26  }
0x611: {  	v32 =	vadd.f32 $5.000000000e-01, v28;
	v34 =	vtrunc.f32 v9;
	v9 =	vmin.f32 v14, v10  }
0x612: {  	v29 =	vtrunc.f32 v29;
	v10 =	vmax.f32 v14, v10;
	v14 =	vcvt.f32.s32 v26  }
0x613: {  	v33 =	vadd.f32 $5.000000000e-01, v30;
	v26 =	vtrunc.f32 v31;
	v42 =	vcvt.s32.f32 v27  }
0x614: {  	v35 =	vadd.f32 $5.000000000e-01, v25;
	v36 =	vtrunc.f32 v13;
	v53 =	vcvt.f32.s32 v34  }
0x615: {  	v37 =	vand.u32 $0x1, v27;
	v32 =	vtrunc.f32 v32;
	v29 =	vcvt.f32.s32 v29  }
0x616: {  	v13 =	vmin.f32 v11, v12;
	v26 =	vcvt.f32.s32 v26;
	v33 =	vtrunc.f32 v33  }
0x617: {  	v54 =	vand.u32 $0x1, v14;
	v36 =	vcvt.f32.s32 v36;
	v35 =	vtrunc.f32 v35  }
0x618: {  	v32 =	vcvt.f32.s32 v32;
	v40 =	vcvt.s32.f32 v14;
	v24 =	vsub.f32 v42, v24  }
0x619: {  	v38 =	vand.u32 $0x1, v53;
	v39 =	vand.u32 $0x1, v29;
	v33 =	vcvt.f32.s32 v33  }
0x61a: {  	v35 =	vcvt.f32.s32 v35;
	v43 =	vcvt.s32.f32 v53;
	v44 =	vand.u32 $0x1, v26  }
0x61b: {  	v55 =	vcvt.s32.f32 v29;
	v57 =	vcvt.s32.f32 v26;
	v41 =	vand.u32 $0x1, v36  }
0x61c: {  	v21 =	vsub.f32 v40, v21;
	v45 =	vcvt.s32.f32 v36;
	v56 =	vcvt.s32.f32 v32  }
0x61d: {  	vm11 =	veq.f32 v24, $5.000000000e-01;
	v16 =	vsub.f32 v43, v16;
	v15 =	vsub.f32 v55, v15  }
0x61e: {  	v58 =	vcvt.s32.f32 v33;
	v59 =	vcvt.s32.f32 v35;
	v20 =	vsub.f32 v57, v20  }
0x61f: {  	v61 =	vand.u32 $0x1, v33;
	v62 =	vand.u32 $0x1, v35;
	v19 =	vsub.f32 v45, v19  }
0x620: {  	vm10 =	veq.f32 v21, $5.000000000e-01;
	v21 =	vsub.f32 v56, v28;
	vm12 =	veq.f32 v16, $5.000000000e-01  }
0x621: {  	v16 =	vsub.f32 v58, v30;
	v24 =	vsub.f32 v59, v25;
	vm3 =	veq.f32 v15, $5.000000000e-01  }
0x622: {  	vm5 =	veq.f32 v20, $5.000000000e-01;
	v15 =	vnsel vm10, $0x0, v54;
	vm4 =	veq.f32 v19, $5.000000000e-01  }
0x623: {  	v19 =	vnsel vm11, $0x0, v37;
	v20 =	vnsel vm12, $0x0, v38;
	vm13 =	veq.f32 v21, $5.000000000e-01  }
0x624: {  	v21 =	vnsel vm3, $0x0, v39;
	v60 =	vnsel vm5, $0x0, v44;
	vm14 =	veq.f32 v16, $5.000000000e-01  }
0x625: {  	v25 =	vnsel vm4, $0x0, v41;
	vm15 =	veq.f32 v24, $5.000000000e-01;
	v24 =	vand.u32 $0x1, v32  }
0x626: {  	v16 =	vsub.s32 v14, v15;
	v27 =	vsub.s32 v27, v19;
	v14 =	vsub.s32 v53, v20  }
0x627: {  	v29 =	vsub.s32 v29, v21;
	v19 =	vmax.f32 v11, v12;
	v20 =	vmin.f32 v17, v18  }
0x628: {  	v21 =	vmax.f32 v17, v18;
	v24 =	vnsel vm13, $0x0, v24;
	v30 =	vnsel vm14, $0x0, v61  }
0x629: {  	v15 =	vsub.s32 v36, v25;
	v25 =	vsub.s32 v26, v60;
	v63 =	vnsel vm15, $0x0, v62  }
0x62a: {  	s30 =	simm.s32 $0x1800;
	v11 =	vshll.u32 v16, $0xB;
	v12 =	vshll.u32 v27, $0x8;
	v17 =	vshll.u32 v14, $0xB  }
0x62b: {  	s13 =	simm.s32 $0x0;
	s4 =	sand.u32 $0x1F80, s30;
	[tilespmem:s1+$0x0] =	vst v22;
	v18 =	vshll.u32 v29, $0x8;
	v26 =	vsub.s32 v32, v24;
	v22 =	vsub.s32 v33, v30  }
0x62c: {  	s14 =	simm.s32 $0x30E0;
	s15 =	simm.s32 $0x1870;
	s7 =	sor.u32 s7, s4;
	[tilespmem:s0+$0xFFFFFFF0] =	vst v23;
	v24 =	vshll.u32 v15, $0xB;
	v23 =	vshll.u32 v25, $0x8;
	v25 =	vsub.s32 v35, v63  }
.LBB2_47:
0x62d: {  	s4 =	sadd.s32 $0xFFFFFFA0, s14;
	s5 =	sadd.s32 $0xFFFFFFF0, s15;
	s6 =	sadd.s32 $0xFFFFFFE0, s14;
	v9 =	vmin.f32 v9, v7;
	v7 =	vmax.f32 v10, v7;
	v10 =	vmin.f32 v13, v6  }
0x62e: {  	s8 =	sadd.s32 $0xFFFFFFE0, s15;
	v6 =	vmax.f32 v19, v6;
	v13 =	vmin.f32 v20, v8;
	v8 =	vmax.f32 v21, v8;
	s5 =	sand.u32 $0x60, s5;
	s6 =	sand.u32 $0x3F00, s6  }
0x62f: {  	s9 =	sadd.s32 $0xFFFFE7D0, s15;
	s19 =	sadd.s32 $0xFFFFFFC0, s14;
	v11 =	vand.u32 $0xFFFF0000, v11;
	v12 =	vadd.s32 v12, v26;
	v17 =	vand.u32 $0xFFFF0000, v17;
	s5 =	sor.u32 s6, s5  }
0x630: {  	s13 =	sadd.s32 $0x4, s13;
	v18 =	vadd.s32 v18, v22;
	v20 =	vand.u32 $0xFFFF0000, v24;
	v21 =	vadd.s32 v23, v25;
	s4 =	sand.u32 $0x3F00, s4;
	s6 =	sand.u32 $0x40, s9;
	v19 =	vld [tilespmem:s5+$0x8080]  }
0x631: {  	s8 =	sand.u32 $0x50, s8;
	p1 =	slt.u32 s13, $0x7C;
	vm0 =	vge.f32 v9, $-5.000000000e-01;
	vm1 =	vlt.f32 v7, $2.555000000e+02;
	vm2 =	vge.f32 v10, $-5.000000000e-01;
	s9 =	sand.u32 $0x3F00, s19;
	v22 =	vld [tilespmem:s5+$0x80]  }
0x632: {  	vm3 =	vlt.f32 v6, $2.555000000e+02;
	vm4 =	vge.f32 v13, $-5.000000000e-01;
	vm5 =	vlt.f32 v8, $2.555000000e+02;
	s19 =	sand.u32 $0x3F00, s14;
	s4 =	sor.u32 s4, s6;
	v7 =	vld [tilespmem:s5+$0x4080];
	s5 =	sand.u32 $0x70, s15  }
0x633: {  	s20 =	sadd.s32 $0xFFFFFFD0, s15;
	v8 =	vadd.s32 v11, v12;
	v9 =	vadd.s32 v17, v18;
	v10 =	vadd.s32 v20, v21;
	s8 =	sor.u32 s9, s8;
	v6 =	vld [tilespmem:s4+$0x80];
	s5 =	sor.u32 s19, s5  }
0x634: {  	vm0 =	vmand vm0, vm1;
	vm1 =	vmand vm2, vm3;
	vm2 =	vmand vm4, vm5;
	s9 =	sand.u32 $0x1F80, s20;
	v11 =	vld [tilespmem:s4+$0x4080]  }
0x635: {  	v8 =	vnsel vm0, $0x80000, v8;
	v9 =	vnsel vm1, $0x80000, v9;
	v13 =	vnsel vm2, $0x80000, v10;
	s6 =	sor.u32 s6, s9;
	v12 =	vld [tilespmem:s8+$0x80]  }
0x636: {  	v14 =	vand.u32 $0x1F, v14;
	v10 =	vmul.f32 v19, v2;
	v17 =	vld [tilespmem:s8+$0x4080];
	[tilespmem:s1+$0xFFFFFFE0] =	vst v8;
	v8 =	vand.u32 $0x1F, v16  }
0x637: {  	v16 =	vmul.f32 v22, v0;
	v7 =	vmul.f32 v7, v1;
	v18 =	vld [tilespmem:s5+$0x80];
	[tilespmem:s7+$0xD000] =	vst v8;
	v8 =	vand.u32 $0x1F, v15;
	s7 =	smov.u32 s6  }
0x638: {  	v15 =	vadd.f32 v10, v5;
	v6 =	vmul.f32 v6, v0;
	v19 =	vld [tilespmem:s5+$0x4080];
	[tilespmem:s1+$0xFFFFFFF0] =	vst v9  }
0x639: {  	v16 =	vadd.f32 v16, v3;
	v9 =	vmul.f32 v11, v1;
	v20 =	vld [tilespmem:s4+$0x8080];
	v7 =	vadd.f32 v7, v4;
	[tilespmem:s0+$0xFFFFFFE0] =	vst v14  }
0x63a: {  	v11 =	vmax.f32 v15, $0.0e+00;
	v10 =	vadd.f32 v6, v3;
	v6 =	vmul.f32 v12, v0;
	v14 =	vld [tilespmem:s8+$0x8080];
	[tilespmem:s1+$0x10] =	vst v13  }
0x63b: {  	v12 =	vmax.f32 v16, $0.0e+00;
	v21 =	vmin.f32 v11, $2.550000000e+02;
	v13 =	vmax.f32 v7, $0.0e+00;
	v22 =	vld [tilespmem:s5+$0x8080];
	[tilespmem:s0+$0x0] =	vst v8  }
0x63c: {  	v8 =	vmin.f32 v12, $2.550000000e+02;
	v11 =	vadd.f32 $5.000000000e-01, v21;
	v13 =	vmin.f32 v13, $2.550000000e+02  }
0x63d: {  	v12 =	vmul.f32 v17, v1;
	v17 =	vadd.f32 $5.000000000e-01, v8;
	v23 =	vadd.f32 $5.000000000e-01, v13  }
0x63e: {  	v24 =	vadd.f32 v9, v4;
	v18 =	vmul.f32 v18, v0;
	v9 =	vtrunc.f32 v11  }
0x63f: {  	v11 =	vadd.f32 v6, v3;
	v6 =	vtrunc.f32 v17;
	v17 =	vtrunc.f32 v23  }
0x640: {  	v12 =	vadd.f32 v12, v4;
	v6 =	vcvt.f32.s32 v6;
	v17 =	vcvt.f32.s32 v17  }
0x641: {  	v19 =	vmul.f32 v19, v1;
	v9 =	vcvt.f32.s32 v9;
	v23 =	vmin.f32 v16, v7  }
0x642: {  	v7 =	vmax.f32 v16, v7;
	v16 =	vcvt.s32.f32 v6;
	v25 =	vcvt.s32.f32 v17  }
0x643: {  	v23 =	vmin.f32 v23, v15;
	v7 =	vmax.f32 v7, v15;
	v15 =	vcvt.s32.f32 v9  }
0x644: {  	vm0 =	vge.f32 v23, $-5.000000000e-01;
	v8 =	vsub.f32 v16, v8;
	v13 =	vsub.f32 v25, v13  }
0x645: {  	v15 =	vsub.f32 v15, v21;
	v21 =	vand.u32 $0x1, v9;
	v16 =	vand.u32 $0x1, v6  }
0x646: {  	vm1 =	veq.f32 v8, $5.000000000e-01;
	v8 =	vand.u32 $0x1, v17;
	vm2 =	veq.f32 v13, $5.000000000e-01  }
0x647: {  	v13 =	vnsel vm1, $0x0, v16;
	vm1 =	veq.f32 v15, $5.000000000e-01;
	v8 =	vnsel vm2, $0x0, v8  }
0x648: {  	v6 =	vsub.s32 v6, v13;
	v13 =	vnsel vm1, $0x0, v21;
	v8 =	vsub.s32 v17, v8  }
0x649: {  	v15 =	vshll.u32 v6, $0xB;
	v9 =	vsub.s32 v9, v13;
	v8 =	vshll.u32 v8, $0x8  }
0x64a: {  	vm1 =	vlt.f32 v7, $2.555000000e+02;
	v7 =	vand.u32 $0xFFFF0000, v15;
	v8 =	vadd.s32 v8, v9  }
0x64b: {  	vm0 =	vmand vm0, vm1;
	v9 =	vmul.f32 v20, v2;
	v7 =	vadd.s32 v7, v8  }
0x64c: {  	s1 =	sadd.s32 $0x40, s1;
	v13 =	vmul.f32 v22, v2;
	v8 =	vmul.f32 v14, v2;
	v7 =	vnsel vm0, $0x80000, v7  }
0x64d: {  	s0 =	sadd.s32 $0x40, s0;
	v17 =	vadd.f32 v18, v3;
	v18 =	vadd.f32 v19, v4;
	v14 =	vand.u32 $0x1F, v6;
	[tilespmem:s1+$0x0] =	vst v7  }
0x64e: {  	v7 =	vadd.f32 v9, v5;
	v9 =	vmax.f32 v10, $0.0e+00;
	v6 =	vadd.f32 v8, v5;
	[tilespmem:s0+$0xFFFFFFF0] =	vst v14  }
0x64f: {  	v15 =	vmax.f32 v11, $0.0e+00;
	v8 =	vadd.f32 v13, v5;
	v14 =	vmax.f32 v24, $0.0e+00  }
0x650: {  	v16 =	vmax.f32 v17, $0.0e+00;
	v19 =	vmax.f32 v18, $0.0e+00;
	v13 =	vmax.f32 v12, $0.0e+00  }
0x651: {  	v15 =	vmin.f32 v15, $2.550000000e+02;
	v20 =	vmin.f32 v9, $2.550000000e+02;
	v14 =	vmin.f32 v14, $2.550000000e+02  }
0x652: {  	v21 =	vmin.f32 v13, $2.550000000e+02;
	v9 =	vmax.f32 v7, $0.0e+00;
	v13 =	vmax.f32 v6, $0.0e+00  }
0x653: {  	v16 =	vmin.f32 v16, $2.550000000e+02;
	v19 =	vmin.f32 v19, $2.550000000e+02;
	v22 =	vmax.f32 v8, $0.0e+00  }
0x654: {  	v23 =	vadd.f32 $5.000000000e-01, v20;
	v25 =	vadd.f32 $5.000000000e-01, v14;
	v26 =	vmin.f32 v9, $2.550000000e+02  }
0x655: {  	v27 =	vadd.f32 $5.000000000e-01, v21;
	v9 =	vadd.f32 $5.000000000e-01, v15;
	v28 =	vmin.f32 v13, $2.550000000e+02  }
0x656: {  	v29 =	vadd.f32 $5.000000000e-01, v19;
	v13 =	vadd.f32 $5.000000000e-01, v16;
	v22 =	vmin.f32 v22, $2.550000000e+02  }
0x657: {  	v23 =	vtrunc.f32 v23;
	v30 =	vadd.f32 $5.000000000e-01, v26;
	v31 =	vadd.f32 $5.000000000e-01, v28  }
0x658: {  	v33 =	vadd.f32 $5.000000000e-01, v22;
	v25 =	vtrunc.f32 v25;
	v32 =	vtrunc.f32 v9  }
0x659: {  	v27 =	vtrunc.f32 v27;
	v9 =	vmin.f32 v10, v24;
	v34 =	vtrunc.f32 v13  }
0x65a: {  	v10 =	vmax.f32 v10, v24;
	v23 =	vcvt.f32.s32 v23;
	v24 =	vtrunc.f32 v29  }
0x65b: {  	v13 =	vmin.f32 v11, v12;
	v25 =	vcvt.f32.s32 v25;
	v29 =	vcvt.f32.s32 v32  }
0x65c: {  	v27 =	vcvt.f32.s32 v27;
	v30 =	vtrunc.f32 v30;
	v32 =	vand.u32 $0x1, v23  }
0x65d: {  	v31 =	vtrunc.f32 v31;
	v34 =	vcvt.f32.s32 v34;
	v35 =	vand.u32 $0x1, v25  }
0x65e: {  	v24 =	vcvt.f32.s32 v24;
	v33 =	vtrunc.f32 v33;
	v36 =	vand.u32 $0x1, v29  }
0x65f: {  	v30 =	vcvt.f32.s32 v30;
	v37 =	vand.u32 $0x1, v27;
	v31 =	vcvt.f32.s32 v31  }
0x660: {  	v38 =	vcvt.s32.f32 v23;
	v33 =	vcvt.f32.s32 v33;
	v39 =	vand.u32 $0x1, v34  }
0x661: {  	v40 =	vcvt.s32.f32 v25;
	v41 =	vcvt.s32.f32 v29;
	v42 =	vand.u32 $0x1, v24  }
0x662: {  	v43 =	vcvt.s32.f32 v34;
	v20 =	vsub.f32 v38, v20;
	v38 =	vcvt.s32.f32 v27  }
0x663: {  	v44 =	vcvt.s32.f32 v24;
	v14 =	vsub.f32 v40, v14;
	v40 =	vcvt.s32.f32 v30  }
0x664: {  	v45 =	vcvt.s32.f32 v33;
	v15 =	vsub.f32 v41, v15;
	v41 =	vcvt.s32.f32 v31  }
0x665: {  	v16 =	vsub.f32 v43, v16;
	vm0 =	veq.f32 v20, $5.000000000e-01;
	v20 =	vsub.f32 v38, v21  }
0x666: {  	v19 =	vsub.f32 v44, v19;
	vm1 =	veq.f32 v14, $5.000000000e-01;
	v14 =	vsub.f32 v40, v26  }
0x667: {  	v21 =	vsub.f32 v45, v22;
	vm2 =	veq.f32 v15, $5.000000000e-01;
	v15 =	vsub.f32 v41, v28  }
0x668: {  	vm4 =	veq.f32 v16, $5.000000000e-01;
	vm5 =	veq.f32 v19, $5.000000000e-01;
	vm3 =	veq.f32 v20, $5.000000000e-01  }
0x669: {  	v16 =	vnsel vm0, $0x0, v32;
	v19 =	vnsel vm1, $0x0, v35;
	v20 =	vnsel vm2, $0x0, v36  }
0x66a: {  	vm0 =	veq.f32 v14, $5.000000000e-01;
	v22 =	vnsel vm3, $0x0, v37;
	vm1 =	veq.f32 v15, $5.000000000e-01  }
0x66b: {  	v26 =	vnsel vm5, $0x0, v42;
	vm2 =	veq.f32 v21, $5.000000000e-01;
	v15 =	vnsel vm4, $0x0, v39  }
0x66c: {  	v28 =	vand.u32 $0x1, v31;
	v32 =	vand.u32 $0x1, v33;
	v21 =	vand.u32 $0x1, v30  }
0x66d: {  	v16 =	vsub.s32 v23, v16;
	v23 =	vsub.s32 v25, v19;
	v14 =	vsub.s32 v29, v20  }
0x66e: {  	v25 =	vnsel vm0, $0x0, v21;
	v22 =	vsub.s32 v27, v22;
	v27 =	vnsel vm1, $0x0, v28  }
.Ltmp22:
0x66f: {  	v29 =	vnsel vm2, $0x0, v32;
	v15 =	vsub.s32 v34, v15;
	v28 =	vsub.s32 v24, v26;
	(pc) =	sbr.rel @p1 .LBB2_47-.Ltmp22, $4  }
0x670: {  	v19 =	vmax.f32 v11, v12;
	v20 =	vmin.f32 v17, v18;
	v21 =	vmax.f32 v17, v18  }
0x671: {  	v11 =	vshll.u32 v16, $0xB;
	v12 =	vshll.u32 v23, $0x8;
	v17 =	vshll.u32 v14, $0xB  }
0x672: {  	v26 =	vsub.s32 v30, v25;
	v18 =	vshll.u32 v22, $0x8;
	v22 =	vsub.s32 v31, v27  }
0x673: {  	s14 =	sadd.s32 $0x80, s14;
	s15 =	sadd.s32 $0x40, s15;
	v24 =	vshll.u32 v15, $0xB;
	v23 =	vshll.u32 v28, $0x8;
	v25 =	vsub.s32 v33, v29  }
0x674: {  	v9 =	vmin.f32 v9, v7  }
0x675: {  	v7 =	vmax.f32 v10, v7;
	v10 =	vmin.f32 v13, v6;
	v6 =	vmax.f32 v19, v6  }
0x676: {  	v13 =	vmin.f32 v20, v8;
	v8 =	vmax.f32 v21, v8;
	v11 =	vand.u32 $0xFFFF0000, v11  }
0x677: {  	v12 =	vadd.s32 v12, v26;
	v17 =	vand.u32 $0xFFFF0000, v17;
	v18 =	vadd.s32 v18, v22  }
0x678: {  	v63 =	vand.u32 $0xFFFF0000, v24;
	vm0 =	vge.f32 v9, $-5.000000000e-01;
	vm1 =	vlt.f32 v7, $2.555000000e+02  }
0x679: {  	v7 =	vadd.s32 v23, v25;
	v9 =	vadd.s32 v11, v12;
	vm0 =	vmand vm0, vm1  }
0x67a: {  	vm11 =	vge.f32 v10, $-5.000000000e-01;
	vm2 =	vlt.f32 v6, $2.555000000e+02;
	v6 =	vnsel vm0, $0x80000, v9  }
0x67b: {  	vm12 =	vmand vm11, vm2;
	v9 =	vadd.s32 v17, v18;
	[tilespmem:s1+$0xFFFFFFE0] =	vst v6;
	v6 =	vand.u32 $0x1F, v16  }
0x67c: {  	vm13 =	vge.f32 v13, $-5.000000000e-01;
	vm14 =	vlt.f32 v8, $2.555000000e+02;
	v8 =	vnsel vm12, $0x80000, v9;
	[tilespmem:s7+$0xD000] =	vst v6  }
0x67d: {  	vm15 =	vmand vm13, vm14;
	v6 =	vadd.s32 v63, v7;
	v7 =	vand.u32 $0x1F, v14;
	[tilespmem:s1+$0xFFFFFFF0] =	vst v8  }
0x67e: {  	v6 =	vnsel vm15, $0x80000, v6;
	[tilespmem:s0+$0xFFFFFFE0] =	vst v7  }
0x67f: {  	v7 =	vand.u32 $0x1F, v15;
	[tilespmem:s1+$0x10] =	vst v6  }
0x680: {  	s29 =	simm.s32 $0xC800;
	s30 =	simm.s32 $0xF800;
	[tilespmem:s0+$0x0] =	vst v7  }
0x681: {  	[tilespmem:s30], [sflag:$0x2] =	stream.indirect.gather [spmem:s26], $0x1, s29, s18, $0xb8;
	[tilespmem:$0x1A088] =	vst v63  }
0x682: {  	_ =	swait.ge [sflag:s23], $0x800  }
0x683: {  	[sflag:s23] =	ssyncset.done $0x0  }
0x684: {  	s5 =	simm.s32 $0xF020;
	[sflag:s23] =	ssyncadd.s32 $0xFFFFF800  }
0x685: {  	s1 =	simm.s32 $0xE030;
	v11 =	vld [tilespmem:s5+$0x10]  }
0x686: {  	v12 =	vld [tilespmem:s1+$0x0]  }
0x687: {  	v8 =	vld [tilespmem:s1+$0xFFFFFFD0]  }
0x688: {  	v7 =	vld [tilespmem:s5+$0xFFFFFFF0]  }
0x689: {  	v10 =	vld [tilespmem:s1+$0xFFFFFFE0]  }
0x68a: {  	v6 =	vld [tilespmem:s5+$0x0]  }
0x68b: {  	v9 =	vld [tilespmem:s1+$0xFFFFFFF0];
	v12 =	vshrl.u32 v11, v12  }
0x68c: {  	s4 =	simm.s32 $0x0;
	s0 =	simm.s32 $0x11030;
	v11 =	vld [tilespmem:s5+$0xFFFFFFE0];
	s5 =	simm.s32 $0xF060;
	v12 =	vand.u32 $0x1, v12  }
.LBB2_49:
0x68d: {  	v13 =	vld [tilespmem:s5+$0x10];
	[tilespmem:s0+$0x0] =	vst v12;
	s1 =	sadd.s32 $0x40, s1  }
0x68e: {  	s4 =	sadd.s32 $0x4, s4;
	v12 =	vld [tilespmem:s1+$0x0];
	v7 =	vshrl.u32 v7, v10  }
0x68f: {  	p1 =	slt.u32 s4, $0x7C;
	v14 =	vld [tilespmem:s1+$0xFFFFFFD0];
	v10 =	vand.u32 $0x1, v7  }
.Ltmp23:
0x690: {  	v7 =	vld [tilespmem:s5+$0xFFFFFFF0];
	[tilespmem:s0+$0xFFFFFFE0] =	vst v10;
	v6 =	vshrl.u32 v6, v9;
	(pc) =	sbr.rel @p1 .LBB2_49-.Ltmp23, $4  }
0x691: {  	v10 =	vld [tilespmem:s1+$0xFFFFFFE0];
	v8 =	vshrl.u32 v11, v8;
	v9 =	vand.u32 $0x1, v6  }
0x692: {  	v6 =	vld [tilespmem:s5+$0x0];
	v15 =	vand.u32 $0x1, v8;
	[tilespmem:s0+$0xFFFFFFF0] =	vst v9  }
0x693: {  	v9 =	vld [tilespmem:s1+$0xFFFFFFF0];
	v12 =	vshrl.u32 v13, v12;
	[tilespmem:s0+$0xFFFFFFD0] =	vst v15  }
0x694: {  	s0 =	sadd.s32 $0x40, s0;
	v11 =	vld [tilespmem:s5+$0xFFFFFFE0];
	v12 =	vand.u32 $0x1, v12;
	s5 =	sadd.s32 $0x40, s5;
	v8 =	vmov v14  }
0x695: {  	_ =	sdelay $0x1  }
0x696: {  	v7 =	vshrl.u32 v7, v10  }
0x697: {  	[tilespmem:s0+$0x0] =	vst v12;
	v7 =	vand.u32 $0x1, v7;
	v6 =	vshrl.u32 v6, v9  }
0x698: {  	[tilespmem:s0+$0xFFFFFFE0] =	vst v7;
	v7 =	vshrl.u32 v11, v8;
	v6 =	vand.u32 $0x1, v6  }
0x699: {  	v7 =	vand.u32 $0x1, v7;
	[tilespmem:s0+$0xFFFFFFF0] =	vst v6  }
0x69a: {  	[tilespmem:s0+$0xFFFFFFD0] =	vst v7  }
0x69b: {  	_ =	swait.ge [sflag:s24], $0x800  }
0x69c: {  	[sflag:s24] =	ssyncset.done $0x0  }
0x69d: {  	s5 =	simm.s32 $0xF820;
	[sflag:s24] =	ssyncadd.s32 $0xFFFFF800  }
0x69e: {  	s1 =	simm.s32 $0xE830;
	v11 =	vld [tilespmem:s5+$0x10]  }
0x69f: {  	v12 =	vld [tilespmem:s1+$0x0]  }
0x6a0: {  	v8 =	vld [tilespmem:s1+$0xFFFFFFD0]  }
0x6a1: {  	v7 =	vld [tilespmem:s5+$0xFFFFFFF0]  }
0x6a2: {  	v10 =	vld [tilespmem:s1+$0xFFFFFFE0]  }
0x6a3: {  	v6 =	vld [tilespmem:s5+$0x0]  }
0x6a4: {  	s4 =	simm.s32 $0x0;
	v9 =	vld [tilespmem:s1+$0xFFFFFFF0];
	v12 =	vshrl.u32 v11, v12  }
0x6a5: {  	s0 =	simm.s32 $0x11830;
	s6 =	rddreg [dreg:$0xa];
	v11 =	vld [tilespmem:s5+$0xFFFFFFE0];
	s5 =	simm.s32 $0xF860;
	v12 =	vand.u32 $0x1, v12  }
.LBB2_51:
0x6a6: {  	v13 =	vld [tilespmem:s5+$0x10];
	[tilespmem:s0+$0x0] =	vst v12;
	s1 =	sadd.s32 $0x40, s1  }
0x6a7: {  	s4 =	sadd.s32 $0x4, s4;
	v12 =	vld [tilespmem:s1+$0x0];
	v7 =	vshrl.u32 v7, v10  }
0x6a8: {  	p1 =	slt.u32 s4, $0x7C;
	v14 =	vld [tilespmem:s1+$0xFFFFFFD0];
	v10 =	vand.u32 $0x1, v7  }
.Ltmp24:
0x6a9: {  	v7 =	vld [tilespmem:s5+$0xFFFFFFF0];
	[tilespmem:s0+$0xFFFFFFE0] =	vst v10;
	v6 =	vshrl.u32 v6, v9;
	(pc) =	sbr.rel @p1 .LBB2_51-.Ltmp24, $4  }
0x6aa: {  	v10 =	vld [tilespmem:s1+$0xFFFFFFE0];
	v8 =	vshrl.u32 v11, v8;
	v9 =	vand.u32 $0x1, v6  }
0x6ab: {  	v6 =	vld [tilespmem:s5+$0x0];
	v15 =	vand.u32 $0x1, v8;
	[tilespmem:s0+$0xFFFFFFF0] =	vst v9  }
0x6ac: {  	v9 =	vld [tilespmem:s1+$0xFFFFFFF0];
	v12 =	vshrl.u32 v13, v12;
	[tilespmem:s0+$0xFFFFFFD0] =	vst v15  }
0x6ad: {  	s0 =	sadd.s32 $0x40, s0;
	v11 =	vld [tilespmem:s5+$0xFFFFFFE0];
	v12 =	vand.u32 $0x1, v12;
	s5 =	sadd.s32 $0x40, s5;
	v8 =	vmov v14  }
0x6ae: {  	_ =	sdelay $0x1  }
0x6af: {  	v7 =	vshrl.u32 v7, v10  }
0x6b0: {  	[tilespmem:s0+$0x0] =	vst v12;
	v7 =	vand.u32 $0x1, v7;
	v6 =	vshrl.u32 v6, v9  }
0x6b1: {  	s28 =	sadd.s32 $0x1, s28;
	[tilespmem:s0+$0xFFFFFFE0] =	vst v7;
	v7 =	vshrl.u32 v11, v8;
	v6 =	vand.u32 $0x1, v6  }
0x6b2: {  	p1 =	sne.s32 s28, $0x4;
	v7 =	vand.u32 $0x1, v7;
	[tilespmem:s0+$0xFFFFFFF0] =	vst v6  }
.Ltmp25:
0x6b3: {  	s30 =	sadd.s32 s2, s6;
	[tilespmem:s0+$0xFFFFFFD0] =	vst v7;
	(pc) =	sbr.rel @p1 .LBB2_8-.Ltmp25, $4  }
0x6b4: {  	[hbm4b:s30+s3] =	stream.linear.scatter [tilespmem:s31], [sflag:$0x4], $0x2000, $0x38;
	[tilespmem:$0x1A088] =	vst v63  }
0x6b5: {  	_ =	swait.ge [sflag:s16], $0x2000  }
0x6b6: {  	[sflag:s16] =	ssyncset.done $0x0  }
0x6b7: {  	[sflag:s16] =	ssyncadd.s32 $0xFFFFE000  }
0x6b8: {  	_ =	swait.ge [sflag:s17], $0x2000  }
0x6b9: {  	[sflag:s17] =	ssyncset.done $0x0  }
0x6ba: {  	[sflag:s17] =	ssyncadd.s32 $0xFFFFE000  }
0x6bb: {  	_ =	swait.ge [sflag:s17], $0x2000  }
0x6bc: {  	[sflag:s17] =	ssyncset.done $0x0  }
0x6bd: {  	[sflag:s17] =	ssyncadd.s32 $0xFFFFE000  }
0x6be: {  	_ =	swait.ge [sflag:s17], $0x2000  }
0x6bf: {  	s1 =	rddreg [dreg:$0x8]  }
0x6c0: {  	s0 =	rddreg [dreg:$0x6];
	s1 =	sadd.s32 $0x1, s1  }
0x6c1: {  	p1 =	sne.s32 s1, s0  }
.Ltmp26:
0x6c2: {  	_ = 	snop;
	(pc) =	sbr.rel @p1 .LBB2_1-.Ltmp26, $3  }
0x6c3: {  	_ =	sdelay $0x1  }
0x6c4: {  	[sflag:s17] =	ssyncset.done $0x0  }
0x6c5: {  	[sflag:s17] =	ssyncadd.s32 $0xFFFFE000  }
0x6c6: {  	_ =	sfence.sel $0x180000  }
0x6c7: {  	[bflag:$0x0] =	sbarrier.arrive $0xFFFF  }
0x6c8: {  	_ =	strace $0x90000047  }
0x6c9: {  	[bflag:$0x2] =	sbarrier.arrive $0xFFFF  }
0x6ca: {  	s0 =	rddreg [dreg:$0x3]  }
0x6cb: {  	s0 =	sadd.s32 @!p0 $0x100000, s0  }
0x6cc: {  	[sflag:s0] =	ssyncadd.tile.s32 @!p0 $0x1;
	_ =	shalt  }
.Lfunc_end2:
_tile_overlayer_lowered:
.L_overlay_start_2:
0x6cd: {  	(tag) =	ssettag $0x2  }
0x6ce: {  	s0 =	rddreg [dreg:$0x0];
	s2 =	stileid.u32  }
0x6cf: {  	s1 =	rddreg [dreg:$0x1];
	p0 =	sne.s32 s2, $0x0  }
0x6d0: {  	s3 =	rddreg [dreg:$0x2];
	[bflag:$0x3] =	sbarrier.arrive $0xFFFF;
	s2 =	simm.s32 @!p0 $0x1C04  }
0x6d1: {  	[timem:s3], [sflag:s2] =	dma.local @!p0 [hbm:s0], s1  }
0x6d2: {  	s0 =	simm.s32 @!p0 $0x4  }
0x6d3: {  	_ =	swait.ge @!p0 [sflag:s0], s1  }
0x6d4: {  	s1 =	ssub.s32 @!p0 $0x0, s1;
	[sflag:s0] =	ssyncset.done @!p0 $0x0  }
0x6d5: {  	[sflag:s0] =	ssyncadd.s32 @!p0 s1  }
0x6d6: {  	[bflag:$0x3] =	sbarrier.arrive $0xFFFF  }
0x6d7: {  	_ =	shalt  }

</sc_bundles>
